<compile_context>
chip_gen: v7x
topology: tpu7x:2x2x1
jax: 0.10.2.dev20260603
libtpu: 0.0.44.dev20260713+nightly
codegen_flags: <defaults>
</compile_context>

<pallas_src>
import functools

import numpy as np
import jax
import jax.numpy as jnp
from jax import lax
from jax.experimental import pallas as pl
from jax.experimental.pallas import tpu as pltpu
from jax.experimental.pallas import tpu_sc as plsc

_D = 1024
_B = 4
_S = 2048
_NC, _NS, _L = 2, 16, 16
_NW = _NC * _NS
_ROWS = _B * _S
_RPW = _ROWS // _NW
_CH = 40
_NB = 3
_SIZES = [16, 40, 40, 40, 40, 40, 40]
_OFFS = [sum(_SIZES[:i]) for i in range(len(_SIZES))]
_NCHUNK = len(_SIZES)
_GPR = _D // _L


def _pos_fix_np():
    pos = np.arange(_S, dtype=np.float32)
    fix = np.zeros((_S, _L), dtype=np.float32)
    fix[:, 0] = np.sin(pos)
    fix[:, 1] = np.cos(pos) - np.float32(1.0)
    return fix.reshape(-1)


_POS_FIX = _pos_fix_np()

_mesh = plsc.VectorSubcoreMesh(core_axis_name="c", subcore_axis_name="s")


@functools.partial(
    pl.kernel,
    out_type=jax.ShapeDtypeStruct((_B, _S, _D), jnp.float32),
    mesh=_mesh,
    scratch_types=[
        pltpu.VMEM((_RPW,), jnp.int32),
        pltpu.VMEM((_RPW * _L,), jnp.float32),
        [pltpu.VMEM((_CH, _D), jnp.float32)] * _NB,
        [pltpu.SemaphoreType.DMA] * _NB,
        [pltpu.SemaphoreType.DMA] * _NB,
        pltpu.SemaphoreType.DMA,
    ],
)
def _emb_kernel(x_hbm, pos_hbm, table_hbm, out_hbm,
                idx_v, pos_v, bufs, g_sems, s_sems, p_sem):
    wid = lax.axis_index("s") * _NC + lax.axis_index("c")
    bi = wid // (_S // _RPW)
    pbase = lax.rem(wid, _S // _RPW) * _RPW

    pltpu.sync_copy(x_hbm.at[bi, pl.ds(pbase, _RPW)], idx_v)
    pos_cp = pltpu.async_copy(
        pos_hbm.at[pl.ds(pbase * _L, _RPW * _L)], pos_v, p_sem)

    pattern = lax.rem(lax.iota(jnp.int32, 16), 2).astype(jnp.float32)

    def start_gather(c):
        b = c % _NB
        return pltpu.async_copy(
            table_hbm.at[idx_v.at[pl.ds(_OFFS[c], _SIZES[c])]],
            bufs[b].at[pl.ds(0, _SIZES[c])], g_sems[b])

    gathers = [None] * _NCHUNK
    stores = [None] * _NCHUNK
    for c in range(_NB - 1):
        gathers[c] = start_gather(c)
    for c in range(_NCHUNK):
        b = c % _NB
        buf = bufs[b]
        k = c + _NB - 1
        if k < _NCHUNK:
            if k - _NB >= 0:
                stores[k - _NB].wait()
            gathers[k] = start_gather(k)
        gathers[c].wait()
        if c == 0:
            pos_cp.wait()

        def row_body(r, _):
            fix = pos_v[pl.ds((_OFFS[c] + r) * _L, _L)] + pattern
            plsc.addupdate(buf.at[r, pl.ds(0, _L)], fix)
            for g in range(1, _GPR):
                plsc.addupdate(buf.at[r, pl.ds(g * _L, _L)], pattern)
            return _

        lax.fori_loop(0, _SIZES[c], row_body, None)

        stores[c] = pltpu.async_copy(
            bufs[b].at[pl.ds(0, _SIZES[c])],
            out_hbm.at[bi, pl.ds(pbase + _OFFS[c], _SIZES[c])], s_sems[b])
    for c in range(_NCHUNK - _NB, _NCHUNK):
        stores[c].wait()


def kernel(x, table):
    pos_fix = jnp.asarray(_POS_FIX)
    return _emb_kernel(x, pos_fix, table)

# --- scband reference (transcript-rebuilt; emitter-appended) ---
"""Pipeline reference for scband-transformer-embedding-86861418594487 (READ-ONLY COPY).

The authoritative reference and input builder live on the scoring server;
editing this copy changes nothing except your own understanding.
"""

import jax, jax.numpy as jnp
import numpy as np

VOCAB = 100000
D_MODEL = 1024
MAX_LEN = 2048
B = 4
S = 2048


def _pos_encoding(max_len, d_model):
    # Faithful to the original (including the d_model *multiply* quirk):
    # encoding[:, 0::2] = sin(pos / 10000 ** (_2i * d_model))
    # encoding[:, 1::2] = cos(pos / 10000 ** (_2i * d_model))
    pos = jnp.arange(max_len, dtype=jnp.float32)[:, None]
    two_i = jnp.arange(0, d_model, 2, dtype=jnp.float32)
    denom = jnp.power(jnp.float32(10000.0), two_i * jnp.float32(d_model))
    enc = jnp.zeros((max_len, d_model), dtype=jnp.float32)
    enc = enc.at[:, 0::2].set(jnp.sin(pos / denom))
    enc = enc.at[:, 1::2].set(jnp.cos(pos / denom))
    return enc


def setup_inputs(seed: int = 0) -> dict:
    key = jax.random.key(seed)
    k1, k2 = jax.random.split(key)
    x = jax.random.randint(k1, (B, S), 0, VOCAB, dtype=jnp.int32)
    table = jax.random.normal(k2, (VOCAB, D_MODEL), dtype=jnp.float32)
    table = table.at[1].set(0.0)  # padding_idx=1 initialized to zeros
    return {"x": x, "table": table}


def reference(x, table):
    # TokenEmbedding: gather rows of the embedding table
    tok_emb = jnp.take(table, x, axis=0)  # [B, S, D]
    # PositionalEncoding: slice first seq_len rows, broadcast over batch
    pos_emb = _pos_encoding(MAX_LEN, D_MODEL)[: x.shape[1], :]  # [S, D]
    # Dropout in eval mode is identity
    return tok_emb + pos_emb

if __name__ == "__main__":
    import jax
    _d = setup_inputs()
    print(jax.jit(kernel)(*tuple(_d.values())))

</pallas_src>

<mosaic_0001>
#map = affine_map<(d0, d1) -> (0, 0)>
#map1 = affine_map<(d0, d1) -> (0)>
#map2 = affine_map<(d0, d1) -> (0, 0, 0)>
module attributes {stable_mosaic.version = 14 : i64} {
  func.func @_emb_kernel(%arg0: i32, %arg1: i32, %arg2: memref<4x2048xi32, #tpu.memory_space<hbm>>, %arg3: memref<32768xf32, #tpu.memory_space<hbm>>, %arg4: memref<100000x1024xf32, #tpu.memory_space<hbm>>, %arg5: memref<4x2048x1024xf32, #tpu.memory_space<hbm>>, %arg6: memref<256xi32, #tpu.memory_space<vmem>>, %arg7: memref<4096xf32, #tpu.memory_space<vmem>>, %arg8: memref<40x1024xf32, #tpu.memory_space<vmem>>, %arg9: memref<40x1024xf32, #tpu.memory_space<vmem>>, %arg10: memref<40x1024xf32, #tpu.memory_space<vmem>>, %arg11: memref<!tpu.dma_semaphore, #tpu.memory_space<semaphore_mem>>, %arg12: memref<!tpu.dma_semaphore, #tpu.memory_space<semaphore_mem>>, %arg13: memref<!tpu.dma_semaphore, #tpu.memory_space<semaphore_mem>>, %arg14: memref<!tpu.dma_semaphore, #tpu.memory_space<semaphore_mem>>, %arg15: memref<!tpu.dma_semaphore, #tpu.memory_space<semaphore_mem>>, %arg16: memref<!tpu.dma_semaphore, #tpu.memory_space<semaphore_mem>>, %arg17: memref<!tpu.dma_semaphore, #tpu.memory_space<semaphore_mem>>) attributes {dimension_semantics = [#tpu.dimension_semantics<core_parallel>, #tpu.dimension_semantics<subcore_parallel>], iteration_bounds = array<i64: 2, 16>, scalar_prefetch = 0 : i64, scratch_operands = 12 : i64, tpu.core_type = #tpu.core_type<sc_vector_subcore>, window_params = [{transform_indices = #map}, {transform_indices = #map1}, {transform_indices = #map}, {transform_indices = #map2}]} {
    %mul3A = arith.constant 2 : i32
    %mul3A_0 = arith.muli %arg1, %mul3A : i32
    %add3A = arith.addi %mul3A_0, %arg0 : i32
    %jit3A = arith.constant 8 : i32
    %div3A = arith.divsi %add3A, %jit3A : i32
    %sign3A = arith.constant 0 : i32
    %sign3A_1 = arith.cmpi sgt, %add3A, %sign3A : i32
    %sign3A_2 = arith.extui %sign3A_1 : i1 to i32
    %sign3A_3 = arith.constant 0 : i32
    %sign3A_4 = arith.cmpi slt, %add3A, %sign3A_3 : i32
    %sign3A_5 = arith.extui %sign3A_4 : i1 to i32
    %sign3A_6 = arith.subi %sign3A_2, %sign3A_5 : i32
    %sign3A_7 = arith.constant 0 : i32
    %sign3A_8 = arith.cmpi sgt, %jit3A, %sign3A_7 : i32
    %sign3A_9 = arith.extui %sign3A_8 : i1 to i32
    %sign3A_10 = arith.constant 0 : i32
    %sign3A_11 = arith.cmpi slt, %jit3A, %sign3A_10 : i32
    %sign3A_12 = arith.extui %sign3A_11 : i1 to i32
    %sign3A_13 = arith.subi %sign3A_9, %sign3A_12 : i32
    %ne3A = arith.cmpi ne, %sign3A_6, %sign3A_13 : i32
    %rem3A = arith.remsi %add3A, %jit3A : i32
    %ne3A_14 = arith.constant 0 : i32
    %ne3A_15 = arith.cmpi ne, %rem3A, %ne3A_14 : i32
    %and3A = arith.andi %ne3A, %ne3A_15 : i1
    %sub3A = arith.constant 1 : i32
    %sub3A_16 = arith.subi %div3A, %sub3A : i32
    %select_n3A = arith.select %and3A, %sub3A_16, %div3A : i32
    %rem3A_17 = arith.constant 8 : i32
    %rem3A_18 = arith.remsi %add3A, %rem3A_17 : i32
    %mul3A_19 = arith.constant 256 : i32
    %mul3A_20 = arith.muli %rem3A_18, %mul3A_19 : i32
    "tpu.region"() ({
      %run_scoped3A = tpu.sem_alloc : memref<!tpu.dma_semaphore, #tpu.memory_space<semaphore_mem>>
      %dma_start3A_356 = tpu.memref_slice %arg2[%select_n3A, %mul3A_20] : memref<4x2048xi32, #tpu.memory_space<hbm>> -> memref<1x256xi32, #tpu.memory_space<hbm>>
      %dma_start3A_357 = tpu.memref_squeeze %dma_start3A_356 : memref<1x256xi32, #tpu.memory_space<hbm>> -> memref<256xi32, #tpu.memory_space<hbm>>
      %dma_start3A_358 = tpu.memref_slice %arg2[%select_n3A, %mul3A_20] : memref<4x2048xi32, #tpu.memory_space<hbm>> -> memref<1x256xi32, #tpu.memory_space<hbm>>
      %dma_start3A_359 = tpu.memref_squeeze %dma_start3A_358 : memref<1x256xi32, #tpu.memory_space<hbm>> -> memref<256xi32, #tpu.memory_space<hbm>>
      tpu.enqueue_dma source(%dma_start3A_359 : memref<256xi32, #tpu.memory_space<hbm>>) target(%arg6 : memref<256xi32, #tpu.memory_space<vmem>>) target_semaphore(%run_scoped3A : memref<!tpu.dma_semaphore, #tpu.memory_space<semaphore_mem>>)
      %dma_wait3A_360 = tpu.memref_slice %arg2[%select_n3A, %mul3A_20] : memref<4x2048xi32, #tpu.memory_space<hbm>> -> memref<1x256xi32, #tpu.memory_space<hbm>>
      %dma_wait3A_361 = tpu.memref_squeeze %dma_wait3A_360 : memref<1x256xi32, #tpu.memory_space<hbm>> -> memref<256xi32, #tpu.memory_space<hbm>>
      %dma_wait3A_362 = tpu.memref_slice %arg2[%select_n3A, %mul3A_20] : memref<4x2048xi32, #tpu.memory_space<hbm>> -> memref<1x256xi32, #tpu.memory_space<hbm>>
      %dma_wait3A_363 = tpu.memref_squeeze %dma_wait3A_362 : memref<1x256xi32, #tpu.memory_space<hbm>> -> memref<256xi32, #tpu.memory_space<hbm>>
      tpu.wait_dma2 semaphore(%run_scoped3A : memref<!tpu.dma_semaphore, #tpu.memory_space<semaphore_mem>>) src(%dma_wait3A_363 : memref<256xi32, #tpu.memory_space<hbm>>) dst(%arg6 : memref<256xi32, #tpu.memory_space<vmem>>)
      tpu.yield
    }) : () -> ()
    %mul3A_21 = arith.constant 16 : i32
    %mul3A_22 = arith.muli %mul3A_20, %mul3A_21 : i32
    %dma_start3A = tpu.memref_slice %arg3[%mul3A_22] : memref<32768xf32, #tpu.memory_space<hbm>> -> memref<4096xf32, #tpu.memory_space<hbm>>
    %dma_start3A_23 = tpu.memref_slice %arg3[%mul3A_22] : memref<32768xf32, #tpu.memory_space<hbm>> -> memref<4096xf32, #tpu.memory_space<hbm>>
    tpu.enqueue_dma source(%dma_start3A_23 : memref<4096xf32, #tpu.memory_space<hbm>>) target(%arg7 : memref<4096xf32, #tpu.memory_space<vmem>>) target_semaphore(%arg17 : memref<!tpu.dma_semaphore, #tpu.memory_space<semaphore_mem>>)
    %iota3A = tpu.iota {dimensions = array<i32: 0>} : vector<16xi32>
    %rem3A_24 = arith.constant 2 : i32
    %rem3A_25 = vector.broadcast %rem3A_24 : i32 to vector<16xi32>
    %rem3A_26 = arith.remsi %iota3A, %rem3A_25 : vector<16xi32>
    %convert_element_type3A = arith.sitofp %rem3A_26 : vector<16xi32> to vector<16xf32>
    %dma_start3A_27 = arith.constant 0 : i32
    %dma_start3A_28 = arith.constant 0 : i32
    %dma_start3A_29 = tpu.memref_slice %arg8[%dma_start3A_27, %dma_start3A_28] : memref<40x1024xf32, #tpu.memory_space<vmem>> -> memref<16x1024xf32, #tpu.memory_space<vmem>>
    %dma_start3A_30 = arith.constant 0 : i32
    %dma_start3A_31 = tpu.memref_slice %arg6[%dma_start3A_30] : memref<256xi32, #tpu.memory_space<vmem>> -> memref<16xi32, #tpu.memory_space<vmem>>
    %dma_start3A_32 = arith.constant 0 : i32
    %dma_start3A_33 = arith.constant 0 : i32
    %dma_start3A_34 = tpu.memref_slice %arg4[%dma_start3A_32, %dma_start3A_33] : memref<100000x1024xf32, #tpu.memory_space<hbm>> -> memref<100000x1024xf32, #tpu.memory_space<hbm>>
    tpu.enqueue_indirect_dma source(%dma_start3A_34 : memref<100000x1024xf32, #tpu.memory_space<hbm>>) target(%dma_start3A_29 : memref<16x1024xf32, #tpu.memory_space<vmem>>) offsets(%dma_start3A_31 : memref<16xi32, #tpu.memory_space<vmem>>) semaphore(%arg11 : memref<!tpu.dma_semaphore, #tpu.memory_space<semaphore_mem>>)
    %dma_start3A_35 = arith.constant 0 : i32
    %dma_start3A_36 = arith.constant 0 : i32
    %dma_start3A_37 = tpu.memref_slice %arg9[%dma_start3A_35, %dma_start3A_36] : memref<40x1024xf32, #tpu.memory_space<vmem>> -> memref<40x1024xf32, #tpu.memory_space<vmem>>
    %dma_start3A_38 = arith.constant 16 : i32
    %dma_start3A_39 = tpu.memref_slice %arg6[%dma_start3A_38] : memref<256xi32, #tpu.memory_space<vmem>> -> memref<40xi32, #tpu.memory_space<vmem>>
    %dma_start3A_40 = arith.constant 0 : i32
    %dma_start3A_41 = arith.constant 0 : i32
    %dma_start3A_42 = tpu.memref_slice %arg4[%dma_start3A_40, %dma_start3A_41] : memref<100000x1024xf32, #tpu.memory_space<hbm>> -> memref<100000x1024xf32, #tpu.memory_space<hbm>>
    tpu.enqueue_indirect_dma source(%dma_start3A_42 : memref<100000x1024xf32, #tpu.memory_space<hbm>>) target(%dma_start3A_37 : memref<40x1024xf32, #tpu.memory_space<vmem>>) offsets(%dma_start3A_39 : memref<40xi32, #tpu.memory_space<vmem>>) semaphore(%arg12 : memref<!tpu.dma_semaphore, #tpu.memory_space<semaphore_mem>>)
    %dma_start3A_43 = arith.constant 0 : i32
    %dma_start3A_44 = arith.constant 0 : i32
    %dma_start3A_45 = tpu.memref_slice %arg10[%dma_start3A_43, %dma_start3A_44] : memref<40x1024xf32, #tpu.memory_space<vmem>> -> memref<40x1024xf32, #tpu.memory_space<vmem>>
    %dma_start3A_46 = arith.constant 56 : i32
    %dma_start3A_47 = tpu.memref_slice %arg6[%dma_start3A_46] : memref<256xi32, #tpu.memory_space<vmem>> -> memref<40xi32, #tpu.memory_space<vmem>>
    %dma_start3A_48 = arith.constant 0 : i32
    %dma_start3A_49 = arith.constant 0 : i32
    %dma_start3A_50 = tpu.memref_slice %arg4[%dma_start3A_48, %dma_start3A_49] : memref<100000x1024xf32, #tpu.memory_space<hbm>> -> memref<100000x1024xf32, #tpu.memory_space<hbm>>
    tpu.enqueue_indirect_dma source(%dma_start3A_50 : memref<100000x1024xf32, #tpu.memory_space<hbm>>) target(%dma_start3A_45 : memref<40x1024xf32, #tpu.memory_space<vmem>>) offsets(%dma_start3A_47 : memref<40xi32, #tpu.memory_space<vmem>>) semaphore(%arg13 : memref<!tpu.dma_semaphore, #tpu.memory_space<semaphore_mem>>)
    %dma_wait3A = arith.constant 0 : i32
    %dma_wait3A_51 = arith.constant 0 : i32
    %dma_wait3A_52 = tpu.memref_slice %arg8[%dma_wait3A, %dma_wait3A_51] : memref<40x1024xf32, #tpu.memory_space<vmem>> -> memref<16x1024xf32, #tpu.memory_space<vmem>>
    %dma_wait3A_53 = arith.constant 0 : i32
    %dma_wait3A_54 = tpu.memref_slice %arg6[%dma_wait3A_53] : memref<256xi32, #tpu.memory_space<vmem>> -> memref<16xi32, #tpu.memory_space<vmem>>
    %dma_wait3A_55 = arith.constant 0 : i32
    %dma_wait3A_56 = arith.constant 0 : i32
    %dma_wait3A_57 = tpu.memref_slice %arg4[%dma_wait3A_55, %dma_wait3A_56] : memref<100000x1024xf32, #tpu.memory_space<hbm>> -> memref<100000x1024xf32, #tpu.memory_space<hbm>>
    tpu.wait_indirect_dma semaphore(%arg11 : memref<!tpu.dma_semaphore, #tpu.memory_space<semaphore_mem>>) src(%dma_wait3A_57 : memref<100000x1024xf32, #tpu.memory_space<hbm>>) dst(%dma_wait3A_52 : memref<16x1024xf32, #tpu.memory_space<vmem>>)
    %dma_wait3A_58 = tpu.memref_slice %arg3[%mul3A_22] : memref<32768xf32, #tpu.memory_space<hbm>> -> memref<4096xf32, #tpu.memory_space<hbm>>
    %dma_wait3A_59 = tpu.memref_slice %arg3[%mul3A_22] : memref<32768xf32, #tpu.memory_space<hbm>> -> memref<4096xf32, #tpu.memory_space<hbm>>
    tpu.wait_dma2 semaphore(%arg17 : memref<!tpu.dma_semaphore, #tpu.memory_space<semaphore_mem>>) src(%dma_wait3A_59 : memref<4096xf32, #tpu.memory_space<hbm>>) dst(%arg7 : memref<4096xf32, #tpu.memory_space<vmem>>)
    %scan3A = arith.constant 0 : i32
    %scan3A_60 = arith.constant 16 : i32
    %scan3A_61 = arith.addi %scan3A, %scan3A_60 : i32
    %scan3A_62 = arith.constant 1 : i32
    scf.for %scan3A_356 = %scan3A to %scan3A_61 step %scan3A_62  : i32 {
      %add3A_357 = arith.constant 0 : i32
      %add3A_358 = arith.addi %add3A_357, %scan3A_356 : i32
      %mul3A_359 = arith.constant 16 : i32
      %mul3A_360 = arith.muli %add3A_358, %mul3A_359 : i32
      %get3A = arith.index_cast %mul3A_360 : i32 to index
      %get3A_361 = tpu.vector_load %arg7[%get3A] {strides = array<i32>} : memref<4096xf32, #tpu.memory_space<vmem>>, vector<16xf32>,
      %get3A_362 = vector.shape_cast %get3A_361 : vector<16xf32> to vector<16xf32>
      %add3A_363 = arith.addf %get3A_362, %convert_element_type3A : vector<16xf32>
      %swap3A = arith.index_cast %scan3A_356 : i32 to index
      %swap3A_364 = arith.constant 0 : index
      %swap3A_365 = tpu.vector_load %arg8[%swap3A, %swap3A_364] {strides = array<i32>} : memref<40x1024xf32, #tpu.memory_space<vmem>>, vector<1x16xf32>,
      %swap3A_366 = vector.shape_cast %swap3A_365 : vector<1x16xf32> to vector<16xf32>
      %swap3A_367 = vector.shape_cast %add3A_363 : vector<16xf32> to vector<1x16xf32>
      tpu.vector_store %arg8[%swap3A, %swap3A_364], %swap3A_367 {add = true, strides = array<i32>} : memref<40x1024xf32, #tpu.memory_space<vmem>>, vector<1x16xf32>,
      %swap3A_368 = arith.index_cast %scan3A_356 : i32 to index
      %swap3A_369 = arith.constant 16 : index
      %swap3A_370 = tpu.vector_load %arg8[%swap3A_368, %swap3A_369] {strides = array<i32>} : memref<40x1024xf32, #tpu.memory_space<vmem>>, vector<1x16xf32>,
      %swap3A_371 = vector.shape_cast %swap3A_370 : vector<1x16xf32> to vector<16xf32>
      %swap3A_372 = vector.shape_cast %convert_element_type3A : vector<16xf32> to vector<1x16xf32>
      tpu.vector_store %arg8[%swap3A_368, %swap3A_369], %swap3A_372 {add = true, strides = array<i32>} : memref<40x1024xf32, #tpu.memory_space<vmem>>, vector<1x16xf32>,
      %swap3A_373 = arith.index_cast %scan3A_356 : i32 to index
      %swap3A_374 = arith.constant 32 : index
      %swap3A_375 = tpu.vector_load %arg8[%swap3A_373, %swap3A_374] {strides = array<i32>} : memref<40x1024xf32, #tpu.memory_space<vmem>>, vector<1x16xf32>,
      %swap3A_376 = vector.shape_cast %swap3A_375 : vector<1x16xf32> to vector<16xf32>
      %swap3A_377 = vector.shape_cast %convert_element_type3A : vector<16xf32> to vector<1x16xf32>
      tpu.vector_store %arg8[%swap3A_373, %swap3A_374], %swap3A_377 {add = true, strides = array<i32>} : memref<40x1024xf32, #tpu.memory_space<vmem>>, vector<1x16xf32>,
      %swap3A_378 = arith.index_cast %scan3A_356 : i32 to index
      %swap3A_379 = arith.constant 48 : index
      %swap3A_380 = tpu.vector_load %arg8[%swap3A_378, %swap3A_379] {strides = array<i32>} : memref<40x1024xf32, #tpu.memory_space<vmem>>, vector<1x16xf32>,
      %swap3A_381 = vector.shape_cast %swap3A_380 : vector<1x16xf32> to vector<16xf32>
      %swap3A_382 = vector.shape_cast %convert_element_type3A : vector<16xf32> to vector<1x16xf32>
      tpu.vector_store %arg8[%swap3A_378, %swap3A_379], %swap3A_382 {add = true, strides = array<i32>} : memref<40x1024xf32, #tpu.memory_space<vmem>>, vector<1x16xf32>,
      %swap3A_383 = arith.index_cast %scan3A_356 : i32 to index
      %swap3A_384 = arith.constant 64 : index
      %swap3A_385 = tpu.vector_load %arg8[%swap3A_383, %swap3A_384] {strides = array<i32>} : memref<40x1024xf32, #tpu.memory_space<vmem>>, vector<1x16xf32>,
      %swap3A_386 = vector.shape_cast %swap3A_385 : vector<1x16xf32> to vector<16xf32>
      %swap3A_387 = vector.shape_cast %convert_element_type3A : vector<16xf32> to vector<1x16xf32>
      tpu.vector_store %arg8[%swap3A_383, %swap3A_384], %swap3A_387 {add = true, strides = array<i32>} : memref<40x1024xf32, #tpu.memory_space<vmem>>, vector<1x16xf32>,
      %swap3A_388 = arith.index_cast %scan3A_356 : i32 to index
      %swap3A_389 = arith.constant 80 : index
      %swap3A_390 = tpu.vector_load %arg8[%swap3A_388, %swap3A_389] {strides = array<i32>} : memref<40x1024xf32, #tpu.memory_space<vmem>>, vector<1x16xf32>,
      %swap3A_391 = vector.shape_cast %swap3A_390 : vector<1x16xf32> to vector<16xf32>
      %swap3A_392 = vector.shape_cast %convert_element_type3A : vector<16xf32> to vector<1x16xf32>
      tpu.vector_store %arg8[%swap3A_388, %swap3A_389], %swap3A_392 {add = true, strides = array<i32>} : memref<40x1024xf32, #tpu.memory_space<vmem>>, vector<1x16xf32>,
      %swap3A_393 = arith.index_cast %scan3A_356 : i32 to index
      %swap3A_394 = arith.constant 96 : index
      %swap3A_395 = tpu.vector_load %arg8[%swap3A_393, %swap3A_394] {strides = array<i32>} : memref<40x1024xf32, #tpu.memory_space<vmem>>, vector<1x16xf32>,
      %swap3A_396 = vector.shape_cast %swap3A_395 : vector<1x16xf32> to vector<16xf32>
      %swap3A_397 = vector.shape_cast %convert_element_type3A : vector<16xf32> to vector<1x16xf32>
      tpu.vector_store %arg8[%swap3A_393, %swap3A_394], %swap3A_397 {add = true, strides = array<i32>} : memref<40x1024xf32, #tpu.memory_space<vmem>>, vector<1x16xf32>,
      %swap3A_398 = arith.index_cast %scan3A_356 : i32 to index
      %swap3A_399 = arith.constant 112 : index
      %swap3A_400 = tpu.vector_load %arg8[%swap3A_398, %swap3A_399] {strides = array<i32>} : memref<40x1024xf32, #tpu.memory_space<vmem>>, vector<1x16xf32>,
      %swap3A_401 = vector.shape_cast %swap3A_400 : vector<1x16xf32> to vector<16xf32>
      %swap3A_402 = vector.shape_cast %convert_element_type3A : vector<16xf32> to vector<1x16xf32>
      tpu.vector_store %arg8[%swap3A_398, %swap3A_399], %swap3A_402 {add = true, strides = array<i32>} : memref<40x1024xf32, #tpu.memory_space<vmem>>, vector<1x16xf32>,
      %swap3A_403 = arith.index_cast %scan3A_356 : i32 to index
      %swap3A_404 = arith.constant 128 : index
      %swap3A_405 = tpu.vector_load %arg8[%swap3A_403, %swap3A_404] {strides = array<i32>} : memref<40x1024xf32, #tpu.memory_space<vmem>>, vector<1x16xf32>,
      %swap3A_406 = vector.shape_cast %swap3A_405 : vector<1x16xf32> to vector<16xf32>
      %swap3A_407 = vector.shape_cast %convert_element_type3A : vector<16xf32> to vector<1x16xf32>
      tpu.vector_store %arg8[%swap3A_403, %swap3A_404], %swap3A_407 {add = true, strides = array<i32>} : memref<40x1024xf32, #tpu.memory_space<vmem>>, vector<1x16xf32>,
      %swap3A_408 = arith.index_cast %scan3A_356 : i32 to index
      %swap3A_409 = arith.constant 144 : index
      %swap3A_410 = tpu.vector_load %arg8[%swap3A_408, %swap3A_409] {strides = array<i32>} : memref<40x1024xf32, #tpu.memory_space<vmem>>, vector<1x16xf32>,
      %swap3A_411 = vector.shape_cast %swap3A_410 : vector<1x16xf32> to vector<16xf32>
      %swap3A_412 = vector.shape_cast %convert_element_type3A : vector<16xf32> to vector<1x16xf32>
      tpu.vector_store %arg8[%swap3A_408, %swap3A_409], %swap3A_412 {add = true, strides = array<i32>} : memref<40x1024xf32, #tpu.memory_space<vmem>>, vector<1x16xf32>,
      %swap3A_413 = arith.index_cast %scan3A_356 : i32 to index
      %swap3A_414 = arith.constant 160 : index
      %swap3A_415 = tpu.vector_load %arg8[%swap3A_413, %swap3A_414] {strides = array<i32>} : memref<40x1024xf32, #tpu.memory_space<vmem>>, vector<1x16xf32>,
      %swap3A_416 = vector.shape_cast %swap3A_415 : vector<1x16xf32> to vector<16xf32>
      %swap3A_417 = vector.shape_cast %convert_element_type3A : vector<16xf32> to vector<1x16xf32>
      tpu.vector_store %arg8[%swap3A_413, %swap3A_414], %swap3A_417 {add = true, strides = array<i32>} : memref<40x1024xf32, #tpu.memory_space<vmem>>, vector<1x16xf32>,
      %swap3A_418 = arith.index_cast %scan3A_356 : i32 to index
      %swap3A_419 = arith.constant 176 : index
      %swap3A_420 = tpu.vector_load %arg8[%swap3A_418, %swap3A_419] {strides = array<i32>} : memref<40x1024xf32, #tpu.memory_space<vmem>>, vector<1x16xf32>,
      %swap3A_421 = vector.shape_cast %swap3A_420 : vector<1x16xf32> to vector<16xf32>
      %swap3A_422 = vector.shape_cast %convert_element_type3A : vector<16xf32> to vector<1x16xf32>
      tpu.vector_store %arg8[%swap3A_418, %swap3A_419], %swap3A_422 {add = true, strides = array<i32>} : memref<40x1024xf32, #tpu.memory_space<vmem>>, vector<1x16xf32>,
      %swap3A_423 = arith.index_cast %scan3A_356 : i32 to index
      %swap3A_424 = arith.constant 192 : index
      %swap3A_425 = tpu.vector_load %arg8[%swap3A_423, %swap3A_424] {strides = array<i32>} : memref<40x1024xf32, #tpu.memory_space<vmem>>, vector<1x16xf32>,
      %swap3A_426 = vector.shape_cast %swap3A_425 : vector<1x16xf32> to vector<16xf32>
      %swap3A_427 = vector.shape_cast %convert_element_type3A : vector<16xf32> to vector<1x16xf32>
      tpu.vector_store %arg8[%swap3A_423, %swap3A_424], %swap3A_427 {add = true, strides = array<i32>} : memref<40x1024xf32, #tpu.memory_space<vmem>>, vector<1x16xf32>,
      %swap3A_428 = arith.index_cast %scan3A_356 : i32 to index
      %swap3A_429 = arith.constant 208 : index
      %swap3A_430 = tpu.vector_load %arg8[%swap3A_428, %swap3A_429] {strides = array<i32>} : memref<40x1024xf32, #tpu.memory_space<vmem>>, vector<1x16xf32>,
      %swap3A_431 = vector.shape_cast %swap3A_430 : vector<1x16xf32> to vector<16xf32>
      %swap3A_432 = vector.shape_cast %convert_element_type3A : vector<16xf32> to vector<1x16xf32>
      tpu.vector_store %arg8[%swap3A_428, %swap3A_429], %swap3A_432 {add = true, strides = array<i32>} : memref<40x1024xf32, #tpu.memory_space<vmem>>, vector<1x16xf32>,
      %swap3A_433 = arith.index_cast %scan3A_356 : i32 to index
      %swap3A_434 = arith.constant 224 : index
      %swap3A_435 = tpu.vector_load %arg8[%swap3A_433, %swap3A_434] {strides = array<i32>} : memref<40x1024xf32, #tpu.memory_space<vmem>>, vector<1x16xf32>,
      %swap3A_436 = vector.shape_cast %swap3A_435 : vector<1x16xf32> to vector<16xf32>
      %swap3A_437 = vector.shape_cast %convert_element_type3A : vector<16xf32> to vector<1x16xf32>
      tpu.vector_store %arg8[%swap3A_433, %swap3A_434], %swap3A_437 {add = true, strides = array<i32>} : memref<40x1024xf32, #tpu.memory_space<vmem>>, vector<1x16xf32>,
      %swap3A_438 = arith.index_cast %scan3A_356 : i32 to index
      %swap3A_439 = arith.constant 240 : index
      %swap3A_440 = tpu.vector_load %arg8[%swap3A_438, %swap3A_439] {strides = array<i32>} : memref<40x1024xf32, #tpu.memory_space<vmem>>, vector<1x16xf32>,
      %swap3A_441 = vector.shape_cast %swap3A_440 : vector<1x16xf32> to vector<16xf32>
      %swap3A_442 = vector.shape_cast %convert_element_type3A : vector<16xf32> to vector<1x16xf32>
      tpu.vector_store %arg8[%swap3A_438, %swap3A_439], %swap3A_442 {add = true, strides = array<i32>} : memref<40x1024xf32, #tpu.memory_space<vmem>>, vector<1x16xf32>,
      %swap3A_443 = arith.index_cast %scan3A_356 : i32 to index
      %swap3A_444 = arith.constant 256 : index
      %swap3A_445 = tpu.vector_load %arg8[%swap3A_443, %swap3A_444] {strides = array<i32>} : memref<40x1024xf32, #tpu.memory_space<vmem>>, vector<1x16xf32>,
      %swap3A_446 = vector.shape_cast %swap3A_445 : vector<1x16xf32> to vector<16xf32>
      %swap3A_447 = vector.shape_cast %convert_element_type3A : vector<16xf32> to vector<1x16xf32>
      tpu.vector_store %arg8[%swap3A_443, %swap3A_444], %swap3A_447 {add = true, strides = array<i32>} : memref<40x1024xf32, #tpu.memory_space<vmem>>, vector<1x16xf32>,
      %swap3A_448 = arith.index_cast %scan3A_356 : i32 to index
      %swap3A_449 = arith.constant 272 : index
      %swap3A_450 = tpu.vector_load %arg8[%swap3A_448, %swap3A_449] {strides = array<i32>} : memref<40x1024xf32, #tpu.memory_space<vmem>>, vector<1x16xf32>,
      %swap3A_451 = vector.shape_cast %swap3A_450 : vector<1x16xf32> to vector<16xf32>
      %swap3A_452 = vector.shape_cast %convert_element_type3A : vector<16xf32> to vector<1x16xf32>
      tpu.vector_store %arg8[%swap3A_448, %swap3A_449], %swap3A_452 {add = true, strides = array<i32>} : memref<40x1024xf32, #tpu.memory_space<vmem>>, vector<1x16xf32>,
      %swap3A_453 = arith.index_cast %scan3A_356 : i32 to index
      %swap3A_454 = arith.constant 288 : index
      %swap3A_455 = tpu.vector_load %arg8[%swap3A_453, %swap3A_454] {strides = array<i32>} : memref<40x1024xf32, #tpu.memory_space<vmem>>, vector<1x16xf32>,
      %swap3A_456 = vector.shape_cast %swap3A_455 : vector<1x16xf32> to vector<16xf32>
      %swap3A_457 = vector.shape_cast %convert_element_type3A : vector<16xf32> to vector<1x16xf32>
      tpu.vector_store %arg8[%swap3A_453, %swap3A_454], %swap3A_457 {add = true, strides = array<i32>} : memref<40x1024xf32, #tpu.memory_space<vmem>>, vector<1x16xf32>,
      %swap3A_458 = arith.index_cast %scan3A_356 : i32 to index
      %swap3A_459 = arith.constant 304 : index
      %swap3A_460 = tpu.vector_load %arg8[%swap3A_458, %swap3A_459] {strides = array<i32>} : memref<40x1024xf32, #tpu.memory_space<vmem>>, vector<1x16xf32>,
      %swap3A_461 = vector.shape_cast %swap3A_460 : vector<1x16xf32> to vector<16xf32>
      %swap3A_462 = vector.shape_cast %convert_element_type3A : vector<16xf32> to vector<1x16xf32>
      tpu.vector_store %arg8[%swap3A_458, %swap3A_459], %swap3A_462 {add = true, strides = array<i32>} : memref<40x1024xf32, #tpu.memory_space<vmem>>, vector<1x16xf32>,
      %swap3A_463 = arith.index_cast %scan3A_356 : i32 to index
      %swap3A_464 = arith.constant 320 : index
      %swap3A_465 = tpu.vector_load %arg8[%swap3A_463, %swap3A_464] {strides = array<i32>} : memref<40x1024xf32, #tpu.memory_space<vmem>>, vector<1x16xf32>,
      %swap3A_466 = vector.shape_cast %swap3A_465 : vector<1x16xf32> to vector<16xf32>
      %swap3A_467 = vector.shape_cast %convert_element_type3A : vector<16xf32> to vector<1x16xf32>
      tpu.vector_store %arg8[%swap3A_463, %swap3A_464], %swap3A_467 {add = true, strides = array<i32>} : memref<40x1024xf32, #tpu.memory_space<vmem>>, vector<1x16xf32>,
      %swap3A_468 = arith.index_cast %scan3A_356 : i32 to index
      %swap3A_469 = arith.constant 336 : index
      %swap3A_470 = tpu.vector_load %arg8[%swap3A_468, %swap3A_469] {strides = array<i32>} : memref<40x1024xf32, #tpu.memory_space<vmem>>, vector<1x16xf32>,
      %swap3A_471 = vector.shape_cast %swap3A_470 : vector<1x16xf32> to vector<16xf32>
      %swap3A_472 = vector.shape_cast %convert_element_type3A : vector<16xf32> to vector<1x16xf32>
      tpu.vector_store %arg8[%swap3A_468, %swap3A_469], %swap3A_472 {add = true, strides = array<i32>} : memref<40x1024xf32, #tpu.memory_space<vmem>>, vector<1x16xf32>,
      %swap3A_473 = arith.index_cast %scan3A_356 : i32 to index
      %swap3A_474 = arith.constant 352 : index
      %swap3A_475 = tpu.vector_load %arg8[%swap3A_473, %swap3A_474] {strides = array<i32>} : memref<40x1024xf32, #tpu.memory_space<vmem>>, vector<1x16xf32>,
      %swap3A_476 = vector.shape_cast %swap3A_475 : vector<1x16xf32> to vector<16xf32>
      %swap3A_477 = vector.shape_cast %convert_element_type3A : vector<16xf32> to vector<1x16xf32>
      tpu.vector_store %arg8[%swap3A_473, %swap3A_474], %swap3A_477 {add = true, strides = array<i32>} : memref<40x1024xf32, #tpu.memory_space<vmem>>, vector<1x16xf32>,
      %swap3A_478 = arith.index_cast %scan3A_356 : i32 to index
      %swap3A_479 = arith.constant 368 : index
      %swap3A_480 = tpu.vector_load %arg8[%swap3A_478, %swap3A_479] {strides = array<i32>} : memref<40x1024xf32, #tpu.memory_space<vmem>>, vector<1x16xf32>,
      %swap3A_481 = vector.shape_cast %swap3A_480 : vector<1x16xf32> to vector<16xf32>
      %swap3A_482 = vector.shape_cast %convert_element_type3A : vector<16xf32> to vector<1x16xf32>
      tpu.vector_store %arg8[%swap3A_478, %swap3A_479], %swap3A_482 {add = true, strides = array<i32>} : memref<40x1024xf32, #tpu.memory_space<vmem>>, vector<1x16xf32>,
      %swap3A_483 = arith.index_cast %scan3A_356 : i32 to index
      %swap3A_484 = arith.constant 384 : index
      %swap3A_485 = tpu.vector_load %arg8[%swap3A_483, %swap3A_484] {strides = array<i32>} : memref<40x1024xf32, #tpu.memory_space<vmem>>, vector<1x16xf32>,
      %swap3A_486 = vector.shape_cast %swap3A_485 : vector<1x16xf32> to vector<16xf32>
      %swap3A_487 = vector.shape_cast %convert_element_type3A : vector<16xf32> to vector<1x16xf32>
      tpu.vector_store %arg8[%swap3A_483, %swap3A_484], %swap3A_487 {add = true, strides = array<i32>} : memref<40x1024xf32, #tpu.memory_space<vmem>>, vector<1x16xf32>,
      %swap3A_488 = arith.index_cast %scan3A_356 : i32 to index
      %swap3A_489 = arith.constant 400 : index
      %swap3A_490 = tpu.vector_load %arg8[%swap3A_488, %swap3A_489] {strides = array<i32>} : memref<40x1024xf32, #tpu.memory_space<vmem>>, vector<1x16xf32>,
      %swap3A_491 = vector.shape_cast %swap3A_490 : vector<1x16xf32> to vector<16xf32>
      %swap3A_492 = vector.shape_cast %convert_element_type3A : vector<16xf32> to vector<1x16xf32>
      tpu.vector_store %arg8[%swap3A_488, %swap3A_489], %swap3A_492 {add = true, strides = array<i32>} : memref<40x1024xf32, #tpu.memory_space<vmem>>, vector<1x16xf32>,
      %swap3A_493 = arith.index_cast %scan3A_356 : i32 to index
      %swap3A_494 = arith.constant 416 : index
      %swap3A_495 = tpu.vector_load %arg8[%swap3A_493, %swap3A_494] {strides = array<i32>} : memref<40x1024xf32, #tpu.memory_space<vmem>>, vector<1x16xf32>,
      %swap3A_496 = vector.shape_cast %swap3A_495 : vector<1x16xf32> to vector<16xf32>
      %swap3A_497 = vector.shape_cast %convert_element_type3A : vector<16xf32> to vector<1x16xf32>
      tpu.vector_store %arg8[%swap3A_493, %swap3A_494], %swap3A_497 {add = true, strides = array<i32>} : memref<40x1024xf32, #tpu.memory_space<vmem>>, vector<1x16xf32>,
      %swap3A_498 = arith.index_cast %scan3A_356 : i32 to index
      %swap3A_499 = arith.constant 432 : index
      %swap3A_500 = tpu.vector_load %arg8[%swap3A_498, %swap3A_499] {strides = array<i32>} : memref<40x1024xf32, #tpu.memory_space<vmem>>, vector<1x16xf32>,
      %swap3A_501 = vector.shape_cast %swap3A_500 : vector<1x16xf32> to vector<16xf32>
      %swap3A_502 = vector.shape_cast %convert_element_type3A : vector<16xf32> to vector<1x16xf32>
      tpu.vector_store %arg8[%swap3A_498, %swap3A_499], %swap3A_502 {add = true, strides = array<i32>} : memref<40x1024xf32, #tpu.memory_space<vmem>>, vector<1x16xf32>,
      %swap3A_503 = arith.index_cast %scan3A_356 : i32 to index
      %swap3A_504 = arith.constant 448 : index
      %swap3A_505 = tpu.vector_load %arg8[%swap3A_503, %swap3A_504] {strides = array<i32>} : memref<40x1024xf32, #tpu.memory_space<vmem>>, vector<1x16xf32>,
      %swap3A_506 = vector.shape_cast %swap3A_505 : vector<1x16xf32> to vector<16xf32>
      %swap3A_507 = vector.shape_cast %convert_element_type3A : vector<16xf32> to vector<1x16xf32>
      tpu.vector_store %arg8[%swap3A_503, %swap3A_504], %swap3A_507 {add = true, strides = array<i32>} : memref<40x1024xf32, #tpu.memory_space<vmem>>, vector<1x16xf32>,
      %swap3A_508 = arith.index_cast %scan3A_356 : i32 to index
      %swap3A_509 = arith.constant 464 : index
      %swap3A_510 = tpu.vector_load %arg8[%swap3A_508, %swap3A_509] {strides = array<i32>} : memref<40x1024xf32, #tpu.memory_space<vmem>>, vector<1x16xf32>,
      %swap3A_511 = vector.shape_cast %swap3A_510 : vector<1x16xf32> to vector<16xf32>
      %swap3A_512 = vector.shape_cast %convert_element_type3A : vector<16xf32> to vector<1x16xf32>
      tpu.vector_store %arg8[%swap3A_508, %swap3A_509], %swap3A_512 {add = true, strides = array<i32>} : memref<40x1024xf32, #tpu.memory_space<vmem>>, vector<1x16xf32>,
      %swap3A_513 = arith.index_cast %scan3A_356 : i32 to index
      %swap3A_514 = arith.constant 480 : index
      %swap3A_515 = tpu.vector_load %arg8[%swap3A_513, %swap3A_514] {strides = array<i32>} : memref<40x1024xf32, #tpu.memory_space<vmem>>, vector<1x16xf32>,
      %swap3A_516 = vector.shape_cast %swap3A_515 : vector<1x16xf32> to vector<16xf32>
      %swap3A_517 = vector.shape_cast %convert_element_type3A : vector<16xf32> to vector<1x16xf32>
      tpu.vector_store %arg8[%swap3A_513, %swap3A_514], %swap3A_517 {add = true, strides = array<i32>} : memref<40x1024xf32, #tpu.memory_space<vmem>>, vector<1x16xf32>,
      %swap3A_518 = arith.index_cast %scan3A_356 : i32 to index
      %swap3A_519 = arith.constant 496 : index
      %swap3A_520 = tpu.vector_load %arg8[%swap3A_518, %swap3A_519] {strides = array<i32>} : memref<40x1024xf32, #tpu.memory_space<vmem>>, vector<1x16xf32>,
      %swap3A_521 = vector.shape_cast %swap3A_520 : vector<1x16xf32> to vector<16xf32>
      %swap3A_522 = vector.shape_cast %convert_element_type3A : vector<16xf32> to vector<1x16xf32>
      tpu.vector_store %arg8[%swap3A_518, %swap3A_519], %swap3A_522 {add = true, strides = array<i32>} : memref<40x1024xf32, #tpu.memory_space<vmem>>, vector<1x16xf32>,
      %swap3A_523 = arith.index_cast %scan3A_356 : i32 to index
      %swap3A_524 = arith.constant 512 : index
      %swap3A_525 = tpu.vector_load %arg8[%swap3A_523, %swap3A_524] {strides = array<i32>} : memref<40x1024xf32, #tpu.memory_space<vmem>>, vector<1x16xf32>,
      %swap3A_526 = vector.shape_cast %swap3A_525 : vector<1x16xf32> to vector<16xf32>
      %swap3A_527 = vector.shape_cast %convert_element_type3A : vector<16xf32> to vector<1x16xf32>
      tpu.vector_store %arg8[%swap3A_523, %swap3A_524], %swap3A_527 {add = true, strides = array<i32>} : memref<40x1024xf32, #tpu.memory_space<vmem>>, vector<1x16xf32>,
      %swap3A_528 = arith.index_cast %scan3A_356 : i32 to index
      %swap3A_529 = arith.constant 528 : index
      %swap3A_530 = tpu.vector_load %arg8[%swap3A_528, %swap3A_529] {strides = array<i32>} : memref<40x1024xf32, #tpu.memory_space<vmem>>, vector<1x16xf32>,
      %swap3A_531 = vector.shape_cast %swap3A_530 : vector<1x16xf32> to vector<16xf32>
      %swap3A_532 = vector.shape_cast %convert_element_type3A : vector<16xf32> to vector<1x16xf32>
      tpu.vector_store %arg8[%swap3A_528, %swap3A_529], %swap3A_532 {add = true, strides = array<i32>} : memref<40x1024xf32, #tpu.memory_space<vmem>>, vector<1x16xf32>,
      %swap3A_533 = arith.index_cast %scan3A_356 : i32 to index
      %swap3A_534 = arith.constant 544 : index
      %swap3A_535 = tpu.vector_load %arg8[%swap3A_533, %swap3A_534] {strides = array<i32>} : memref<40x1024xf32, #tpu.memory_space<vmem>>, vector<1x16xf32>,
      %swap3A_536 = vector.shape_cast %swap3A_535 : vector<1x16xf32> to vector<16xf32>
      %swap3A_537 = vector.shape_cast %convert_element_type3A : vector<16xf32> to vector<1x16xf32>
      tpu.vector_store %arg8[%swap3A_533, %swap3A_534], %swap3A_537 {add = true, strides = array<i32>} : memref<40x1024xf32, #tpu.memory_space<vmem>>, vector<1x16xf32>,
      %swap3A_538 = arith.index_cast %scan3A_356 : i32 to index
      %swap3A_539 = arith.constant 560 : index
      %swap3A_540 = tpu.vector_load %arg8[%swap3A_538, %swap3A_539] {strides = array<i32>} : memref<40x1024xf32, #tpu.memory_space<vmem>>, vector<1x16xf32>,
      %swap3A_541 = vector.shape_cast %swap3A_540 : vector<1x16xf32> to vector<16xf32>
      %swap3A_542 = vector.shape_cast %convert_element_type3A : vector<16xf32> to vector<1x16xf32>
      tpu.vector_store %arg8[%swap3A_538, %swap3A_539], %swap3A_542 {add = true, strides = array<i32>} : memref<40x1024xf32, #tpu.memory_space<vmem>>, vector<1x16xf32>,
      %swap3A_543 = arith.index_cast %scan3A_356 : i32 to index
      %swap3A_544 = arith.constant 576 : index
      %swap3A_545 = tpu.vector_load %arg8[%swap3A_543, %swap3A_544] {strides = array<i32>} : memref<40x1024xf32, #tpu.memory_space<vmem>>, vector<1x16xf32>,
      %swap3A_546 = vector.shape_cast %swap3A_545 : vector<1x16xf32> to vector<16xf32>
      %swap3A_547 = vector.shape_cast %convert_element_type3A : vector<16xf32> to vector<1x16xf32>
      tpu.vector_store %arg8[%swap3A_543, %swap3A_544], %swap3A_547 {add = true, strides = array<i32>} : memref<40x1024xf32, #tpu.memory_space<vmem>>, vector<1x16xf32>,
      %swap3A_548 = arith.index_cast %scan3A_356 : i32 to index
      %swap3A_549 = arith.constant 592 : index
      %swap3A_550 = tpu.vector_load %arg8[%swap3A_548, %swap3A_549] {strides = array<i32>} : memref<40x1024xf32, #tpu.memory_space<vmem>>, vector<1x16xf32>,
      %swap3A_551 = vector.shape_cast %swap3A_550 : vector<1x16xf32> to vector<16xf32>
      %swap3A_552 = vector.shape_cast %convert_element_type3A : vector<16xf32> to vector<1x16xf32>
      tpu.vector_store %arg8[%swap3A_548, %swap3A_549], %swap3A_552 {add = true, strides = array<i32>} : memref<40x1024xf32, #tpu.memory_space<vmem>>, vector<1x16xf32>,
      %swap3A_553 = arith.index_cast %scan3A_356 : i32 to index
      %swap3A_554 = arith.constant 608 : index
      %swap3A_555 = tpu.vector_load %arg8[%swap3A_553, %swap3A_554] {strides = array<i32>} : memref<40x1024xf32, #tpu.memory_space<vmem>>, vector<1x16xf32>,
      %swap3A_556 = vector.shape_cast %swap3A_555 : vector<1x16xf32> to vector<16xf32>
      %swap3A_557 = vector.shape_cast %convert_element_type3A : vector<16xf32> to vector<1x16xf32>
      tpu.vector_store %arg8[%swap3A_553, %swap3A_554], %swap3A_557 {add = true, strides = array<i32>} : memref<40x1024xf32, #tpu.memory_space<vmem>>, vector<1x16xf32>,
      %swap3A_558 = arith.index_cast %scan3A_356 : i32 to index
      %swap3A_559 = arith.constant 624 : index
      %swap3A_560 = tpu.vector_load %arg8[%swap3A_558, %swap3A_559] {strides = array<i32>} : memref<40x1024xf32, #tpu.memory_space<vmem>>, vector<1x16xf32>,
      %swap3A_561 = vector.shape_cast %swap3A_560 : vector<1x16xf32> to vector<16xf32>
      %swap3A_562 = vector.shape_cast %convert_element_type3A : vector<16xf32> to vector<1x16xf32>
      tpu.vector_store %arg8[%swap3A_558, %swap3A_559], %swap3A_562 {add = true, strides = array<i32>} : memref<40x1024xf32, #tpu.memory_space<vmem>>, vector<1x16xf32>,
      %swap3A_563 = arith.index_cast %scan3A_356 : i32 to index
      %swap3A_564 = arith.constant 640 : index
      %swap3A_565 = tpu.vector_load %arg8[%swap3A_563, %swap3A_564] {strides = array<i32>} : memref<40x1024xf32, #tpu.memory_space<vmem>>, vector<1x16xf32>,
      %swap3A_566 = vector.shape_cast %swap3A_565 : vector<1x16xf32> to vector<16xf32>
      %swap3A_567 = vector.shape_cast %convert_element_type3A : vector<16xf32> to vector<1x16xf32>
      tpu.vector_store %arg8[%swap3A_563, %swap3A_564], %swap3A_567 {add = true, strides = array<i32>} : memref<40x1024xf32, #tpu.memory_space<vmem>>, vector<1x16xf32>,
      %swap3A_568 = arith.index_cast %scan3A_356 : i32 to index
      %swap3A_569 = arith.constant 656 : index
      %swap3A_570 = tpu.vector_load %arg8[%swap3A_568, %swap3A_569] {strides = array<i32>} : memref<40x1024xf32, #tpu.memory_space<vmem>>, vector<1x16xf32>,
      %swap3A_571 = vector.shape_cast %swap3A_570 : vector<1x16xf32> to vector<16xf32>
      %swap3A_572 = vector.shape_cast %convert_element_type3A : vector<16xf32> to vector<1x16xf32>
      tpu.vector_store %arg8[%swap3A_568, %swap3A_569], %swap3A_572 {add = true, strides = array<i32>} : memref<40x1024xf32, #tpu.memory_space<vmem>>, vector<1x16xf32>,
      %swap3A_573 = arith.index_cast %scan3A_356 : i32 to index
      %swap3A_574 = arith.constant 672 : index
      %swap3A_575 = tpu.vector_load %arg8[%swap3A_573, %swap3A_574] {strides = array<i32>} : memref<40x1024xf32, #tpu.memory_space<vmem>>, vector<1x16xf32>,
      %swap3A_576 = vector.shape_cast %swap3A_575 : vector<1x16xf32> to vector<16xf32>
      %swap3A_577 = vector.shape_cast %convert_element_type3A : vector<16xf32> to vector<1x16xf32>
      tpu.vector_store %arg8[%swap3A_573, %swap3A_574], %swap3A_577 {add = true, strides = array<i32>} : memref<40x1024xf32, #tpu.memory_space<vmem>>, vector<1x16xf32>,
      %swap3A_578 = arith.index_cast %scan3A_356 : i32 to index
      %swap3A_579 = arith.constant 688 : index
      %swap3A_580 = tpu.vector_load %arg8[%swap3A_578, %swap3A_579] {strides = array<i32>} : memref<40x1024xf32, #tpu.memory_space<vmem>>, vector<1x16xf32>,
      %swap3A_581 = vector.shape_cast %swap3A_580 : vector<1x16xf32> to vector<16xf32>
      %swap3A_582 = vector.shape_cast %convert_element_type3A : vector<16xf32> to vector<1x16xf32>
      tpu.vector_store %arg8[%swap3A_578, %swap3A_579], %swap3A_582 {add = true, strides = array<i32>} : memref<40x1024xf32, #tpu.memory_space<vmem>>, vector<1x16xf32>,
      %swap3A_583 = arith.index_cast %scan3A_356 : i32 to index
      %swap3A_584 = arith.constant 704 : index
      %swap3A_585 = tpu.vector_load %arg8[%swap3A_583, %swap3A_584] {strides = array<i32>} : memref<40x1024xf32, #tpu.memory_space<vmem>>, vector<1x16xf32>,
      %swap3A_586 = vector.shape_cast %swap3A_585 : vector<1x16xf32> to vector<16xf32>
      %swap3A_587 = vector.shape_cast %convert_element_type3A : vector<16xf32> to vector<1x16xf32>
      tpu.vector_store %arg8[%swap3A_583, %swap3A_584], %swap3A_587 {add = true, strides = array<i32>} : memref<40x1024xf32, #tpu.memory_space<vmem>>, vector<1x16xf32>,
      %swap3A_588 = arith.index_cast %scan3A_356 : i32 to index
      %swap3A_589 = arith.constant 720 : index
      %swap3A_590 = tpu.vector_load %arg8[%swap3A_588, %swap3A_589] {strides = array<i32>} : memref<40x1024xf32, #tpu.memory_space<vmem>>, vector<1x16xf32>,
      %swap3A_591 = vector.shape_cast %swap3A_590 : vector<1x16xf32> to vector<16xf32>
      %swap3A_592 = vector.shape_cast %convert_element_type3A : vector<16xf32> to vector<1x16xf32>
      tpu.vector_store %arg8[%swap3A_588, %swap3A_589], %swap3A_592 {add = true, strides = array<i32>} : memref<40x1024xf32, #tpu.memory_space<vmem>>, vector<1x16xf32>,
      %swap3A_593 = arith.index_cast %scan3A_356 : i32 to index
      %swap3A_594 = arith.constant 736 : index
      %swap3A_595 = tpu.vector_load %arg8[%swap3A_593, %swap3A_594] {strides = array<i32>} : memref<40x1024xf32, #tpu.memory_space<vmem>>, vector<1x16xf32>,
      %swap3A_596 = vector.shape_cast %swap3A_595 : vector<1x16xf32> to vector<16xf32>
      %swap3A_597 = vector.shape_cast %convert_element_type3A : vector<16xf32> to vector<1x16xf32>
      tpu.vector_store %arg8[%swap3A_593, %swap3A_594], %swap3A_597 {add = true, strides = array<i32>} : memref<40x1024xf32, #tpu.memory_space<vmem>>, vector<1x16xf32>,
      %swap3A_598 = arith.index_cast %scan3A_356 : i32 to index
      %swap3A_599 = arith.constant 752 : index
      %swap3A_600 = tpu.vector_load %arg8[%swap3A_598, %swap3A_599] {strides = array<i32>} : memref<40x1024xf32, #tpu.memory_space<vmem>>, vector<1x16xf32>,
      %swap3A_601 = vector.shape_cast %swap3A_600 : vector<1x16xf32> to vector<16xf32>
      %swap3A_602 = vector.shape_cast %convert_element_type3A : vector<16xf32> to vector<1x16xf32>
      tpu.vector_store %arg8[%swap3A_598, %swap3A_599], %swap3A_602 {add = true, strides = array<i32>} : memref<40x1024xf32, #tpu.memory_space<vmem>>, vector<1x16xf32>,
      %swap3A_603 = arith.index_cast %scan3A_356 : i32 to index
      %swap3A_604 = arith.constant 768 : index
      %swap3A_605 = tpu.vector_load %arg8[%swap3A_603, %swap3A_604] {strides = array<i32>} : memref<40x1024xf32, #tpu.memory_space<vmem>>, vector<1x16xf32>,
      %swap3A_606 = vector.shape_cast %swap3A_605 : vector<1x16xf32> to vector<16xf32>
      %swap3A_607 = vector.shape_cast %convert_element_type3A : vector<16xf32> to vector<1x16xf32>
      tpu.vector_store %arg8[%swap3A_603, %swap3A_604], %swap3A_607 {add = true, strides = array<i32>} : memref<40x1024xf32, #tpu.memory_space<vmem>>, vector<1x16xf32>,
      %swap3A_608 = arith.index_cast %scan3A_356 : i32 to index
      %swap3A_609 = arith.constant 784 : index
      %swap3A_610 = tpu.vector_load %arg8[%swap3A_608, %swap3A_609] {strides = array<i32>} : memref<40x1024xf32, #tpu.memory_space<vmem>>, vector<1x16xf32>,
      %swap3A_611 = vector.shape_cast %swap3A_610 : vector<1x16xf32> to vector<16xf32>
      %swap3A_612 = vector.shape_cast %convert_element_type3A : vector<16xf32> to vector<1x16xf32>
      tpu.vector_store %arg8[%swap3A_608, %swap3A_609], %swap3A_612 {add = true, strides = array<i32>} : memref<40x1024xf32, #tpu.memory_space<vmem>>, vector<1x16xf32>,
      %swap3A_613 = arith.index_cast %scan3A_356 : i32 to index
      %swap3A_614 = arith.constant 800 : index
      %swap3A_615 = tpu.vector_load %arg8[%swap3A_613, %swap3A_614] {strides = array<i32>} : memref<40x1024xf32, #tpu.memory_space<vmem>>, vector<1x16xf32>,
      %swap3A_616 = vector.shape_cast %swap3A_615 : vector<1x16xf32> to vector<16xf32>
      %swap3A_617 = vector.shape_cast %convert_element_type3A : vector<16xf32> to vector<1x16xf32>
      tpu.vector_store %arg8[%swap3A_613, %swap3A_614], %swap3A_617 {add = true, strides = array<i32>} : memref<40x1024xf32, #tpu.memory_space<vmem>>, vector<1x16xf32>,
      %swap3A_618 = arith.index_cast %scan3A_356 : i32 to index
      %swap3A_619 = arith.constant 816 : index
      %swap3A_620 = tpu.vector_load %arg8[%swap3A_618, %swap3A_619] {strides = array<i32>} : memref<40x1024xf32, #tpu.memory_space<vmem>>, vector<1x16xf32>,
      %swap3A_621 = vector.shape_cast %swap3A_620 : vector<1x16xf32> to vector<16xf32>
      %swap3A_622 = vector.shape_cast %convert_element_type3A : vector<16xf32> to vector<1x16xf32>
      tpu.vector_store %arg8[%swap3A_618, %swap3A_619], %swap3A_622 {add = true, strides = array<i32>} : memref<40x1024xf32, #tpu.memory_space<vmem>>, vector<1x16xf32>,
      %swap3A_623 = arith.index_cast %scan3A_356 : i32 to index
      %swap3A_624 = arith.constant 832 : index
      %swap3A_625 = tpu.vector_load %arg8[%swap3A_623, %swap3A_624] {strides = array<i32>} : memref<40x1024xf32, #tpu.memory_space<vmem>>, vector<1x16xf32>,
      %swap3A_626 = vector.shape_cast %swap3A_625 : vector<1x16xf32> to vector<16xf32>
      %swap3A_627 = vector.shape_cast %convert_element_type3A : vector<16xf32> to vector<1x16xf32>
      tpu.vector_store %arg8[%swap3A_623, %swap3A_624], %swap3A_627 {add = true, strides = array<i32>} : memref<40x1024xf32, #tpu.memory_space<vmem>>, vector<1x16xf32>,
      %swap3A_628 = arith.index_cast %scan3A_356 : i32 to index
      %swap3A_629 = arith.constant 848 : index
      %swap3A_630 = tpu.vector_load %arg8[%swap3A_628, %swap3A_629] {strides = array<i32>} : memref<40x1024xf32, #tpu.memory_space<vmem>>, vector<1x16xf32>,
      %swap3A_631 = vector.shape_cast %swap3A_630 : vector<1x16xf32> to vector<16xf32>
      %swap3A_632 = vector.shape_cast %convert_element_type3A : vector<16xf32> to vector<1x16xf32>
      tpu.vector_store %arg8[%swap3A_628, %swap3A_629], %swap3A_632 {add = true, strides = array<i32>} : memref<40x1024xf32, #tpu.memory_space<vmem>>, vector<1x16xf32>,
      %swap3A_633 = arith.index_cast %scan3A_356 : i32 to index
      %swap3A_634 = arith.constant 864 : index
      %swap3A_635 = tpu.vector_load %arg8[%swap3A_633, %swap3A_634] {strides = array<i32>} : memref<40x1024xf32, #tpu.memory_space<vmem>>, vector<1x16xf32>,
      %swap3A_636 = vector.shape_cast %swap3A_635 : vector<1x16xf32> to vector<16xf32>
      %swap3A_637 = vector.shape_cast %convert_element_type3A : vector<16xf32> to vector<1x16xf32>
      tpu.vector_store %arg8[%swap3A_633, %swap3A_634], %swap3A_637 {add = true, strides = array<i32>} : memref<40x1024xf32, #tpu.memory_space<vmem>>, vector<1x16xf32>,
      %swap3A_638 = arith.index_cast %scan3A_356 : i32 to index
      %swap3A_639 = arith.constant 880 : index
      %swap3A_640 = tpu.vector_load %arg8[%swap3A_638, %swap3A_639] {strides = array<i32>} : memref<40x1024xf32, #tpu.memory_space<vmem>>, vector<1x16xf32>,
      %swap3A_641 = vector.shape_cast %swap3A_640 : vector<1x16xf32> to vector<16xf32>
      %swap3A_642 = vector.shape_cast %convert_element_type3A : vector<16xf32> to vector<1x16xf32>
      tpu.vector_store %arg8[%swap3A_638, %swap3A_639], %swap3A_642 {add = true, strides = array<i32>} : memref<40x1024xf32, #tpu.memory_space<vmem>>, vector<1x16xf32>,
      %swap3A_643 = arith.index_cast %scan3A_356 : i32 to index
      %swap3A_644 = arith.constant 896 : index
      %swap3A_645 = tpu.vector_load %arg8[%swap3A_643, %swap3A_644] {strides = array<i32>} : memref<40x1024xf32, #tpu.memory_space<vmem>>, vector<1x16xf32>,
      %swap3A_646 = vector.shape_cast %swap3A_645 : vector<1x16xf32> to vector<16xf32>
      %swap3A_647 = vector.shape_cast %convert_element_type3A : vector<16xf32> to vector<1x16xf32>
      tpu.vector_store %arg8[%swap3A_643, %swap3A_644], %swap3A_647 {add = true, strides = array<i32>} : memref<40x1024xf32, #tpu.memory_space<vmem>>, vector<1x16xf32>,
      %swap3A_648 = arith.index_cast %scan3A_356 : i32 to index
      %swap3A_649 = arith.constant 912 : index
      %swap3A_650 = tpu.vector_load %arg8[%swap3A_648, %swap3A_649] {strides = array<i32>} : memref<40x1024xf32, #tpu.memory_space<vmem>>, vector<1x16xf32>,
      %swap3A_651 = vector.shape_cast %swap3A_650 : vector<1x16xf32> to vector<16xf32>
      %swap3A_652 = vector.shape_cast %convert_element_type3A : vector<16xf32> to vector<1x16xf32>
      tpu.vector_store %arg8[%swap3A_648, %swap3A_649], %swap3A_652 {add = true, strides = array<i32>} : memref<40x1024xf32, #tpu.memory_space<vmem>>, vector<1x16xf32>,
      %swap3A_653 = arith.index_cast %scan3A_356 : i32 to index
      %swap3A_654 = arith.constant 928 : index
      %swap3A_655 = tpu.vector_load %arg8[%swap3A_653, %swap3A_654] {strides = array<i32>} : memref<40x1024xf32, #tpu.memory_space<vmem>>, vector<1x16xf32>,
      %swap3A_656 = vector.shape_cast %swap3A_655 : vector<1x16xf32> to vector<16xf32>
      %swap3A_657 = vector.shape_cast %convert_element_type3A : vector<16xf32> to vector<1x16xf32>
      tpu.vector_store %arg8[%swap3A_653, %swap3A_654], %swap3A_657 {add = true, strides = array<i32>} : memref<40x1024xf32, #tpu.memory_space<vmem>>, vector<1x16xf32>,
      %swap3A_658 = arith.index_cast %scan3A_356 : i32 to index
      %swap3A_659 = arith.constant 944 : index
      %swap3A_660 = tpu.vector_load %arg8[%swap3A_658, %swap3A_659] {strides = array<i32>} : memref<40x1024xf32, #tpu.memory_space<vmem>>, vector<1x16xf32>,
      %swap3A_661 = vector.shape_cast %swap3A_660 : vector<1x16xf32> to vector<16xf32>
      %swap3A_662 = vector.shape_cast %convert_element_type3A : vector<16xf32> to vector<1x16xf32>
      tpu.vector_store %arg8[%swap3A_658, %swap3A_659], %swap3A_662 {add = true, strides = array<i32>} : memref<40x1024xf32, #tpu.memory_space<vmem>>, vector<1x16xf32>,
      %swap3A_663 = arith.index_cast %scan3A_356 : i32 to index
      %swap3A_664 = arith.constant 960 : index
      %swap3A_665 = tpu.vector_load %arg8[%swap3A_663, %swap3A_664] {strides = array<i32>} : memref<40x1024xf32, #tpu.memory_space<vmem>>, vector<1x16xf32>,
      %swap3A_666 = vector.shape_cast %swap3A_665 : vector<1x16xf32> to vector<16xf32>
      %swap3A_667 = vector.shape_cast %convert_element_type3A : vector<16xf32> to vector<1x16xf32>
      tpu.vector_store %arg8[%swap3A_663, %swap3A_664], %swap3A_667 {add = true, strides = array<i32>} : memref<40x1024xf32, #tpu.memory_space<vmem>>, vector<1x16xf32>,
      %swap3A_668 = arith.index_cast %scan3A_356 : i32 to index
      %swap3A_669 = arith.constant 976 : index
      %swap3A_670 = tpu.vector_load %arg8[%swap3A_668, %swap3A_669] {strides = array<i32>} : memref<40x1024xf32, #tpu.memory_space<vmem>>, vector<1x16xf32>,
      %swap3A_671 = vector.shape_cast %swap3A_670 : vector<1x16xf32> to vector<16xf32>
      %swap3A_672 = vector.shape_cast %convert_element_type3A : vector<16xf32> to vector<1x16xf32>
      tpu.vector_store %arg8[%swap3A_668, %swap3A_669], %swap3A_672 {add = true, strides = array<i32>} : memref<40x1024xf32, #tpu.memory_space<vmem>>, vector<1x16xf32>,
      %swap3A_673 = arith.index_cast %scan3A_356 : i32 to index
      %swap3A_674 = arith.constant 992 : index
      %swap3A_675 = tpu.vector_load %arg8[%swap3A_673, %swap3A_674] {strides = array<i32>} : memref<40x1024xf32, #tpu.memory_space<vmem>>, vector<1x16xf32>,
      %swap3A_676 = vector.shape_cast %swap3A_675 : vector<1x16xf32> to vector<16xf32>
      %swap3A_677 = vector.shape_cast %convert_element_type3A : vector<16xf32> to vector<1x16xf32>
      tpu.vector_store %arg8[%swap3A_673, %swap3A_674], %swap3A_677 {add = true, strides = array<i32>} : memref<40x1024xf32, #tpu.memory_space<vmem>>, vector<1x16xf32>,
      %swap3A_678 = arith.index_cast %scan3A_356 : i32 to index
      %swap3A_679 = arith.constant 1008 : index
      %swap3A_680 = tpu.vector_load %arg8[%swap3A_678, %swap3A_679] {strides = array<i32>} : memref<40x1024xf32, #tpu.memory_space<vmem>>, vector<1x16xf32>,
      %swap3A_681 = vector.shape_cast %swap3A_680 : vector<1x16xf32> to vector<16xf32>
      %swap3A_682 = vector.shape_cast %convert_element_type3A : vector<16xf32> to vector<1x16xf32>
      tpu.vector_store %arg8[%swap3A_678, %swap3A_679], %swap3A_682 {add = true, strides = array<i32>} : memref<40x1024xf32, #tpu.memory_space<vmem>>, vector<1x16xf32>,
    }
    %scan3A_63 = arith.constant 16 : i32
    %add3A_64 = arith.constant 0 : i32
    %add3A_65 = arith.addi %mul3A_20, %add3A_64 : i32
    %dma_start3A_66 = arith.constant 0 : i32
    %dma_start3A_67 = arith.constant 0 : i32
    %dma_start3A_68 = tpu.memref_slice %arg8[%dma_start3A_66, %dma_start3A_67] : memref<40x1024xf32, #tpu.memory_space<vmem>> -> memref<16x1024xf32, #tpu.memory_space<vmem>>
    %dma_start3A_69 = arith.constant 0 : i32
    %dma_start3A_70 = tpu.memref_slice %arg5[%select_n3A, %add3A_65, %dma_start3A_69] : memref<4x2048x1024xf32, #tpu.memory_space<hbm>> -> memref<1x16x1024xf32, #tpu.memory_space<hbm>>
    %dma_start3A_71 = tpu.memref_squeeze %dma_start3A_70 : memref<1x16x1024xf32, #tpu.memory_space<hbm>> -> memref<16x1024xf32, #tpu.memory_space<hbm>>
    %dma_start3A_72 = arith.constant 0 : i32
    %dma_start3A_73 = tpu.memref_slice %arg5[%select_n3A, %add3A_65, %dma_start3A_72] : memref<4x2048x1024xf32, #tpu.memory_space<hbm>> -> memref<1x16x1024xf32, #tpu.memory_space<hbm>>
    %dma_start3A_74 = tpu.memref_squeeze %dma_start3A_73 : memref<1x16x1024xf32, #tpu.memory_space<hbm>> -> memref<16x1024xf32, #tpu.memory_space<hbm>>
    %dma_start3A_75 = arith.constant 0 : i32
    %dma_start3A_76 = arith.constant 0 : i32
    %dma_start3A_77 = tpu.memref_slice %arg8[%dma_start3A_75, %dma_start3A_76] : memref<40x1024xf32, #tpu.memory_space<vmem>> -> memref<16x1024xf32, #tpu.memory_space<vmem>>
    tpu.enqueue_dma source(%dma_start3A_77 : memref<16x1024xf32, #tpu.memory_space<vmem>>) target(%dma_start3A_74 : memref<16x1024xf32, #tpu.memory_space<hbm>>) target_semaphore(%arg14 : memref<!tpu.dma_semaphore, #tpu.memory_space<semaphore_mem>>)
    %dma_wait3A_78 = arith.constant 0 : i32
    %dma_wait3A_79 = arith.constant 0 : i32
    %dma_wait3A_80 = tpu.memref_slice %arg8[%dma_wait3A_78, %dma_wait3A_79] : memref<40x1024xf32, #tpu.memory_space<vmem>> -> memref<16x1024xf32, #tpu.memory_space<vmem>>
    %dma_wait3A_81 = arith.constant 0 : i32
    %dma_wait3A_82 = tpu.memref_slice %arg5[%select_n3A, %add3A_65, %dma_wait3A_81] : memref<4x2048x1024xf32, #tpu.memory_space<hbm>> -> memref<1x16x1024xf32, #tpu.memory_space<hbm>>
    %dma_wait3A_83 = tpu.memref_squeeze %dma_wait3A_82 : memref<1x16x1024xf32, #tpu.memory_space<hbm>> -> memref<16x1024xf32, #tpu.memory_space<hbm>>
    %dma_wait3A_84 = arith.constant 0 : i32
    %dma_wait3A_85 = tpu.memref_slice %arg5[%select_n3A, %add3A_65, %dma_wait3A_84] : memref<4x2048x1024xf32, #tpu.memory_space<hbm>> -> memref<1x16x1024xf32, #tpu.memory_space<hbm>>
    %dma_wait3A_86 = tpu.memref_squeeze %dma_wait3A_85 : memref<1x16x1024xf32, #tpu.memory_space<hbm>> -> memref<16x1024xf32, #tpu.memory_space<hbm>>
    %dma_wait3A_87 = arith.constant 0 : i32
    %dma_wait3A_88 = arith.constant 0 : i32
    %dma_wait3A_89 = tpu.memref_slice %arg8[%dma_wait3A_87, %dma_wait3A_88] : memref<40x1024xf32, #tpu.memory_space<vmem>> -> memref<16x1024xf32, #tpu.memory_space<vmem>>
    tpu.wait_dma2 semaphore(%arg14 : memref<!tpu.dma_semaphore, #tpu.memory_space<semaphore_mem>>) src(%dma_wait3A_89 : memref<16x1024xf32, #tpu.memory_space<vmem>>) dst(%dma_wait3A_86 : memref<16x1024xf32, #tpu.memory_space<hbm>>)
    %dma_start3A_90 = arith.constant 0 : i32
    %dma_start3A_91 = arith.constant 0 : i32
    %dma_start3A_92 = tpu.memref_slice %arg8[%dma_start3A_90, %dma_start3A_91] : memref<40x1024xf32, #tpu.memory_space<vmem>> -> memref<40x1024xf32, #tpu.memory_space<vmem>>
    %dma_start3A_93 = arith.constant 96 : i32
    %dma_start3A_94 = tpu.memref_slice %arg6[%dma_start3A_93] : memref<256xi32, #tpu.memory_space<vmem>> -> memref<40xi32, #tpu.memory_space<vmem>>
    %dma_start3A_95 = arith.constant 0 : i32
    %dma_start3A_96 = arith.constant 0 : i32
    %dma_start3A_97 = tpu.memref_slice %arg4[%dma_start3A_95, %dma_start3A_96] : memref<100000x1024xf32, #tpu.memory_space<hbm>> -> memref<100000x1024xf32, #tpu.memory_space<hbm>>
    tpu.enqueue_indirect_dma source(%dma_start3A_97 : memref<100000x1024xf32, #tpu.memory_space<hbm>>) target(%dma_start3A_92 : memref<40x1024xf32, #tpu.memory_space<vmem>>) offsets(%dma_start3A_94 : memref<40xi32, #tpu.memory_space<vmem>>) semaphore(%arg11 : memref<!tpu.dma_semaphore, #tpu.memory_space<semaphore_mem>>)
    %dma_wait3A_98 = arith.constant 0 : i32
    %dma_wait3A_99 = arith.constant 0 : i32
    %dma_wait3A_100 = tpu.memref_slice %arg9[%dma_wait3A_98, %dma_wait3A_99] : memref<40x1024xf32, #tpu.memory_space<vmem>> -> memref<40x1024xf32, #tpu.memory_space<vmem>>
    %dma_wait3A_101 = arith.constant 16 : i32
    %dma_wait3A_102 = tpu.memref_slice %arg6[%dma_wait3A_101] : memref<256xi32, #tpu.memory_space<vmem>> -> memref<40xi32, #tpu.memory_space<vmem>>
    %dma_wait3A_103 = arith.constant 0 : i32
    %dma_wait3A_104 = arith.constant 0 : i32
    %dma_wait3A_105 = tpu.memref_slice %arg4[%dma_wait3A_103, %dma_wait3A_104] : memref<100000x1024xf32, #tpu.memory_space<hbm>> -> memref<100000x1024xf32, #tpu.memory_space<hbm>>
    tpu.wait_indirect_dma semaphore(%arg12 : memref<!tpu.dma_semaphore, #tpu.memory_space<semaphore_mem>>) src(%dma_wait3A_105 : memref<100000x1024xf32, #tpu.memory_space<hbm>>) dst(%dma_wait3A_100 : memref<40x1024xf32, #tpu.memory_space<vmem>>)
    %scan3A_106 = arith.constant 0 : i32
    %scan3A_107 = arith.constant 40 : i32
    %scan3A_108 = arith.addi %scan3A_106, %scan3A_107 : i32
    %scan3A_109 = arith.constant 1 : i32
    scf.for %scan3A_356 = %scan3A_106 to %scan3A_108 step %scan3A_109  : i32 {
      %add3A_357 = arith.constant 16 : i32
      %add3A_358 = arith.addi %add3A_357, %scan3A_356 : i32
      %mul3A_359 = arith.constant 16 : i32
      %mul3A_360 = arith.muli %add3A_358, %mul3A_359 : i32
      %get3A = arith.index_cast %mul3A_360 : i32 to index
      %get3A_361 = tpu.vector_load %arg7[%get3A] {strides = array<i32>} : memref<4096xf32, #tpu.memory_space<vmem>>, vector<16xf32>,
      %get3A_362 = vector.shape_cast %get3A_361 : vector<16xf32> to vector<16xf32>
      %add3A_363 = arith.addf %get3A_362, %convert_element_type3A : vector<16xf32>
      %swap3A = arith.index_cast %scan3A_356 : i32 to index
      %swap3A_364 = arith.constant 0 : index
      %swap3A_365 = tpu.vector_load %arg9[%swap3A, %swap3A_364] {strides = array<i32>} : memref<40x1024xf32, #tpu.memory_space<vmem>>, vector<1x16xf32>,
      %swap3A_366 = vector.shape_cast %swap3A_365 : vector<1x16xf32> to vector<16xf32>
      %swap3A_367 = vector.shape_cast %add3A_363 : vector<16xf32> to vector<1x16xf32>
      tpu.vector_store %arg9[%swap3A, %swap3A_364], %swap3A_367 {add = true, strides = array<i32>} : memref<40x1024xf32, #tpu.memory_space<vmem>>, vector<1x16xf32>,
      %swap3A_368 = arith.index_cast %scan3A_356 : i32 to index
      %swap3A_369 = arith.constant 16 : index
      %swap3A_370 = tpu.vector_load %arg9[%swap3A_368, %swap3A_369] {strides = array<i32>} : memref<40x1024xf32, #tpu.memory_space<vmem>>, vector<1x16xf32>,
      %swap3A_371 = vector.shape_cast %swap3A_370 : vector<1x16xf32> to vector<16xf32>
      %swap3A_372 = vector.shape_cast %convert_element_type3A : vector<16xf32> to vector<1x16xf32>
      tpu.vector_store %arg9[%swap3A_368, %swap3A_369], %swap3A_372 {add = true, strides = array<i32>} : memref<40x1024xf32, #tpu.memory_space<vmem>>, vector<1x16xf32>,
      %swap3A_373 = arith.index_cast %scan3A_356 : i32 to index
      %swap3A_374 = arith.constant 32 : index
      %swap3A_375 = tpu.vector_load %arg9[%swap3A_373, %swap3A_374] {strides = array<i32>} : memref<40x1024xf32, #tpu.memory_space<vmem>>, vector<1x16xf32>,
      %swap3A_376 = vector.shape_cast %swap3A_375 : vector<1x16xf32> to vector<16xf32>
      %swap3A_377 = vector.shape_cast %convert_element_type3A : vector<16xf32> to vector<1x16xf32>
      tpu.vector_store %arg9[%swap3A_373, %swap3A_374], %swap3A_377 {add = true, strides = array<i32>} : memref<40x1024xf32, #tpu.memory_space<vmem>>, vector<1x16xf32>,
      %swap3A_378 = arith.index_cast %scan3A_356 : i32 to index
      %swap3A_379 = arith.constant 48 : index
      %swap3A_380 = tpu.vector_load %arg9[%swap3A_378, %swap3A_379] {strides = array<i32>} : memref<40x1024xf32, #tpu.memory_space<vmem>>, vector<1x16xf32>,
      %swap3A_381 = vector.shape_cast %swap3A_380 : vector<1x16xf32> to vector<16xf32>
      %swap3A_382 = vector.shape_cast %convert_element_type3A : vector<16xf32> to vector<1x16xf32>
      tpu.vector_store %arg9[%swap3A_378, %swap3A_379], %swap3A_382 {add = true, strides = array<i32>} : memref<40x1024xf32, #tpu.memory_space<vmem>>, vector<1x16xf32>,
      %swap3A_383 = arith.index_cast %scan3A_356 : i32 to index
      %swap3A_384 = arith.constant 64 : index
      %swap3A_385 = tpu.vector_load %arg9[%swap3A_383, %swap3A_384] {strides = array<i32>} : memref<40x1024xf32, #tpu.memory_space<vmem>>, vector<1x16xf32>,
      %swap3A_386 = vector.shape_cast %swap3A_385 : vector<1x16xf32> to vector<16xf32>
      %swap3A_387 = vector.shape_cast %convert_element_type3A : vector<16xf32> to vector<1x16xf32>
      tpu.vector_store %arg9[%swap3A_383, %swap3A_384], %swap3A_387 {add = true, strides = array<i32>} : memref<40x1024xf32, #tpu.memory_space<vmem>>, vector<1x16xf32>,
      %swap3A_388 = arith.index_cast %scan3A_356 : i32 to index
      %swap3A_389 = arith.constant 80 : index
      %swap3A_390 = tpu.vector_load %arg9[%swap3A_388, %swap3A_389] {strides = array<i32>} : memref<40x1024xf32, #tpu.memory_space<vmem>>, vector<1x16xf32>,
      %swap3A_391 = vector.shape_cast %swap3A_390 : vector<1x16xf32> to vector<16xf32>
      %swap3A_392 = vector.shape_cast %convert_element_type3A : vector<16xf32> to vector<1x16xf32>
      tpu.vector_store %arg9[%swap3A_388, %swap3A_389], %swap3A_392 {add = true, strides = array<i32>} : memref<40x1024xf32, #tpu.memory_space<vmem>>, vector<1x16xf32>,
      %swap3A_393 = arith.index_cast %scan3A_356 : i32 to index
      %swap3A_394 = arith.constant 96 : index
      %swap3A_395 = tpu.vector_load %arg9[%swap3A_393, %swap3A_394] {strides = array<i32>} : memref<40x1024xf32, #tpu.memory_space<vmem>>, vector<1x16xf32>,
      %swap3A_396 = vector.shape_cast %swap3A_395 : vector<1x16xf32> to vector<16xf32>
      %swap3A_397 = vector.shape_cast %convert_element_type3A : vector<16xf32> to vector<1x16xf32>
      tpu.vector_store %arg9[%swap3A_393, %swap3A_394], %swap3A_397 {add = true, strides = array<i32>} : memref<40x1024xf32, #tpu.memory_space<vmem>>, vector<1x16xf32>,
      %swap3A_398 = arith.index_cast %scan3A_356 : i32 to index
      %swap3A_399 = arith.constant 112 : index
      %swap3A_400 = tpu.vector_load %arg9[%swap3A_398, %swap3A_399] {strides = array<i32>} : memref<40x1024xf32, #tpu.memory_space<vmem>>, vector<1x16xf32>,
      %swap3A_401 = vector.shape_cast %swap3A_400 : vector<1x16xf32> to vector<16xf32>
      %swap3A_402 = vector.shape_cast %convert_element_type3A : vector<16xf32> to vector<1x16xf32>
      tpu.vector_store %arg9[%swap3A_398, %swap3A_399], %swap3A_402 {add = true, strides = array<i32>} : memref<40x1024xf32, #tpu.memory_space<vmem>>, vector<1x16xf32>,
      %swap3A_403 = arith.index_cast %scan3A_356 : i32 to index
      %swap3A_404 = arith.constant 128 : index
      %swap3A_405 = tpu.vector_load %arg9[%swap3A_403, %swap3A_404] {strides = array<i32>} : memref<40x1024xf32, #tpu.memory_space<vmem>>, vector<1x16xf32>,
      %swap3A_406 = vector.shape_cast %swap3A_405 : vector<1x16xf32> to vector<16xf32>
      %swap3A_407 = vector.shape_cast %convert_element_type3A : vector<16xf32> to vector<1x16xf32>
      tpu.vector_store %arg9[%swap3A_403, %swap3A_404], %swap3A_407 {add = true, strides = array<i32>} : memref<40x1024xf32, #tpu.memory_space<vmem>>, vector<1x16xf32>,
      %swap3A_408 = arith.index_cast %scan3A_356 : i32 to index
      %swap3A_409 = arith.constant 144 : index
      %swap3A_410 = tpu.vector_load %arg9[%swap3A_408, %swap3A_409] {strides = array<i32>} : memref<40x1024xf32, #tpu.memory_space<vmem>>, vector<1x16xf32>,
      %swap3A_411 = vector.shape_cast %swap3A_410 : vector<1x16xf32> to vector<16xf32>
      %swap3A_412 = vector.shape_cast %convert_element_type3A : vector<16xf32> to vector<1x16xf32>
      tpu.vector_store %arg9[%swap3A_408, %swap3A_409], %swap3A_412 {add = true, strides = array<i32>} : memref<40x1024xf32, #tpu.memory_space<vmem>>, vector<1x16xf32>,
      %swap3A_413 = arith.index_cast %scan3A_356 : i32 to index
      %swap3A_414 = arith.constant 160 : index
      %swap3A_415 = tpu.vector_load %arg9[%swap3A_413, %swap3A_414] {strides = array<i32>} : memref<40x1024xf32, #tpu.memory_space<vmem>>, vector<1x16xf32>,
      %swap3A_416 = vector.shape_cast %swap3A_415 : vector<1x16xf32> to vector<16xf32>
      %swap3A_417 = vector.shape_cast %convert_element_type3A : vector<16xf32> to vector<1x16xf32>
      tpu.vector_store %arg9[%swap3A_413, %swap3A_414], %swap3A_417 {add = true, strides = array<i32>} : memref<40x1024xf32, #tpu.memory_space<vmem>>, vector<1x16xf32>,
      %swap3A_418 = arith.index_cast %scan3A_356 : i32 to index
      %swap3A_419 = arith.constant 176 : index
      %swap3A_420 = tpu.vector_load %arg9[%swap3A_418, %swap3A_419] {strides = array<i32>} : memref<40x1024xf32, #tpu.memory_space<vmem>>, vector<1x16xf32>,
      %swap3A_421 = vector.shape_cast %swap3A_420 : vector<1x16xf32> to vector<16xf32>
      %swap3A_422 = vector.shape_cast %convert_element_type3A : vector<16xf32> to vector<1x16xf32>
      tpu.vector_store %arg9[%swap3A_418, %swap3A_419], %swap3A_422 {add = true, strides = array<i32>} : memref<40x1024xf32, #tpu.memory_space<vmem>>, vector<1x16xf32>,
      %swap3A_423 = arith.index_cast %scan3A_356 : i32 to index
      %swap3A_424 = arith.constant 192 : index
      %swap3A_425 = tpu.vector_load %arg9[%swap3A_423, %swap3A_424] {strides = array<i32>} : memref<40x1024xf32, #tpu.memory_space<vmem>>, vector<1x16xf32>,
      %swap3A_426 = vector.shape_cast %swap3A_425 : vector<1x16xf32> to vector<16xf32>
      %swap3A_427 = vector.shape_cast %convert_element_type3A : vector<16xf32> to vector<1x16xf32>
      tpu.vector_store %arg9[%swap3A_423, %swap3A_424], %swap3A_427 {add = true, strides = array<i32>} : memref<40x1024xf32, #tpu.memory_space<vmem>>, vector<1x16xf32>,
      %swap3A_428 = arith.index_cast %scan3A_356 : i32 to index
      %swap3A_429 = arith.constant 208 : index
      %swap3A_430 = tpu.vector_load %arg9[%swap3A_428, %swap3A_429] {strides = array<i32>} : memref<40x1024xf32, #tpu.memory_space<vmem>>, vector<1x16xf32>,
      %swap3A_431 = vector.shape_cast %swap3A_430 : vector<1x16xf32> to vector<16xf32>
      %swap3A_432 = vector.shape_cast %convert_element_type3A : vector<16xf32> to vector<1x16xf32>
      tpu.vector_store %arg9[%swap3A_428, %swap3A_429], %swap3A_432 {add = true, strides = array<i32>} : memref<40x1024xf32, #tpu.memory_space<vmem>>, vector<1x16xf32>,
      %swap3A_433 = arith.index_cast %scan3A_356 : i32 to index
      %swap3A_434 = arith.constant 224 : index
      %swap3A_435 = tpu.vector_load %arg9[%swap3A_433, %swap3A_434] {strides = array<i32>} : memref<40x1024xf32, #tpu.memory_space<vmem>>, vector<1x16xf32>,
      %swap3A_436 = vector.shape_cast %swap3A_435 : vector<1x16xf32> to vector<16xf32>
      %swap3A_437 = vector.shape_cast %convert_element_type3A : vector<16xf32> to vector<1x16xf32>
      tpu.vector_store %arg9[%swap3A_433, %swap3A_434], %swap3A_437 {add = true, strides = array<i32>} : memref<40x1024xf32, #tpu.memory_space<vmem>>, vector<1x16xf32>,
      %swap3A_438 = arith.index_cast %scan3A_356 : i32 to index
      %swap3A_439 = arith.constant 240 : index
      %swap3A_440 = tpu.vector_load %arg9[%swap3A_438, %swap3A_439] {strides = array<i32>} : memref<40x1024xf32, #tpu.memory_space<vmem>>, vector<1x16xf32>,
      %swap3A_441 = vector.shape_cast %swap3A_440 : vector<1x16xf32> to vector<16xf32>
      %swap3A_442 = vector.shape_cast %convert_element_type3A : vector<16xf32> to vector<1x16xf32>
      tpu.vector_store %arg9[%swap3A_438, %swap3A_439], %swap3A_442 {add = true, strides = array<i32>} : memref<40x1024xf32, #tpu.memory_space<vmem>>, vector<1x16xf32>,
      %swap3A_443 = arith.index_cast %scan3A_356 : i32 to index
      %swap3A_444 = arith.constant 256 : index
      %swap3A_445 = tpu.vector_load %arg9[%swap3A_443, %swap3A_444] {strides = array<i32>} : memref<40x1024xf32, #tpu.memory_space<vmem>>, vector<1x16xf32>,
      %swap3A_446 = vector.shape_cast %swap3A_445 : vector<1x16xf32> to vector<16xf32>
      %swap3A_447 = vector.shape_cast %convert_element_type3A : vector<16xf32> to vector<1x16xf32>
      tpu.vector_store %arg9[%swap3A_443, %swap3A_444], %swap3A_447 {add = true, strides = array<i32>} : memref<40x1024xf32, #tpu.memory_space<vmem>>, vector<1x16xf32>,
      %swap3A_448 = arith.index_cast %scan3A_356 : i32 to index
      %swap3A_449 = arith.constant 272 : index
      %swap3A_450 = tpu.vector_load %arg9[%swap3A_448, %swap3A_449] {strides = array<i32>} : memref<40x1024xf32, #tpu.memory_space<vmem>>, vector<1x16xf32>,
      %swap3A_451 = vector.shape_cast %swap3A_450 : vector<1x16xf32> to vector<16xf32>
      %swap3A_452 = vector.shape_cast %convert_element_type3A : vector<16xf32> to vector<1x16xf32>
      tpu.vector_store %arg9[%swap3A_448, %swap3A_449], %swap3A_452 {add = true, strides = array<i32>} : memref<40x1024xf32, #tpu.memory_space<vmem>>, vector<1x16xf32>,
      %swap3A_453 = arith.index_cast %scan3A_356 : i32 to index
      %swap3A_454 = arith.constant 288 : index
      %swap3A_455 = tpu.vector_load %arg9[%swap3A_453, %swap3A_454] {strides = array<i32>} : memref<40x1024xf32, #tpu.memory_space<vmem>>, vector<1x16xf32>,
      %swap3A_456 = vector.shape_cast %swap3A_455 : vector<1x16xf32> to vector<16xf32>
      %swap3A_457 = vector.shape_cast %convert_element_type3A : vector<16xf32> to vector<1x16xf32>
      tpu.vector_store %arg9[%swap3A_453, %swap3A_454], %swap3A_457 {add = true, strides = array<i32>} : memref<40x1024xf32, #tpu.memory_space<vmem>>, vector<1x16xf32>,
      %swap3A_458 = arith.index_cast %scan3A_356 : i32 to index
      %swap3A_459 = arith.constant 304 : index
      %swap3A_460 = tpu.vector_load %arg9[%swap3A_458, %swap3A_459] {strides = array<i32>} : memref<40x1024xf32, #tpu.memory_space<vmem>>, vector<1x16xf32>,
      %swap3A_461 = vector.shape_cast %swap3A_460 : vector<1x16xf32> to vector<16xf32>
      %swap3A_462 = vector.shape_cast %convert_element_type3A : vector<16xf32> to vector<1x16xf32>
      tpu.vector_store %arg9[%swap3A_458, %swap3A_459], %swap3A_462 {add = true, strides = array<i32>} : memref<40x1024xf32, #tpu.memory_space<vmem>>, vector<1x16xf32>,
      %swap3A_463 = arith.index_cast %scan3A_356 : i32 to index
      %swap3A_464 = arith.constant 320 : index
      %swap3A_465 = tpu.vector_load %arg9[%swap3A_463, %swap3A_464] {strides = array<i32>} : memref<40x1024xf32, #tpu.memory_space<vmem>>, vector<1x16xf32>,
      %swap3A_466 = vector.shape_cast %swap3A_465 : vector<1x16xf32> to vector<16xf32>
      %swap3A_467 = vector.shape_cast %convert_element_type3A : vector<16xf32> to vector<1x16xf32>
      tpu.vector_store %arg9[%swap3A_463, %swap3A_464], %swap3A_467 {add = true, strides = array<i32>} : memref<40x1024xf32, #tpu.memory_space<vmem>>, vector<1x16xf32>,
      %swap3A_468 = arith.index_cast %scan3A_356 : i32 to index
      %swap3A_469 = arith.constant 336 : index
      %swap3A_470 = tpu.vector_load %arg9[%swap3A_468, %swap3A_469] {strides = array<i32>} : memref<40x1024xf32, #tpu.memory_space<vmem>>, vector<1x16xf32>,
      %swap3A_471 = vector.shape_cast %swap3A_470 : vector<1x16xf32> to vector<16xf32>
      %swap3A_472 = vector.shape_cast %convert_element_type3A : vector<16xf32> to vector<1x16xf32>
      tpu.vector_store %arg9[%swap3A_468, %swap3A_469], %swap3A_472 {add = true, strides = array<i32>} : memref<40x1024xf32, #tpu.memory_space<vmem>>, vector<1x16xf32>,
      %swap3A_473 = arith.index_cast %scan3A_356 : i32 to index
      %swap3A_474 = arith.constant 352 : index
      %swap3A_475 = tpu.vector_load %arg9[%swap3A_473, %swap3A_474] {strides = array<i32>} : memref<40x1024xf32, #tpu.memory_space<vmem>>, vector<1x16xf32>,
      %swap3A_476 = vector.shape_cast %swap3A_475 : vector<1x16xf32> to vector<16xf32>
      %swap3A_477 = vector.shape_cast %convert_element_type3A : vector<16xf32> to vector<1x16xf32>
      tpu.vector_store %arg9[%swap3A_473, %swap3A_474], %swap3A_477 {add = true, strides = array<i32>} : memref<40x1024xf32, #tpu.memory_space<vmem>>, vector<1x16xf32>,
      %swap3A_478 = arith.index_cast %scan3A_356 : i32 to index
      %swap3A_479 = arith.constant 368 : index
      %swap3A_480 = tpu.vector_load %arg9[%swap3A_478, %swap3A_479] {strides = array<i32>} : memref<40x1024xf32, #tpu.memory_space<vmem>>, vector<1x16xf32>,
      %swap3A_481 = vector.shape_cast %swap3A_480 : vector<1x16xf32> to vector<16xf32>
      %swap3A_482 = vector.shape_cast %convert_element_type3A : vector<16xf32> to vector<1x16xf32>
      tpu.vector_store %arg9[%swap3A_478, %swap3A_479], %swap3A_482 {add = true, strides = array<i32>} : memref<40x1024xf32, #tpu.memory_space<vmem>>, vector<1x16xf32>,
      %swap3A_483 = arith.index_cast %scan3A_356 : i32 to index
      %swap3A_484 = arith.constant 384 : index
      %swap3A_485 = tpu.vector_load %arg9[%swap3A_483, %swap3A_484] {strides = array<i32>} : memref<40x1024xf32, #tpu.memory_space<vmem>>, vector<1x16xf32>,
      %swap3A_486 = vector.shape_cast %swap3A_485 : vector<1x16xf32> to vector<16xf32>
      %swap3A_487 = vector.shape_cast %convert_element_type3A : vector<16xf32> to vector<1x16xf32>
      tpu.vector_store %arg9[%swap3A_483, %swap3A_484], %swap3A_487 {add = true, strides = array<i32>} : memref<40x1024xf32, #tpu.memory_space<vmem>>, vector<1x16xf32>,
      %swap3A_488 = arith.index_cast %scan3A_356 : i32 to index
      %swap3A_489 = arith.constant 400 : index
      %swap3A_490 = tpu.vector_load %arg9[%swap3A_488, %swap3A_489] {strides = array<i32>} : memref<40x1024xf32, #tpu.memory_space<vmem>>, vector<1x16xf32>,
      %swap3A_491 = vector.shape_cast %swap3A_490 : vector<1x16xf32> to vector<16xf32>
      %swap3A_492 = vector.shape_cast %convert_element_type3A : vector<16xf32> to vector<1x16xf32>
      tpu.vector_store %arg9[%swap3A_488, %swap3A_489], %swap3A_492 {add = true, strides = array<i32>} : memref<40x1024xf32, #tpu.memory_space<vmem>>, vector<1x16xf32>,
      %swap3A_493 = arith.index_cast %scan3A_356 : i32 to index
      %swap3A_494 = arith.constant 416 : index
      %swap3A_495 = tpu.vector_load %arg9[%swap3A_493, %swap3A_494] {strides = array<i32>} : memref<40x1024xf32, #tpu.memory_space<vmem>>, vector<1x16xf32>,
      %swap3A_496 = vector.shape_cast %swap3A_495 : vector<1x16xf32> to vector<16xf32>
      %swap3A_497 = vector.shape_cast %convert_element_type3A : vector<16xf32> to vector<1x16xf32>
      tpu.vector_store %arg9[%swap3A_493, %swap3A_494], %swap3A_497 {add = true, strides = array<i32>} : memref<40x1024xf32, #tpu.memory_space<vmem>>, vector<1x16xf32>,
      %swap3A_498 = arith.index_cast %scan3A_356 : i32 to index
      %swap3A_499 = arith.constant 432 : index
      %swap3A_500 = tpu.vector_load %arg9[%swap3A_498, %swap3A_499] {strides = array<i32>} : memref<40x1024xf32, #tpu.memory_space<vmem>>, vector<1x16xf32>,
      %swap3A_501 = vector.shape_cast %swap3A_500 : vector<1x16xf32> to vector<16xf32>
      %swap3A_502 = vector.shape_cast %convert_element_type3A : vector<16xf32> to vector<1x16xf32>
      tpu.vector_store %arg9[%swap3A_498, %swap3A_499], %swap3A_502 {add = true, strides = array<i32>} : memref<40x1024xf32, #tpu.memory_space<vmem>>, vector<1x16xf32>,
      %swap3A_503 = arith.index_cast %scan3A_356 : i32 to index
      %swap3A_504 = arith.constant 448 : index
      %swap3A_505 = tpu.vector_load %arg9[%swap3A_503, %swap3A_504] {strides = array<i32>} : memref<40x1024xf32, #tpu.memory_space<vmem>>, vector<1x16xf32>,
      %swap3A_506 = vector.shape_cast %swap3A_505 : vector<1x16xf32> to vector<16xf32>
      %swap3A_507 = vector.shape_cast %convert_element_type3A : vector<16xf32> to vector<1x16xf32>
      tpu.vector_store %arg9[%swap3A_503, %swap3A_504], %swap3A_507 {add = true, strides = array<i32>} : memref<40x1024xf32, #tpu.memory_space<vmem>>, vector<1x16xf32>,
      %swap3A_508 = arith.index_cast %scan3A_356 : i32 to index
      %swap3A_509 = arith.constant 464 : index
      %swap3A_510 = tpu.vector_load %arg9[%swap3A_508, %swap3A_509] {strides = array<i32>} : memref<40x1024xf32, #tpu.memory_space<vmem>>, vector<1x16xf32>,
      %swap3A_511 = vector.shape_cast %swap3A_510 : vector<1x16xf32> to vector<16xf32>
      %swap3A_512 = vector.shape_cast %convert_element_type3A : vector<16xf32> to vector<1x16xf32>
      tpu.vector_store %arg9[%swap3A_508, %swap3A_509], %swap3A_512 {add = true, strides = array<i32>} : memref<40x1024xf32, #tpu.memory_space<vmem>>, vector<1x16xf32>,
      %swap3A_513 = arith.index_cast %scan3A_356 : i32 to index
      %swap3A_514 = arith.constant 480 : index
      %swap3A_515 = tpu.vector_load %arg9[%swap3A_513, %swap3A_514] {strides = array<i32>} : memref<40x1024xf32, #tpu.memory_space<vmem>>, vector<1x16xf32>,
      %swap3A_516 = vector.shape_cast %swap3A_515 : vector<1x16xf32> to vector<16xf32>
      %swap3A_517 = vector.shape_cast %convert_element_type3A : vector<16xf32> to vector<1x16xf32>
      tpu.vector_store %arg9[%swap3A_513, %swap3A_514], %swap3A_517 {add = true, strides = array<i32>} : memref<40x1024xf32, #tpu.memory_space<vmem>>, vector<1x16xf32>,
      %swap3A_518 = arith.index_cast %scan3A_356 : i32 to index
      %swap3A_519 = arith.constant 496 : index
      %swap3A_520 = tpu.vector_load %arg9[%swap3A_518, %swap3A_519] {strides = array<i32>} : memref<40x1024xf32, #tpu.memory_space<vmem>>, vector<1x16xf32>,
      %swap3A_521 = vector.shape_cast %swap3A_520 : vector<1x16xf32> to vector<16xf32>
      %swap3A_522 = vector.shape_cast %convert_element_type3A : vector<16xf32> to vector<1x16xf32>
      tpu.vector_store %arg9[%swap3A_518, %swap3A_519], %swap3A_522 {add = true, strides = array<i32>} : memref<40x1024xf32, #tpu.memory_space<vmem>>, vector<1x16xf32>,
      %swap3A_523 = arith.index_cast %scan3A_356 : i32 to index
      %swap3A_524 = arith.constant 512 : index
      %swap3A_525 = tpu.vector_load %arg9[%swap3A_523, %swap3A_524] {strides = array<i32>} : memref<40x1024xf32, #tpu.memory_space<vmem>>, vector<1x16xf32>,
      %swap3A_526 = vector.shape_cast %swap3A_525 : vector<1x16xf32> to vector<16xf32>
      %swap3A_527 = vector.shape_cast %convert_element_type3A : vector<16xf32> to vector<1x16xf32>
      tpu.vector_store %arg9[%swap3A_523, %swap3A_524], %swap3A_527 {add = true, strides = array<i32>} : memref<40x1024xf32, #tpu.memory_space<vmem>>, vector<1x16xf32>,
      %swap3A_528 = arith.index_cast %scan3A_356 : i32 to index
      %swap3A_529 = arith.constant 528 : index
      %swap3A_530 = tpu.vector_load %arg9[%swap3A_528, %swap3A_529] {strides = array<i32>} : memref<40x1024xf32, #tpu.memory_space<vmem>>, vector<1x16xf32>,
      %swap3A_531 = vector.shape_cast %swap3A_530 : vector<1x16xf32> to vector<16xf32>
      %swap3A_532 = vector.shape_cast %convert_element_type3A : vector<16xf32> to vector<1x16xf32>
      tpu.vector_store %arg9[%swap3A_528, %swap3A_529], %swap3A_532 {add = true, strides = array<i32>} : memref<40x1024xf32, #tpu.memory_space<vmem>>, vector<1x16xf32>,
      %swap3A_533 = arith.index_cast %scan3A_356 : i32 to index
      %swap3A_534 = arith.constant 544 : index
      %swap3A_535 = tpu.vector_load %arg9[%swap3A_533, %swap3A_534] {strides = array<i32>} : memref<40x1024xf32, #tpu.memory_space<vmem>>, vector<1x16xf32>,
      %swap3A_536 = vector.shape_cast %swap3A_535 : vector<1x16xf32> to vector<16xf32>
      %swap3A_537 = vector.shape_cast %convert_element_type3A : vector<16xf32> to vector<1x16xf32>
      tpu.vector_store %arg9[%swap3A_533, %swap3A_534], %swap3A_537 {add = true, strides = array<i32>} : memref<40x1024xf32, #tpu.memory_space<vmem>>, vector<1x16xf32>,
      %swap3A_538 = arith.index_cast %scan3A_356 : i32 to index
      %swap3A_539 = arith.constant 560 : index
      %swap3A_540 = tpu.vector_load %arg9[%swap3A_538, %swap3A_539] {strides = array<i32>} : memref<40x1024xf32, #tpu.memory_space<vmem>>, vector<1x16xf32>,
      %swap3A_541 = vector.shape_cast %swap3A_540 : vector<1x16xf32> to vector<16xf32>
      %swap3A_542 = vector.shape_cast %convert_element_type3A : vector<16xf32> to vector<1x16xf32>
      tpu.vector_store %arg9[%swap3A_538, %swap3A_539], %swap3A_542 {add = true, strides = array<i32>} : memref<40x1024xf32, #tpu.memory_space<vmem>>, vector<1x16xf32>,
      %swap3A_543 = arith.index_cast %scan3A_356 : i32 to index
      %swap3A_544 = arith.constant 576 : index
      %swap3A_545 = tpu.vector_load %arg9[%swap3A_543, %swap3A_544] {strides = array<i32>} : memref<40x1024xf32, #tpu.memory_space<vmem>>, vector<1x16xf32>,
      %swap3A_546 = vector.shape_cast %swap3A_545 : vector<1x16xf32> to vector<16xf32>
      %swap3A_547 = vector.shape_cast %convert_element_type3A : vector<16xf32> to vector<1x16xf32>
      tpu.vector_store %arg9[%swap3A_543, %swap3A_544], %swap3A_547 {add = true, strides = array<i32>} : memref<40x1024xf32, #tpu.memory_space<vmem>>, vector<1x16xf32>,
      %swap3A_548 = arith.index_cast %scan3A_356 : i32 to index
      %swap3A_549 = arith.constant 592 : index
      %swap3A_550 = tpu.vector_load %arg9[%swap3A_548, %swap3A_549] {strides = array<i32>} : memref<40x1024xf32, #tpu.memory_space<vmem>>, vector<1x16xf32>,
      %swap3A_551 = vector.shape_cast %swap3A_550 : vector<1x16xf32> to vector<16xf32>
      %swap3A_552 = vector.shape_cast %convert_element_type3A : vector<16xf32> to vector<1x16xf32>
      tpu.vector_store %arg9[%swap3A_548, %swap3A_549], %swap3A_552 {add = true, strides = array<i32>} : memref<40x1024xf32, #tpu.memory_space<vmem>>, vector<1x16xf32>,
      %swap3A_553 = arith.index_cast %scan3A_356 : i32 to index
      %swap3A_554 = arith.constant 608 : index
      %swap3A_555 = tpu.vector_load %arg9[%swap3A_553, %swap3A_554] {strides = array<i32>} : memref<40x1024xf32, #tpu.memory_space<vmem>>, vector<1x16xf32>,
      %swap3A_556 = vector.shape_cast %swap3A_555 : vector<1x16xf32> to vector<16xf32>
      %swap3A_557 = vector.shape_cast %convert_element_type3A : vector<16xf32> to vector<1x16xf32>
      tpu.vector_store %arg9[%swap3A_553, %swap3A_554], %swap3A_557 {add = true, strides = array<i32>} : memref<40x1024xf32, #tpu.memory_space<vmem>>, vector<1x16xf32>,
      %swap3A_558 = arith.index_cast %scan3A_356 : i32 to index
      %swap3A_559 = arith.constant 624 : index
      %swap3A_560 = tpu.vector_load %arg9[%swap3A_558, %swap3A_559] {strides = array<i32>} : memref<40x1024xf32, #tpu.memory_space<vmem>>, vector<1x16xf32>,
      %swap3A_561 = vector.shape_cast %swap3A_560 : vector<1x16xf32> to vector<16xf32>
      %swap3A_562 = vector.shape_cast %convert_element_type3A : vector<16xf32> to vector<1x16xf32>
      tpu.vector_store %arg9[%swap3A_558, %swap3A_559], %swap3A_562 {add = true, strides = array<i32>} : memref<40x1024xf32, #tpu.memory_space<vmem>>, vector<1x16xf32>,
      %swap3A_563 = arith.index_cast %scan3A_356 : i32 to index
      %swap3A_564 = arith.constant 640 : index
      %swap3A_565 = tpu.vector_load %arg9[%swap3A_563, %swap3A_564] {strides = array<i32>} : memref<40x1024xf32, #tpu.memory_space<vmem>>, vector<1x16xf32>,
      %swap3A_566 = vector.shape_cast %swap3A_565 : vector<1x16xf32> to vector<16xf32>
      %swap3A_567 = vector.shape_cast %convert_element_type3A : vector<16xf32> to vector<1x16xf32>
      tpu.vector_store %arg9[%swap3A_563, %swap3A_564], %swap3A_567 {add = true, strides = array<i32>} : memref<40x1024xf32, #tpu.memory_space<vmem>>, vector<1x16xf32>,
      %swap3A_568 = arith.index_cast %scan3A_356 : i32 to index
      %swap3A_569 = arith.constant 656 : index
      %swap3A_570 = tpu.vector_load %arg9[%swap3A_568, %swap3A_569] {strides = array<i32>} : memref<40x1024xf32, #tpu.memory_space<vmem>>, vector<1x16xf32>,
      %swap3A_571 = vector.shape_cast %swap3A_570 : vector<1x16xf32> to vector<16xf32>
      %swap3A_572 = vector.shape_cast %convert_element_type3A : vector<16xf32> to vector<1x16xf32>
      tpu.vector_store %arg9[%swap3A_568, %swap3A_569], %swap3A_572 {add = true, strides = array<i32>} : memref<40x1024xf32, #tpu.memory_space<vmem>>, vector<1x16xf32>,
      %swap3A_573 = arith.index_cast %scan3A_356 : i32 to index
      %swap3A_574 = arith.constant 672 : index
      %swap3A_575 = tpu.vector_load %arg9[%swap3A_573, %swap3A_574] {strides = array<i32>} : memref<40x1024xf32, #tpu.memory_space<vmem>>, vector<1x16xf32>,
      %swap3A_576 = vector.shape_cast %swap3A_575 : vector<1x16xf32> to vector<16xf32>
      %swap3A_577 = vector.shape_cast %convert_element_type3A : vector<16xf32> to vector<1x16xf32>
      tpu.vector_store %arg9[%swap3A_573, %swap3A_574], %swap3A_577 {add = true, strides = array<i32>} : memref<40x1024xf32, #tpu.memory_space<vmem>>, vector<1x16xf32>,
      %swap3A_578 = arith.index_cast %scan3A_356 : i32 to index
      %swap3A_579 = arith.constant 688 : index
      %swap3A_580 = tpu.vector_load %arg9[%swap3A_578, %swap3A_579] {strides = array<i32>} : memref<40x1024xf32, #tpu.memory_space<vmem>>, vector<1x16xf32>,
      %swap3A_581 = vector.shape_cast %swap3A_580 : vector<1x16xf32> to vector<16xf32>
      %swap3A_582 = vector.shape_cast %convert_element_type3A : vector<16xf32> to vector<1x16xf32>
      tpu.vector_store %arg9[%swap3A_578, %swap3A_579], %swap3A_582 {add = true, strides = array<i32>} : memref<40x1024xf32, #tpu.memory_space<vmem>>, vector<1x16xf32>,
      %swap3A_583 = arith.index_cast %scan3A_356 : i32 to index
      %swap3A_584 = arith.constant 704 : index
      %swap3A_585 = tpu.vector_load %arg9[%swap3A_583, %swap3A_584] {strides = array<i32>} : memref<40x1024xf32, #tpu.memory_space<vmem>>, vector<1x16xf32>,
      %swap3A_586 = vector.shape_cast %swap3A_585 : vector<1x16xf32> to vector<16xf32>
      %swap3A_587 = vector.shape_cast %convert_element_type3A : vector<16xf32> to vector<1x16xf32>
      tpu.vector_store %arg9[%swap3A_583, %swap3A_584], %swap3A_587 {add = true, strides = array<i32>} : memref<40x1024xf32, #tpu.memory_space<vmem>>, vector<1x16xf32>,
      %swap3A_588 = arith.index_cast %scan3A_356 : i32 to index
      %swap3A_589 = arith.constant 720 : index
      %swap3A_590 = tpu.vector_load %arg9[%swap3A_588, %swap3A_589] {strides = array<i32>} : memref<40x1024xf32, #tpu.memory_space<vmem>>, vector<1x16xf32>,
      %swap3A_591 = vector.shape_cast %swap3A_590 : vector<1x16xf32> to vector<16xf32>
      %swap3A_592 = vector.shape_cast %convert_element_type3A : vector<16xf32> to vector<1x16xf32>
      tpu.vector_store %arg9[%swap3A_588, %swap3A_589], %swap3A_592 {add = true, strides = array<i32>} : memref<40x1024xf32, #tpu.memory_space<vmem>>, vector<1x16xf32>,
      %swap3A_593 = arith.index_cast %scan3A_356 : i32 to index
      %swap3A_594 = arith.constant 736 : index
      %swap3A_595 = tpu.vector_load %arg9[%swap3A_593, %swap3A_594] {strides = array<i32>} : memref<40x1024xf32, #tpu.memory_space<vmem>>, vector<1x16xf32>,
      %swap3A_596 = vector.shape_cast %swap3A_595 : vector<1x16xf32> to vector<16xf32>
      %swap3A_597 = vector.shape_cast %convert_element_type3A : vector<16xf32> to vector<1x16xf32>
      tpu.vector_store %arg9[%swap3A_593, %swap3A_594], %swap3A_597 {add = true, strides = array<i32>} : memref<40x1024xf32, #tpu.memory_space<vmem>>, vector<1x16xf32>,
      %swap3A_598 = arith.index_cast %scan3A_356 : i32 to index
      %swap3A_599 = arith.constant 752 : index
      %swap3A_600 = tpu.vector_load %arg9[%swap3A_598, %swap3A_599] {strides = array<i32>} : memref<40x1024xf32, #tpu.memory_space<vmem>>, vector<1x16xf32>,
      %swap3A_601 = vector.shape_cast %swap3A_600 : vector<1x16xf32> to vector<16xf32>
      %swap3A_602 = vector.shape_cast %convert_element_type3A : vector<16xf32> to vector<1x16xf32>
      tpu.vector_store %arg9[%swap3A_598, %swap3A_599], %swap3A_602 {add = true, strides = array<i32>} : memref<40x1024xf32, #tpu.memory_space<vmem>>, vector<1x16xf32>,
      %swap3A_603 = arith.index_cast %scan3A_356 : i32 to index
      %swap3A_604 = arith.constant 768 : index
      %swap3A_605 = tpu.vector_load %arg9[%swap3A_603, %swap3A_604] {strides = array<i32>} : memref<40x1024xf32, #tpu.memory_space<vmem>>, vector<1x16xf32>,
      %swap3A_606 = vector.shape_cast %swap3A_605 : vector<1x16xf32> to vector<16xf32>
      %swap3A_607 = vector.shape_cast %convert_element_type3A : vector<16xf32> to vector<1x16xf32>
      tpu.vector_store %arg9[%swap3A_603, %swap3A_604], %swap3A_607 {add = true, strides = array<i32>} : memref<40x1024xf32, #tpu.memory_space<vmem>>, vector<1x16xf32>,
      %swap3A_608 = arith.index_cast %scan3A_356 : i32 to index
      %swap3A_609 = arith.constant 784 : index
      %swap3A_610 = tpu.vector_load %arg9[%swap3A_608, %swap3A_609] {strides = array<i32>} : memref<40x1024xf32, #tpu.memory_space<vmem>>, vector<1x16xf32>,
      %swap3A_611 = vector.shape_cast %swap3A_610 : vector<1x16xf32> to vector<16xf32>
      %swap3A_612 = vector.shape_cast %convert_element_type3A : vector<16xf32> to vector<1x16xf32>
      tpu.vector_store %arg9[%swap3A_608, %swap3A_609], %swap3A_612 {add = true, strides = array<i32>} : memref<40x1024xf32, #tpu.memory_space<vmem>>, vector<1x16xf32>,
      %swap3A_613 = arith.index_cast %scan3A_356 : i32 to index
      %swap3A_614 = arith.constant 800 : index
      %swap3A_615 = tpu.vector_load %arg9[%swap3A_613, %swap3A_614] {strides = array<i32>} : memref<40x1024xf32, #tpu.memory_space<vmem>>, vector<1x16xf32>,
      %swap3A_616 = vector.shape_cast %swap3A_615 : vector<1x16xf32> to vector<16xf32>
      %swap3A_617 = vector.shape_cast %convert_element_type3A : vector<16xf32> to vector<1x16xf32>
      tpu.vector_store %arg9[%swap3A_613, %swap3A_614], %swap3A_617 {add = true, strides = array<i32>} : memref<40x1024xf32, #tpu.memory_space<vmem>>, vector<1x16xf32>,
      %swap3A_618 = arith.index_cast %scan3A_356 : i32 to index
      %swap3A_619 = arith.constant 816 : index
      %swap3A_620 = tpu.vector_load %arg9[%swap3A_618, %swap3A_619] {strides = array<i32>} : memref<40x1024xf32, #tpu.memory_space<vmem>>, vector<1x16xf32>,
      %swap3A_621 = vector.shape_cast %swap3A_620 : vector<1x16xf32> to vector<16xf32>
      %swap3A_622 = vector.shape_cast %convert_element_type3A : vector<16xf32> to vector<1x16xf32>
      tpu.vector_store %arg9[%swap3A_618, %swap3A_619], %swap3A_622 {add = true, strides = array<i32>} : memref<40x1024xf32, #tpu.memory_space<vmem>>, vector<1x16xf32>,
      %swap3A_623 = arith.index_cast %scan3A_356 : i32 to index
      %swap3A_624 = arith.constant 832 : index
      %swap3A_625 = tpu.vector_load %arg9[%swap3A_623, %swap3A_624] {strides = array<i32>} : memref<40x1024xf32, #tpu.memory_space<vmem>>, vector<1x16xf32>,
      %swap3A_626 = vector.shape_cast %swap3A_625 : vector<1x16xf32> to vector<16xf32>
      %swap3A_627 = vector.shape_cast %convert_element_type3A : vector<16xf32> to vector<1x16xf32>
      tpu.vector_store %arg9[%swap3A_623, %swap3A_624], %swap3A_627 {add = true, strides = array<i32>} : memref<40x1024xf32, #tpu.memory_space<vmem>>, vector<1x16xf32>,
      %swap3A_628 = arith.index_cast %scan3A_356 : i32 to index
      %swap3A_629 = arith.constant 848 : index
      %swap3A_630 = tpu.vector_load %arg9[%swap3A_628, %swap3A_629] {strides = array<i32>} : memref<40x1024xf32, #tpu.memory_space<vmem>>, vector<1x16xf32>,
      %swap3A_631 = vector.shape_cast %swap3A_630 : vector<1x16xf32> to vector<16xf32>
      %swap3A_632 = vector.shape_cast %convert_element_type3A : vector<16xf32> to vector<1x16xf32>
      tpu.vector_store %arg9[%swap3A_628, %swap3A_629], %swap3A_632 {add = true, strides = array<i32>} : memref<40x1024xf32, #tpu.memory_space<vmem>>, vector<1x16xf32>,
      %swap3A_633 = arith.index_cast %scan3A_356 : i32 to index
      %swap3A_634 = arith.constant 864 : index
      %swap3A_635 = tpu.vector_load %arg9[%swap3A_633, %swap3A_634] {strides = array<i32>} : memref<40x1024xf32, #tpu.memory_space<vmem>>, vector<1x16xf32>,
      %swap3A_636 = vector.shape_cast %swap3A_635 : vector<1x16xf32> to vector<16xf32>
      %swap3A_637 = vector.shape_cast %convert_element_type3A : vector<16xf32> to vector<1x16xf32>
      tpu.vector_store %arg9[%swap3A_633, %swap3A_634], %swap3A_637 {add = true, strides = array<i32>} : memref<40x1024xf32, #tpu.memory_space<vmem>>, vector<1x16xf32>,
      %swap3A_638 = arith.index_cast %scan3A_356 : i32 to index
      %swap3A_639 = arith.constant 880 : index
      %swap3A_640 = tpu.vector_load %arg9[%swap3A_638, %swap3A_639] {strides = array<i32>} : memref<40x1024xf32, #tpu.memory_space<vmem>>, vector<1x16xf32>,
      %swap3A_641 = vector.shape_cast %swap3A_640 : vector<1x16xf32> to vector<16xf32>
      %swap3A_642 = vector.shape_cast %convert_element_type3A : vector<16xf32> to vector<1x16xf32>
      tpu.vector_store %arg9[%swap3A_638, %swap3A_639], %swap3A_642 {add = true, strides = array<i32>} : memref<40x1024xf32, #tpu.memory_space<vmem>>, vector<1x16xf32>,
      %swap3A_643 = arith.index_cast %scan3A_356 : i32 to index
      %swap3A_644 = arith.constant 896 : index
      %swap3A_645 = tpu.vector_load %arg9[%swap3A_643, %swap3A_644] {strides = array<i32>} : memref<40x1024xf32, #tpu.memory_space<vmem>>, vector<1x16xf32>,
      %swap3A_646 = vector.shape_cast %swap3A_645 : vector<1x16xf32> to vector<16xf32>
      %swap3A_647 = vector.shape_cast %convert_element_type3A : vector<16xf32> to vector<1x16xf32>
      tpu.vector_store %arg9[%swap3A_643, %swap3A_644], %swap3A_647 {add = true, strides = array<i32>} : memref<40x1024xf32, #tpu.memory_space<vmem>>, vector<1x16xf32>,
      %swap3A_648 = arith.index_cast %scan3A_356 : i32 to index
      %swap3A_649 = arith.constant 912 : index
      %swap3A_650 = tpu.vector_load %arg9[%swap3A_648, %swap3A_649] {strides = array<i32>} : memref<40x1024xf32, #tpu.memory_space<vmem>>, vector<1x16xf32>,
      %swap3A_651 = vector.shape_cast %swap3A_650 : vector<1x16xf32> to vector<16xf32>
      %swap3A_652 = vector.shape_cast %convert_element_type3A : vector<16xf32> to vector<1x16xf32>
      tpu.vector_store %arg9[%swap3A_648, %swap3A_649], %swap3A_652 {add = true, strides = array<i32>} : memref<40x1024xf32, #tpu.memory_space<vmem>>, vector<1x16xf32>,
      %swap3A_653 = arith.index_cast %scan3A_356 : i32 to index
      %swap3A_654 = arith.constant 928 : index
      %swap3A_655 = tpu.vector_load %arg9[%swap3A_653, %swap3A_654] {strides = array<i32>} : memref<40x1024xf32, #tpu.memory_space<vmem>>, vector<1x16xf32>,
      %swap3A_656 = vector.shape_cast %swap3A_655 : vector<1x16xf32> to vector<16xf32>
      %swap3A_657 = vector.shape_cast %convert_element_type3A : vector<16xf32> to vector<1x16xf32>
      tpu.vector_store %arg9[%swap3A_653, %swap3A_654], %swap3A_657 {add = true, strides = array<i32>} : memref<40x1024xf32, #tpu.memory_space<vmem>>, vector<1x16xf32>,
      %swap3A_658 = arith.index_cast %scan3A_356 : i32 to index
      %swap3A_659 = arith.constant 944 : index
      %swap3A_660 = tpu.vector_load %arg9[%swap3A_658, %swap3A_659] {strides = array<i32>} : memref<40x1024xf32, #tpu.memory_space<vmem>>, vector<1x16xf32>,
      %swap3A_661 = vector.shape_cast %swap3A_660 : vector<1x16xf32> to vector<16xf32>
      %swap3A_662 = vector.shape_cast %convert_element_type3A : vector<16xf32> to vector<1x16xf32>
      tpu.vector_store %arg9[%swap3A_658, %swap3A_659], %swap3A_662 {add = true, strides = array<i32>} : memref<40x1024xf32, #tpu.memory_space<vmem>>, vector<1x16xf32>,
      %swap3A_663 = arith.index_cast %scan3A_356 : i32 to index
      %swap3A_664 = arith.constant 960 : index
      %swap3A_665 = tpu.vector_load %arg9[%swap3A_663, %swap3A_664] {strides = array<i32>} : memref<40x1024xf32, #tpu.memory_space<vmem>>, vector<1x16xf32>,
      %swap3A_666 = vector.shape_cast %swap3A_665 : vector<1x16xf32> to vector<16xf32>
      %swap3A_667 = vector.shape_cast %convert_element_type3A : vector<16xf32> to vector<1x16xf32>
      tpu.vector_store %arg9[%swap3A_663, %swap3A_664], %swap3A_667 {add = true, strides = array<i32>} : memref<40x1024xf32, #tpu.memory_space<vmem>>, vector<1x16xf32>,
      %swap3A_668 = arith.index_cast %scan3A_356 : i32 to index
      %swap3A_669 = arith.constant 976 : index
      %swap3A_670 = tpu.vector_load %arg9[%swap3A_668, %swap3A_669] {strides = array<i32>} : memref<40x1024xf32, #tpu.memory_space<vmem>>, vector<1x16xf32>,
      %swap3A_671 = vector.shape_cast %swap3A_670 : vector<1x16xf32> to vector<16xf32>
      %swap3A_672 = vector.shape_cast %convert_element_type3A : vector<16xf32> to vector<1x16xf32>
      tpu.vector_store %arg9[%swap3A_668, %swap3A_669], %swap3A_672 {add = true, strides = array<i32>} : memref<40x1024xf32, #tpu.memory_space<vmem>>, vector<1x16xf32>,
      %swap3A_673 = arith.index_cast %scan3A_356 : i32 to index
      %swap3A_674 = arith.constant 992 : index
      %swap3A_675 = tpu.vector_load %arg9[%swap3A_673, %swap3A_674] {strides = array<i32>} : memref<40x1024xf32, #tpu.memory_space<vmem>>, vector<1x16xf32>,
      %swap3A_676 = vector.shape_cast %swap3A_675 : vector<1x16xf32> to vector<16xf32>
      %swap3A_677 = vector.shape_cast %convert_element_type3A : vector<16xf32> to vector<1x16xf32>
      tpu.vector_store %arg9[%swap3A_673, %swap3A_674], %swap3A_677 {add = true, strides = array<i32>} : memref<40x1024xf32, #tpu.memory_space<vmem>>, vector<1x16xf32>,
      %swap3A_678 = arith.index_cast %scan3A_356 : i32 to index
      %swap3A_679 = arith.constant 1008 : index
      %swap3A_680 = tpu.vector_load %arg9[%swap3A_678, %swap3A_679] {strides = array<i32>} : memref<40x1024xf32, #tpu.memory_space<vmem>>, vector<1x16xf32>,
      %swap3A_681 = vector.shape_cast %swap3A_680 : vector<1x16xf32> to vector<16xf32>
      %swap3A_682 = vector.shape_cast %convert_element_type3A : vector<16xf32> to vector<1x16xf32>
      tpu.vector_store %arg9[%swap3A_678, %swap3A_679], %swap3A_682 {add = true, strides = array<i32>} : memref<40x1024xf32, #tpu.memory_space<vmem>>, vector<1x16xf32>,
    }
    %scan3A_110 = arith.constant 40 : i32
    %add3A_111 = arith.constant 16 : i32
    %add3A_112 = arith.addi %mul3A_20, %add3A_111 : i32
    %dma_start3A_113 = arith.constant 0 : i32
    %dma_start3A_114 = arith.constant 0 : i32
    %dma_start3A_115 = tpu.memref_slice %arg9[%dma_start3A_113, %dma_start3A_114] : memref<40x1024xf32, #tpu.memory_space<vmem>> -> memref<40x1024xf32, #tpu.memory_space<vmem>>
    %dma_start3A_116 = arith.constant 0 : i32
    %dma_start3A_117 = tpu.memref_slice %arg5[%select_n3A, %add3A_112, %dma_start3A_116] : memref<4x2048x1024xf32, #tpu.memory_space<hbm>> -> memref<1x40x1024xf32, #tpu.memory_space<hbm>>
    %dma_start3A_118 = tpu.memref_squeeze %dma_start3A_117 : memref<1x40x1024xf32, #tpu.memory_space<hbm>> -> memref<40x1024xf32, #tpu.memory_space<hbm>>
    %dma_start3A_119 = arith.constant 0 : i32
    %dma_start3A_120 = tpu.memref_slice %arg5[%select_n3A, %add3A_112, %dma_start3A_119] : memref<4x2048x1024xf32, #tpu.memory_space<hbm>> -> memref<1x40x1024xf32, #tpu.memory_space<hbm>>
    %dma_start3A_121 = tpu.memref_squeeze %dma_start3A_120 : memref<1x40x1024xf32, #tpu.memory_space<hbm>> -> memref<40x1024xf32, #tpu.memory_space<hbm>>
    %dma_start3A_122 = arith.constant 0 : i32
    %dma_start3A_123 = arith.constant 0 : i32
    %dma_start3A_124 = tpu.memref_slice %arg9[%dma_start3A_122, %dma_start3A_123] : memref<40x1024xf32, #tpu.memory_space<vmem>> -> memref<40x1024xf32, #tpu.memory_space<vmem>>
    tpu.enqueue_dma source(%dma_start3A_124 : memref<40x1024xf32, #tpu.memory_space<vmem>>) target(%dma_start3A_121 : memref<40x1024xf32, #tpu.memory_space<hbm>>) target_semaphore(%arg15 : memref<!tpu.dma_semaphore, #tpu.memory_space<semaphore_mem>>)
    %dma_wait3A_125 = arith.constant 0 : i32
    %dma_wait3A_126 = arith.constant 0 : i32
    %dma_wait3A_127 = tpu.memref_slice %arg9[%dma_wait3A_125, %dma_wait3A_126] : memref<40x1024xf32, #tpu.memory_space<vmem>> -> memref<40x1024xf32, #tpu.memory_space<vmem>>
    %dma_wait3A_128 = arith.constant 0 : i32
    %dma_wait3A_129 = tpu.memref_slice %arg5[%select_n3A, %add3A_112, %dma_wait3A_128] : memref<4x2048x1024xf32, #tpu.memory_space<hbm>> -> memref<1x40x1024xf32, #tpu.memory_space<hbm>>
    %dma_wait3A_130 = tpu.memref_squeeze %dma_wait3A_129 : memref<1x40x1024xf32, #tpu.memory_space<hbm>> -> memref<40x1024xf32, #tpu.memory_space<hbm>>
    %dma_wait3A_131 = arith.constant 0 : i32
    %dma_wait3A_132 = tpu.memref_slice %arg5[%select_n3A, %add3A_112, %dma_wait3A_131] : memref<4x2048x1024xf32, #tpu.memory_space<hbm>> -> memref<1x40x1024xf32, #tpu.memory_space<hbm>>
    %dma_wait3A_133 = tpu.memref_squeeze %dma_wait3A_132 : memref<1x40x1024xf32, #tpu.memory_space<hbm>> -> memref<40x1024xf32, #tpu.memory_space<hbm>>
    %dma_wait3A_134 = arith.constant 0 : i32
    %dma_wait3A_135 = arith.constant 0 : i32
    %dma_wait3A_136 = tpu.memref_slice %arg9[%dma_wait3A_134, %dma_wait3A_135] : memref<40x1024xf32, #tpu.memory_space<vmem>> -> memref<40x1024xf32, #tpu.memory_space<vmem>>
    tpu.wait_dma2 semaphore(%arg15 : memref<!tpu.dma_semaphore, #tpu.memory_space<semaphore_mem>>) src(%dma_wait3A_136 : memref<40x1024xf32, #tpu.memory_space<vmem>>) dst(%dma_wait3A_133 : memref<40x1024xf32, #tpu.memory_space<hbm>>)
    %dma_start3A_137 = arith.constant 0 : i32
    %dma_start3A_138 = arith.constant 0 : i32
    %dma_start3A_139 = tpu.memref_slice %arg9[%dma_start3A_137, %dma_start3A_138] : memref<40x1024xf32, #tpu.memory_space<vmem>> -> memref<40x1024xf32, #tpu.memory_space<vmem>>
    %dma_start3A_140 = arith.constant 136 : i32
    %dma_start3A_141 = tpu.memref_slice %arg6[%dma_start3A_140] : memref<256xi32, #tpu.memory_space<vmem>> -> memref<40xi32, #tpu.memory_space<vmem>>
    %dma_start3A_142 = arith.constant 0 : i32
    %dma_start3A_143 = arith.constant 0 : i32
    %dma_start3A_144 = tpu.memref_slice %arg4[%dma_start3A_142, %dma_start3A_143] : memref<100000x1024xf32, #tpu.memory_space<hbm>> -> memref<100000x1024xf32, #tpu.memory_space<hbm>>
    tpu.enqueue_indirect_dma source(%dma_start3A_144 : memref<100000x1024xf32, #tpu.memory_space<hbm>>) target(%dma_start3A_139 : memref<40x1024xf32, #tpu.memory_space<vmem>>) offsets(%dma_start3A_141 : memref<40xi32, #tpu.memory_space<vmem>>) semaphore(%arg12 : memref<!tpu.dma_semaphore, #tpu.memory_space<semaphore_mem>>)
    %dma_wait3A_145 = arith.constant 0 : i32
    %dma_wait3A_146 = arith.constant 0 : i32
    %dma_wait3A_147 = tpu.memref_slice %arg10[%dma_wait3A_145, %dma_wait3A_146] : memref<40x1024xf32, #tpu.memory_space<vmem>> -> memref<40x1024xf32, #tpu.memory_space<vmem>>
    %dma_wait3A_148 = arith.constant 56 : i32
    %dma_wait3A_149 = tpu.memref_slice %arg6[%dma_wait3A_148] : memref<256xi32, #tpu.memory_space<vmem>> -> memref<40xi32, #tpu.memory_space<vmem>>
    %dma_wait3A_150 = arith.constant 0 : i32
    %dma_wait3A_151 = arith.constant 0 : i32
    %dma_wait3A_152 = tpu.memref_slice %arg4[%dma_wait3A_150, %dma_wait3A_151] : memref<100000x1024xf32, #tpu.memory_space<hbm>> -> memref<100000x1024xf32, #tpu.memory_space<hbm>>
    tpu.wait_indirect_dma semaphore(%arg13 : memref<!tpu.dma_semaphore, #tpu.memory_space<semaphore_mem>>) src(%dma_wait3A_152 : memref<100000x1024xf32, #tpu.memory_space<hbm>>) dst(%dma_wait3A_147 : memref<40x1024xf32, #tpu.memory_space<vmem>>)
    %scan3A_153 = arith.constant 0 : i32
    %scan3A_154 = arith.constant 40 : i32
    %scan3A_155 = arith.addi %scan3A_153, %scan3A_154 : i32
    %scan3A_156 = arith.constant 1 : i32
    scf.for %scan3A_356 = %scan3A_153 to %scan3A_155 step %scan3A_156  : i32 {
      %add3A_357 = arith.constant 56 : i32
      %add3A_358 = arith.addi %add3A_357, %scan3A_356 : i32
      %mul3A_359 = arith.constant 16 : i32
      %mul3A_360 = arith.muli %add3A_358, %mul3A_359 : i32
      %get3A = arith.index_cast %mul3A_360 : i32 to index
      %get3A_361 = tpu.vector_load %arg7[%get3A] {strides = array<i32>} : memref<4096xf32, #tpu.memory_space<vmem>>, vector<16xf32>,
      %get3A_362 = vector.shape_cast %get3A_361 : vector<16xf32> to vector<16xf32>
      %add3A_363 = arith.addf %get3A_362, %convert_element_type3A : vector<16xf32>
      %swap3A = arith.index_cast %scan3A_356 : i32 to index
      %swap3A_364 = arith.constant 0 : index
      %swap3A_365 = tpu.vector_load %arg10[%swap3A, %swap3A_364] {strides = array<i32>} : memref<40x1024xf32, #tpu.memory_space<vmem>>, vector<1x16xf32>,
      %swap3A_366 = vector.shape_cast %swap3A_365 : vector<1x16xf32> to vector<16xf32>
      %swap3A_367 = vector.shape_cast %add3A_363 : vector<16xf32> to vector<1x16xf32>
      tpu.vector_store %arg10[%swap3A, %swap3A_364], %swap3A_367 {add = true, strides = array<i32>} : memref<40x1024xf32, #tpu.memory_space<vmem>>, vector<1x16xf32>,
      %swap3A_368 = arith.index_cast %scan3A_356 : i32 to index
      %swap3A_369 = arith.constant 16 : index
      %swap3A_370 = tpu.vector_load %arg10[%swap3A_368, %swap3A_369] {strides = array<i32>} : memref<40x1024xf32, #tpu.memory_space<vmem>>, vector<1x16xf32>,
      %swap3A_371 = vector.shape_cast %swap3A_370 : vector<1x16xf32> to vector<16xf32>
      %swap3A_372 = vector.shape_cast %convert_element_type3A : vector<16xf32> to vector<1x16xf32>
      tpu.vector_store %arg10[%swap3A_368, %swap3A_369], %swap3A_372 {add = true, strides = array<i32>} : memref<40x1024xf32, #tpu.memory_space<vmem>>, vector<1x16xf32>,
      %swap3A_373 = arith.index_cast %scan3A_356 : i32 to index
      %swap3A_374 = arith.constant 32 : index
      %swap3A_375 = tpu.vector_load %arg10[%swap3A_373, %swap3A_374] {strides = array<i32>} : memref<40x1024xf32, #tpu.memory_space<vmem>>, vector<1x16xf32>,
      %swap3A_376 = vector.shape_cast %swap3A_375 : vector<1x16xf32> to vector<16xf32>
      %swap3A_377 = vector.shape_cast %convert_element_type3A : vector<16xf32> to vector<1x16xf32>
      tpu.vector_store %arg10[%swap3A_373, %swap3A_374], %swap3A_377 {add = true, strides = array<i32>} : memref<40x1024xf32, #tpu.memory_space<vmem>>, vector<1x16xf32>,
      %swap3A_378 = arith.index_cast %scan3A_356 : i32 to index
      %swap3A_379 = arith.constant 48 : index
      %swap3A_380 = tpu.vector_load %arg10[%swap3A_378, %swap3A_379] {strides = array<i32>} : memref<40x1024xf32, #tpu.memory_space<vmem>>, vector<1x16xf32>,
      %swap3A_381 = vector.shape_cast %swap3A_380 : vector<1x16xf32> to vector<16xf32>
      %swap3A_382 = vector.shape_cast %convert_element_type3A : vector<16xf32> to vector<1x16xf32>
      tpu.vector_store %arg10[%swap3A_378, %swap3A_379], %swap3A_382 {add = true, strides = array<i32>} : memref<40x1024xf32, #tpu.memory_space<vmem>>, vector<1x16xf32>,
      %swap3A_383 = arith.index_cast %scan3A_356 : i32 to index
      %swap3A_384 = arith.constant 64 : index
      %swap3A_385 = tpu.vector_load %arg10[%swap3A_383, %swap3A_384] {strides = array<i32>} : memref<40x1024xf32, #tpu.memory_space<vmem>>, vector<1x16xf32>,
      %swap3A_386 = vector.shape_cast %swap3A_385 : vector<1x16xf32> to vector<16xf32>
      %swap3A_387 = vector.shape_cast %convert_element_type3A : vector<16xf32> to vector<1x16xf32>
      tpu.vector_store %arg10[%swap3A_383, %swap3A_384], %swap3A_387 {add = true, strides = array<i32>} : memref<40x1024xf32, #tpu.memory_space<vmem>>, vector<1x16xf32>,
      %swap3A_388 = arith.index_cast %scan3A_356 : i32 to index
      %swap3A_389 = arith.constant 80 : index
      %swap3A_390 = tpu.vector_load %arg10[%swap3A_388, %swap3A_389] {strides = array<i32>} : memref<40x1024xf32, #tpu.memory_space<vmem>>, vector<1x16xf32>,
      %swap3A_391 = vector.shape_cast %swap3A_390 : vector<1x16xf32> to vector<16xf32>
      %swap3A_392 = vector.shape_cast %convert_element_type3A : vector<16xf32> to vector<1x16xf32>
      tpu.vector_store %arg10[%swap3A_388, %swap3A_389], %swap3A_392 {add = true, strides = array<i32>} : memref<40x1024xf32, #tpu.memory_space<vmem>>, vector<1x16xf32>,
      %swap3A_393 = arith.index_cast %scan3A_356 : i32 to index
      %swap3A_394 = arith.constant 96 : index
      %swap3A_395 = tpu.vector_load %arg10[%swap3A_393, %swap3A_394] {strides = array<i32>} : memref<40x1024xf32, #tpu.memory_space<vmem>>, vector<1x16xf32>,
      %swap3A_396 = vector.shape_cast %swap3A_395 : vector<1x16xf32> to vector<16xf32>
      %swap3A_397 = vector.shape_cast %convert_element_type3A : vector<16xf32> to vector<1x16xf32>
      tpu.vector_store %arg10[%swap3A_393, %swap3A_394], %swap3A_397 {add = true, strides = array<i32>} : memref<40x1024xf32, #tpu.memory_space<vmem>>, vector<1x16xf32>,
      %swap3A_398 = arith.index_cast %scan3A_356 : i32 to index
      %swap3A_399 = arith.constant 112 : index
      %swap3A_400 = tpu.vector_load %arg10[%swap3A_398, %swap3A_399] {strides = array<i32>} : memref<40x1024xf32, #tpu.memory_space<vmem>>, vector<1x16xf32>,
      %swap3A_401 = vector.shape_cast %swap3A_400 : vector<1x16xf32> to vector<16xf32>
      %swap3A_402 = vector.shape_cast %convert_element_type3A : vector<16xf32> to vector<1x16xf32>
      tpu.vector_store %arg10[%swap3A_398, %swap3A_399], %swap3A_402 {add = true, strides = array<i32>} : memref<40x1024xf32, #tpu.memory_space<vmem>>, vector<1x16xf32>,
      %swap3A_403 = arith.index_cast %scan3A_356 : i32 to index
      %swap3A_404 = arith.constant 128 : index
      %swap3A_405 = tpu.vector_load %arg10[%swap3A_403, %swap3A_404] {strides = array<i32>} : memref<40x1024xf32, #tpu.memory_space<vmem>>, vector<1x16xf32>,
      %swap3A_406 = vector.shape_cast %swap3A_405 : vector<1x16xf32> to vector<16xf32>
      %swap3A_407 = vector.shape_cast %convert_element_type3A : vector<16xf32> to vector<1x16xf32>
      tpu.vector_store %arg10[%swap3A_403, %swap3A_404], %swap3A_407 {add = true, strides = array<i32>} : memref<40x1024xf32, #tpu.memory_space<vmem>>, vector<1x16xf32>,
      %swap3A_408 = arith.index_cast %scan3A_356 : i32 to index
      %swap3A_409 = arith.constant 144 : index
      %swap3A_410 = tpu.vector_load %arg10[%swap3A_408, %swap3A_409] {strides = array<i32>} : memref<40x1024xf32, #tpu.memory_space<vmem>>, vector<1x16xf32>,
      %swap3A_411 = vector.shape_cast %swap3A_410 : vector<1x16xf32> to vector<16xf32>
      %swap3A_412 = vector.shape_cast %convert_element_type3A : vector<16xf32> to vector<1x16xf32>
      tpu.vector_store %arg10[%swap3A_408, %swap3A_409], %swap3A_412 {add = true, strides = array<i32>} : memref<40x1024xf32, #tpu.memory_space<vmem>>, vector<1x16xf32>,
      %swap3A_413 = arith.index_cast %scan3A_356 : i32 to index
      %swap3A_414 = arith.constant 160 : index
      %swap3A_415 = tpu.vector_load %arg10[%swap3A_413, %swap3A_414] {strides = array<i32>} : memref<40x1024xf32, #tpu.memory_space<vmem>>, vector<1x16xf32>,
      %swap3A_416 = vector.shape_cast %swap3A_415 : vector<1x16xf32> to vector<16xf32>
      %swap3A_417 = vector.shape_cast %convert_element_type3A : vector<16xf32> to vector<1x16xf32>
      tpu.vector_store %arg10[%swap3A_413, %swap3A_414], %swap3A_417 {add = true, strides = array<i32>} : memref<40x1024xf32, #tpu.memory_space<vmem>>, vector<1x16xf32>,
      %swap3A_418 = arith.index_cast %scan3A_356 : i32 to index
      %swap3A_419 = arith.constant 176 : index
      %swap3A_420 = tpu.vector_load %arg10[%swap3A_418, %swap3A_419] {strides = array<i32>} : memref<40x1024xf32, #tpu.memory_space<vmem>>, vector<1x16xf32>,
      %swap3A_421 = vector.shape_cast %swap3A_420 : vector<1x16xf32> to vector<16xf32>
      %swap3A_422 = vector.shape_cast %convert_element_type3A : vector<16xf32> to vector<1x16xf32>
      tpu.vector_store %arg10[%swap3A_418, %swap3A_419], %swap3A_422 {add = true, strides = array<i32>} : memref<40x1024xf32, #tpu.memory_space<vmem>>, vector<1x16xf32>,
      %swap3A_423 = arith.index_cast %scan3A_356 : i32 to index
      %swap3A_424 = arith.constant 192 : index
      %swap3A_425 = tpu.vector_load %arg10[%swap3A_423, %swap3A_424] {strides = array<i32>} : memref<40x1024xf32, #tpu.memory_space<vmem>>, vector<1x16xf32>,
      %swap3A_426 = vector.shape_cast %swap3A_425 : vector<1x16xf32> to vector<16xf32>
      %swap3A_427 = vector.shape_cast %convert_element_type3A : vector<16xf32> to vector<1x16xf32>
      tpu.vector_store %arg10[%swap3A_423, %swap3A_424], %swap3A_427 {add = true, strides = array<i32>} : memref<40x1024xf32, #tpu.memory_space<vmem>>, vector<1x16xf32>,
      %swap3A_428 = arith.index_cast %scan3A_356 : i32 to index
      %swap3A_429 = arith.constant 208 : index
      %swap3A_430 = tpu.vector_load %arg10[%swap3A_428, %swap3A_429] {strides = array<i32>} : memref<40x1024xf32, #tpu.memory_space<vmem>>, vector<1x16xf32>,
      %swap3A_431 = vector.shape_cast %swap3A_430 : vector<1x16xf32> to vector<16xf32>
      %swap3A_432 = vector.shape_cast %convert_element_type3A : vector<16xf32> to vector<1x16xf32>
      tpu.vector_store %arg10[%swap3A_428, %swap3A_429], %swap3A_432 {add = true, strides = array<i32>} : memref<40x1024xf32, #tpu.memory_space<vmem>>, vector<1x16xf32>,
      %swap3A_433 = arith.index_cast %scan3A_356 : i32 to index
      %swap3A_434 = arith.constant 224 : index
      %swap3A_435 = tpu.vector_load %arg10[%swap3A_433, %swap3A_434] {strides = array<i32>} : memref<40x1024xf32, #tpu.memory_space<vmem>>, vector<1x16xf32>,
      %swap3A_436 = vector.shape_cast %swap3A_435 : vector<1x16xf32> to vector<16xf32>
      %swap3A_437 = vector.shape_cast %convert_element_type3A : vector<16xf32> to vector<1x16xf32>
      tpu.vector_store %arg10[%swap3A_433, %swap3A_434], %swap3A_437 {add = true, strides = array<i32>} : memref<40x1024xf32, #tpu.memory_space<vmem>>, vector<1x16xf32>,
      %swap3A_438 = arith.index_cast %scan3A_356 : i32 to index
      %swap3A_439 = arith.constant 240 : index
      %swap3A_440 = tpu.vector_load %arg10[%swap3A_438, %swap3A_439] {strides = array<i32>} : memref<40x1024xf32, #tpu.memory_space<vmem>>, vector<1x16xf32>,
      %swap3A_441 = vector.shape_cast %swap3A_440 : vector<1x16xf32> to vector<16xf32>
      %swap3A_442 = vector.shape_cast %convert_element_type3A : vector<16xf32> to vector<1x16xf32>
      tpu.vector_store %arg10[%swap3A_438, %swap3A_439], %swap3A_442 {add = true, strides = array<i32>} : memref<40x1024xf32, #tpu.memory_space<vmem>>, vector<1x16xf32>,
      %swap3A_443 = arith.index_cast %scan3A_356 : i32 to index
      %swap3A_444 = arith.constant 256 : index
      %swap3A_445 = tpu.vector_load %arg10[%swap3A_443, %swap3A_444] {strides = array<i32>} : memref<40x1024xf32, #tpu.memory_space<vmem>>, vector<1x16xf32>,
      %swap3A_446 = vector.shape_cast %swap3A_445 : vector<1x16xf32> to vector<16xf32>
      %swap3A_447 = vector.shape_cast %convert_element_type3A : vector<16xf32> to vector<1x16xf32>
      tpu.vector_store %arg10[%swap3A_443, %swap3A_444], %swap3A_447 {add = true, strides = array<i32>} : memref<40x1024xf32, #tpu.memory_space<vmem>>, vector<1x16xf32>,
      %swap3A_448 = arith.index_cast %scan3A_356 : i32 to index
      %swap3A_449 = arith.constant 272 : index
      %swap3A_450 = tpu.vector_load %arg10[%swap3A_448, %swap3A_449] {strides = array<i32>} : memref<40x1024xf32, #tpu.memory_space<vmem>>, vector<1x16xf32>,
      %swap3A_451 = vector.shape_cast %swap3A_450 : vector<1x16xf32> to vector<16xf32>
      %swap3A_452 = vector.shape_cast %convert_element_type3A : vector<16xf32> to vector<1x16xf32>
      tpu.vector_store %arg10[%swap3A_448, %swap3A_449], %swap3A_452 {add = true, strides = array<i32>} : memref<40x1024xf32, #tpu.memory_space<vmem>>, vector<1x16xf32>,
      %swap3A_453 = arith.index_cast %scan3A_356 : i32 to index
      %swap3A_454 = arith.constant 288 : index
      %swap3A_455 = tpu.vector_load %arg10[%swap3A_453, %swap3A_454] {strides = array<i32>} : memref<40x1024xf32, #tpu.memory_space<vmem>>, vector<1x16xf32>,
      %swap3A_456 = vector.shape_cast %swap3A_455 : vector<1x16xf32> to vector<16xf32>
      %swap3A_457 = vector.shape_cast %convert_element_type3A : vector<16xf32> to vector<1x16xf32>
      tpu.vector_store %arg10[%swap3A_453, %swap3A_454], %swap3A_457 {add = true, strides = array<i32>} : memref<40x1024xf32, #tpu.memory_space<vmem>>, vector<1x16xf32>,
      %swap3A_458 = arith.index_cast %scan3A_356 : i32 to index
      %swap3A_459 = arith.constant 304 : index
      %swap3A_460 = tpu.vector_load %arg10[%swap3A_458, %swap3A_459] {strides = array<i32>} : memref<40x1024xf32, #tpu.memory_space<vmem>>, vector<1x16xf32>,
      %swap3A_461 = vector.shape_cast %swap3A_460 : vector<1x16xf32> to vector<16xf32>
      %swap3A_462 = vector.shape_cast %convert_element_type3A : vector<16xf32> to vector<1x16xf32>
      tpu.vector_store %arg10[%swap3A_458, %swap3A_459], %swap3A_462 {add = true, strides = array<i32>} : memref<40x1024xf32, #tpu.memory_space<vmem>>, vector<1x16xf32>,
      %swap3A_463 = arith.index_cast %scan3A_356 : i32 to index
      %swap3A_464 = arith.constant 320 : index
      %swap3A_465 = tpu.vector_load %arg10[%swap3A_463, %swap3A_464] {strides = array<i32>} : memref<40x1024xf32, #tpu.memory_space<vmem>>, vector<1x16xf32>,
      %swap3A_466 = vector.shape_cast %swap3A_465 : vector<1x16xf32> to vector<16xf32>
      %swap3A_467 = vector.shape_cast %convert_element_type3A : vector<16xf32> to vector<1x16xf32>
      tpu.vector_store %arg10[%swap3A_463, %swap3A_464], %swap3A_467 {add = true, strides = array<i32>} : memref<40x1024xf32, #tpu.memory_space<vmem>>, vector<1x16xf32>,
      %swap3A_468 = arith.index_cast %scan3A_356 : i32 to index
      %swap3A_469 = arith.constant 336 : index
      %swap3A_470 = tpu.vector_load %arg10[%swap3A_468, %swap3A_469] {strides = array<i32>} : memref<40x1024xf32, #tpu.memory_space<vmem>>, vector<1x16xf32>,
      %swap3A_471 = vector.shape_cast %swap3A_470 : vector<1x16xf32> to vector<16xf32>
      %swap3A_472 = vector.shape_cast %convert_element_type3A : vector<16xf32> to vector<1x16xf32>
      tpu.vector_store %arg10[%swap3A_468, %swap3A_469], %swap3A_472 {add = true, strides = array<i32>} : memref<40x1024xf32, #tpu.memory_space<vmem>>, vector<1x16xf32>,
      %swap3A_473 = arith.index_cast %scan3A_356 : i32 to index
      %swap3A_474 = arith.constant 352 : index
      %swap3A_475 = tpu.vector_load %arg10[%swap3A_473, %swap3A_474] {strides = array<i32>} : memref<40x1024xf32, #tpu.memory_space<vmem>>, vector<1x16xf32>,
      %swap3A_476 = vector.shape_cast %swap3A_475 : vector<1x16xf32> to vector<16xf32>
      %swap3A_477 = vector.shape_cast %convert_element_type3A : vector<16xf32> to vector<1x16xf32>
      tpu.vector_store %arg10[%swap3A_473, %swap3A_474], %swap3A_477 {add = true, strides = array<i32>} : memref<40x1024xf32, #tpu.memory_space<vmem>>, vector<1x16xf32>,
      %swap3A_478 = arith.index_cast %scan3A_356 : i32 to index
      %swap3A_479 = arith.constant 368 : index
      %swap3A_480 = tpu.vector_load %arg10[%swap3A_478, %swap3A_479] {strides = array<i32>} : memref<40x1024xf32, #tpu.memory_space<vmem>>, vector<1x16xf32>,
      %swap3A_481 = vector.shape_cast %swap3A_480 : vector<1x16xf32> to vector<16xf32>
      %swap3A_482 = vector.shape_cast %convert_element_type3A : vector<16xf32> to vector<1x16xf32>
      tpu.vector_store %arg10[%swap3A_478, %swap3A_479], %swap3A_482 {add = true, strides = array<i32>} : memref<40x1024xf32, #tpu.memory_space<vmem>>, vector<1x16xf32>,
      %swap3A_483 = arith.index_cast %scan3A_356 : i32 to index
      %swap3A_484 = arith.constant 384 : index
      %swap3A_485 = tpu.vector_load %arg10[%swap3A_483, %swap3A_484] {strides = array<i32>} : memref<40x1024xf32, #tpu.memory_space<vmem>>, vector<1x16xf32>,
      %swap3A_486 = vector.shape_cast %swap3A_485 : vector<1x16xf32> to vector<16xf32>
      %swap3A_487 = vector.shape_cast %convert_element_type3A : vector<16xf32> to vector<1x16xf32>
      tpu.vector_store %arg10[%swap3A_483, %swap3A_484], %swap3A_487 {add = true, strides = array<i32>} : memref<40x1024xf32, #tpu.memory_space<vmem>>, vector<1x16xf32>,
      %swap3A_488 = arith.index_cast %scan3A_356 : i32 to index
      %swap3A_489 = arith.constant 400 : index
      %swap3A_490 = tpu.vector_load %arg10[%swap3A_488, %swap3A_489] {strides = array<i32>} : memref<40x1024xf32, #tpu.memory_space<vmem>>, vector<1x16xf32>,
      %swap3A_491 = vector.shape_cast %swap3A_490 : vector<1x16xf32> to vector<16xf32>
      %swap3A_492 = vector.shape_cast %convert_element_type3A : vector<16xf32> to vector<1x16xf32>
      tpu.vector_store %arg10[%swap3A_488, %swap3A_489], %swap3A_492 {add = true, strides = array<i32>} : memref<40x1024xf32, #tpu.memory_space<vmem>>, vector<1x16xf32>,
      %swap3A_493 = arith.index_cast %scan3A_356 : i32 to index
      %swap3A_494 = arith.constant 416 : index
      %swap3A_495 = tpu.vector_load %arg10[%swap3A_493, %swap3A_494] {strides = array<i32>} : memref<40x1024xf32, #tpu.memory_space<vmem>>, vector<1x16xf32>,
      %swap3A_496 = vector.shape_cast %swap3A_495 : vector<1x16xf32> to vector<16xf32>
      %swap3A_497 = vector.shape_cast %convert_element_type3A : vector<16xf32> to vector<1x16xf32>
      tpu.vector_store %arg10[%swap3A_493, %swap3A_494], %swap3A_497 {add = true, strides = array<i32>} : memref<40x1024xf32, #tpu.memory_space<vmem>>, vector<1x16xf32>,
      %swap3A_498 = arith.index_cast %scan3A_356 : i32 to index
      %swap3A_499 = arith.constant 432 : index
      %swap3A_500 = tpu.vector_load %arg10[%swap3A_498, %swap3A_499] {strides = array<i32>} : memref<40x1024xf32, #tpu.memory_space<vmem>>, vector<1x16xf32>,
      %swap3A_501 = vector.shape_cast %swap3A_500 : vector<1x16xf32> to vector<16xf32>
      %swap3A_502 = vector.shape_cast %convert_element_type3A : vector<16xf32> to vector<1x16xf32>
      tpu.vector_store %arg10[%swap3A_498, %swap3A_499], %swap3A_502 {add = true, strides = array<i32>} : memref<40x1024xf32, #tpu.memory_space<vmem>>, vector<1x16xf32>,
      %swap3A_503 = arith.index_cast %scan3A_356 : i32 to index
      %swap3A_504 = arith.constant 448 : index
      %swap3A_505 = tpu.vector_load %arg10[%swap3A_503, %swap3A_504] {strides = array<i32>} : memref<40x1024xf32, #tpu.memory_space<vmem>>, vector<1x16xf32>,
      %swap3A_506 = vector.shape_cast %swap3A_505 : vector<1x16xf32> to vector<16xf32>
      %swap3A_507 = vector.shape_cast %convert_element_type3A : vector<16xf32> to vector<1x16xf32>
      tpu.vector_store %arg10[%swap3A_503, %swap3A_504], %swap3A_507 {add = true, strides = array<i32>} : memref<40x1024xf32, #tpu.memory_space<vmem>>, vector<1x16xf32>,
      %swap3A_508 = arith.index_cast %scan3A_356 : i32 to index
      %swap3A_509 = arith.constant 464 : index
      %swap3A_510 = tpu.vector_load %arg10[%swap3A_508, %swap3A_509] {strides = array<i32>} : memref<40x1024xf32, #tpu.memory_space<vmem>>, vector<1x16xf32>,
      %swap3A_511 = vector.shape_cast %swap3A_510 : vector<1x16xf32> to vector<16xf32>
      %swap3A_512 = vector.shape_cast %convert_element_type3A : vector<16xf32> to vector<1x16xf32>
      tpu.vector_store %arg10[%swap3A_508, %swap3A_509], %swap3A_512 {add = true, strides = array<i32>} : memref<40x1024xf32, #tpu.memory_space<vmem>>, vector<1x16xf32>,
      %swap3A_513 = arith.index_cast %scan3A_356 : i32 to index
      %swap3A_514 = arith.constant 480 : index
      %swap3A_515 = tpu.vector_load %arg10[%swap3A_513, %swap3A_514] {strides = array<i32>} : memref<40x1024xf32, #tpu.memory_space<vmem>>, vector<1x16xf32>,
      %swap3A_516 = vector.shape_cast %swap3A_515 : vector<1x16xf32> to vector<16xf32>
      %swap3A_517 = vector.shape_cast %convert_element_type3A : vector<16xf32> to vector<1x16xf32>
      tpu.vector_store %arg10[%swap3A_513, %swap3A_514], %swap3A_517 {add = true, strides = array<i32>} : memref<40x1024xf32, #tpu.memory_space<vmem>>, vector<1x16xf32>,
      %swap3A_518 = arith.index_cast %scan3A_356 : i32 to index
      %swap3A_519 = arith.constant 496 : index
      %swap3A_520 = tpu.vector_load %arg10[%swap3A_518, %swap3A_519] {strides = array<i32>} : memref<40x1024xf32, #tpu.memory_space<vmem>>, vector<1x16xf32>,
      %swap3A_521 = vector.shape_cast %swap3A_520 : vector<1x16xf32> to vector<16xf32>
      %swap3A_522 = vector.shape_cast %convert_element_type3A : vector<16xf32> to vector<1x16xf32>
      tpu.vector_store %arg10[%swap3A_518, %swap3A_519], %swap3A_522 {add = true, strides = array<i32>} : memref<40x1024xf32, #tpu.memory_space<vmem>>, vector<1x16xf32>,
      %swap3A_523 = arith.index_cast %scan3A_356 : i32 to index
      %swap3A_524 = arith.constant 512 : index
      %swap3A_525 = tpu.vector_load %arg10[%swap3A_523, %swap3A_524] {strides = array<i32>} : memref<40x1024xf32, #tpu.memory_space<vmem>>, vector<1x16xf32>,
      %swap3A_526 = vector.shape_cast %swap3A_525 : vector<1x16xf32> to vector<16xf32>
      %swap3A_527 = vector.shape_cast %convert_element_type3A : vector<16xf32> to vector<1x16xf32>
      tpu.vector_store %arg10[%swap3A_523, %swap3A_524], %swap3A_527 {add = true, strides = array<i32>} : memref<40x1024xf32, #tpu.memory_space<vmem>>, vector<1x16xf32>,
      %swap3A_528 = arith.index_cast %scan3A_356 : i32 to index
      %swap3A_529 = arith.constant 528 : index
      %swap3A_530 = tpu.vector_load %arg10[%swap3A_528, %swap3A_529] {strides = array<i32>} : memref<40x1024xf32, #tpu.memory_space<vmem>>, vector<1x16xf32>,
      %swap3A_531 = vector.shape_cast %swap3A_530 : vector<1x16xf32> to vector<16xf32>
      %swap3A_532 = vector.shape_cast %convert_element_type3A : vector<16xf32> to vector<1x16xf32>
      tpu.vector_store %arg10[%swap3A_528, %swap3A_529], %swap3A_532 {add = true, strides = array<i32>} : memref<40x1024xf32, #tpu.memory_space<vmem>>, vector<1x16xf32>,
      %swap3A_533 = arith.index_cast %scan3A_356 : i32 to index
      %swap3A_534 = arith.constant 544 : index
      %swap3A_535 = tpu.vector_load %arg10[%swap3A_533, %swap3A_534] {strides = array<i32>} : memref<40x1024xf32, #tpu.memory_space<vmem>>, vector<1x16xf32>,
      %swap3A_536 = vector.shape_cast %swap3A_535 : vector<1x16xf32> to vector<16xf32>
      %swap3A_537 = vector.shape_cast %convert_element_type3A : vector<16xf32> to vector<1x16xf32>
      tpu.vector_store %arg10[%swap3A_533, %swap3A_534], %swap3A_537 {add = true, strides = array<i32>} : memref<40x1024xf32, #tpu.memory_space<vmem>>, vector<1x16xf32>,
      %swap3A_538 = arith.index_cast %scan3A_356 : i32 to index
      %swap3A_539 = arith.constant 560 : index
      %swap3A_540 = tpu.vector_load %arg10[%swap3A_538, %swap3A_539] {strides = array<i32>} : memref<40x1024xf32, #tpu.memory_space<vmem>>, vector<1x16xf32>,
      %swap3A_541 = vector.shape_cast %swap3A_540 : vector<1x16xf32> to vector<16xf32>
      %swap3A_542 = vector.shape_cast %convert_element_type3A : vector<16xf32> to vector<1x16xf32>
      tpu.vector_store %arg10[%swap3A_538, %swap3A_539], %swap3A_542 {add = true, strides = array<i32>} : memref<40x1024xf32, #tpu.memory_space<vmem>>, vector<1x16xf32>,
      %swap3A_543 = arith.index_cast %scan3A_356 : i32 to index
      %swap3A_544 = arith.constant 576 : index
      %swap3A_545 = tpu.vector_load %arg10[%swap3A_543, %swap3A_544] {strides = array<i32>} : memref<40x1024xf32, #tpu.memory_space<vmem>>, vector<1x16xf32>,
      %swap3A_546 = vector.shape_cast %swap3A_545 : vector<1x16xf32> to vector<16xf32>
      %swap3A_547 = vector.shape_cast %convert_element_type3A : vector<16xf32> to vector<1x16xf32>
      tpu.vector_store %arg10[%swap3A_543, %swap3A_544], %swap3A_547 {add = true, strides = array<i32>} : memref<40x1024xf32, #tpu.memory_space<vmem>>, vector<1x16xf32>,
      %swap3A_548 = arith.index_cast %scan3A_356 : i32 to index
      %swap3A_549 = arith.constant 592 : index
      %swap3A_550 = tpu.vector_load %arg10[%swap3A_548, %swap3A_549] {strides = array<i32>} : memref<40x1024xf32, #tpu.memory_space<vmem>>, vector<1x16xf32>,
      %swap3A_551 = vector.shape_cast %swap3A_550 : vector<1x16xf32> to vector<16xf32>
      %swap3A_552 = vector.shape_cast %convert_element_type3A : vector<16xf32> to vector<1x16xf32>
      tpu.vector_store %arg10[%swap3A_548, %swap3A_549], %swap3A_552 {add = true, strides = array<i32>} : memref<40x1024xf32, #tpu.memory_space<vmem>>, vector<1x16xf32>,
      %swap3A_553 = arith.index_cast %scan3A_356 : i32 to index
      %swap3A_554 = arith.constant 608 : index
      %swap3A_555 = tpu.vector_load %arg10[%swap3A_553, %swap3A_554] {strides = array<i32>} : memref<40x1024xf32, #tpu.memory_space<vmem>>, vector<1x16xf32>,
      %swap3A_556 = vector.shape_cast %swap3A_555 : vector<1x16xf32> to vector<16xf32>
      %swap3A_557 = vector.shape_cast %convert_element_type3A : vector<16xf32> to vector<1x16xf32>
      tpu.vector_store %arg10[%swap3A_553, %swap3A_554], %swap3A_557 {add = true, strides = array<i32>} : memref<40x1024xf32, #tpu.memory_space<vmem>>, vector<1x16xf32>,
      %swap3A_558 = arith.index_cast %scan3A_356 : i32 to index
      %swap3A_559 = arith.constant 624 : index
      %swap3A_560 = tpu.vector_load %arg10[%swap3A_558, %swap3A_559] {strides = array<i32>} : memref<40x1024xf32, #tpu.memory_space<vmem>>, vector<1x16xf32>,
      %swap3A_561 = vector.shape_cast %swap3A_560 : vector<1x16xf32> to vector<16xf32>
      %swap3A_562 = vector.shape_cast %convert_element_type3A : vector<16xf32> to vector<1x16xf32>
      tpu.vector_store %arg10[%swap3A_558, %swap3A_559], %swap3A_562 {add = true, strides = array<i32>} : memref<40x1024xf32, #tpu.memory_space<vmem>>, vector<1x16xf32>,
      %swap3A_563 = arith.index_cast %scan3A_356 : i32 to index
      %swap3A_564 = arith.constant 640 : index
      %swap3A_565 = tpu.vector_load %arg10[%swap3A_563, %swap3A_564] {strides = array<i32>} : memref<40x1024xf32, #tpu.memory_space<vmem>>, vector<1x16xf32>,
      %swap3A_566 = vector.shape_cast %swap3A_565 : vector<1x16xf32> to vector<16xf32>
      %swap3A_567 = vector.shape_cast %convert_element_type3A : vector<16xf32> to vector<1x16xf32>
      tpu.vector_store %arg10[%swap3A_563, %swap3A_564], %swap3A_567 {add = true, strides = array<i32>} : memref<40x1024xf32, #tpu.memory_space<vmem>>, vector<1x16xf32>,
      %swap3A_568 = arith.index_cast %scan3A_356 : i32 to index
      %swap3A_569 = arith.constant 656 : index
      %swap3A_570 = tpu.vector_load %arg10[%swap3A_568, %swap3A_569] {strides = array<i32>} : memref<40x1024xf32, #tpu.memory_space<vmem>>, vector<1x16xf32>,
      %swap3A_571 = vector.shape_cast %swap3A_570 : vector<1x16xf32> to vector<16xf32>
      %swap3A_572 = vector.shape_cast %convert_element_type3A : vector<16xf32> to vector<1x16xf32>
      tpu.vector_store %arg10[%swap3A_568, %swap3A_569], %swap3A_572 {add = true, strides = array<i32>} : memref<40x1024xf32, #tpu.memory_space<vmem>>, vector<1x16xf32>,
      %swap3A_573 = arith.index_cast %scan3A_356 : i32 to index
      %swap3A_574 = arith.constant 672 : index
      %swap3A_575 = tpu.vector_load %arg10[%swap3A_573, %swap3A_574] {strides = array<i32>} : memref<40x1024xf32, #tpu.memory_space<vmem>>, vector<1x16xf32>,
      %swap3A_576 = vector.shape_cast %swap3A_575 : vector<1x16xf32> to vector<16xf32>
      %swap3A_577 = vector.shape_cast %convert_element_type3A : vector<16xf32> to vector<1x16xf32>
      tpu.vector_store %arg10[%swap3A_573, %swap3A_574], %swap3A_577 {add = true, strides = array<i32>} : memref<40x1024xf32, #tpu.memory_space<vmem>>, vector<1x16xf32>,
      %swap3A_578 = arith.index_cast %scan3A_356 : i32 to index
      %swap3A_579 = arith.constant 688 : index
      %swap3A_580 = tpu.vector_load %arg10[%swap3A_578, %swap3A_579] {strides = array<i32>} : memref<40x1024xf32, #tpu.memory_space<vmem>>, vector<1x16xf32>,
      %swap3A_581 = vector.shape_cast %swap3A_580 : vector<1x16xf32> to vector<16xf32>
      %swap3A_582 = vector.shape_cast %convert_element_type3A : vector<16xf32> to vector<1x16xf32>
      tpu.vector_store %arg10[%swap3A_578, %swap3A_579], %swap3A_582 {add = true, strides = array<i32>} : memref<40x1024xf32, #tpu.memory_space<vmem>>, vector<1x16xf32>,
      %swap3A_583 = arith.index_cast %scan3A_356 : i32 to index
      %swap3A_584 = arith.constant 704 : index
      %swap3A_585 = tpu.vector_load %arg10[%swap3A_583, %swap3A_584] {strides = array<i32>} : memref<40x1024xf32, #tpu.memory_space<vmem>>, vector<1x16xf32>,
      %swap3A_586 = vector.shape_cast %swap3A_585 : vector<1x16xf32> to vector<16xf32>
      %swap3A_587 = vector.shape_cast %convert_element_type3A : vector<16xf32> to vector<1x16xf32>
      tpu.vector_store %arg10[%swap3A_583, %swap3A_584], %swap3A_587 {add = true, strides = array<i32>} : memref<40x1024xf32, #tpu.memory_space<vmem>>, vector<1x16xf32>,
      %swap3A_588 = arith.index_cast %scan3A_356 : i32 to index
      %swap3A_589 = arith.constant 720 : index
      %swap3A_590 = tpu.vector_load %arg10[%swap3A_588, %swap3A_589] {strides = array<i32>} : memref<40x1024xf32, #tpu.memory_space<vmem>>, vector<1x16xf32>,
      %swap3A_591 = vector.shape_cast %swap3A_590 : vector<1x16xf32> to vector<16xf32>
      %swap3A_592 = vector.shape_cast %convert_element_type3A : vector<16xf32> to vector<1x16xf32>
      tpu.vector_store %arg10[%swap3A_588, %swap3A_589], %swap3A_592 {add = true, strides = array<i32>} : memref<40x1024xf32, #tpu.memory_space<vmem>>, vector<1x16xf32>,
      %swap3A_593 = arith.index_cast %scan3A_356 : i32 to index
      %swap3A_594 = arith.constant 736 : index
      %swap3A_595 = tpu.vector_load %arg10[%swap3A_593, %swap3A_594] {strides = array<i32>} : memref<40x1024xf32, #tpu.memory_space<vmem>>, vector<1x16xf32>,
      %swap3A_596 = vector.shape_cast %swap3A_595 : vector<1x16xf32> to vector<16xf32>
      %swap3A_597 = vector.shape_cast %convert_element_type3A : vector<16xf32> to vector<1x16xf32>
      tpu.vector_store %arg10[%swap3A_593, %swap3A_594], %swap3A_597 {add = true, strides = array<i32>} : memref<40x1024xf32, #tpu.memory_space<vmem>>, vector<1x16xf32>,
      %swap3A_598 = arith.index_cast %scan3A_356 : i32 to index
      %swap3A_599 = arith.constant 752 : index
      %swap3A_600 = tpu.vector_load %arg10[%swap3A_598, %swap3A_599] {strides = array<i32>} : memref<40x1024xf32, #tpu.memory_space<vmem>>, vector<1x16xf32>,
      %swap3A_601 = vector.shape_cast %swap3A_600 : vector<1x16xf32> to vector<16xf32>
      %swap3A_602 = vector.shape_cast %convert_element_type3A : vector<16xf32> to vector<1x16xf32>
      tpu.vector_store %arg10[%swap3A_598, %swap3A_599], %swap3A_602 {add = true, strides = array<i32>} : memref<40x1024xf32, #tpu.memory_space<vmem>>, vector<1x16xf32>,
      %swap3A_603 = arith.index_cast %scan3A_356 : i32 to index
      %swap3A_604 = arith.constant 768 : index
      %swap3A_605 = tpu.vector_load %arg10[%swap3A_603, %swap3A_604] {strides = array<i32>} : memref<40x1024xf32, #tpu.memory_space<vmem>>, vector<1x16xf32>,
      %swap3A_606 = vector.shape_cast %swap3A_605 : vector<1x16xf32> to vector<16xf32>
      %swap3A_607 = vector.shape_cast %convert_element_type3A : vector<16xf32> to vector<1x16xf32>
      tpu.vector_store %arg10[%swap3A_603, %swap3A_604], %swap3A_607 {add = true, strides = array<i32>} : memref<40x1024xf32, #tpu.memory_space<vmem>>, vector<1x16xf32>,
      %swap3A_608 = arith.index_cast %scan3A_356 : i32 to index
      %swap3A_609 = arith.constant 784 : index
      %swap3A_610 = tpu.vector_load %arg10[%swap3A_608, %swap3A_609] {strides = array<i32>} : memref<40x1024xf32, #tpu.memory_space<vmem>>, vector<1x16xf32>,
      %swap3A_611 = vector.shape_cast %swap3A_610 : vector<1x16xf32> to vector<16xf32>
      %swap3A_612 = vector.shape_cast %convert_element_type3A : vector<16xf32> to vector<1x16xf32>
      tpu.vector_store %arg10[%swap3A_608, %swap3A_609], %swap3A_612 {add = true, strides = array<i32>} : memref<40x1024xf32, #tpu.memory_space<vmem>>, vector<1x16xf32>,
      %swap3A_613 = arith.index_cast %scan3A_356 : i32 to index
      %swap3A_614 = arith.constant 800 : index
      %swap3A_615 = tpu.vector_load %arg10[%swap3A_613, %swap3A_614] {strides = array<i32>} : memref<40x1024xf32, #tpu.memory_space<vmem>>, vector<1x16xf32>,
      %swap3A_616 = vector.shape_cast %swap3A_615 : vector<1x16xf32> to vector<16xf32>
      %swap3A_617 = vector.shape_cast %convert_element_type3A : vector<16xf32> to vector<1x16xf32>
      tpu.vector_store %arg10[%swap3A_613, %swap3A_614], %swap3A_617 {add = true, strides = array<i32>} : memref<40x1024xf32, #tpu.memory_space<vmem>>, vector<1x16xf32>,
      %swap3A_618 = arith.index_cast %scan3A_356 : i32 to index
      %swap3A_619 = arith.constant 816 : index
      %swap3A_620 = tpu.vector_load %arg10[%swap3A_618, %swap3A_619] {strides = array<i32>} : memref<40x1024xf32, #tpu.memory_space<vmem>>, vector<1x16xf32>,
      %swap3A_621 = vector.shape_cast %swap3A_620 : vector<1x16xf32> to vector<16xf32>
      %swap3A_622 = vector.shape_cast %convert_element_type3A : vector<16xf32> to vector<1x16xf32>
      tpu.vector_store %arg10[%swap3A_618, %swap3A_619], %swap3A_622 {add = true, strides = array<i32>} : memref<40x1024xf32, #tpu.memory_space<vmem>>, vector<1x16xf32>,
      %swap3A_623 = arith.index_cast %scan3A_356 : i32 to index
      %swap3A_624 = arith.constant 832 : index
      %swap3A_625 = tpu.vector_load %arg10[%swap3A_623, %swap3A_624] {strides = array<i32>} : memref<40x1024xf32, #tpu.memory_space<vmem>>, vector<1x16xf32>,
      %swap3A_626 = vector.shape_cast %swap3A_625 : vector<1x16xf32> to vector<16xf32>
      %swap3A_627 = vector.shape_cast %convert_element_type3A : vector<16xf32> to vector<1x16xf32>
      tpu.vector_store %arg10[%swap3A_623, %swap3A_624], %swap3A_627 {add = true, strides = array<i32>} : memref<40x1024xf32, #tpu.memory_space<vmem>>, vector<1x16xf32>,
      %swap3A_628 = arith.index_cast %scan3A_356 : i32 to index
      %swap3A_629 = arith.constant 848 : index
      %swap3A_630 = tpu.vector_load %arg10[%swap3A_628, %swap3A_629] {strides = array<i32>} : memref<40x1024xf32, #tpu.memory_space<vmem>>, vector<1x16xf32>,
      %swap3A_631 = vector.shape_cast %swap3A_630 : vector<1x16xf32> to vector<16xf32>
      %swap3A_632 = vector.shape_cast %convert_element_type3A : vector<16xf32> to vector<1x16xf32>
      tpu.vector_store %arg10[%swap3A_628, %swap3A_629], %swap3A_632 {add = true, strides = array<i32>} : memref<40x1024xf32, #tpu.memory_space<vmem>>, vector<1x16xf32>,
      %swap3A_633 = arith.index_cast %scan3A_356 : i32 to index
      %swap3A_634 = arith.constant 864 : index
      %swap3A_635 = tpu.vector_load %arg10[%swap3A_633, %swap3A_634] {strides = array<i32>} : memref<40x1024xf32, #tpu.memory_space<vmem>>, vector<1x16xf32>,
      %swap3A_636 = vector.shape_cast %swap3A_635 : vector<1x16xf32> to vector<16xf32>
      %swap3A_637 = vector.shape_cast %convert_element_type3A : vector<16xf32> to vector<1x16xf32>
      tpu.vector_store %arg10[%swap3A_633, %swap3A_634], %swap3A_637 {add = true, strides = array<i32>} : memref<40x1024xf32, #tpu.memory_space<vmem>>, vector<1x16xf32>,
      %swap3A_638 = arith.index_cast %scan3A_356 : i32 to index
      %swap3A_639 = arith.constant 880 : index
      %swap3A_640 = tpu.vector_load %arg10[%swap3A_638, %swap3A_639] {strides = array<i32>} : memref<40x1024xf32, #tpu.memory_space<vmem>>, vector<1x16xf32>,
      %swap3A_641 = vector.shape_cast %swap3A_640 : vector<1x16xf32> to vector<16xf32>
      %swap3A_642 = vector.shape_cast %convert_element_type3A : vector<16xf32> to vector<1x16xf32>
      tpu.vector_store %arg10[%swap3A_638, %swap3A_639], %swap3A_642 {add = true, strides = array<i32>} : memref<40x1024xf32, #tpu.memory_space<vmem>>, vector<1x16xf32>,
      %swap3A_643 = arith.index_cast %scan3A_356 : i32 to index
      %swap3A_644 = arith.constant 896 : index
      %swap3A_645 = tpu.vector_load %arg10[%swap3A_643, %swap3A_644] {strides = array<i32>} : memref<40x1024xf32, #tpu.memory_space<vmem>>, vector<1x16xf32>,
      %swap3A_646 = vector.shape_cast %swap3A_645 : vector<1x16xf32> to vector<16xf32>
      %swap3A_647 = vector.shape_cast %convert_element_type3A : vector<16xf32> to vector<1x16xf32>
      tpu.vector_store %arg10[%swap3A_643, %swap3A_644], %swap3A_647 {add = true, strides = array<i32>} : memref<40x1024xf32, #tpu.memory_space<vmem>>, vector<1x16xf32>,
      %swap3A_648 = arith.index_cast %scan3A_356 : i32 to index
      %swap3A_649 = arith.constant 912 : index
      %swap3A_650 = tpu.vector_load %arg10[%swap3A_648, %swap3A_649] {strides = array<i32>} : memref<40x1024xf32, #tpu.memory_space<vmem>>, vector<1x16xf32>,
      %swap3A_651 = vector.shape_cast %swap3A_650 : vector<1x16xf32> to vector<16xf32>
      %swap3A_652 = vector.shape_cast %convert_element_type3A : vector<16xf32> to vector<1x16xf32>
      tpu.vector_store %arg10[%swap3A_648, %swap3A_649], %swap3A_652 {add = true, strides = array<i32>} : memref<40x1024xf32, #tpu.memory_space<vmem>>, vector<1x16xf32>,
      %swap3A_653 = arith.index_cast %scan3A_356 : i32 to index
      %swap3A_654 = arith.constant 928 : index
      %swap3A_655 = tpu.vector_load %arg10[%swap3A_653, %swap3A_654] {strides = array<i32>} : memref<40x1024xf32, #tpu.memory_space<vmem>>, vector<1x16xf32>,
      %swap3A_656 = vector.shape_cast %swap3A_655 : vector<1x16xf32> to vector<16xf32>
      %swap3A_657 = vector.shape_cast %convert_element_type3A : vector<16xf32> to vector<1x16xf32>
      tpu.vector_store %arg10[%swap3A_653, %swap3A_654], %swap3A_657 {add = true, strides = array<i32>} : memref<40x1024xf32, #tpu.memory_space<vmem>>, vector<1x16xf32>,
      %swap3A_658 = arith.index_cast %scan3A_356 : i32 to index
      %swap3A_659 = arith.constant 944 : index
      %swap3A_660 = tpu.vector_load %arg10[%swap3A_658, %swap3A_659] {strides = array<i32>} : memref<40x1024xf32, #tpu.memory_space<vmem>>, vector<1x16xf32>,
      %swap3A_661 = vector.shape_cast %swap3A_660 : vector<1x16xf32> to vector<16xf32>
      %swap3A_662 = vector.shape_cast %convert_element_type3A : vector<16xf32> to vector<1x16xf32>
      tpu.vector_store %arg10[%swap3A_658, %swap3A_659], %swap3A_662 {add = true, strides = array<i32>} : memref<40x1024xf32, #tpu.memory_space<vmem>>, vector<1x16xf32>,
      %swap3A_663 = arith.index_cast %scan3A_356 : i32 to index
      %swap3A_664 = arith.constant 960 : index
      %swap3A_665 = tpu.vector_load %arg10[%swap3A_663, %swap3A_664] {strides = array<i32>} : memref<40x1024xf32, #tpu.memory_space<vmem>>, vector<1x16xf32>,
      %swap3A_666 = vector.shape_cast %swap3A_665 : vector<1x16xf32> to vector<16xf32>
      %swap3A_667 = vector.shape_cast %convert_element_type3A : vector<16xf32> to vector<1x16xf32>
      tpu.vector_store %arg10[%swap3A_663, %swap3A_664], %swap3A_667 {add = true, strides = array<i32>} : memref<40x1024xf32, #tpu.memory_space<vmem>>, vector<1x16xf32>,
      %swap3A_668 = arith.index_cast %scan3A_356 : i32 to index
      %swap3A_669 = arith.constant 976 : index
      %swap3A_670 = tpu.vector_load %arg10[%swap3A_668, %swap3A_669] {strides = array<i32>} : memref<40x1024xf32, #tpu.memory_space<vmem>>, vector<1x16xf32>,
      %swap3A_671 = vector.shape_cast %swap3A_670 : vector<1x16xf32> to vector<16xf32>
      %swap3A_672 = vector.shape_cast %convert_element_type3A : vector<16xf32> to vector<1x16xf32>
      tpu.vector_store %arg10[%swap3A_668, %swap3A_669], %swap3A_672 {add = true, strides = array<i32>} : memref<40x1024xf32, #tpu.memory_space<vmem>>, vector<1x16xf32>,
      %swap3A_673 = arith.index_cast %scan3A_356 : i32 to index
      %swap3A_674 = arith.constant 992 : index
      %swap3A_675 = tpu.vector_load %arg10[%swap3A_673, %swap3A_674] {strides = array<i32>} : memref<40x1024xf32, #tpu.memory_space<vmem>>, vector<1x16xf32>,
      %swap3A_676 = vector.shape_cast %swap3A_675 : vector<1x16xf32> to vector<16xf32>
      %swap3A_677 = vector.shape_cast %convert_element_type3A : vector<16xf32> to vector<1x16xf32>
      tpu.vector_store %arg10[%swap3A_673, %swap3A_674], %swap3A_677 {add = true, strides = array<i32>} : memref<40x1024xf32, #tpu.memory_space<vmem>>, vector<1x16xf32>,
      %swap3A_678 = arith.index_cast %scan3A_356 : i32 to index
      %swap3A_679 = arith.constant 1008 : index
      %swap3A_680 = tpu.vector_load %arg10[%swap3A_678, %swap3A_679] {strides = array<i32>} : memref<40x1024xf32, #tpu.memory_space<vmem>>, vector<1x16xf32>,
      %swap3A_681 = vector.shape_cast %swap3A_680 : vector<1x16xf32> to vector<16xf32>
      %swap3A_682 = vector.shape_cast %convert_element_type3A : vector<16xf32> to vector<1x16xf32>
      tpu.vector_store %arg10[%swap3A_678, %swap3A_679], %swap3A_682 {add = true, strides = array<i32>} : memref<40x1024xf32, #tpu.memory_space<vmem>>, vector<1x16xf32>,
    }
    %scan3A_157 = arith.constant 40 : i32
    %add3A_158 = arith.constant 56 : i32
    %add3A_159 = arith.addi %mul3A_20, %add3A_158 : i32
    %dma_start3A_160 = arith.constant 0 : i32
    %dma_start3A_161 = arith.constant 0 : i32
    %dma_start3A_162 = tpu.memref_slice %arg10[%dma_start3A_160, %dma_start3A_161] : memref<40x1024xf32, #tpu.memory_space<vmem>> -> memref<40x1024xf32, #tpu.memory_space<vmem>>
    %dma_start3A_163 = arith.constant 0 : i32
    %dma_start3A_164 = tpu.memref_slice %arg5[%select_n3A, %add3A_159, %dma_start3A_163] : memref<4x2048x1024xf32, #tpu.memory_space<hbm>> -> memref<1x40x1024xf32, #tpu.memory_space<hbm>>
    %dma_start3A_165 = tpu.memref_squeeze %dma_start3A_164 : memref<1x40x1024xf32, #tpu.memory_space<hbm>> -> memref<40x1024xf32, #tpu.memory_space<hbm>>
    %dma_start3A_166 = arith.constant 0 : i32
    %dma_start3A_167 = tpu.memref_slice %arg5[%select_n3A, %add3A_159, %dma_start3A_166] : memref<4x2048x1024xf32, #tpu.memory_space<hbm>> -> memref<1x40x1024xf32, #tpu.memory_space<hbm>>
    %dma_start3A_168 = tpu.memref_squeeze %dma_start3A_167 : memref<1x40x1024xf32, #tpu.memory_space<hbm>> -> memref<40x1024xf32, #tpu.memory_space<hbm>>
    %dma_start3A_169 = arith.constant 0 : i32
    %dma_start3A_170 = arith.constant 0 : i32
    %dma_start3A_171 = tpu.memref_slice %arg10[%dma_start3A_169, %dma_start3A_170] : memref<40x1024xf32, #tpu.memory_space<vmem>> -> memref<40x1024xf32, #tpu.memory_space<vmem>>
    tpu.enqueue_dma source(%dma_start3A_171 : memref<40x1024xf32, #tpu.memory_space<vmem>>) target(%dma_start3A_168 : memref<40x1024xf32, #tpu.memory_space<hbm>>) target_semaphore(%arg16 : memref<!tpu.dma_semaphore, #tpu.memory_space<semaphore_mem>>)
    %dma_wait3A_172 = arith.constant 0 : i32
    %dma_wait3A_173 = arith.constant 0 : i32
    %dma_wait3A_174 = tpu.memref_slice %arg10[%dma_wait3A_172, %dma_wait3A_173] : memref<40x1024xf32, #tpu.memory_space<vmem>> -> memref<40x1024xf32, #tpu.memory_space<vmem>>
    %dma_wait3A_175 = arith.constant 0 : i32
    %dma_wait3A_176 = tpu.memref_slice %arg5[%select_n3A, %add3A_159, %dma_wait3A_175] : memref<4x2048x1024xf32, #tpu.memory_space<hbm>> -> memref<1x40x1024xf32, #tpu.memory_space<hbm>>
    %dma_wait3A_177 = tpu.memref_squeeze %dma_wait3A_176 : memref<1x40x1024xf32, #tpu.memory_space<hbm>> -> memref<40x1024xf32, #tpu.memory_space<hbm>>
    %dma_wait3A_178 = arith.constant 0 : i32
    %dma_wait3A_179 = tpu.memref_slice %arg5[%select_n3A, %add3A_159, %dma_wait3A_178] : memref<4x2048x1024xf32, #tpu.memory_space<hbm>> -> memref<1x40x1024xf32, #tpu.memory_space<hbm>>
    %dma_wait3A_180 = tpu.memref_squeeze %dma_wait3A_179 : memref<1x40x1024xf32, #tpu.memory_space<hbm>> -> memref<40x1024xf32, #tpu.memory_space<hbm>>
    %dma_wait3A_181 = arith.constant 0 : i32
    %dma_wait3A_182 = arith.constant 0 : i32
    %dma_wait3A_183 = tpu.memref_slice %arg10[%dma_wait3A_181, %dma_wait3A_182] : memref<40x1024xf32, #tpu.memory_space<vmem>> -> memref<40x1024xf32, #tpu.memory_space<vmem>>
    tpu.wait_dma2 semaphore(%arg16 : memref<!tpu.dma_semaphore, #tpu.memory_space<semaphore_mem>>) src(%dma_wait3A_183 : memref<40x1024xf32, #tpu.memory_space<vmem>>) dst(%dma_wait3A_180 : memref<40x1024xf32, #tpu.memory_space<hbm>>)
    %dma_start3A_184 = arith.constant 0 : i32
    %dma_start3A_185 = arith.constant 0 : i32
    %dma_start3A_186 = tpu.memref_slice %arg10[%dma_start3A_184, %dma_start3A_185] : memref<40x1024xf32, #tpu.memory_space<vmem>> -> memref<40x1024xf32, #tpu.memory_space<vmem>>
    %dma_start3A_187 = arith.constant 176 : i32
    %dma_start3A_188 = tpu.memref_slice %arg6[%dma_start3A_187] : memref<256xi32, #tpu.memory_space<vmem>> -> memref<40xi32, #tpu.memory_space<vmem>>
    %dma_start3A_189 = arith.constant 0 : i32
    %dma_start3A_190 = arith.constant 0 : i32
    %dma_start3A_191 = tpu.memref_slice %arg4[%dma_start3A_189, %dma_start3A_190] : memref<100000x1024xf32, #tpu.memory_space<hbm>> -> memref<100000x1024xf32, #tpu.memory_space<hbm>>
    tpu.enqueue_indirect_dma source(%dma_start3A_191 : memref<100000x1024xf32, #tpu.memory_space<hbm>>) target(%dma_start3A_186 : memref<40x1024xf32, #tpu.memory_space<vmem>>) offsets(%dma_start3A_188 : memref<40xi32, #tpu.memory_space<vmem>>) semaphore(%arg13 : memref<!tpu.dma_semaphore, #tpu.memory_space<semaphore_mem>>)
    %dma_wait3A_192 = arith.constant 0 : i32
    %dma_wait3A_193 = arith.constant 0 : i32
    %dma_wait3A_194 = tpu.memref_slice %arg8[%dma_wait3A_192, %dma_wait3A_193] : memref<40x1024xf32, #tpu.memory_space<vmem>> -> memref<40x1024xf32, #tpu.memory_space<vmem>>
    %dma_wait3A_195 = arith.constant 96 : i32
    %dma_wait3A_196 = tpu.memref_slice %arg6[%dma_wait3A_195] : memref<256xi32, #tpu.memory_space<vmem>> -> memref<40xi32, #tpu.memory_space<vmem>>
    %dma_wait3A_197 = arith.constant 0 : i32
    %dma_wait3A_198 = arith.constant 0 : i32
    %dma_wait3A_199 = tpu.memref_slice %arg4[%dma_wait3A_197, %dma_wait3A_198] : memref<100000x1024xf32, #tpu.memory_space<hbm>> -> memref<100000x1024xf32, #tpu.memory_space<hbm>>
    tpu.wait_indirect_dma semaphore(%arg11 : memref<!tpu.dma_semaphore, #tpu.memory_space<semaphore_mem>>) src(%dma_wait3A_199 : memref<100000x1024xf32, #tpu.memory_space<hbm>>) dst(%dma_wait3A_194 : memref<40x1024xf32, #tpu.memory_space<vmem>>)
    %scan3A_200 = arith.constant 0 : i32
    %scan3A_201 = arith.constant 40 : i32
    %scan3A_202 = arith.addi %scan3A_200, %scan3A_201 : i32
    %scan3A_203 = arith.constant 1 : i32
    scf.for %scan3A_356 = %scan3A_200 to %scan3A_202 step %scan3A_203  : i32 {
      %add3A_357 = arith.constant 96 : i32
      %add3A_358 = arith.addi %add3A_357, %scan3A_356 : i32
      %mul3A_359 = arith.constant 16 : i32
      %mul3A_360 = arith.muli %add3A_358, %mul3A_359 : i32
      %get3A = arith.index_cast %mul3A_360 : i32 to index
      %get3A_361 = tpu.vector_load %arg7[%get3A] {strides = array<i32>} : memref<4096xf32, #tpu.memory_space<vmem>>, vector<16xf32>,
      %get3A_362 = vector.shape_cast %get3A_361 : vector<16xf32> to vector<16xf32>
      %add3A_363 = arith.addf %get3A_362, %convert_element_type3A : vector<16xf32>
      %swap3A = arith.index_cast %scan3A_356 : i32 to index
      %swap3A_364 = arith.constant 0 : index
      %swap3A_365 = tpu.vector_load %arg8[%swap3A, %swap3A_364] {strides = array<i32>} : memref<40x1024xf32, #tpu.memory_space<vmem>>, vector<1x16xf32>,
      %swap3A_366 = vector.shape_cast %swap3A_365 : vector<1x16xf32> to vector<16xf32>
      %swap3A_367 = vector.shape_cast %add3A_363 : vector<16xf32> to vector<1x16xf32>
      tpu.vector_store %arg8[%swap3A, %swap3A_364], %swap3A_367 {add = true, strides = array<i32>} : memref<40x1024xf32, #tpu.memory_space<vmem>>, vector<1x16xf32>,
      %swap3A_368 = arith.index_cast %scan3A_356 : i32 to index
      %swap3A_369 = arith.constant 16 : index
      %swap3A_370 = tpu.vector_load %arg8[%swap3A_368, %swap3A_369] {strides = array<i32>} : memref<40x1024xf32, #tpu.memory_space<vmem>>, vector<1x16xf32>,
      %swap3A_371 = vector.shape_cast %swap3A_370 : vector<1x16xf32> to vector<16xf32>
      %swap3A_372 = vector.shape_cast %convert_element_type3A : vector<16xf32> to vector<1x16xf32>
      tpu.vector_store %arg8[%swap3A_368, %swap3A_369], %swap3A_372 {add = true, strides = array<i32>} : memref<40x1024xf32, #tpu.memory_space<vmem>>, vector<1x16xf32>,
      %swap3A_373 = arith.index_cast %scan3A_356 : i32 to index
      %swap3A_374 = arith.constant 32 : index
      %swap3A_375 = tpu.vector_load %arg8[%swap3A_373, %swap3A_374] {strides = array<i32>} : memref<40x1024xf32, #tpu.memory_space<vmem>>, vector<1x16xf32>,
      %swap3A_376 = vector.shape_cast %swap3A_375 : vector<1x16xf32> to vector<16xf32>
      %swap3A_377 = vector.shape_cast %convert_element_type3A : vector<16xf32> to vector<1x16xf32>
      tpu.vector_store %arg8[%swap3A_373, %swap3A_374], %swap3A_377 {add = true, strides = array<i32>} : memref<40x1024xf32, #tpu.memory_space<vmem>>, vector<1x16xf32>,
      %swap3A_378 = arith.index_cast %scan3A_356 : i32 to index
      %swap3A_379 = arith.constant 48 : index
      %swap3A_380 = tpu.vector_load %arg8[%swap3A_378, %swap3A_379] {strides = array<i32>} : memref<40x1024xf32, #tpu.memory_space<vmem>>, vector<1x16xf32>,
      %swap3A_381 = vector.shape_cast %swap3A_380 : vector<1x16xf32> to vector<16xf32>
      %swap3A_382 = vector.shape_cast %convert_element_type3A : vector<16xf32> to vector<1x16xf32>
      tpu.vector_store %arg8[%swap3A_378, %swap3A_379], %swap3A_382 {add = true, strides = array<i32>} : memref<40x1024xf32, #tpu.memory_space<vmem>>, vector<1x16xf32>,
      %swap3A_383 = arith.index_cast %scan3A_356 : i32 to index
      %swap3A_384 = arith.constant 64 : index
      %swap3A_385 = tpu.vector_load %arg8[%swap3A_383, %swap3A_384] {strides = array<i32>} : memref<40x1024xf32, #tpu.memory_space<vmem>>, vector<1x16xf32>,
      %swap3A_386 = vector.shape_cast %swap3A_385 : vector<1x16xf32> to vector<16xf32>
      %swap3A_387 = vector.shape_cast %convert_element_type3A : vector<16xf32> to vector<1x16xf32>
      tpu.vector_store %arg8[%swap3A_383, %swap3A_384], %swap3A_387 {add = true, strides = array<i32>} : memref<40x1024xf32, #tpu.memory_space<vmem>>, vector<1x16xf32>,
      %swap3A_388 = arith.index_cast %scan3A_356 : i32 to index
      %swap3A_389 = arith.constant 80 : index
      %swap3A_390 = tpu.vector_load %arg8[%swap3A_388, %swap3A_389] {strides = array<i32>} : memref<40x1024xf32, #tpu.memory_space<vmem>>, vector<1x16xf32>,
      %swap3A_391 = vector.shape_cast %swap3A_390 : vector<1x16xf32> to vector<16xf32>
      %swap3A_392 = vector.shape_cast %convert_element_type3A : vector<16xf32> to vector<1x16xf32>
      tpu.vector_store %arg8[%swap3A_388, %swap3A_389], %swap3A_392 {add = true, strides = array<i32>} : memref<40x1024xf32, #tpu.memory_space<vmem>>, vector<1x16xf32>,
      %swap3A_393 = arith.index_cast %scan3A_356 : i32 to index
      %swap3A_394 = arith.constant 96 : index
      %swap3A_395 = tpu.vector_load %arg8[%swap3A_393, %swap3A_394] {strides = array<i32>} : memref<40x1024xf32, #tpu.memory_space<vmem>>, vector<1x16xf32>,
      %swap3A_396 = vector.shape_cast %swap3A_395 : vector<1x16xf32> to vector<16xf32>
      %swap3A_397 = vector.shape_cast %convert_element_type3A : vector<16xf32> to vector<1x16xf32>
      tpu.vector_store %arg8[%swap3A_393, %swap3A_394], %swap3A_397 {add = true, strides = array<i32>} : memref<40x1024xf32, #tpu.memory_space<vmem>>, vector<1x16xf32>,
      %swap3A_398 = arith.index_cast %scan3A_356 : i32 to index
      %swap3A_399 = arith.constant 112 : index
      %swap3A_400 = tpu.vector_load %arg8[%swap3A_398, %swap3A_399] {strides = array<i32>} : memref<40x1024xf32, #tpu.memory_space<vmem>>, vector<1x16xf32>,
      %swap3A_401 = vector.shape_cast %swap3A_400 : vector<1x16xf32> to vector<16xf32>
      %swap3A_402 = vector.shape_cast %convert_element_type3A : vector<16xf32> to vector<1x16xf32>
      tpu.vector_store %arg8[%swap3A_398, %swap3A_399], %swap3A_402 {add = true, strides = array<i32>} : memref<40x1024xf32, #tpu.memory_space<vmem>>, vector<1x16xf32>,
      %swap3A_403 = arith.index_cast %scan3A_356 : i32 to index
      %swap3A_404 = arith.constant 128 : index
      %swap3A_405 = tpu.vector_load %arg8[%swap3A_403, %swap3A_404] {strides = array<i32>} : memref<40x1024xf32, #tpu.memory_space<vmem>>, vector<1x16xf32>,
      %swap3A_406 = vector.shape_cast %swap3A_405 : vector<1x16xf32> to vector<16xf32>
      %swap3A_407 = vector.shape_cast %convert_element_type3A : vector<16xf32> to vector<1x16xf32>
      tpu.vector_store %arg8[%swap3A_403, %swap3A_404], %swap3A_407 {add = true, strides = array<i32>} : memref<40x1024xf32, #tpu.memory_space<vmem>>, vector<1x16xf32>,
      %swap3A_408 = arith.index_cast %scan3A_356 : i32 to index
      %swap3A_409 = arith.constant 144 : index
      %swap3A_410 = tpu.vector_load %arg8[%swap3A_408, %swap3A_409] {strides = array<i32>} : memref<40x1024xf32, #tpu.memory_space<vmem>>, vector<1x16xf32>,
      %swap3A_411 = vector.shape_cast %swap3A_410 : vector<1x16xf32> to vector<16xf32>
      %swap3A_412 = vector.shape_cast %convert_element_type3A : vector<16xf32> to vector<1x16xf32>
      tpu.vector_store %arg8[%swap3A_408, %swap3A_409], %swap3A_412 {add = true, strides = array<i32>} : memref<40x1024xf32, #tpu.memory_space<vmem>>, vector<1x16xf32>,
      %swap3A_413 = arith.index_cast %scan3A_356 : i32 to index
      %swap3A_414 = arith.constant 160 : index
      %swap3A_415 = tpu.vector_load %arg8[%swap3A_413, %swap3A_414] {strides = array<i32>} : memref<40x1024xf32, #tpu.memory_space<vmem>>, vector<1x16xf32>,
      %swap3A_416 = vector.shape_cast %swap3A_415 : vector<1x16xf32> to vector<16xf32>
      %swap3A_417 = vector.shape_cast %convert_element_type3A : vector<16xf32> to vector<1x16xf32>
      tpu.vector_store %arg8[%swap3A_413, %swap3A_414], %swap3A_417 {add = true, strides = array<i32>} : memref<40x1024xf32, #tpu.memory_space<vmem>>, vector<1x16xf32>,
      %swap3A_418 = arith.index_cast %scan3A_356 : i32 to index
      %swap3A_419 = arith.constant 176 : index
      %swap3A_420 = tpu.vector_load %arg8[%swap3A_418, %swap3A_419] {strides = array<i32>} : memref<40x1024xf32, #tpu.memory_space<vmem>>, vector<1x16xf32>,
      %swap3A_421 = vector.shape_cast %swap3A_420 : vector<1x16xf32> to vector<16xf32>
      %swap3A_422 = vector.shape_cast %convert_element_type3A : vector<16xf32> to vector<1x16xf32>
      tpu.vector_store %arg8[%swap3A_418, %swap3A_419], %swap3A_422 {add = true, strides = array<i32>} : memref<40x1024xf32, #tpu.memory_space<vmem>>, vector<1x16xf32>,
      %swap3A_423 = arith.index_cast %scan3A_356 : i32 to index
      %swap3A_424 = arith.constant 192 : index
      %swap3A_425 = tpu.vector_load %arg8[%swap3A_423, %swap3A_424] {strides = array<i32>} : memref<40x1024xf32, #tpu.memory_space<vmem>>, vector<1x16xf32>,
      %swap3A_426 = vector.shape_cast %swap3A_425 : vector<1x16xf32> to vector<16xf32>
      %swap3A_427 = vector.shape_cast %convert_element_type3A : vector<16xf32> to vector<1x16xf32>
      tpu.vector_store %arg8[%swap3A_423, %swap3A_424], %swap3A_427 {add = true, strides = array<i32>} : memref<40x1024xf32, #tpu.memory_space<vmem>>, vector<1x16xf32>,
      %swap3A_428 = arith.index_cast %scan3A_356 : i32 to index
      %swap3A_429 = arith.constant 208 : index
      %swap3A_430 = tpu.vector_load %arg8[%swap3A_428, %swap3A_429] {strides = array<i32>} : memref<40x1024xf32, #tpu.memory_space<vmem>>, vector<1x16xf32>,
      %swap3A_431 = vector.shape_cast %swap3A_430 : vector<1x16xf32> to vector<16xf32>
      %swap3A_432 = vector.shape_cast %convert_element_type3A : vector<16xf32> to vector<1x16xf32>
      tpu.vector_store %arg8[%swap3A_428, %swap3A_429], %swap3A_432 {add = true, strides = array<i32>} : memref<40x1024xf32, #tpu.memory_space<vmem>>, vector<1x16xf32>,
      %swap3A_433 = arith.index_cast %scan3A_356 : i32 to index
      %swap3A_434 = arith.constant 224 : index
      %swap3A_435 = tpu.vector_load %arg8[%swap3A_433, %swap3A_434] {strides = array<i32>} : memref<40x1024xf32, #tpu.memory_space<vmem>>, vector<1x16xf32>,
      %swap3A_436 = vector.shape_cast %swap3A_435 : vector<1x16xf32> to vector<16xf32>
      %swap3A_437 = vector.shape_cast %convert_element_type3A : vector<16xf32> to vector<1x16xf32>
      tpu.vector_store %arg8[%swap3A_433, %swap3A_434], %swap3A_437 {add = true, strides = array<i32>} : memref<40x1024xf32, #tpu.memory_space<vmem>>, vector<1x16xf32>,
      %swap3A_438 = arith.index_cast %scan3A_356 : i32 to index
      %swap3A_439 = arith.constant 240 : index
      %swap3A_440 = tpu.vector_load %arg8[%swap3A_438, %swap3A_439] {strides = array<i32>} : memref<40x1024xf32, #tpu.memory_space<vmem>>, vector<1x16xf32>,
      %swap3A_441 = vector.shape_cast %swap3A_440 : vector<1x16xf32> to vector<16xf32>
      %swap3A_442 = vector.shape_cast %convert_element_type3A : vector<16xf32> to vector<1x16xf32>
      tpu.vector_store %arg8[%swap3A_438, %swap3A_439], %swap3A_442 {add = true, strides = array<i32>} : memref<40x1024xf32, #tpu.memory_space<vmem>>, vector<1x16xf32>,
      %swap3A_443 = arith.index_cast %scan3A_356 : i32 to index
      %swap3A_444 = arith.constant 256 : index
      %swap3A_445 = tpu.vector_load %arg8[%swap3A_443, %swap3A_444] {strides = array<i32>} : memref<40x1024xf32, #tpu.memory_space<vmem>>, vector<1x16xf32>,
      %swap3A_446 = vector.shape_cast %swap3A_445 : vector<1x16xf32> to vector<16xf32>
      %swap3A_447 = vector.shape_cast %convert_element_type3A : vector<16xf32> to vector<1x16xf32>
      tpu.vector_store %arg8[%swap3A_443, %swap3A_444], %swap3A_447 {add = true, strides = array<i32>} : memref<40x1024xf32, #tpu.memory_space<vmem>>, vector<1x16xf32>,
      %swap3A_448 = arith.index_cast %scan3A_356 : i32 to index
      %swap3A_449 = arith.constant 272 : index
      %swap3A_450 = tpu.vector_load %arg8[%swap3A_448, %swap3A_449] {strides = array<i32>} : memref<40x1024xf32, #tpu.memory_space<vmem>>, vector<1x16xf32>,
      %swap3A_451 = vector.shape_cast %swap3A_450 : vector<1x16xf32> to vector<16xf32>
      %swap3A_452 = vector.shape_cast %convert_element_type3A : vector<16xf32> to vector<1x16xf32>
      tpu.vector_store %arg8[%swap3A_448, %swap3A_449], %swap3A_452 {add = true, strides = array<i32>} : memref<40x1024xf32, #tpu.memory_space<vmem>>, vector<1x16xf32>,
      %swap3A_453 = arith.index_cast %scan3A_356 : i32 to index
      %swap3A_454 = arith.constant 288 : index
      %swap3A_455 = tpu.vector_load %arg8[%swap3A_453, %swap3A_454] {strides = array<i32>} : memref<40x1024xf32, #tpu.memory_space<vmem>>, vector<1x16xf32>,
      %swap3A_456 = vector.shape_cast %swap3A_455 : vector<1x16xf32> to vector<16xf32>
      %swap3A_457 = vector.shape_cast %convert_element_type3A : vector<16xf32> to vector<1x16xf32>
      tpu.vector_store %arg8[%swap3A_453, %swap3A_454], %swap3A_457 {add = true, strides = array<i32>} : memref<40x1024xf32, #tpu.memory_space<vmem>>, vector<1x16xf32>,
      %swap3A_458 = arith.index_cast %scan3A_356 : i32 to index
      %swap3A_459 = arith.constant 304 : index
      %swap3A_460 = tpu.vector_load %arg8[%swap3A_458, %swap3A_459] {strides = array<i32>} : memref<40x1024xf32, #tpu.memory_space<vmem>>, vector<1x16xf32>,
      %swap3A_461 = vector.shape_cast %swap3A_460 : vector<1x16xf32> to vector<16xf32>
      %swap3A_462 = vector.shape_cast %convert_element_type3A : vector<16xf32> to vector<1x16xf32>
      tpu.vector_store %arg8[%swap3A_458, %swap3A_459], %swap3A_462 {add = true, strides = array<i32>} : memref<40x1024xf32, #tpu.memory_space<vmem>>, vector<1x16xf32>,
      %swap3A_463 = arith.index_cast %scan3A_356 : i32 to index
      %swap3A_464 = arith.constant 320 : index
      %swap3A_465 = tpu.vector_load %arg8[%swap3A_463, %swap3A_464] {strides = array<i32>} : memref<40x1024xf32, #tpu.memory_space<vmem>>, vector<1x16xf32>,
      %swap3A_466 = vector.shape_cast %swap3A_465 : vector<1x16xf32> to vector<16xf32>
      %swap3A_467 = vector.shape_cast %convert_element_type3A : vector<16xf32> to vector<1x16xf32>
      tpu.vector_store %arg8[%swap3A_463, %swap3A_464], %swap3A_467 {add = true, strides = array<i32>} : memref<40x1024xf32, #tpu.memory_space<vmem>>, vector<1x16xf32>,
      %swap3A_468 = arith.index_cast %scan3A_356 : i32 to index
      %swap3A_469 = arith.constant 336 : index
      %swap3A_470 = tpu.vector_load %arg8[%swap3A_468, %swap3A_469] {strides = array<i32>} : memref<40x1024xf32, #tpu.memory_space<vmem>>, vector<1x16xf32>,
      %swap3A_471 = vector.shape_cast %swap3A_470 : vector<1x16xf32> to vector<16xf32>
      %swap3A_472 = vector.shape_cast %convert_element_type3A : vector<16xf32> to vector<1x16xf32>
      tpu.vector_store %arg8[%swap3A_468, %swap3A_469], %swap3A_472 {add = true, strides = array<i32>} : memref<40x1024xf32, #tpu.memory_space<vmem>>, vector<1x16xf32>,
      %swap3A_473 = arith.index_cast %scan3A_356 : i32 to index
      %swap3A_474 = arith.constant 352 : index
      %swap3A_475 = tpu.vector_load %arg8[%swap3A_473, %swap3A_474] {strides = array<i32>} : memref<40x1024xf32, #tpu.memory_space<vmem>>, vector<1x16xf32>,
      %swap3A_476 = vector.shape_cast %swap3A_475 : vector<1x16xf32> to vector<16xf32>
      %swap3A_477 = vector.shape_cast %convert_element_type3A : vector<16xf32> to vector<1x16xf32>
      tpu.vector_store %arg8[%swap3A_473, %swap3A_474], %swap3A_477 {add = true, strides = array<i32>} : memref<40x1024xf32, #tpu.memory_space<vmem>>, vector<1x16xf32>,
      %swap3A_478 = arith.index_cast %scan3A_356 : i32 to index
      %swap3A_479 = arith.constant 368 : index
      %swap3A_480 = tpu.vector_load %arg8[%swap3A_478, %swap3A_479] {strides = array<i32>} : memref<40x1024xf32, #tpu.memory_space<vmem>>, vector<1x16xf32>,
      %swap3A_481 = vector.shape_cast %swap3A_480 : vector<1x16xf32> to vector<16xf32>
      %swap3A_482 = vector.shape_cast %convert_element_type3A : vector<16xf32> to vector<1x16xf32>
      tpu.vector_store %arg8[%swap3A_478, %swap3A_479], %swap3A_482 {add = true, strides = array<i32>} : memref<40x1024xf32, #tpu.memory_space<vmem>>, vector<1x16xf32>,
      %swap3A_483 = arith.index_cast %scan3A_356 : i32 to index
      %swap3A_484 = arith.constant 384 : index
      %swap3A_485 = tpu.vector_load %arg8[%swap3A_483, %swap3A_484] {strides = array<i32>} : memref<40x1024xf32, #tpu.memory_space<vmem>>, vector<1x16xf32>,
      %swap3A_486 = vector.shape_cast %swap3A_485 : vector<1x16xf32> to vector<16xf32>
      %swap3A_487 = vector.shape_cast %convert_element_type3A : vector<16xf32> to vector<1x16xf32>
      tpu.vector_store %arg8[%swap3A_483, %swap3A_484], %swap3A_487 {add = true, strides = array<i32>} : memref<40x1024xf32, #tpu.memory_space<vmem>>, vector<1x16xf32>,
      %swap3A_488 = arith.index_cast %scan3A_356 : i32 to index
      %swap3A_489 = arith.constant 400 : index
      %swap3A_490 = tpu.vector_load %arg8[%swap3A_488, %swap3A_489] {strides = array<i32>} : memref<40x1024xf32, #tpu.memory_space<vmem>>, vector<1x16xf32>,
      %swap3A_491 = vector.shape_cast %swap3A_490 : vector<1x16xf32> to vector<16xf32>
      %swap3A_492 = vector.shape_cast %convert_element_type3A : vector<16xf32> to vector<1x16xf32>
      tpu.vector_store %arg8[%swap3A_488, %swap3A_489], %swap3A_492 {add = true, strides = array<i32>} : memref<40x1024xf32, #tpu.memory_space<vmem>>, vector<1x16xf32>,
      %swap3A_493 = arith.index_cast %scan3A_356 : i32 to index
      %swap3A_494 = arith.constant 416 : index
      %swap3A_495 = tpu.vector_load %arg8[%swap3A_493, %swap3A_494] {strides = array<i32>} : memref<40x1024xf32, #tpu.memory_space<vmem>>, vector<1x16xf32>,
      %swap3A_496 = vector.shape_cast %swap3A_495 : vector<1x16xf32> to vector<16xf32>
      %swap3A_497 = vector.shape_cast %convert_element_type3A : vector<16xf32> to vector<1x16xf32>
      tpu.vector_store %arg8[%swap3A_493, %swap3A_494], %swap3A_497 {add = true, strides = array<i32>} : memref<40x1024xf32, #tpu.memory_space<vmem>>, vector<1x16xf32>,
      %swap3A_498 = arith.index_cast %scan3A_356 : i32 to index
      %swap3A_499 = arith.constant 432 : index
      %swap3A_500 = tpu.vector_load %arg8[%swap3A_498, %swap3A_499] {strides = array<i32>} : memref<40x1024xf32, #tpu.memory_space<vmem>>, vector<1x16xf32>,
      %swap3A_501 = vector.shape_cast %swap3A_500 : vector<1x16xf32> to vector<16xf32>
      %swap3A_502 = vector.shape_cast %convert_element_type3A : vector<16xf32> to vector<1x16xf32>
      tpu.vector_store %arg8[%swap3A_498, %swap3A_499], %swap3A_502 {add = true, strides = array<i32>} : memref<40x1024xf32, #tpu.memory_space<vmem>>, vector<1x16xf32>,
      %swap3A_503 = arith.index_cast %scan3A_356 : i32 to index
      %swap3A_504 = arith.constant 448 : index
      %swap3A_505 = tpu.vector_load %arg8[%swap3A_503, %swap3A_504] {strides = array<i32>} : memref<40x1024xf32, #tpu.memory_space<vmem>>, vector<1x16xf32>,
      %swap3A_506 = vector.shape_cast %swap3A_505 : vector<1x16xf32> to vector<16xf32>
      %swap3A_507 = vector.shape_cast %convert_element_type3A : vector<16xf32> to vector<1x16xf32>
      tpu.vector_store %arg8[%swap3A_503, %swap3A_504], %swap3A_507 {add = true, strides = array<i32>} : memref<40x1024xf32, #tpu.memory_space<vmem>>, vector<1x16xf32>,
      %swap3A_508 = arith.index_cast %scan3A_356 : i32 to index
      %swap3A_509 = arith.constant 464 : index
      %swap3A_510 = tpu.vector_load %arg8[%swap3A_508, %swap3A_509] {strides = array<i32>} : memref<40x1024xf32, #tpu.memory_space<vmem>>, vector<1x16xf32>,
      %swap3A_511 = vector.shape_cast %swap3A_510 : vector<1x16xf32> to vector<16xf32>
      %swap3A_512 = vector.shape_cast %convert_element_type3A : vector<16xf32> to vector<1x16xf32>
      tpu.vector_store %arg8[%swap3A_508, %swap3A_509], %swap3A_512 {add = true, strides = array<i32>} : memref<40x1024xf32, #tpu.memory_space<vmem>>, vector<1x16xf32>,
      %swap3A_513 = arith.index_cast %scan3A_356 : i32 to index
      %swap3A_514 = arith.constant 480 : index
      %swap3A_515 = tpu.vector_load %arg8[%swap3A_513, %swap3A_514] {strides = array<i32>} : memref<40x1024xf32, #tpu.memory_space<vmem>>, vector<1x16xf32>,
      %swap3A_516 = vector.shape_cast %swap3A_515 : vector<1x16xf32> to vector<16xf32>
      %swap3A_517 = vector.shape_cast %convert_element_type3A : vector<16xf32> to vector<1x16xf32>
      tpu.vector_store %arg8[%swap3A_513, %swap3A_514], %swap3A_517 {add = true, strides = array<i32>} : memref<40x1024xf32, #tpu.memory_space<vmem>>, vector<1x16xf32>,
      %swap3A_518 = arith.index_cast %scan3A_356 : i32 to index
      %swap3A_519 = arith.constant 496 : index
      %swap3A_520 = tpu.vector_load %arg8[%swap3A_518, %swap3A_519] {strides = array<i32>} : memref<40x1024xf32, #tpu.memory_space<vmem>>, vector<1x16xf32>,
      %swap3A_521 = vector.shape_cast %swap3A_520 : vector<1x16xf32> to vector<16xf32>
      %swap3A_522 = vector.shape_cast %convert_element_type3A : vector<16xf32> to vector<1x16xf32>
      tpu.vector_store %arg8[%swap3A_518, %swap3A_519], %swap3A_522 {add = true, strides = array<i32>} : memref<40x1024xf32, #tpu.memory_space<vmem>>, vector<1x16xf32>,
      %swap3A_523 = arith.index_cast %scan3A_356 : i32 to index
      %swap3A_524 = arith.constant 512 : index
      %swap3A_525 = tpu.vector_load %arg8[%swap3A_523, %swap3A_524] {strides = array<i32>} : memref<40x1024xf32, #tpu.memory_space<vmem>>, vector<1x16xf32>,
      %swap3A_526 = vector.shape_cast %swap3A_525 : vector<1x16xf32> to vector<16xf32>
      %swap3A_527 = vector.shape_cast %convert_element_type3A : vector<16xf32> to vector<1x16xf32>
      tpu.vector_store %arg8[%swap3A_523, %swap3A_524], %swap3A_527 {add = true, strides = array<i32>} : memref<40x1024xf32, #tpu.memory_space<vmem>>, vector<1x16xf32>,
      %swap3A_528 = arith.index_cast %scan3A_356 : i32 to index
      %swap3A_529 = arith.constant 528 : index
      %swap3A_530 = tpu.vector_load %arg8[%swap3A_528, %swap3A_529] {strides = array<i32>} : memref<40x1024xf32, #tpu.memory_space<vmem>>, vector<1x16xf32>,
      %swap3A_531 = vector.shape_cast %swap3A_530 : vector<1x16xf32> to vector<16xf32>
      %swap3A_532 = vector.shape_cast %convert_element_type3A : vector<16xf32> to vector<1x16xf32>
      tpu.vector_store %arg8[%swap3A_528, %swap3A_529], %swap3A_532 {add = true, strides = array<i32>} : memref<40x1024xf32, #tpu.memory_space<vmem>>, vector<1x16xf32>,
      %swap3A_533 = arith.index_cast %scan3A_356 : i32 to index
      %swap3A_534 = arith.constant 544 : index
      %swap3A_535 = tpu.vector_load %arg8[%swap3A_533, %swap3A_534] {strides = array<i32>} : memref<40x1024xf32, #tpu.memory_space<vmem>>, vector<1x16xf32>,
      %swap3A_536 = vector.shape_cast %swap3A_535 : vector<1x16xf32> to vector<16xf32>
      %swap3A_537 = vector.shape_cast %convert_element_type3A : vector<16xf32> to vector<1x16xf32>
      tpu.vector_store %arg8[%swap3A_533, %swap3A_534], %swap3A_537 {add = true, strides = array<i32>} : memref<40x1024xf32, #tpu.memory_space<vmem>>, vector<1x16xf32>,
      %swap3A_538 = arith.index_cast %scan3A_356 : i32 to index
      %swap3A_539 = arith.constant 560 : index
      %swap3A_540 = tpu.vector_load %arg8[%swap3A_538, %swap3A_539] {strides = array<i32>} : memref<40x1024xf32, #tpu.memory_space<vmem>>, vector<1x16xf32>,
      %swap3A_541 = vector.shape_cast %swap3A_540 : vector<1x16xf32> to vector<16xf32>
      %swap3A_542 = vector.shape_cast %convert_element_type3A : vector<16xf32> to vector<1x16xf32>
      tpu.vector_store %arg8[%swap3A_538, %swap3A_539], %swap3A_542 {add = true, strides = array<i32>} : memref<40x1024xf32, #tpu.memory_space<vmem>>, vector<1x16xf32>,
      %swap3A_543 = arith.index_cast %scan3A_356 : i32 to index
      %swap3A_544 = arith.constant 576 : index
      %swap3A_545 = tpu.vector_load %arg8[%swap3A_543, %swap3A_544] {strides = array<i32>} : memref<40x1024xf32, #tpu.memory_space<vmem>>, vector<1x16xf32>,
      %swap3A_546 = vector.shape_cast %swap3A_545 : vector<1x16xf32> to vector<16xf32>
      %swap3A_547 = vector.shape_cast %convert_element_type3A : vector<16xf32> to vector<1x16xf32>
      tpu.vector_store %arg8[%swap3A_543, %swap3A_544], %swap3A_547 {add = true, strides = array<i32>} : memref<40x1024xf32, #tpu.memory_space<vmem>>, vector<1x16xf32>,
      %swap3A_548 = arith.index_cast %scan3A_356 : i32 to index
      %swap3A_549 = arith.constant 592 : index
      %swap3A_550 = tpu.vector_load %arg8[%swap3A_548, %swap3A_549] {strides = array<i32>} : memref<40x1024xf32, #tpu.memory_space<vmem>>, vector<1x16xf32>,
      %swap3A_551 = vector.shape_cast %swap3A_550 : vector<1x16xf32> to vector<16xf32>
      %swap3A_552 = vector.shape_cast %convert_element_type3A : vector<16xf32> to vector<1x16xf32>
      tpu.vector_store %arg8[%swap3A_548, %swap3A_549], %swap3A_552 {add = true, strides = array<i32>} : memref<40x1024xf32, #tpu.memory_space<vmem>>, vector<1x16xf32>,
      %swap3A_553 = arith.index_cast %scan3A_356 : i32 to index
      %swap3A_554 = arith.constant 608 : index
      %swap3A_555 = tpu.vector_load %arg8[%swap3A_553, %swap3A_554] {strides = array<i32>} : memref<40x1024xf32, #tpu.memory_space<vmem>>, vector<1x16xf32>,
      %swap3A_556 = vector.shape_cast %swap3A_555 : vector<1x16xf32> to vector<16xf32>
      %swap3A_557 = vector.shape_cast %convert_element_type3A : vector<16xf32> to vector<1x16xf32>
      tpu.vector_store %arg8[%swap3A_553, %swap3A_554], %swap3A_557 {add = true, strides = array<i32>} : memref<40x1024xf32, #tpu.memory_space<vmem>>, vector<1x16xf32>,
      %swap3A_558 = arith.index_cast %scan3A_356 : i32 to index
      %swap3A_559 = arith.constant 624 : index
      %swap3A_560 = tpu.vector_load %arg8[%swap3A_558, %swap3A_559] {strides = array<i32>} : memref<40x1024xf32, #tpu.memory_space<vmem>>, vector<1x16xf32>,
      %swap3A_561 = vector.shape_cast %swap3A_560 : vector<1x16xf32> to vector<16xf32>
      %swap3A_562 = vector.shape_cast %convert_element_type3A : vector<16xf32> to vector<1x16xf32>
      tpu.vector_store %arg8[%swap3A_558, %swap3A_559], %swap3A_562 {add = true, strides = array<i32>} : memref<40x1024xf32, #tpu.memory_space<vmem>>, vector<1x16xf32>,
      %swap3A_563 = arith.index_cast %scan3A_356 : i32 to index
      %swap3A_564 = arith.constant 640 : index
      %swap3A_565 = tpu.vector_load %arg8[%swap3A_563, %swap3A_564] {strides = array<i32>} : memref<40x1024xf32, #tpu.memory_space<vmem>>, vector<1x16xf32>,
      %swap3A_566 = vector.shape_cast %swap3A_565 : vector<1x16xf32> to vector<16xf32>
      %swap3A_567 = vector.shape_cast %convert_element_type3A : vector<16xf32> to vector<1x16xf32>
      tpu.vector_store %arg8[%swap3A_563, %swap3A_564], %swap3A_567 {add = true, strides = array<i32>} : memref<40x1024xf32, #tpu.memory_space<vmem>>, vector<1x16xf32>,
      %swap3A_568 = arith.index_cast %scan3A_356 : i32 to index
      %swap3A_569 = arith.constant 656 : index
      %swap3A_570 = tpu.vector_load %arg8[%swap3A_568, %swap3A_569] {strides = array<i32>} : memref<40x1024xf32, #tpu.memory_space<vmem>>, vector<1x16xf32>,
      %swap3A_571 = vector.shape_cast %swap3A_570 : vector<1x16xf32> to vector<16xf32>
      %swap3A_572 = vector.shape_cast %convert_element_type3A : vector<16xf32> to vector<1x16xf32>
      tpu.vector_store %arg8[%swap3A_568, %swap3A_569], %swap3A_572 {add = true, strides = array<i32>} : memref<40x1024xf32, #tpu.memory_space<vmem>>, vector<1x16xf32>,
      %swap3A_573 = arith.index_cast %scan3A_356 : i32 to index
      %swap3A_574 = arith.constant 672 : index
      %swap3A_575 = tpu.vector_load %arg8[%swap3A_573, %swap3A_574] {strides = array<i32>} : memref<40x1024xf32, #tpu.memory_space<vmem>>, vector<1x16xf32>,
      %swap3A_576 = vector.shape_cast %swap3A_575 : vector<1x16xf32> to vector<16xf32>
      %swap3A_577 = vector.shape_cast %convert_element_type3A : vector<16xf32> to vector<1x16xf32>
      tpu.vector_store %arg8[%swap3A_573, %swap3A_574], %swap3A_577 {add = true, strides = array<i32>} : memref<40x1024xf32, #tpu.memory_space<vmem>>, vector<1x16xf32>,
      %swap3A_578 = arith.index_cast %scan3A_356 : i32 to index
      %swap3A_579 = arith.constant 688 : index
      %swap3A_580 = tpu.vector_load %arg8[%swap3A_578, %swap3A_579] {strides = array<i32>} : memref<40x1024xf32, #tpu.memory_space<vmem>>, vector<1x16xf32>,
      %swap3A_581 = vector.shape_cast %swap3A_580 : vector<1x16xf32> to vector<16xf32>
      %swap3A_582 = vector.shape_cast %convert_element_type3A : vector<16xf32> to vector<1x16xf32>
      tpu.vector_store %arg8[%swap3A_578, %swap3A_579], %swap3A_582 {add = true, strides = array<i32>} : memref<40x1024xf32, #tpu.memory_space<vmem>>, vector<1x16xf32>,
      %swap3A_583 = arith.index_cast %scan3A_356 : i32 to index
      %swap3A_584 = arith.constant 704 : index
      %swap3A_585 = tpu.vector_load %arg8[%swap3A_583, %swap3A_584] {strides = array<i32>} : memref<40x1024xf32, #tpu.memory_space<vmem>>, vector<1x16xf32>,
      %swap3A_586 = vector.shape_cast %swap3A_585 : vector<1x16xf32> to vector<16xf32>
      %swap3A_587 = vector.shape_cast %convert_element_type3A : vector<16xf32> to vector<1x16xf32>
      tpu.vector_store %arg8[%swap3A_583, %swap3A_584], %swap3A_587 {add = true, strides = array<i32>} : memref<40x1024xf32, #tpu.memory_space<vmem>>, vector<1x16xf32>,
      %swap3A_588 = arith.index_cast %scan3A_356 : i32 to index
      %swap3A_589 = arith.constant 720 : index
      %swap3A_590 = tpu.vector_load %arg8[%swap3A_588, %swap3A_589] {strides = array<i32>} : memref<40x1024xf32, #tpu.memory_space<vmem>>, vector<1x16xf32>,
      %swap3A_591 = vector.shape_cast %swap3A_590 : vector<1x16xf32> to vector<16xf32>
      %swap3A_592 = vector.shape_cast %convert_element_type3A : vector<16xf32> to vector<1x16xf32>
      tpu.vector_store %arg8[%swap3A_588, %swap3A_589], %swap3A_592 {add = true, strides = array<i32>} : memref<40x1024xf32, #tpu.memory_space<vmem>>, vector<1x16xf32>,
      %swap3A_593 = arith.index_cast %scan3A_356 : i32 to index
      %swap3A_594 = arith.constant 736 : index
      %swap3A_595 = tpu.vector_load %arg8[%swap3A_593, %swap3A_594] {strides = array<i32>} : memref<40x1024xf32, #tpu.memory_space<vmem>>, vector<1x16xf32>,
      %swap3A_596 = vector.shape_cast %swap3A_595 : vector<1x16xf32> to vector<16xf32>
      %swap3A_597 = vector.shape_cast %convert_element_type3A : vector<16xf32> to vector<1x16xf32>
      tpu.vector_store %arg8[%swap3A_593, %swap3A_594], %swap3A_597 {add = true, strides = array<i32>} : memref<40x1024xf32, #tpu.memory_space<vmem>>, vector<1x16xf32>,
      %swap3A_598 = arith.index_cast %scan3A_356 : i32 to index
      %swap3A_599 = arith.constant 752 : index
      %swap3A_600 = tpu.vector_load %arg8[%swap3A_598, %swap3A_599] {strides = array<i32>} : memref<40x1024xf32, #tpu.memory_space<vmem>>, vector<1x16xf32>,
      %swap3A_601 = vector.shape_cast %swap3A_600 : vector<1x16xf32> to vector<16xf32>
      %swap3A_602 = vector.shape_cast %convert_element_type3A : vector<16xf32> to vector<1x16xf32>
      tpu.vector_store %arg8[%swap3A_598, %swap3A_599], %swap3A_602 {add = true, strides = array<i32>} : memref<40x1024xf32, #tpu.memory_space<vmem>>, vector<1x16xf32>,
      %swap3A_603 = arith.index_cast %scan3A_356 : i32 to index
      %swap3A_604 = arith.constant 768 : index
      %swap3A_605 = tpu.vector_load %arg8[%swap3A_603, %swap3A_604] {strides = array<i32>} : memref<40x1024xf32, #tpu.memory_space<vmem>>, vector<1x16xf32>,
      %swap3A_606 = vector.shape_cast %swap3A_605 : vector<1x16xf32> to vector<16xf32>
      %swap3A_607 = vector.shape_cast %convert_element_type3A : vector<16xf32> to vector<1x16xf32>
      tpu.vector_store %arg8[%swap3A_603, %swap3A_604], %swap3A_607 {add = true, strides = array<i32>} : memref<40x1024xf32, #tpu.memory_space<vmem>>, vector<1x16xf32>,
      %swap3A_608 = arith.index_cast %scan3A_356 : i32 to index
      %swap3A_609 = arith.constant 784 : index
      %swap3A_610 = tpu.vector_load %arg8[%swap3A_608, %swap3A_609] {strides = array<i32>} : memref<40x1024xf32, #tpu.memory_space<vmem>>, vector<1x16xf32>,
      %swap3A_611 = vector.shape_cast %swap3A_610 : vector<1x16xf32> to vector<16xf32>
      %swap3A_612 = vector.shape_cast %convert_element_type3A : vector<16xf32> to vector<1x16xf32>
      tpu.vector_store %arg8[%swap3A_608, %swap3A_609], %swap3A_612 {add = true, strides = array<i32>} : memref<40x1024xf32, #tpu.memory_space<vmem>>, vector<1x16xf32>,
      %swap3A_613 = arith.index_cast %scan3A_356 : i32 to index
      %swap3A_614 = arith.constant 800 : index
      %swap3A_615 = tpu.vector_load %arg8[%swap3A_613, %swap3A_614] {strides = array<i32>} : memref<40x1024xf32, #tpu.memory_space<vmem>>, vector<1x16xf32>,
      %swap3A_616 = vector.shape_cast %swap3A_615 : vector<1x16xf32> to vector<16xf32>
      %swap3A_617 = vector.shape_cast %convert_element_type3A : vector<16xf32> to vector<1x16xf32>
      tpu.vector_store %arg8[%swap3A_613, %swap3A_614], %swap3A_617 {add = true, strides = array<i32>} : memref<40x1024xf32, #tpu.memory_space<vmem>>, vector<1x16xf32>,
      %swap3A_618 = arith.index_cast %scan3A_356 : i32 to index
      %swap3A_619 = arith.constant 816 : index
      %swap3A_620 = tpu.vector_load %arg8[%swap3A_618, %swap3A_619] {strides = array<i32>} : memref<40x1024xf32, #tpu.memory_space<vmem>>, vector<1x16xf32>,
      %swap3A_621 = vector.shape_cast %swap3A_620 : vector<1x16xf32> to vector<16xf32>
      %swap3A_622 = vector.shape_cast %convert_element_type3A : vector<16xf32> to vector<1x16xf32>
      tpu.vector_store %arg8[%swap3A_618, %swap3A_619], %swap3A_622 {add = true, strides = array<i32>} : memref<40x1024xf32, #tpu.memory_space<vmem>>, vector<1x16xf32>,
      %swap3A_623 = arith.index_cast %scan3A_356 : i32 to index
      %swap3A_624 = arith.constant 832 : index
      %swap3A_625 = tpu.vector_load %arg8[%swap3A_623, %swap3A_624] {strides = array<i32>} : memref<40x1024xf32, #tpu.memory_space<vmem>>, vector<1x16xf32>,
      %swap3A_626 = vector.shape_cast %swap3A_625 : vector<1x16xf32> to vector<16xf32>
      %swap3A_627 = vector.shape_cast %convert_element_type3A : vector<16xf32> to vector<1x16xf32>
      tpu.vector_store %arg8[%swap3A_623, %swap3A_624], %swap3A_627 {add = true, strides = array<i32>} : memref<40x1024xf32, #tpu.memory_space<vmem>>, vector<1x16xf32>,
      %swap3A_628 = arith.index_cast %scan3A_356 : i32 to index
      %swap3A_629 = arith.constant 848 : index
      %swap3A_630 = tpu.vector_load %arg8[%swap3A_628, %swap3A_629] {strides = array<i32>} : memref<40x1024xf32, #tpu.memory_space<vmem>>, vector<1x16xf32>,
      %swap3A_631 = vector.shape_cast %swap3A_630 : vector<1x16xf32> to vector<16xf32>
      %swap3A_632 = vector.shape_cast %convert_element_type3A : vector<16xf32> to vector<1x16xf32>
      tpu.vector_store %arg8[%swap3A_628, %swap3A_629], %swap3A_632 {add = true, strides = array<i32>} : memref<40x1024xf32, #tpu.memory_space<vmem>>, vector<1x16xf32>,
      %swap3A_633 = arith.index_cast %scan3A_356 : i32 to index
      %swap3A_634 = arith.constant 864 : index
      %swap3A_635 = tpu.vector_load %arg8[%swap3A_633, %swap3A_634] {strides = array<i32>} : memref<40x1024xf32, #tpu.memory_space<vmem>>, vector<1x16xf32>,
      %swap3A_636 = vector.shape_cast %swap3A_635 : vector<1x16xf32> to vector<16xf32>
      %swap3A_637 = vector.shape_cast %convert_element_type3A : vector<16xf32> to vector<1x16xf32>
      tpu.vector_store %arg8[%swap3A_633, %swap3A_634], %swap3A_637 {add = true, strides = array<i32>} : memref<40x1024xf32, #tpu.memory_space<vmem>>, vector<1x16xf32>,
      %swap3A_638 = arith.index_cast %scan3A_356 : i32 to index
      %swap3A_639 = arith.constant 880 : index
      %swap3A_640 = tpu.vector_load %arg8[%swap3A_638, %swap3A_639] {strides = array<i32>} : memref<40x1024xf32, #tpu.memory_space<vmem>>, vector<1x16xf32>,
      %swap3A_641 = vector.shape_cast %swap3A_640 : vector<1x16xf32> to vector<16xf32>
      %swap3A_642 = vector.shape_cast %convert_element_type3A : vector<16xf32> to vector<1x16xf32>
      tpu.vector_store %arg8[%swap3A_638, %swap3A_639], %swap3A_642 {add = true, strides = array<i32>} : memref<40x1024xf32, #tpu.memory_space<vmem>>, vector<1x16xf32>,
      %swap3A_643 = arith.index_cast %scan3A_356 : i32 to index
      %swap3A_644 = arith.constant 896 : index
      %swap3A_645 = tpu.vector_load %arg8[%swap3A_643, %swap3A_644] {strides = array<i32>} : memref<40x1024xf32, #tpu.memory_space<vmem>>, vector<1x16xf32>,
      %swap3A_646 = vector.shape_cast %swap3A_645 : vector<1x16xf32> to vector<16xf32>
      %swap3A_647 = vector.shape_cast %convert_element_type3A : vector<16xf32> to vector<1x16xf32>
      tpu.vector_store %arg8[%swap3A_643, %swap3A_644], %swap3A_647 {add = true, strides = array<i32>} : memref<40x1024xf32, #tpu.memory_space<vmem>>, vector<1x16xf32>,
      %swap3A_648 = arith.index_cast %scan3A_356 : i32 to index
      %swap3A_649 = arith.constant 912 : index
      %swap3A_650 = tpu.vector_load %arg8[%swap3A_648, %swap3A_649] {strides = array<i32>} : memref<40x1024xf32, #tpu.memory_space<vmem>>, vector<1x16xf32>,
      %swap3A_651 = vector.shape_cast %swap3A_650 : vector<1x16xf32> to vector<16xf32>
      %swap3A_652 = vector.shape_cast %convert_element_type3A : vector<16xf32> to vector<1x16xf32>
      tpu.vector_store %arg8[%swap3A_648, %swap3A_649], %swap3A_652 {add = true, strides = array<i32>} : memref<40x1024xf32, #tpu.memory_space<vmem>>, vector<1x16xf32>,
      %swap3A_653 = arith.index_cast %scan3A_356 : i32 to index
      %swap3A_654 = arith.constant 928 : index
      %swap3A_655 = tpu.vector_load %arg8[%swap3A_653, %swap3A_654] {strides = array<i32>} : memref<40x1024xf32, #tpu.memory_space<vmem>>, vector<1x16xf32>,
      %swap3A_656 = vector.shape_cast %swap3A_655 : vector<1x16xf32> to vector<16xf32>
      %swap3A_657 = vector.shape_cast %convert_element_type3A : vector<16xf32> to vector<1x16xf32>
      tpu.vector_store %arg8[%swap3A_653, %swap3A_654], %swap3A_657 {add = true, strides = array<i32>} : memref<40x1024xf32, #tpu.memory_space<vmem>>, vector<1x16xf32>,
      %swap3A_658 = arith.index_cast %scan3A_356 : i32 to index
      %swap3A_659 = arith.constant 944 : index
      %swap3A_660 = tpu.vector_load %arg8[%swap3A_658, %swap3A_659] {strides = array<i32>} : memref<40x1024xf32, #tpu.memory_space<vmem>>, vector<1x16xf32>,
      %swap3A_661 = vector.shape_cast %swap3A_660 : vector<1x16xf32> to vector<16xf32>
      %swap3A_662 = vector.shape_cast %convert_element_type3A : vector<16xf32> to vector<1x16xf32>
      tpu.vector_store %arg8[%swap3A_658, %swap3A_659], %swap3A_662 {add = true, strides = array<i32>} : memref<40x1024xf32, #tpu.memory_space<vmem>>, vector<1x16xf32>,
      %swap3A_663 = arith.index_cast %scan3A_356 : i32 to index
      %swap3A_664 = arith.constant 960 : index
      %swap3A_665 = tpu.vector_load %arg8[%swap3A_663, %swap3A_664] {strides = array<i32>} : memref<40x1024xf32, #tpu.memory_space<vmem>>, vector<1x16xf32>,
      %swap3A_666 = vector.shape_cast %swap3A_665 : vector<1x16xf32> to vector<16xf32>
      %swap3A_667 = vector.shape_cast %convert_element_type3A : vector<16xf32> to vector<1x16xf32>
      tpu.vector_store %arg8[%swap3A_663, %swap3A_664], %swap3A_667 {add = true, strides = array<i32>} : memref<40x1024xf32, #tpu.memory_space<vmem>>, vector<1x16xf32>,
      %swap3A_668 = arith.index_cast %scan3A_356 : i32 to index
      %swap3A_669 = arith.constant 976 : index
      %swap3A_670 = tpu.vector_load %arg8[%swap3A_668, %swap3A_669] {strides = array<i32>} : memref<40x1024xf32, #tpu.memory_space<vmem>>, vector<1x16xf32>,
      %swap3A_671 = vector.shape_cast %swap3A_670 : vector<1x16xf32> to vector<16xf32>
      %swap3A_672 = vector.shape_cast %convert_element_type3A : vector<16xf32> to vector<1x16xf32>
      tpu.vector_store %arg8[%swap3A_668, %swap3A_669], %swap3A_672 {add = true, strides = array<i32>} : memref<40x1024xf32, #tpu.memory_space<vmem>>, vector<1x16xf32>,
      %swap3A_673 = arith.index_cast %scan3A_356 : i32 to index
      %swap3A_674 = arith.constant 992 : index
      %swap3A_675 = tpu.vector_load %arg8[%swap3A_673, %swap3A_674] {strides = array<i32>} : memref<40x1024xf32, #tpu.memory_space<vmem>>, vector<1x16xf32>,
      %swap3A_676 = vector.shape_cast %swap3A_675 : vector<1x16xf32> to vector<16xf32>
      %swap3A_677 = vector.shape_cast %convert_element_type3A : vector<16xf32> to vector<1x16xf32>
      tpu.vector_store %arg8[%swap3A_673, %swap3A_674], %swap3A_677 {add = true, strides = array<i32>} : memref<40x1024xf32, #tpu.memory_space<vmem>>, vector<1x16xf32>,
      %swap3A_678 = arith.index_cast %scan3A_356 : i32 to index
      %swap3A_679 = arith.constant 1008 : index
      %swap3A_680 = tpu.vector_load %arg8[%swap3A_678, %swap3A_679] {strides = array<i32>} : memref<40x1024xf32, #tpu.memory_space<vmem>>, vector<1x16xf32>,
      %swap3A_681 = vector.shape_cast %swap3A_680 : vector<1x16xf32> to vector<16xf32>
      %swap3A_682 = vector.shape_cast %convert_element_type3A : vector<16xf32> to vector<1x16xf32>
      tpu.vector_store %arg8[%swap3A_678, %swap3A_679], %swap3A_682 {add = true, strides = array<i32>} : memref<40x1024xf32, #tpu.memory_space<vmem>>, vector<1x16xf32>,
    }
    %scan3A_204 = arith.constant 40 : i32
    %add3A_205 = arith.constant 96 : i32
    %add3A_206 = arith.addi %mul3A_20, %add3A_205 : i32
    %dma_start3A_207 = arith.constant 0 : i32
    %dma_start3A_208 = arith.constant 0 : i32
    %dma_start3A_209 = tpu.memref_slice %arg8[%dma_start3A_207, %dma_start3A_208] : memref<40x1024xf32, #tpu.memory_space<vmem>> -> memref<40x1024xf32, #tpu.memory_space<vmem>>
    %dma_start3A_210 = arith.constant 0 : i32
    %dma_start3A_211 = tpu.memref_slice %arg5[%select_n3A, %add3A_206, %dma_start3A_210] : memref<4x2048x1024xf32, #tpu.memory_space<hbm>> -> memref<1x40x1024xf32, #tpu.memory_space<hbm>>
    %dma_start3A_212 = tpu.memref_squeeze %dma_start3A_211 : memref<1x40x1024xf32, #tpu.memory_space<hbm>> -> memref<40x1024xf32, #tpu.memory_space<hbm>>
    %dma_start3A_213 = arith.constant 0 : i32
    %dma_start3A_214 = tpu.memref_slice %arg5[%select_n3A, %add3A_206, %dma_start3A_213] : memref<4x2048x1024xf32, #tpu.memory_space<hbm>> -> memref<1x40x1024xf32, #tpu.memory_space<hbm>>
    %dma_start3A_215 = tpu.memref_squeeze %dma_start3A_214 : memref<1x40x1024xf32, #tpu.memory_space<hbm>> -> memref<40x1024xf32, #tpu.memory_space<hbm>>
    %dma_start3A_216 = arith.constant 0 : i32
    %dma_start3A_217 = arith.constant 0 : i32
    %dma_start3A_218 = tpu.memref_slice %arg8[%dma_start3A_216, %dma_start3A_217] : memref<40x1024xf32, #tpu.memory_space<vmem>> -> memref<40x1024xf32, #tpu.memory_space<vmem>>
    tpu.enqueue_dma source(%dma_start3A_218 : memref<40x1024xf32, #tpu.memory_space<vmem>>) target(%dma_start3A_215 : memref<40x1024xf32, #tpu.memory_space<hbm>>) target_semaphore(%arg14 : memref<!tpu.dma_semaphore, #tpu.memory_space<semaphore_mem>>)
    %dma_wait3A_219 = arith.constant 0 : i32
    %dma_wait3A_220 = arith.constant 0 : i32
    %dma_wait3A_221 = tpu.memref_slice %arg8[%dma_wait3A_219, %dma_wait3A_220] : memref<40x1024xf32, #tpu.memory_space<vmem>> -> memref<40x1024xf32, #tpu.memory_space<vmem>>
    %dma_wait3A_222 = arith.constant 0 : i32
    %dma_wait3A_223 = tpu.memref_slice %arg5[%select_n3A, %add3A_206, %dma_wait3A_222] : memref<4x2048x1024xf32, #tpu.memory_space<hbm>> -> memref<1x40x1024xf32, #tpu.memory_space<hbm>>
    %dma_wait3A_224 = tpu.memref_squeeze %dma_wait3A_223 : memref<1x40x1024xf32, #tpu.memory_space<hbm>> -> memref<40x1024xf32, #tpu.memory_space<hbm>>
    %dma_wait3A_225 = arith.constant 0 : i32
    %dma_wait3A_226 = tpu.memref_slice %arg5[%select_n3A, %add3A_206, %dma_wait3A_225] : memref<4x2048x1024xf32, #tpu.memory_space<hbm>> -> memref<1x40x1024xf32, #tpu.memory_space<hbm>>
    %dma_wait3A_227 = tpu.memref_squeeze %dma_wait3A_226 : memref<1x40x1024xf32, #tpu.memory_space<hbm>> -> memref<40x1024xf32, #tpu.memory_space<hbm>>
    %dma_wait3A_228 = arith.constant 0 : i32
    %dma_wait3A_229 = arith.constant 0 : i32
    %dma_wait3A_230 = tpu.memref_slice %arg8[%dma_wait3A_228, %dma_wait3A_229] : memref<40x1024xf32, #tpu.memory_space<vmem>> -> memref<40x1024xf32, #tpu.memory_space<vmem>>
    tpu.wait_dma2 semaphore(%arg14 : memref<!tpu.dma_semaphore, #tpu.memory_space<semaphore_mem>>) src(%dma_wait3A_230 : memref<40x1024xf32, #tpu.memory_space<vmem>>) dst(%dma_wait3A_227 : memref<40x1024xf32, #tpu.memory_space<hbm>>)
    %dma_start3A_231 = arith.constant 0 : i32
    %dma_start3A_232 = arith.constant 0 : i32
    %dma_start3A_233 = tpu.memref_slice %arg8[%dma_start3A_231, %dma_start3A_232] : memref<40x1024xf32, #tpu.memory_space<vmem>> -> memref<40x1024xf32, #tpu.memory_space<vmem>>
    %dma_start3A_234 = arith.constant 216 : i32
    %dma_start3A_235 = tpu.memref_slice %arg6[%dma_start3A_234] : memref<256xi32, #tpu.memory_space<vmem>> -> memref<40xi32, #tpu.memory_space<vmem>>
    %dma_start3A_236 = arith.constant 0 : i32
    %dma_start3A_237 = arith.constant 0 : i32
    %dma_start3A_238 = tpu.memref_slice %arg4[%dma_start3A_236, %dma_start3A_237] : memref<100000x1024xf32, #tpu.memory_space<hbm>> -> memref<100000x1024xf32, #tpu.memory_space<hbm>>
    tpu.enqueue_indirect_dma source(%dma_start3A_238 : memref<100000x1024xf32, #tpu.memory_space<hbm>>) target(%dma_start3A_233 : memref<40x1024xf32, #tpu.memory_space<vmem>>) offsets(%dma_start3A_235 : memref<40xi32, #tpu.memory_space<vmem>>) semaphore(%arg11 : memref<!tpu.dma_semaphore, #tpu.memory_space<semaphore_mem>>)
    %dma_wait3A_239 = arith.constant 0 : i32
    %dma_wait3A_240 = arith.constant 0 : i32
    %dma_wait3A_241 = tpu.memref_slice %arg9[%dma_wait3A_239, %dma_wait3A_240] : memref<40x1024xf32, #tpu.memory_space<vmem>> -> memref<40x1024xf32, #tpu.memory_space<vmem>>
    %dma_wait3A_242 = arith.constant 136 : i32
    %dma_wait3A_243 = tpu.memref_slice %arg6[%dma_wait3A_242] : memref<256xi32, #tpu.memory_space<vmem>> -> memref<40xi32, #tpu.memory_space<vmem>>
    %dma_wait3A_244 = arith.constant 0 : i32
    %dma_wait3A_245 = arith.constant 0 : i32
    %dma_wait3A_246 = tpu.memref_slice %arg4[%dma_wait3A_244, %dma_wait3A_245] : memref<100000x1024xf32, #tpu.memory_space<hbm>> -> memref<100000x1024xf32, #tpu.memory_space<hbm>>
    tpu.wait_indirect_dma semaphore(%arg12 : memref<!tpu.dma_semaphore, #tpu.memory_space<semaphore_mem>>) src(%dma_wait3A_246 : memref<100000x1024xf32, #tpu.memory_space<hbm>>) dst(%dma_wait3A_241 : memref<40x1024xf32, #tpu.memory_space<vmem>>)
    %scan3A_247 = arith.constant 0 : i32
    %scan3A_248 = arith.constant 40 : i32
    %scan3A_249 = arith.addi %scan3A_247, %scan3A_248 : i32
    %scan3A_250 = arith.constant 1 : i32
    scf.for %scan3A_356 = %scan3A_247 to %scan3A_249 step %scan3A_250  : i32 {
      %add3A_357 = arith.constant 136 : i32
      %add3A_358 = arith.addi %add3A_357, %scan3A_356 : i32
      %mul3A_359 = arith.constant 16 : i32
      %mul3A_360 = arith.muli %add3A_358, %mul3A_359 : i32
      %get3A = arith.index_cast %mul3A_360 : i32 to index
      %get3A_361 = tpu.vector_load %arg7[%get3A] {strides = array<i32>} : memref<4096xf32, #tpu.memory_space<vmem>>, vector<16xf32>,
      %get3A_362 = vector.shape_cast %get3A_361 : vector<16xf32> to vector<16xf32>
      %add3A_363 = arith.addf %get3A_362, %convert_element_type3A : vector<16xf32>
      %swap3A = arith.index_cast %scan3A_356 : i32 to index
      %swap3A_364 = arith.constant 0 : index
      %swap3A_365 = tpu.vector_load %arg9[%swap3A, %swap3A_364] {strides = array<i32>} : memref<40x1024xf32, #tpu.memory_space<vmem>>, vector<1x16xf32>,
      %swap3A_366 = vector.shape_cast %swap3A_365 : vector<1x16xf32> to vector<16xf32>
      %swap3A_367 = vector.shape_cast %add3A_363 : vector<16xf32> to vector<1x16xf32>
      tpu.vector_store %arg9[%swap3A, %swap3A_364], %swap3A_367 {add = true, strides = array<i32>} : memref<40x1024xf32, #tpu.memory_space<vmem>>, vector<1x16xf32>,
      %swap3A_368 = arith.index_cast %scan3A_356 : i32 to index
      %swap3A_369 = arith.constant 16 : index
      %swap3A_370 = tpu.vector_load %arg9[%swap3A_368, %swap3A_369] {strides = array<i32>} : memref<40x1024xf32, #tpu.memory_space<vmem>>, vector<1x16xf32>,
      %swap3A_371 = vector.shape_cast %swap3A_370 : vector<1x16xf32> to vector<16xf32>
      %swap3A_372 = vector.shape_cast %convert_element_type3A : vector<16xf32> to vector<1x16xf32>
      tpu.vector_store %arg9[%swap3A_368, %swap3A_369], %swap3A_372 {add = true, strides = array<i32>} : memref<40x1024xf32, #tpu.memory_space<vmem>>, vector<1x16xf32>,
      %swap3A_373 = arith.index_cast %scan3A_356 : i32 to index
      %swap3A_374 = arith.constant 32 : index
      %swap3A_375 = tpu.vector_load %arg9[%swap3A_373, %swap3A_374] {strides = array<i32>} : memref<40x1024xf32, #tpu.memory_space<vmem>>, vector<1x16xf32>,
      %swap3A_376 = vector.shape_cast %swap3A_375 : vector<1x16xf32> to vector<16xf32>
      %swap3A_377 = vector.shape_cast %convert_element_type3A : vector<16xf32> to vector<1x16xf32>
      tpu.vector_store %arg9[%swap3A_373, %swap3A_374], %swap3A_377 {add = true, strides = array<i32>} : memref<40x1024xf32, #tpu.memory_space<vmem>>, vector<1x16xf32>,
      %swap3A_378 = arith.index_cast %scan3A_356 : i32 to index
      %swap3A_379 = arith.constant 48 : index
      %swap3A_380 = tpu.vector_load %arg9[%swap3A_378, %swap3A_379] {strides = array<i32>} : memref<40x1024xf32, #tpu.memory_space<vmem>>, vector<1x16xf32>,
      %swap3A_381 = vector.shape_cast %swap3A_380 : vector<1x16xf32> to vector<16xf32>
      %swap3A_382 = vector.shape_cast %convert_element_type3A : vector<16xf32> to vector<1x16xf32>
      tpu.vector_store %arg9[%swap3A_378, %swap3A_379], %swap3A_382 {add = true, strides = array<i32>} : memref<40x1024xf32, #tpu.memory_space<vmem>>, vector<1x16xf32>,
      %swap3A_383 = arith.index_cast %scan3A_356 : i32 to index
      %swap3A_384 = arith.constant 64 : index
      %swap3A_385 = tpu.vector_load %arg9[%swap3A_383, %swap3A_384] {strides = array<i32>} : memref<40x1024xf32, #tpu.memory_space<vmem>>, vector<1x16xf32>,
      %swap3A_386 = vector.shape_cast %swap3A_385 : vector<1x16xf32> to vector<16xf32>
      %swap3A_387 = vector.shape_cast %convert_element_type3A : vector<16xf32> to vector<1x16xf32>
      tpu.vector_store %arg9[%swap3A_383, %swap3A_384], %swap3A_387 {add = true, strides = array<i32>} : memref<40x1024xf32, #tpu.memory_space<vmem>>, vector<1x16xf32>,
      %swap3A_388 = arith.index_cast %scan3A_356 : i32 to index
      %swap3A_389 = arith.constant 80 : index
      %swap3A_390 = tpu.vector_load %arg9[%swap3A_388, %swap3A_389] {strides = array<i32>} : memref<40x1024xf32, #tpu.memory_space<vmem>>, vector<1x16xf32>,
      %swap3A_391 = vector.shape_cast %swap3A_390 : vector<1x16xf32> to vector<16xf32>
      %swap3A_392 = vector.shape_cast %convert_element_type3A : vector<16xf32> to vector<1x16xf32>
      tpu.vector_store %arg9[%swap3A_388, %swap3A_389], %swap3A_392 {add = true, strides = array<i32>} : memref<40x1024xf32, #tpu.memory_space<vmem>>, vector<1x16xf32>,
      %swap3A_393 = arith.index_cast %scan3A_356 : i32 to index
      %swap3A_394 = arith.constant 96 : index
      %swap3A_395 = tpu.vector_load %arg9[%swap3A_393, %swap3A_394] {strides = array<i32>} : memref<40x1024xf32, #tpu.memory_space<vmem>>, vector<1x16xf32>,
      %swap3A_396 = vector.shape_cast %swap3A_395 : vector<1x16xf32> to vector<16xf32>
      %swap3A_397 = vector.shape_cast %convert_element_type3A : vector<16xf32> to vector<1x16xf32>
      tpu.vector_store %arg9[%swap3A_393, %swap3A_394], %swap3A_397 {add = true, strides = array<i32>} : memref<40x1024xf32, #tpu.memory_space<vmem>>, vector<1x16xf32>,
      %swap3A_398 = arith.index_cast %scan3A_356 : i32 to index
      %swap3A_399 = arith.constant 112 : index
      %swap3A_400 = tpu.vector_load %arg9[%swap3A_398, %swap3A_399] {strides = array<i32>} : memref<40x1024xf32, #tpu.memory_space<vmem>>, vector<1x16xf32>,
      %swap3A_401 = vector.shape_cast %swap3A_400 : vector<1x16xf32> to vector<16xf32>
      %swap3A_402 = vector.shape_cast %convert_element_type3A : vector<16xf32> to vector<1x16xf32>
      tpu.vector_store %arg9[%swap3A_398, %swap3A_399], %swap3A_402 {add = true, strides = array<i32>} : memref<40x1024xf32, #tpu.memory_space<vmem>>, vector<1x16xf32>,
      %swap3A_403 = arith.index_cast %scan3A_356 : i32 to index
      %swap3A_404 = arith.constant 128 : index
      %swap3A_405 = tpu.vector_load %arg9[%swap3A_403, %swap3A_404] {strides = array<i32>} : memref<40x1024xf32, #tpu.memory_space<vmem>>, vector<1x16xf32>,
      %swap3A_406 = vector.shape_cast %swap3A_405 : vector<1x16xf32> to vector<16xf32>
      %swap3A_407 = vector.shape_cast %convert_element_type3A : vector<16xf32> to vector<1x16xf32>
      tpu.vector_store %arg9[%swap3A_403, %swap3A_404], %swap3A_407 {add = true, strides = array<i32>} : memref<40x1024xf32, #tpu.memory_space<vmem>>, vector<1x16xf32>,
      %swap3A_408 = arith.index_cast %scan3A_356 : i32 to index
      %swap3A_409 = arith.constant 144 : index
      %swap3A_410 = tpu.vector_load %arg9[%swap3A_408, %swap3A_409] {strides = array<i32>} : memref<40x1024xf32, #tpu.memory_space<vmem>>, vector<1x16xf32>,
      %swap3A_411 = vector.shape_cast %swap3A_410 : vector<1x16xf32> to vector<16xf32>
      %swap3A_412 = vector.shape_cast %convert_element_type3A : vector<16xf32> to vector<1x16xf32>
      tpu.vector_store %arg9[%swap3A_408, %swap3A_409], %swap3A_412 {add = true, strides = array<i32>} : memref<40x1024xf32, #tpu.memory_space<vmem>>, vector<1x16xf32>,
      %swap3A_413 = arith.index_cast %scan3A_356 : i32 to index
      %swap3A_414 = arith.constant 160 : index
      %swap3A_415 = tpu.vector_load %arg9[%swap3A_413, %swap3A_414] {strides = array<i32>} : memref<40x1024xf32, #tpu.memory_space<vmem>>, vector<1x16xf32>,
      %swap3A_416 = vector.shape_cast %swap3A_415 : vector<1x16xf32> to vector<16xf32>
      %swap3A_417 = vector.shape_cast %convert_element_type3A : vector<16xf32> to vector<1x16xf32>
      tpu.vector_store %arg9[%swap3A_413, %swap3A_414], %swap3A_417 {add = true, strides = array<i32>} : memref<40x1024xf32, #tpu.memory_space<vmem>>, vector<1x16xf32>,
      %swap3A_418 = arith.index_cast %scan3A_356 : i32 to index
      %swap3A_419 = arith.constant 176 : index
      %swap3A_420 = tpu.vector_load %arg9[%swap3A_418, %swap3A_419] {strides = array<i32>} : memref<40x1024xf32, #tpu.memory_space<vmem>>, vector<1x16xf32>,
      %swap3A_421 = vector.shape_cast %swap3A_420 : vector<1x16xf32> to vector<16xf32>
      %swap3A_422 = vector.shape_cast %convert_element_type3A : vector<16xf32> to vector<1x16xf32>
      tpu.vector_store %arg9[%swap3A_418, %swap3A_419], %swap3A_422 {add = true, strides = array<i32>} : memref<40x1024xf32, #tpu.memory_space<vmem>>, vector<1x16xf32>,
      %swap3A_423 = arith.index_cast %scan3A_356 : i32 to index
      %swap3A_424 = arith.constant 192 : index
      %swap3A_425 = tpu.vector_load %arg9[%swap3A_423, %swap3A_424] {strides = array<i32>} : memref<40x1024xf32, #tpu.memory_space<vmem>>, vector<1x16xf32>,
      %swap3A_426 = vector.shape_cast %swap3A_425 : vector<1x16xf32> to vector<16xf32>
      %swap3A_427 = vector.shape_cast %convert_element_type3A : vector<16xf32> to vector<1x16xf32>
      tpu.vector_store %arg9[%swap3A_423, %swap3A_424], %swap3A_427 {add = true, strides = array<i32>} : memref<40x1024xf32, #tpu.memory_space<vmem>>, vector<1x16xf32>,
      %swap3A_428 = arith.index_cast %scan3A_356 : i32 to index
      %swap3A_429 = arith.constant 208 : index
      %swap3A_430 = tpu.vector_load %arg9[%swap3A_428, %swap3A_429] {strides = array<i32>} : memref<40x1024xf32, #tpu.memory_space<vmem>>, vector<1x16xf32>,
      %swap3A_431 = vector.shape_cast %swap3A_430 : vector<1x16xf32> to vector<16xf32>
      %swap3A_432 = vector.shape_cast %convert_element_type3A : vector<16xf32> to vector<1x16xf32>
      tpu.vector_store %arg9[%swap3A_428, %swap3A_429], %swap3A_432 {add = true, strides = array<i32>} : memref<40x1024xf32, #tpu.memory_space<vmem>>, vector<1x16xf32>,
      %swap3A_433 = arith.index_cast %scan3A_356 : i32 to index
      %swap3A_434 = arith.constant 224 : index
      %swap3A_435 = tpu.vector_load %arg9[%swap3A_433, %swap3A_434] {strides = array<i32>} : memref<40x1024xf32, #tpu.memory_space<vmem>>, vector<1x16xf32>,
      %swap3A_436 = vector.shape_cast %swap3A_435 : vector<1x16xf32> to vector<16xf32>
      %swap3A_437 = vector.shape_cast %convert_element_type3A : vector<16xf32> to vector<1x16xf32>
      tpu.vector_store %arg9[%swap3A_433, %swap3A_434], %swap3A_437 {add = true, strides = array<i32>} : memref<40x1024xf32, #tpu.memory_space<vmem>>, vector<1x16xf32>,
      %swap3A_438 = arith.index_cast %scan3A_356 : i32 to index
      %swap3A_439 = arith.constant 240 : index
      %swap3A_440 = tpu.vector_load %arg9[%swap3A_438, %swap3A_439] {strides = array<i32>} : memref<40x1024xf32, #tpu.memory_space<vmem>>, vector<1x16xf32>,
      %swap3A_441 = vector.shape_cast %swap3A_440 : vector<1x16xf32> to vector<16xf32>
      %swap3A_442 = vector.shape_cast %convert_element_type3A : vector<16xf32> to vector<1x16xf32>
      tpu.vector_store %arg9[%swap3A_438, %swap3A_439], %swap3A_442 {add = true, strides = array<i32>} : memref<40x1024xf32, #tpu.memory_space<vmem>>, vector<1x16xf32>,
      %swap3A_443 = arith.index_cast %scan3A_356 : i32 to index
      %swap3A_444 = arith.constant 256 : index
      %swap3A_445 = tpu.vector_load %arg9[%swap3A_443, %swap3A_444] {strides = array<i32>} : memref<40x1024xf32, #tpu.memory_space<vmem>>, vector<1x16xf32>,
      %swap3A_446 = vector.shape_cast %swap3A_445 : vector<1x16xf32> to vector<16xf32>
      %swap3A_447 = vector.shape_cast %convert_element_type3A : vector<16xf32> to vector<1x16xf32>
      tpu.vector_store %arg9[%swap3A_443, %swap3A_444], %swap3A_447 {add = true, strides = array<i32>} : memref<40x1024xf32, #tpu.memory_space<vmem>>, vector<1x16xf32>,
      %swap3A_448 = arith.index_cast %scan3A_356 : i32 to index
      %swap3A_449 = arith.constant 272 : index
      %swap3A_450 = tpu.vector_load %arg9[%swap3A_448, %swap3A_449] {strides = array<i32>} : memref<40x1024xf32, #tpu.memory_space<vmem>>, vector<1x16xf32>,
      %swap3A_451 = vector.shape_cast %swap3A_450 : vector<1x16xf32> to vector<16xf32>
      %swap3A_452 = vector.shape_cast %convert_element_type3A : vector<16xf32> to vector<1x16xf32>
      tpu.vector_store %arg9[%swap3A_448, %swap3A_449], %swap3A_452 {add = true, strides = array<i32>} : memref<40x1024xf32, #tpu.memory_space<vmem>>, vector<1x16xf32>,
      %swap3A_453 = arith.index_cast %scan3A_356 : i32 to index
      %swap3A_454 = arith.constant 288 : index
      %swap3A_455 = tpu.vector_load %arg9[%swap3A_453, %swap3A_454] {strides = array<i32>} : memref<40x1024xf32, #tpu.memory_space<vmem>>, vector<1x16xf32>,
      %swap3A_456 = vector.shape_cast %swap3A_455 : vector<1x16xf32> to vector<16xf32>
      %swap3A_457 = vector.shape_cast %convert_element_type3A : vector<16xf32> to vector<1x16xf32>
      tpu.vector_store %arg9[%swap3A_453, %swap3A_454], %swap3A_457 {add = true, strides = array<i32>} : memref<40x1024xf32, #tpu.memory_space<vmem>>, vector<1x16xf32>,
      %swap3A_458 = arith.index_cast %scan3A_356 : i32 to index
      %swap3A_459 = arith.constant 304 : index
      %swap3A_460 = tpu.vector_load %arg9[%swap3A_458, %swap3A_459] {strides = array<i32>} : memref<40x1024xf32, #tpu.memory_space<vmem>>, vector<1x16xf32>,
      %swap3A_461 = vector.shape_cast %swap3A_460 : vector<1x16xf32> to vector<16xf32>
      %swap3A_462 = vector.shape_cast %convert_element_type3A : vector<16xf32> to vector<1x16xf32>
      tpu.vector_store %arg9[%swap3A_458, %swap3A_459], %swap3A_462 {add = true, strides = array<i32>} : memref<40x1024xf32, #tpu.memory_space<vmem>>, vector<1x16xf32>,
      %swap3A_463 = arith.index_cast %scan3A_356 : i32 to index
      %swap3A_464 = arith.constant 320 : index
      %swap3A_465 = tpu.vector_load %arg9[%swap3A_463, %swap3A_464] {strides = array<i32>} : memref<40x1024xf32, #tpu.memory_space<vmem>>, vector<1x16xf32>,
      %swap3A_466 = vector.shape_cast %swap3A_465 : vector<1x16xf32> to vector<16xf32>
      %swap3A_467 = vector.shape_cast %convert_element_type3A : vector<16xf32> to vector<1x16xf32>
      tpu.vector_store %arg9[%swap3A_463, %swap3A_464], %swap3A_467 {add = true, strides = array<i32>} : memref<40x1024xf32, #tpu.memory_space<vmem>>, vector<1x16xf32>,
      %swap3A_468 = arith.index_cast %scan3A_356 : i32 to index
      %swap3A_469 = arith.constant 336 : index
      %swap3A_470 = tpu.vector_load %arg9[%swap3A_468, %swap3A_469] {strides = array<i32>} : memref<40x1024xf32, #tpu.memory_space<vmem>>, vector<1x16xf32>,
      %swap3A_471 = vector.shape_cast %swap3A_470 : vector<1x16xf32> to vector<16xf32>
      %swap3A_472 = vector.shape_cast %convert_element_type3A : vector<16xf32> to vector<1x16xf32>
      tpu.vector_store %arg9[%swap3A_468, %swap3A_469], %swap3A_472 {add = true, strides = array<i32>} : memref<40x1024xf32, #tpu.memory_space<vmem>>, vector<1x16xf32>,
      %swap3A_473 = arith.index_cast %scan3A_356 : i32 to index
      %swap3A_474 = arith.constant 352 : index
      %swap3A_475 = tpu.vector_load %arg9[%swap3A_473, %swap3A_474] {strides = array<i32>} : memref<40x1024xf32, #tpu.memory_space<vmem>>, vector<1x16xf32>,
      %swap3A_476 = vector.shape_cast %swap3A_475 : vector<1x16xf32> to vector<16xf32>
      %swap3A_477 = vector.shape_cast %convert_element_type3A : vector<16xf32> to vector<1x16xf32>
      tpu.vector_store %arg9[%swap3A_473, %swap3A_474], %swap3A_477 {add = true, strides = array<i32>} : memref<40x1024xf32, #tpu.memory_space<vmem>>, vector<1x16xf32>,
      %swap3A_478 = arith.index_cast %scan3A_356 : i32 to index
      %swap3A_479 = arith.constant 368 : index
      %swap3A_480 = tpu.vector_load %arg9[%swap3A_478, %swap3A_479] {strides = array<i32>} : memref<40x1024xf32, #tpu.memory_space<vmem>>, vector<1x16xf32>,
      %swap3A_481 = vector.shape_cast %swap3A_480 : vector<1x16xf32> to vector<16xf32>
      %swap3A_482 = vector.shape_cast %convert_element_type3A : vector<16xf32> to vector<1x16xf32>
      tpu.vector_store %arg9[%swap3A_478, %swap3A_479], %swap3A_482 {add = true, strides = array<i32>} : memref<40x1024xf32, #tpu.memory_space<vmem>>, vector<1x16xf32>,
      %swap3A_483 = arith.index_cast %scan3A_356 : i32 to index
      %swap3A_484 = arith.constant 384 : index
      %swap3A_485 = tpu.vector_load %arg9[%swap3A_483, %swap3A_484] {strides = array<i32>} : memref<40x1024xf32, #tpu.memory_space<vmem>>, vector<1x16xf32>,
      %swap3A_486 = vector.shape_cast %swap3A_485 : vector<1x16xf32> to vector<16xf32>
      %swap3A_487 = vector.shape_cast %convert_element_type3A : vector<16xf32> to vector<1x16xf32>
      tpu.vector_store %arg9[%swap3A_483, %swap3A_484], %swap3A_487 {add = true, strides = array<i32>} : memref<40x1024xf32, #tpu.memory_space<vmem>>, vector<1x16xf32>,
      %swap3A_488 = arith.index_cast %scan3A_356 : i32 to index
      %swap3A_489 = arith.constant 400 : index
      %swap3A_490 = tpu.vector_load %arg9[%swap3A_488, %swap3A_489] {strides = array<i32>} : memref<40x1024xf32, #tpu.memory_space<vmem>>, vector<1x16xf32>,
      %swap3A_491 = vector.shape_cast %swap3A_490 : vector<1x16xf32> to vector<16xf32>
      %swap3A_492 = vector.shape_cast %convert_element_type3A : vector<16xf32> to vector<1x16xf32>
      tpu.vector_store %arg9[%swap3A_488, %swap3A_489], %swap3A_492 {add = true, strides = array<i32>} : memref<40x1024xf32, #tpu.memory_space<vmem>>, vector<1x16xf32>,
      %swap3A_493 = arith.index_cast %scan3A_356 : i32 to index
      %swap3A_494 = arith.constant 416 : index
      %swap3A_495 = tpu.vector_load %arg9[%swap3A_493, %swap3A_494] {strides = array<i32>} : memref<40x1024xf32, #tpu.memory_space<vmem>>, vector<1x16xf32>,
      %swap3A_496 = vector.shape_cast %swap3A_495 : vector<1x16xf32> to vector<16xf32>
      %swap3A_497 = vector.shape_cast %convert_element_type3A : vector<16xf32> to vector<1x16xf32>
      tpu.vector_store %arg9[%swap3A_493, %swap3A_494], %swap3A_497 {add = true, strides = array<i32>} : memref<40x1024xf32, #tpu.memory_space<vmem>>, vector<1x16xf32>,
      %swap3A_498 = arith.index_cast %scan3A_356 : i32 to index
      %swap3A_499 = arith.constant 432 : index
      %swap3A_500 = tpu.vector_load %arg9[%swap3A_498, %swap3A_499] {strides = array<i32>} : memref<40x1024xf32, #tpu.memory_space<vmem>>, vector<1x16xf32>,
      %swap3A_501 = vector.shape_cast %swap3A_500 : vector<1x16xf32> to vector<16xf32>
      %swap3A_502 = vector.shape_cast %convert_element_type3A : vector<16xf32> to vector<1x16xf32>
      tpu.vector_store %arg9[%swap3A_498, %swap3A_499], %swap3A_502 {add = true, strides = array<i32>} : memref<40x1024xf32, #tpu.memory_space<vmem>>, vector<1x16xf32>,
      %swap3A_503 = arith.index_cast %scan3A_356 : i32 to index
      %swap3A_504 = arith.constant 448 : index
      %swap3A_505 = tpu.vector_load %arg9[%swap3A_503, %swap3A_504] {strides = array<i32>} : memref<40x1024xf32, #tpu.memory_space<vmem>>, vector<1x16xf32>,
      %swap3A_506 = vector.shape_cast %swap3A_505 : vector<1x16xf32> to vector<16xf32>
      %swap3A_507 = vector.shape_cast %convert_element_type3A : vector<16xf32> to vector<1x16xf32>
      tpu.vector_store %arg9[%swap3A_503, %swap3A_504], %swap3A_507 {add = true, strides = array<i32>} : memref<40x1024xf32, #tpu.memory_space<vmem>>, vector<1x16xf32>,
      %swap3A_508 = arith.index_cast %scan3A_356 : i32 to index
      %swap3A_509 = arith.constant 464 : index
      %swap3A_510 = tpu.vector_load %arg9[%swap3A_508, %swap3A_509] {strides = array<i32>} : memref<40x1024xf32, #tpu.memory_space<vmem>>, vector<1x16xf32>,
      %swap3A_511 = vector.shape_cast %swap3A_510 : vector<1x16xf32> to vector<16xf32>
      %swap3A_512 = vector.shape_cast %convert_element_type3A : vector<16xf32> to vector<1x16xf32>
      tpu.vector_store %arg9[%swap3A_508, %swap3A_509], %swap3A_512 {add = true, strides = array<i32>} : memref<40x1024xf32, #tpu.memory_space<vmem>>, vector<1x16xf32>,
      %swap3A_513 = arith.index_cast %scan3A_356 : i32 to index
      %swap3A_514 = arith.constant 480 : index
      %swap3A_515 = tpu.vector_load %arg9[%swap3A_513, %swap3A_514] {strides = array<i32>} : memref<40x1024xf32, #tpu.memory_space<vmem>>, vector<1x16xf32>,
      %swap3A_516 = vector.shape_cast %swap3A_515 : vector<1x16xf32> to vector<16xf32>
      %swap3A_517 = vector.shape_cast %convert_element_type3A : vector<16xf32> to vector<1x16xf32>
      tpu.vector_store %arg9[%swap3A_513, %swap3A_514], %swap3A_517 {add = true, strides = array<i32>} : memref<40x1024xf32, #tpu.memory_space<vmem>>, vector<1x16xf32>,
      %swap3A_518 = arith.index_cast %scan3A_356 : i32 to index
      %swap3A_519 = arith.constant 496 : index
      %swap3A_520 = tpu.vector_load %arg9[%swap3A_518, %swap3A_519] {strides = array<i32>} : memref<40x1024xf32, #tpu.memory_space<vmem>>, vector<1x16xf32>,
      %swap3A_521 = vector.shape_cast %swap3A_520 : vector<1x16xf32> to vector<16xf32>
      %swap3A_522 = vector.shape_cast %convert_element_type3A : vector<16xf32> to vector<1x16xf32>
      tpu.vector_store %arg9[%swap3A_518, %swap3A_519], %swap3A_522 {add = true, strides = array<i32>} : memref<40x1024xf32, #tpu.memory_space<vmem>>, vector<1x16xf32>,
      %swap3A_523 = arith.index_cast %scan3A_356 : i32 to index
      %swap3A_524 = arith.constant 512 : index
      %swap3A_525 = tpu.vector_load %arg9[%swap3A_523, %swap3A_524] {strides = array<i32>} : memref<40x1024xf32, #tpu.memory_space<vmem>>, vector<1x16xf32>,
      %swap3A_526 = vector.shape_cast %swap3A_525 : vector<1x16xf32> to vector<16xf32>
      %swap3A_527 = vector.shape_cast %convert_element_type3A : vector<16xf32> to vector<1x16xf32>
      tpu.vector_store %arg9[%swap3A_523, %swap3A_524], %swap3A_527 {add = true, strides = array<i32>} : memref<40x1024xf32, #tpu.memory_space<vmem>>, vector<1x16xf32>,
      %swap3A_528 = arith.index_cast %scan3A_356 : i32 to index
      %swap3A_529 = arith.constant 528 : index
      %swap3A_530 = tpu.vector_load %arg9[%swap3A_528, %swap3A_529] {strides = array<i32>} : memref<40x1024xf32, #tpu.memory_space<vmem>>, vector<1x16xf32>,
      %swap3A_531 = vector.shape_cast %swap3A_530 : vector<1x16xf32> to vector<16xf32>
      %swap3A_532 = vector.shape_cast %convert_element_type3A : vector<16xf32> to vector<1x16xf32>
      tpu.vector_store %arg9[%swap3A_528, %swap3A_529], %swap3A_532 {add = true, strides = array<i32>} : memref<40x1024xf32, #tpu.memory_space<vmem>>, vector<1x16xf32>,
      %swap3A_533 = arith.index_cast %scan3A_356 : i32 to index
      %swap3A_534 = arith.constant 544 : index
      %swap3A_535 = tpu.vector_load %arg9[%swap3A_533, %swap3A_534] {strides = array<i32>} : memref<40x1024xf32, #tpu.memory_space<vmem>>, vector<1x16xf32>,
      %swap3A_536 = vector.shape_cast %swap3A_535 : vector<1x16xf32> to vector<16xf32>
      %swap3A_537 = vector.shape_cast %convert_element_type3A : vector<16xf32> to vector<1x16xf32>
      tpu.vector_store %arg9[%swap3A_533, %swap3A_534], %swap3A_537 {add = true, strides = array<i32>} : memref<40x1024xf32, #tpu.memory_space<vmem>>, vector<1x16xf32>,
      %swap3A_538 = arith.index_cast %scan3A_356 : i32 to index
      %swap3A_539 = arith.constant 560 : index
      %swap3A_540 = tpu.vector_load %arg9[%swap3A_538, %swap3A_539] {strides = array<i32>} : memref<40x1024xf32, #tpu.memory_space<vmem>>, vector<1x16xf32>,
      %swap3A_541 = vector.shape_cast %swap3A_540 : vector<1x16xf32> to vector<16xf32>
      %swap3A_542 = vector.shape_cast %convert_element_type3A : vector<16xf32> to vector<1x16xf32>
      tpu.vector_store %arg9[%swap3A_538, %swap3A_539], %swap3A_542 {add = true, strides = array<i32>} : memref<40x1024xf32, #tpu.memory_space<vmem>>, vector<1x16xf32>,
      %swap3A_543 = arith.index_cast %scan3A_356 : i32 to index
      %swap3A_544 = arith.constant 576 : index
      %swap3A_545 = tpu.vector_load %arg9[%swap3A_543, %swap3A_544] {strides = array<i32>} : memref<40x1024xf32, #tpu.memory_space<vmem>>, vector<1x16xf32>,
      %swap3A_546 = vector.shape_cast %swap3A_545 : vector<1x16xf32> to vector<16xf32>
      %swap3A_547 = vector.shape_cast %convert_element_type3A : vector<16xf32> to vector<1x16xf32>
      tpu.vector_store %arg9[%swap3A_543, %swap3A_544], %swap3A_547 {add = true, strides = array<i32>} : memref<40x1024xf32, #tpu.memory_space<vmem>>, vector<1x16xf32>,
      %swap3A_548 = arith.index_cast %scan3A_356 : i32 to index
      %swap3A_549 = arith.constant 592 : index
      %swap3A_550 = tpu.vector_load %arg9[%swap3A_548, %swap3A_549] {strides = array<i32>} : memref<40x1024xf32, #tpu.memory_space<vmem>>, vector<1x16xf32>,
      %swap3A_551 = vector.shape_cast %swap3A_550 : vector<1x16xf32> to vector<16xf32>
      %swap3A_552 = vector.shape_cast %convert_element_type3A : vector<16xf32> to vector<1x16xf32>
      tpu.vector_store %arg9[%swap3A_548, %swap3A_549], %swap3A_552 {add = true, strides = array<i32>} : memref<40x1024xf32, #tpu.memory_space<vmem>>, vector<1x16xf32>,
      %swap3A_553 = arith.index_cast %scan3A_356 : i32 to index
      %swap3A_554 = arith.constant 608 : index
      %swap3A_555 = tpu.vector_load %arg9[%swap3A_553, %swap3A_554] {strides = array<i32>} : memref<40x1024xf32, #tpu.memory_space<vmem>>, vector<1x16xf32>,
      %swap3A_556 = vector.shape_cast %swap3A_555 : vector<1x16xf32> to vector<16xf32>
      %swap3A_557 = vector.shape_cast %convert_element_type3A : vector<16xf32> to vector<1x16xf32>
      tpu.vector_store %arg9[%swap3A_553, %swap3A_554], %swap3A_557 {add = true, strides = array<i32>} : memref<40x1024xf32, #tpu.memory_space<vmem>>, vector<1x16xf32>,
      %swap3A_558 = arith.index_cast %scan3A_356 : i32 to index
      %swap3A_559 = arith.constant 624 : index
      %swap3A_560 = tpu.vector_load %arg9[%swap3A_558, %swap3A_559] {strides = array<i32>} : memref<40x1024xf32, #tpu.memory_space<vmem>>, vector<1x16xf32>,
      %swap3A_561 = vector.shape_cast %swap3A_560 : vector<1x16xf32> to vector<16xf32>
      %swap3A_562 = vector.shape_cast %convert_element_type3A : vector<16xf32> to vector<1x16xf32>
      tpu.vector_store %arg9[%swap3A_558, %swap3A_559], %swap3A_562 {add = true, strides = array<i32>} : memref<40x1024xf32, #tpu.memory_space<vmem>>, vector<1x16xf32>,
      %swap3A_563 = arith.index_cast %scan3A_356 : i32 to index
      %swap3A_564 = arith.constant 640 : index
      %swap3A_565 = tpu.vector_load %arg9[%swap3A_563, %swap3A_564] {strides = array<i32>} : memref<40x1024xf32, #tpu.memory_space<vmem>>, vector<1x16xf32>,
      %swap3A_566 = vector.shape_cast %swap3A_565 : vector<1x16xf32> to vector<16xf32>
      %swap3A_567 = vector.shape_cast %convert_element_type3A : vector<16xf32> to vector<1x16xf32>
      tpu.vector_store %arg9[%swap3A_563, %swap3A_564], %swap3A_567 {add = true, strides = array<i32>} : memref<40x1024xf32, #tpu.memory_space<vmem>>, vector<1x16xf32>,
      %swap3A_568 = arith.index_cast %scan3A_356 : i32 to index
      %swap3A_569 = arith.constant 656 : index
      %swap3A_570 = tpu.vector_load %arg9[%swap3A_568, %swap3A_569] {strides = array<i32>} : memref<40x1024xf32, #tpu.memory_space<vmem>>, vector<1x16xf32>,
      %swap3A_571 = vector.shape_cast %swap3A_570 : vector<1x16xf32> to vector<16xf32>
      %swap3A_572 = vector.shape_cast %convert_element_type3A : vector<16xf32> to vector<1x16xf32>
      tpu.vector_store %arg9[%swap3A_568, %swap3A_569], %swap3A_572 {add = true, strides = array<i32>} : memref<40x1024xf32, #tpu.memory_space<vmem>>, vector<1x16xf32>,
      %swap3A_573 = arith.index_cast %scan3A_356 : i32 to index
      %swap3A_574 = arith.constant 672 : index
      %swap3A_575 = tpu.vector_load %arg9[%swap3A_573, %swap3A_574] {strides = array<i32>} : memref<40x1024xf32, #tpu.memory_space<vmem>>, vector<1x16xf32>,
      %swap3A_576 = vector.shape_cast %swap3A_575 : vector<1x16xf32> to vector<16xf32>
      %swap3A_577 = vector.shape_cast %convert_element_type3A : vector<16xf32> to vector<1x16xf32>
      tpu.vector_store %arg9[%swap3A_573, %swap3A_574], %swap3A_577 {add = true, strides = array<i32>} : memref<40x1024xf32, #tpu.memory_space<vmem>>, vector<1x16xf32>,
      %swap3A_578 = arith.index_cast %scan3A_356 : i32 to index
      %swap3A_579 = arith.constant 688 : index
      %swap3A_580 = tpu.vector_load %arg9[%swap3A_578, %swap3A_579] {strides = array<i32>} : memref<40x1024xf32, #tpu.memory_space<vmem>>, vector<1x16xf32>,
      %swap3A_581 = vector.shape_cast %swap3A_580 : vector<1x16xf32> to vector<16xf32>
      %swap3A_582 = vector.shape_cast %convert_element_type3A : vector<16xf32> to vector<1x16xf32>
      tpu.vector_store %arg9[%swap3A_578, %swap3A_579], %swap3A_582 {add = true, strides = array<i32>} : memref<40x1024xf32, #tpu.memory_space<vmem>>, vector<1x16xf32>,
      %swap3A_583 = arith.index_cast %scan3A_356 : i32 to index
      %swap3A_584 = arith.constant 704 : index
      %swap3A_585 = tpu.vector_load %arg9[%swap3A_583, %swap3A_584] {strides = array<i32>} : memref<40x1024xf32, #tpu.memory_space<vmem>>, vector<1x16xf32>,
      %swap3A_586 = vector.shape_cast %swap3A_585 : vector<1x16xf32> to vector<16xf32>
      %swap3A_587 = vector.shape_cast %convert_element_type3A : vector<16xf32> to vector<1x16xf32>
      tpu.vector_store %arg9[%swap3A_583, %swap3A_584], %swap3A_587 {add = true, strides = array<i32>} : memref<40x1024xf32, #tpu.memory_space<vmem>>, vector<1x16xf32>,
      %swap3A_588 = arith.index_cast %scan3A_356 : i32 to index
      %swap3A_589 = arith.constant 720 : index
      %swap3A_590 = tpu.vector_load %arg9[%swap3A_588, %swap3A_589] {strides = array<i32>} : memref<40x1024xf32, #tpu.memory_space<vmem>>, vector<1x16xf32>,
      %swap3A_591 = vector.shape_cast %swap3A_590 : vector<1x16xf32> to vector<16xf32>
      %swap3A_592 = vector.shape_cast %convert_element_type3A : vector<16xf32> to vector<1x16xf32>
      tpu.vector_store %arg9[%swap3A_588, %swap3A_589], %swap3A_592 {add = true, strides = array<i32>} : memref<40x1024xf32, #tpu.memory_space<vmem>>, vector<1x16xf32>,
      %swap3A_593 = arith.index_cast %scan3A_356 : i32 to index
      %swap3A_594 = arith.constant 736 : index
      %swap3A_595 = tpu.vector_load %arg9[%swap3A_593, %swap3A_594] {strides = array<i32>} : memref<40x1024xf32, #tpu.memory_space<vmem>>, vector<1x16xf32>,
      %swap3A_596 = vector.shape_cast %swap3A_595 : vector<1x16xf32> to vector<16xf32>
      %swap3A_597 = vector.shape_cast %convert_element_type3A : vector<16xf32> to vector<1x16xf32>
      tpu.vector_store %arg9[%swap3A_593, %swap3A_594], %swap3A_597 {add = true, strides = array<i32>} : memref<40x1024xf32, #tpu.memory_space<vmem>>, vector<1x16xf32>,
      %swap3A_598 = arith.index_cast %scan3A_356 : i32 to index
      %swap3A_599 = arith.constant 752 : index
      %swap3A_600 = tpu.vector_load %arg9[%swap3A_598, %swap3A_599] {strides = array<i32>} : memref<40x1024xf32, #tpu.memory_space<vmem>>, vector<1x16xf32>,
      %swap3A_601 = vector.shape_cast %swap3A_600 : vector<1x16xf32> to vector<16xf32>
      %swap3A_602 = vector.shape_cast %convert_element_type3A : vector<16xf32> to vector<1x16xf32>
      tpu.vector_store %arg9[%swap3A_598, %swap3A_599], %swap3A_602 {add = true, strides = array<i32>} : memref<40x1024xf32, #tpu.memory_space<vmem>>, vector<1x16xf32>,
      %swap3A_603 = arith.index_cast %scan3A_356 : i32 to index
      %swap3A_604 = arith.constant 768 : index
      %swap3A_605 = tpu.vector_load %arg9[%swap3A_603, %swap3A_604] {strides = array<i32>} : memref<40x1024xf32, #tpu.memory_space<vmem>>, vector<1x16xf32>,
      %swap3A_606 = vector.shape_cast %swap3A_605 : vector<1x16xf32> to vector<16xf32>
      %swap3A_607 = vector.shape_cast %convert_element_type3A : vector<16xf32> to vector<1x16xf32>
      tpu.vector_store %arg9[%swap3A_603, %swap3A_604], %swap3A_607 {add = true, strides = array<i32>} : memref<40x1024xf32, #tpu.memory_space<vmem>>, vector<1x16xf32>,
      %swap3A_608 = arith.index_cast %scan3A_356 : i32 to index
      %swap3A_609 = arith.constant 784 : index
      %swap3A_610 = tpu.vector_load %arg9[%swap3A_608, %swap3A_609] {strides = array<i32>} : memref<40x1024xf32, #tpu.memory_space<vmem>>, vector<1x16xf32>,
      %swap3A_611 = vector.shape_cast %swap3A_610 : vector<1x16xf32> to vector<16xf32>
      %swap3A_612 = vector.shape_cast %convert_element_type3A : vector<16xf32> to vector<1x16xf32>
      tpu.vector_store %arg9[%swap3A_608, %swap3A_609], %swap3A_612 {add = true, strides = array<i32>} : memref<40x1024xf32, #tpu.memory_space<vmem>>, vector<1x16xf32>,
      %swap3A_613 = arith.index_cast %scan3A_356 : i32 to index
      %swap3A_614 = arith.constant 800 : index
      %swap3A_615 = tpu.vector_load %arg9[%swap3A_613, %swap3A_614] {strides = array<i32>} : memref<40x1024xf32, #tpu.memory_space<vmem>>, vector<1x16xf32>,
      %swap3A_616 = vector.shape_cast %swap3A_615 : vector<1x16xf32> to vector<16xf32>
      %swap3A_617 = vector.shape_cast %convert_element_type3A : vector<16xf32> to vector<1x16xf32>
      tpu.vector_store %arg9[%swap3A_613, %swap3A_614], %swap3A_617 {add = true, strides = array<i32>} : memref<40x1024xf32, #tpu.memory_space<vmem>>, vector<1x16xf32>,
      %swap3A_618 = arith.index_cast %scan3A_356 : i32 to index
      %swap3A_619 = arith.constant 816 : index
      %swap3A_620 = tpu.vector_load %arg9[%swap3A_618, %swap3A_619] {strides = array<i32>} : memref<40x1024xf32, #tpu.memory_space<vmem>>, vector<1x16xf32>,
      %swap3A_621 = vector.shape_cast %swap3A_620 : vector<1x16xf32> to vector<16xf32>
      %swap3A_622 = vector.shape_cast %convert_element_type3A : vector<16xf32> to vector<1x16xf32>
      tpu.vector_store %arg9[%swap3A_618, %swap3A_619], %swap3A_622 {add = true, strides = array<i32>} : memref<40x1024xf32, #tpu.memory_space<vmem>>, vector<1x16xf32>,
      %swap3A_623 = arith.index_cast %scan3A_356 : i32 to index
      %swap3A_624 = arith.constant 832 : index
      %swap3A_625 = tpu.vector_load %arg9[%swap3A_623, %swap3A_624] {strides = array<i32>} : memref<40x1024xf32, #tpu.memory_space<vmem>>, vector<1x16xf32>,
      %swap3A_626 = vector.shape_cast %swap3A_625 : vector<1x16xf32> to vector<16xf32>
      %swap3A_627 = vector.shape_cast %convert_element_type3A : vector<16xf32> to vector<1x16xf32>
      tpu.vector_store %arg9[%swap3A_623, %swap3A_624], %swap3A_627 {add = true, strides = array<i32>} : memref<40x1024xf32, #tpu.memory_space<vmem>>, vector<1x16xf32>,
      %swap3A_628 = arith.index_cast %scan3A_356 : i32 to index
      %swap3A_629 = arith.constant 848 : index
      %swap3A_630 = tpu.vector_load %arg9[%swap3A_628, %swap3A_629] {strides = array<i32>} : memref<40x1024xf32, #tpu.memory_space<vmem>>, vector<1x16xf32>,
      %swap3A_631 = vector.shape_cast %swap3A_630 : vector<1x16xf32> to vector<16xf32>
      %swap3A_632 = vector.shape_cast %convert_element_type3A : vector<16xf32> to vector<1x16xf32>
      tpu.vector_store %arg9[%swap3A_628, %swap3A_629], %swap3A_632 {add = true, strides = array<i32>} : memref<40x1024xf32, #tpu.memory_space<vmem>>, vector<1x16xf32>,
      %swap3A_633 = arith.index_cast %scan3A_356 : i32 to index
      %swap3A_634 = arith.constant 864 : index
      %swap3A_635 = tpu.vector_load %arg9[%swap3A_633, %swap3A_634] {strides = array<i32>} : memref<40x1024xf32, #tpu.memory_space<vmem>>, vector<1x16xf32>,
      %swap3A_636 = vector.shape_cast %swap3A_635 : vector<1x16xf32> to vector<16xf32>
      %swap3A_637 = vector.shape_cast %convert_element_type3A : vector<16xf32> to vector<1x16xf32>
      tpu.vector_store %arg9[%swap3A_633, %swap3A_634], %swap3A_637 {add = true, strides = array<i32>} : memref<40x1024xf32, #tpu.memory_space<vmem>>, vector<1x16xf32>,
      %swap3A_638 = arith.index_cast %scan3A_356 : i32 to index
      %swap3A_639 = arith.constant 880 : index
      %swap3A_640 = tpu.vector_load %arg9[%swap3A_638, %swap3A_639] {strides = array<i32>} : memref<40x1024xf32, #tpu.memory_space<vmem>>, vector<1x16xf32>,
      %swap3A_641 = vector.shape_cast %swap3A_640 : vector<1x16xf32> to vector<16xf32>
      %swap3A_642 = vector.shape_cast %convert_element_type3A : vector<16xf32> to vector<1x16xf32>
      tpu.vector_store %arg9[%swap3A_638, %swap3A_639], %swap3A_642 {add = true, strides = array<i32>} : memref<40x1024xf32, #tpu.memory_space<vmem>>, vector<1x16xf32>,
      %swap3A_643 = arith.index_cast %scan3A_356 : i32 to index
      %swap3A_644 = arith.constant 896 : index
      %swap3A_645 = tpu.vector_load %arg9[%swap3A_643, %swap3A_644] {strides = array<i32>} : memref<40x1024xf32, #tpu.memory_space<vmem>>, vector<1x16xf32>,
      %swap3A_646 = vector.shape_cast %swap3A_645 : vector<1x16xf32> to vector<16xf32>
      %swap3A_647 = vector.shape_cast %convert_element_type3A : vector<16xf32> to vector<1x16xf32>
      tpu.vector_store %arg9[%swap3A_643, %swap3A_644], %swap3A_647 {add = true, strides = array<i32>} : memref<40x1024xf32, #tpu.memory_space<vmem>>, vector<1x16xf32>,
      %swap3A_648 = arith.index_cast %scan3A_356 : i32 to index
      %swap3A_649 = arith.constant 912 : index
      %swap3A_650 = tpu.vector_load %arg9[%swap3A_648, %swap3A_649] {strides = array<i32>} : memref<40x1024xf32, #tpu.memory_space<vmem>>, vector<1x16xf32>,
      %swap3A_651 = vector.shape_cast %swap3A_650 : vector<1x16xf32> to vector<16xf32>
      %swap3A_652 = vector.shape_cast %convert_element_type3A : vector<16xf32> to vector<1x16xf32>
      tpu.vector_store %arg9[%swap3A_648, %swap3A_649], %swap3A_652 {add = true, strides = array<i32>} : memref<40x1024xf32, #tpu.memory_space<vmem>>, vector<1x16xf32>,
      %swap3A_653 = arith.index_cast %scan3A_356 : i32 to index
      %swap3A_654 = arith.constant 928 : index
      %swap3A_655 = tpu.vector_load %arg9[%swap3A_653, %swap3A_654] {strides = array<i32>} : memref<40x1024xf32, #tpu.memory_space<vmem>>, vector<1x16xf32>,
      %swap3A_656 = vector.shape_cast %swap3A_655 : vector<1x16xf32> to vector<16xf32>
      %swap3A_657 = vector.shape_cast %convert_element_type3A : vector<16xf32> to vector<1x16xf32>
      tpu.vector_store %arg9[%swap3A_653, %swap3A_654], %swap3A_657 {add = true, strides = array<i32>} : memref<40x1024xf32, #tpu.memory_space<vmem>>, vector<1x16xf32>,
      %swap3A_658 = arith.index_cast %scan3A_356 : i32 to index
      %swap3A_659 = arith.constant 944 : index
      %swap3A_660 = tpu.vector_load %arg9[%swap3A_658, %swap3A_659] {strides = array<i32>} : memref<40x1024xf32, #tpu.memory_space<vmem>>, vector<1x16xf32>,
      %swap3A_661 = vector.shape_cast %swap3A_660 : vector<1x16xf32> to vector<16xf32>
      %swap3A_662 = vector.shape_cast %convert_element_type3A : vector<16xf32> to vector<1x16xf32>
      tpu.vector_store %arg9[%swap3A_658, %swap3A_659], %swap3A_662 {add = true, strides = array<i32>} : memref<40x1024xf32, #tpu.memory_space<vmem>>, vector<1x16xf32>,
      %swap3A_663 = arith.index_cast %scan3A_356 : i32 to index
      %swap3A_664 = arith.constant 960 : index
      %swap3A_665 = tpu.vector_load %arg9[%swap3A_663, %swap3A_664] {strides = array<i32>} : memref<40x1024xf32, #tpu.memory_space<vmem>>, vector<1x16xf32>,
      %swap3A_666 = vector.shape_cast %swap3A_665 : vector<1x16xf32> to vector<16xf32>
      %swap3A_667 = vector.shape_cast %convert_element_type3A : vector<16xf32> to vector<1x16xf32>
      tpu.vector_store %arg9[%swap3A_663, %swap3A_664], %swap3A_667 {add = true, strides = array<i32>} : memref<40x1024xf32, #tpu.memory_space<vmem>>, vector<1x16xf32>,
      %swap3A_668 = arith.index_cast %scan3A_356 : i32 to index
      %swap3A_669 = arith.constant 976 : index
      %swap3A_670 = tpu.vector_load %arg9[%swap3A_668, %swap3A_669] {strides = array<i32>} : memref<40x1024xf32, #tpu.memory_space<vmem>>, vector<1x16xf32>,
      %swap3A_671 = vector.shape_cast %swap3A_670 : vector<1x16xf32> to vector<16xf32>
      %swap3A_672 = vector.shape_cast %convert_element_type3A : vector<16xf32> to vector<1x16xf32>
      tpu.vector_store %arg9[%swap3A_668, %swap3A_669], %swap3A_672 {add = true, strides = array<i32>} : memref<40x1024xf32, #tpu.memory_space<vmem>>, vector<1x16xf32>,
      %swap3A_673 = arith.index_cast %scan3A_356 : i32 to index
      %swap3A_674 = arith.constant 992 : index
      %swap3A_675 = tpu.vector_load %arg9[%swap3A_673, %swap3A_674] {strides = array<i32>} : memref<40x1024xf32, #tpu.memory_space<vmem>>, vector<1x16xf32>,
      %swap3A_676 = vector.shape_cast %swap3A_675 : vector<1x16xf32> to vector<16xf32>
      %swap3A_677 = vector.shape_cast %convert_element_type3A : vector<16xf32> to vector<1x16xf32>
      tpu.vector_store %arg9[%swap3A_673, %swap3A_674], %swap3A_677 {add = true, strides = array<i32>} : memref<40x1024xf32, #tpu.memory_space<vmem>>, vector<1x16xf32>,
      %swap3A_678 = arith.index_cast %scan3A_356 : i32 to index
      %swap3A_679 = arith.constant 1008 : index
      %swap3A_680 = tpu.vector_load %arg9[%swap3A_678, %swap3A_679] {strides = array<i32>} : memref<40x1024xf32, #tpu.memory_space<vmem>>, vector<1x16xf32>,
      %swap3A_681 = vector.shape_cast %swap3A_680 : vector<1x16xf32> to vector<16xf32>
      %swap3A_682 = vector.shape_cast %convert_element_type3A : vector<16xf32> to vector<1x16xf32>
      tpu.vector_store %arg9[%swap3A_678, %swap3A_679], %swap3A_682 {add = true, strides = array<i32>} : memref<40x1024xf32, #tpu.memory_space<vmem>>, vector<1x16xf32>,
    }
    %scan3A_251 = arith.constant 40 : i32
    %add3A_252 = arith.constant 136 : i32
    %add3A_253 = arith.addi %mul3A_20, %add3A_252 : i32
    %dma_start3A_254 = arith.constant 0 : i32
    %dma_start3A_255 = arith.constant 0 : i32
    %dma_start3A_256 = tpu.memref_slice %arg9[%dma_start3A_254, %dma_start3A_255] : memref<40x1024xf32, #tpu.memory_space<vmem>> -> memref<40x1024xf32, #tpu.memory_space<vmem>>
    %dma_start3A_257 = arith.constant 0 : i32
    %dma_start3A_258 = tpu.memref_slice %arg5[%select_n3A, %add3A_253, %dma_start3A_257] : memref<4x2048x1024xf32, #tpu.memory_space<hbm>> -> memref<1x40x1024xf32, #tpu.memory_space<hbm>>
    %dma_start3A_259 = tpu.memref_squeeze %dma_start3A_258 : memref<1x40x1024xf32, #tpu.memory_space<hbm>> -> memref<40x1024xf32, #tpu.memory_space<hbm>>
    %dma_start3A_260 = arith.constant 0 : i32
    %dma_start3A_261 = tpu.memref_slice %arg5[%select_n3A, %add3A_253, %dma_start3A_260] : memref<4x2048x1024xf32, #tpu.memory_space<hbm>> -> memref<1x40x1024xf32, #tpu.memory_space<hbm>>
    %dma_start3A_262 = tpu.memref_squeeze %dma_start3A_261 : memref<1x40x1024xf32, #tpu.memory_space<hbm>> -> memref<40x1024xf32, #tpu.memory_space<hbm>>
    %dma_start3A_263 = arith.constant 0 : i32
    %dma_start3A_264 = arith.constant 0 : i32
    %dma_start3A_265 = tpu.memref_slice %arg9[%dma_start3A_263, %dma_start3A_264] : memref<40x1024xf32, #tpu.memory_space<vmem>> -> memref<40x1024xf32, #tpu.memory_space<vmem>>
    tpu.enqueue_dma source(%dma_start3A_265 : memref<40x1024xf32, #tpu.memory_space<vmem>>) target(%dma_start3A_262 : memref<40x1024xf32, #tpu.memory_space<hbm>>) target_semaphore(%arg15 : memref<!tpu.dma_semaphore, #tpu.memory_space<semaphore_mem>>)
    %dma_wait3A_266 = arith.constant 0 : i32
    %dma_wait3A_267 = arith.constant 0 : i32
    %dma_wait3A_268 = tpu.memref_slice %arg10[%dma_wait3A_266, %dma_wait3A_267] : memref<40x1024xf32, #tpu.memory_space<vmem>> -> memref<40x1024xf32, #tpu.memory_space<vmem>>
    %dma_wait3A_269 = arith.constant 176 : i32
    %dma_wait3A_270 = tpu.memref_slice %arg6[%dma_wait3A_269] : memref<256xi32, #tpu.memory_space<vmem>> -> memref<40xi32, #tpu.memory_space<vmem>>
    %dma_wait3A_271 = arith.constant 0 : i32
    %dma_wait3A_272 = arith.constant 0 : i32
    %dma_wait3A_273 = tpu.memref_slice %arg4[%dma_wait3A_271, %dma_wait3A_272] : memref<100000x1024xf32, #tpu.memory_space<hbm>> -> memref<100000x1024xf32, #tpu.memory_space<hbm>>
    tpu.wait_indirect_dma semaphore(%arg13 : memref<!tpu.dma_semaphore, #tpu.memory_space<semaphore_mem>>) src(%dma_wait3A_273 : memref<100000x1024xf32, #tpu.memory_space<hbm>>) dst(%dma_wait3A_268 : memref<40x1024xf32, #tpu.memory_space<vmem>>)
    %scan3A_274 = arith.constant 0 : i32
    %scan3A_275 = arith.constant 40 : i32
    %scan3A_276 = arith.addi %scan3A_274, %scan3A_275 : i32
    %scan3A_277 = arith.constant 1 : i32
    scf.for %scan3A_356 = %scan3A_274 to %scan3A_276 step %scan3A_277  : i32 {
      %add3A_357 = arith.constant 176 : i32
      %add3A_358 = arith.addi %add3A_357, %scan3A_356 : i32
      %mul3A_359 = arith.constant 16 : i32
      %mul3A_360 = arith.muli %add3A_358, %mul3A_359 : i32
      %get3A = arith.index_cast %mul3A_360 : i32 to index
      %get3A_361 = tpu.vector_load %arg7[%get3A] {strides = array<i32>} : memref<4096xf32, #tpu.memory_space<vmem>>, vector<16xf32>,
      %get3A_362 = vector.shape_cast %get3A_361 : vector<16xf32> to vector<16xf32>
      %add3A_363 = arith.addf %get3A_362, %convert_element_type3A : vector<16xf32>
      %swap3A = arith.index_cast %scan3A_356 : i32 to index
      %swap3A_364 = arith.constant 0 : index
      %swap3A_365 = tpu.vector_load %arg10[%swap3A, %swap3A_364] {strides = array<i32>} : memref<40x1024xf32, #tpu.memory_space<vmem>>, vector<1x16xf32>,
      %swap3A_366 = vector.shape_cast %swap3A_365 : vector<1x16xf32> to vector<16xf32>
      %swap3A_367 = vector.shape_cast %add3A_363 : vector<16xf32> to vector<1x16xf32>
      tpu.vector_store %arg10[%swap3A, %swap3A_364], %swap3A_367 {add = true, strides = array<i32>} : memref<40x1024xf32, #tpu.memory_space<vmem>>, vector<1x16xf32>,
      %swap3A_368 = arith.index_cast %scan3A_356 : i32 to index
      %swap3A_369 = arith.constant 16 : index
      %swap3A_370 = tpu.vector_load %arg10[%swap3A_368, %swap3A_369] {strides = array<i32>} : memref<40x1024xf32, #tpu.memory_space<vmem>>, vector<1x16xf32>,
      %swap3A_371 = vector.shape_cast %swap3A_370 : vector<1x16xf32> to vector<16xf32>
      %swap3A_372 = vector.shape_cast %convert_element_type3A : vector<16xf32> to vector<1x16xf32>
      tpu.vector_store %arg10[%swap3A_368, %swap3A_369], %swap3A_372 {add = true, strides = array<i32>} : memref<40x1024xf32, #tpu.memory_space<vmem>>, vector<1x16xf32>,
      %swap3A_373 = arith.index_cast %scan3A_356 : i32 to index
      %swap3A_374 = arith.constant 32 : index
      %swap3A_375 = tpu.vector_load %arg10[%swap3A_373, %swap3A_374] {strides = array<i32>} : memref<40x1024xf32, #tpu.memory_space<vmem>>, vector<1x16xf32>,
      %swap3A_376 = vector.shape_cast %swap3A_375 : vector<1x16xf32> to vector<16xf32>
      %swap3A_377 = vector.shape_cast %convert_element_type3A : vector<16xf32> to vector<1x16xf32>
      tpu.vector_store %arg10[%swap3A_373, %swap3A_374], %swap3A_377 {add = true, strides = array<i32>} : memref<40x1024xf32, #tpu.memory_space<vmem>>, vector<1x16xf32>,
      %swap3A_378 = arith.index_cast %scan3A_356 : i32 to index
      %swap3A_379 = arith.constant 48 : index
      %swap3A_380 = tpu.vector_load %arg10[%swap3A_378, %swap3A_379] {strides = array<i32>} : memref<40x1024xf32, #tpu.memory_space<vmem>>, vector<1x16xf32>,
      %swap3A_381 = vector.shape_cast %swap3A_380 : vector<1x16xf32> to vector<16xf32>
      %swap3A_382 = vector.shape_cast %convert_element_type3A : vector<16xf32> to vector<1x16xf32>
      tpu.vector_store %arg10[%swap3A_378, %swap3A_379], %swap3A_382 {add = true, strides = array<i32>} : memref<40x1024xf32, #tpu.memory_space<vmem>>, vector<1x16xf32>,
      %swap3A_383 = arith.index_cast %scan3A_356 : i32 to index
      %swap3A_384 = arith.constant 64 : index
      %swap3A_385 = tpu.vector_load %arg10[%swap3A_383, %swap3A_384] {strides = array<i32>} : memref<40x1024xf32, #tpu.memory_space<vmem>>, vector<1x16xf32>,
      %swap3A_386 = vector.shape_cast %swap3A_385 : vector<1x16xf32> to vector<16xf32>
      %swap3A_387 = vector.shape_cast %convert_element_type3A : vector<16xf32> to vector<1x16xf32>
      tpu.vector_store %arg10[%swap3A_383, %swap3A_384], %swap3A_387 {add = true, strides = array<i32>} : memref<40x1024xf32, #tpu.memory_space<vmem>>, vector<1x16xf32>,
      %swap3A_388 = arith.index_cast %scan3A_356 : i32 to index
      %swap3A_389 = arith.constant 80 : index
      %swap3A_390 = tpu.vector_load %arg10[%swap3A_388, %swap3A_389] {strides = array<i32>} : memref<40x1024xf32, #tpu.memory_space<vmem>>, vector<1x16xf32>,
      %swap3A_391 = vector.shape_cast %swap3A_390 : vector<1x16xf32> to vector<16xf32>
      %swap3A_392 = vector.shape_cast %convert_element_type3A : vector<16xf32> to vector<1x16xf32>
      tpu.vector_store %arg10[%swap3A_388, %swap3A_389], %swap3A_392 {add = true, strides = array<i32>} : memref<40x1024xf32, #tpu.memory_space<vmem>>, vector<1x16xf32>,
      %swap3A_393 = arith.index_cast %scan3A_356 : i32 to index
      %swap3A_394 = arith.constant 96 : index
      %swap3A_395 = tpu.vector_load %arg10[%swap3A_393, %swap3A_394] {strides = array<i32>} : memref<40x1024xf32, #tpu.memory_space<vmem>>, vector<1x16xf32>,
      %swap3A_396 = vector.shape_cast %swap3A_395 : vector<1x16xf32> to vector<16xf32>
      %swap3A_397 = vector.shape_cast %convert_element_type3A : vector<16xf32> to vector<1x16xf32>
      tpu.vector_store %arg10[%swap3A_393, %swap3A_394], %swap3A_397 {add = true, strides = array<i32>} : memref<40x1024xf32, #tpu.memory_space<vmem>>, vector<1x16xf32>,
      %swap3A_398 = arith.index_cast %scan3A_356 : i32 to index
      %swap3A_399 = arith.constant 112 : index
      %swap3A_400 = tpu.vector_load %arg10[%swap3A_398, %swap3A_399] {strides = array<i32>} : memref<40x1024xf32, #tpu.memory_space<vmem>>, vector<1x16xf32>,
      %swap3A_401 = vector.shape_cast %swap3A_400 : vector<1x16xf32> to vector<16xf32>
      %swap3A_402 = vector.shape_cast %convert_element_type3A : vector<16xf32> to vector<1x16xf32>
      tpu.vector_store %arg10[%swap3A_398, %swap3A_399], %swap3A_402 {add = true, strides = array<i32>} : memref<40x1024xf32, #tpu.memory_space<vmem>>, vector<1x16xf32>,
      %swap3A_403 = arith.index_cast %scan3A_356 : i32 to index
      %swap3A_404 = arith.constant 128 : index
      %swap3A_405 = tpu.vector_load %arg10[%swap3A_403, %swap3A_404] {strides = array<i32>} : memref<40x1024xf32, #tpu.memory_space<vmem>>, vector<1x16xf32>,
      %swap3A_406 = vector.shape_cast %swap3A_405 : vector<1x16xf32> to vector<16xf32>
      %swap3A_407 = vector.shape_cast %convert_element_type3A : vector<16xf32> to vector<1x16xf32>
      tpu.vector_store %arg10[%swap3A_403, %swap3A_404], %swap3A_407 {add = true, strides = array<i32>} : memref<40x1024xf32, #tpu.memory_space<vmem>>, vector<1x16xf32>,
      %swap3A_408 = arith.index_cast %scan3A_356 : i32 to index
      %swap3A_409 = arith.constant 144 : index
      %swap3A_410 = tpu.vector_load %arg10[%swap3A_408, %swap3A_409] {strides = array<i32>} : memref<40x1024xf32, #tpu.memory_space<vmem>>, vector<1x16xf32>,
      %swap3A_411 = vector.shape_cast %swap3A_410 : vector<1x16xf32> to vector<16xf32>
      %swap3A_412 = vector.shape_cast %convert_element_type3A : vector<16xf32> to vector<1x16xf32>
      tpu.vector_store %arg10[%swap3A_408, %swap3A_409], %swap3A_412 {add = true, strides = array<i32>} : memref<40x1024xf32, #tpu.memory_space<vmem>>, vector<1x16xf32>,
      %swap3A_413 = arith.index_cast %scan3A_356 : i32 to index
      %swap3A_414 = arith.constant 160 : index
      %swap3A_415 = tpu.vector_load %arg10[%swap3A_413, %swap3A_414] {strides = array<i32>} : memref<40x1024xf32, #tpu.memory_space<vmem>>, vector<1x16xf32>,
      %swap3A_416 = vector.shape_cast %swap3A_415 : vector<1x16xf32> to vector<16xf32>
      %swap3A_417 = vector.shape_cast %convert_element_type3A : vector<16xf32> to vector<1x16xf32>
      tpu.vector_store %arg10[%swap3A_413, %swap3A_414], %swap3A_417 {add = true, strides = array<i32>} : memref<40x1024xf32, #tpu.memory_space<vmem>>, vector<1x16xf32>,
      %swap3A_418 = arith.index_cast %scan3A_356 : i32 to index
      %swap3A_419 = arith.constant 176 : index
      %swap3A_420 = tpu.vector_load %arg10[%swap3A_418, %swap3A_419] {strides = array<i32>} : memref<40x1024xf32, #tpu.memory_space<vmem>>, vector<1x16xf32>,
      %swap3A_421 = vector.shape_cast %swap3A_420 : vector<1x16xf32> to vector<16xf32>
      %swap3A_422 = vector.shape_cast %convert_element_type3A : vector<16xf32> to vector<1x16xf32>
      tpu.vector_store %arg10[%swap3A_418, %swap3A_419], %swap3A_422 {add = true, strides = array<i32>} : memref<40x1024xf32, #tpu.memory_space<vmem>>, vector<1x16xf32>,
      %swap3A_423 = arith.index_cast %scan3A_356 : i32 to index
      %swap3A_424 = arith.constant 192 : index
      %swap3A_425 = tpu.vector_load %arg10[%swap3A_423, %swap3A_424] {strides = array<i32>} : memref<40x1024xf32, #tpu.memory_space<vmem>>, vector<1x16xf32>,
      %swap3A_426 = vector.shape_cast %swap3A_425 : vector<1x16xf32> to vector<16xf32>
      %swap3A_427 = vector.shape_cast %convert_element_type3A : vector<16xf32> to vector<1x16xf32>
      tpu.vector_store %arg10[%swap3A_423, %swap3A_424], %swap3A_427 {add = true, strides = array<i32>} : memref<40x1024xf32, #tpu.memory_space<vmem>>, vector<1x16xf32>,
      %swap3A_428 = arith.index_cast %scan3A_356 : i32 to index
      %swap3A_429 = arith.constant 208 : index
      %swap3A_430 = tpu.vector_load %arg10[%swap3A_428, %swap3A_429] {strides = array<i32>} : memref<40x1024xf32, #tpu.memory_space<vmem>>, vector<1x16xf32>,
      %swap3A_431 = vector.shape_cast %swap3A_430 : vector<1x16xf32> to vector<16xf32>
      %swap3A_432 = vector.shape_cast %convert_element_type3A : vector<16xf32> to vector<1x16xf32>
      tpu.vector_store %arg10[%swap3A_428, %swap3A_429], %swap3A_432 {add = true, strides = array<i32>} : memref<40x1024xf32, #tpu.memory_space<vmem>>, vector<1x16xf32>,
      %swap3A_433 = arith.index_cast %scan3A_356 : i32 to index
      %swap3A_434 = arith.constant 224 : index
      %swap3A_435 = tpu.vector_load %arg10[%swap3A_433, %swap3A_434] {strides = array<i32>} : memref<40x1024xf32, #tpu.memory_space<vmem>>, vector<1x16xf32>,
      %swap3A_436 = vector.shape_cast %swap3A_435 : vector<1x16xf32> to vector<16xf32>
      %swap3A_437 = vector.shape_cast %convert_element_type3A : vector<16xf32> to vector<1x16xf32>
      tpu.vector_store %arg10[%swap3A_433, %swap3A_434], %swap3A_437 {add = true, strides = array<i32>} : memref<40x1024xf32, #tpu.memory_space<vmem>>, vector<1x16xf32>,
      %swap3A_438 = arith.index_cast %scan3A_356 : i32 to index
      %swap3A_439 = arith.constant 240 : index
      %swap3A_440 = tpu.vector_load %arg10[%swap3A_438, %swap3A_439] {strides = array<i32>} : memref<40x1024xf32, #tpu.memory_space<vmem>>, vector<1x16xf32>,
      %swap3A_441 = vector.shape_cast %swap3A_440 : vector<1x16xf32> to vector<16xf32>
      %swap3A_442 = vector.shape_cast %convert_element_type3A : vector<16xf32> to vector<1x16xf32>
      tpu.vector_store %arg10[%swap3A_438, %swap3A_439], %swap3A_442 {add = true, strides = array<i32>} : memref<40x1024xf32, #tpu.memory_space<vmem>>, vector<1x16xf32>,
      %swap3A_443 = arith.index_cast %scan3A_356 : i32 to index
      %swap3A_444 = arith.constant 256 : index
      %swap3A_445 = tpu.vector_load %arg10[%swap3A_443, %swap3A_444] {strides = array<i32>} : memref<40x1024xf32, #tpu.memory_space<vmem>>, vector<1x16xf32>,
      %swap3A_446 = vector.shape_cast %swap3A_445 : vector<1x16xf32> to vector<16xf32>
      %swap3A_447 = vector.shape_cast %convert_element_type3A : vector<16xf32> to vector<1x16xf32>
      tpu.vector_store %arg10[%swap3A_443, %swap3A_444], %swap3A_447 {add = true, strides = array<i32>} : memref<40x1024xf32, #tpu.memory_space<vmem>>, vector<1x16xf32>,
      %swap3A_448 = arith.index_cast %scan3A_356 : i32 to index
      %swap3A_449 = arith.constant 272 : index
      %swap3A_450 = tpu.vector_load %arg10[%swap3A_448, %swap3A_449] {strides = array<i32>} : memref<40x1024xf32, #tpu.memory_space<vmem>>, vector<1x16xf32>,
      %swap3A_451 = vector.shape_cast %swap3A_450 : vector<1x16xf32> to vector<16xf32>
      %swap3A_452 = vector.shape_cast %convert_element_type3A : vector<16xf32> to vector<1x16xf32>
      tpu.vector_store %arg10[%swap3A_448, %swap3A_449], %swap3A_452 {add = true, strides = array<i32>} : memref<40x1024xf32, #tpu.memory_space<vmem>>, vector<1x16xf32>,
      %swap3A_453 = arith.index_cast %scan3A_356 : i32 to index
      %swap3A_454 = arith.constant 288 : index
      %swap3A_455 = tpu.vector_load %arg10[%swap3A_453, %swap3A_454] {strides = array<i32>} : memref<40x1024xf32, #tpu.memory_space<vmem>>, vector<1x16xf32>,
      %swap3A_456 = vector.shape_cast %swap3A_455 : vector<1x16xf32> to vector<16xf32>
      %swap3A_457 = vector.shape_cast %convert_element_type3A : vector<16xf32> to vector<1x16xf32>
      tpu.vector_store %arg10[%swap3A_453, %swap3A_454], %swap3A_457 {add = true, strides = array<i32>} : memref<40x1024xf32, #tpu.memory_space<vmem>>, vector<1x16xf32>,
      %swap3A_458 = arith.index_cast %scan3A_356 : i32 to index
      %swap3A_459 = arith.constant 304 : index
      %swap3A_460 = tpu.vector_load %arg10[%swap3A_458, %swap3A_459] {strides = array<i32>} : memref<40x1024xf32, #tpu.memory_space<vmem>>, vector<1x16xf32>,
      %swap3A_461 = vector.shape_cast %swap3A_460 : vector<1x16xf32> to vector<16xf32>
      %swap3A_462 = vector.shape_cast %convert_element_type3A : vector<16xf32> to vector<1x16xf32>
      tpu.vector_store %arg10[%swap3A_458, %swap3A_459], %swap3A_462 {add = true, strides = array<i32>} : memref<40x1024xf32, #tpu.memory_space<vmem>>, vector<1x16xf32>,
      %swap3A_463 = arith.index_cast %scan3A_356 : i32 to index
      %swap3A_464 = arith.constant 320 : index
      %swap3A_465 = tpu.vector_load %arg10[%swap3A_463, %swap3A_464] {strides = array<i32>} : memref<40x1024xf32, #tpu.memory_space<vmem>>, vector<1x16xf32>,
      %swap3A_466 = vector.shape_cast %swap3A_465 : vector<1x16xf32> to vector<16xf32>
      %swap3A_467 = vector.shape_cast %convert_element_type3A : vector<16xf32> to vector<1x16xf32>
      tpu.vector_store %arg10[%swap3A_463, %swap3A_464], %swap3A_467 {add = true, strides = array<i32>} : memref<40x1024xf32, #tpu.memory_space<vmem>>, vector<1x16xf32>,
      %swap3A_468 = arith.index_cast %scan3A_356 : i32 to index
      %swap3A_469 = arith.constant 336 : index
      %swap3A_470 = tpu.vector_load %arg10[%swap3A_468, %swap3A_469] {strides = array<i32>} : memref<40x1024xf32, #tpu.memory_space<vmem>>, vector<1x16xf32>,
      %swap3A_471 = vector.shape_cast %swap3A_470 : vector<1x16xf32> to vector<16xf32>
      %swap3A_472 = vector.shape_cast %convert_element_type3A : vector<16xf32> to vector<1x16xf32>
      tpu.vector_store %arg10[%swap3A_468, %swap3A_469], %swap3A_472 {add = true, strides = array<i32>} : memref<40x1024xf32, #tpu.memory_space<vmem>>, vector<1x16xf32>,
      %swap3A_473 = arith.index_cast %scan3A_356 : i32 to index
      %swap3A_474 = arith.constant 352 : index
      %swap3A_475 = tpu.vector_load %arg10[%swap3A_473, %swap3A_474] {strides = array<i32>} : memref<40x1024xf32, #tpu.memory_space<vmem>>, vector<1x16xf32>,
      %swap3A_476 = vector.shape_cast %swap3A_475 : vector<1x16xf32> to vector<16xf32>
      %swap3A_477 = vector.shape_cast %convert_element_type3A : vector<16xf32> to vector<1x16xf32>
      tpu.vector_store %arg10[%swap3A_473, %swap3A_474], %swap3A_477 {add = true, strides = array<i32>} : memref<40x1024xf32, #tpu.memory_space<vmem>>, vector<1x16xf32>,
      %swap3A_478 = arith.index_cast %scan3A_356 : i32 to index
      %swap3A_479 = arith.constant 368 : index
      %swap3A_480 = tpu.vector_load %arg10[%swap3A_478, %swap3A_479] {strides = array<i32>} : memref<40x1024xf32, #tpu.memory_space<vmem>>, vector<1x16xf32>,
      %swap3A_481 = vector.shape_cast %swap3A_480 : vector<1x16xf32> to vector<16xf32>
      %swap3A_482 = vector.shape_cast %convert_element_type3A : vector<16xf32> to vector<1x16xf32>
      tpu.vector_store %arg10[%swap3A_478, %swap3A_479], %swap3A_482 {add = true, strides = array<i32>} : memref<40x1024xf32, #tpu.memory_space<vmem>>, vector<1x16xf32>,
      %swap3A_483 = arith.index_cast %scan3A_356 : i32 to index
      %swap3A_484 = arith.constant 384 : index
      %swap3A_485 = tpu.vector_load %arg10[%swap3A_483, %swap3A_484] {strides = array<i32>} : memref<40x1024xf32, #tpu.memory_space<vmem>>, vector<1x16xf32>,
      %swap3A_486 = vector.shape_cast %swap3A_485 : vector<1x16xf32> to vector<16xf32>
      %swap3A_487 = vector.shape_cast %convert_element_type3A : vector<16xf32> to vector<1x16xf32>
      tpu.vector_store %arg10[%swap3A_483, %swap3A_484], %swap3A_487 {add = true, strides = array<i32>} : memref<40x1024xf32, #tpu.memory_space<vmem>>, vector<1x16xf32>,
      %swap3A_488 = arith.index_cast %scan3A_356 : i32 to index
      %swap3A_489 = arith.constant 400 : index
      %swap3A_490 = tpu.vector_load %arg10[%swap3A_488, %swap3A_489] {strides = array<i32>} : memref<40x1024xf32, #tpu.memory_space<vmem>>, vector<1x16xf32>,
      %swap3A_491 = vector.shape_cast %swap3A_490 : vector<1x16xf32> to vector<16xf32>
      %swap3A_492 = vector.shape_cast %convert_element_type3A : vector<16xf32> to vector<1x16xf32>
      tpu.vector_store %arg10[%swap3A_488, %swap3A_489], %swap3A_492 {add = true, strides = array<i32>} : memref<40x1024xf32, #tpu.memory_space<vmem>>, vector<1x16xf32>,
      %swap3A_493 = arith.index_cast %scan3A_356 : i32 to index
      %swap3A_494 = arith.constant 416 : index
      %swap3A_495 = tpu.vector_load %arg10[%swap3A_493, %swap3A_494] {strides = array<i32>} : memref<40x1024xf32, #tpu.memory_space<vmem>>, vector<1x16xf32>,
      %swap3A_496 = vector.shape_cast %swap3A_495 : vector<1x16xf32> to vector<16xf32>
      %swap3A_497 = vector.shape_cast %convert_element_type3A : vector<16xf32> to vector<1x16xf32>
      tpu.vector_store %arg10[%swap3A_493, %swap3A_494], %swap3A_497 {add = true, strides = array<i32>} : memref<40x1024xf32, #tpu.memory_space<vmem>>, vector<1x16xf32>,
      %swap3A_498 = arith.index_cast %scan3A_356 : i32 to index
      %swap3A_499 = arith.constant 432 : index
      %swap3A_500 = tpu.vector_load %arg10[%swap3A_498, %swap3A_499] {strides = array<i32>} : memref<40x1024xf32, #tpu.memory_space<vmem>>, vector<1x16xf32>,
      %swap3A_501 = vector.shape_cast %swap3A_500 : vector<1x16xf32> to vector<16xf32>
      %swap3A_502 = vector.shape_cast %convert_element_type3A : vector<16xf32> to vector<1x16xf32>
      tpu.vector_store %arg10[%swap3A_498, %swap3A_499], %swap3A_502 {add = true, strides = array<i32>} : memref<40x1024xf32, #tpu.memory_space<vmem>>, vector<1x16xf32>,
      %swap3A_503 = arith.index_cast %scan3A_356 : i32 to index
      %swap3A_504 = arith.constant 448 : index
      %swap3A_505 = tpu.vector_load %arg10[%swap3A_503, %swap3A_504] {strides = array<i32>} : memref<40x1024xf32, #tpu.memory_space<vmem>>, vector<1x16xf32>,
      %swap3A_506 = vector.shape_cast %swap3A_505 : vector<1x16xf32> to vector<16xf32>
      %swap3A_507 = vector.shape_cast %convert_element_type3A : vector<16xf32> to vector<1x16xf32>
      tpu.vector_store %arg10[%swap3A_503, %swap3A_504], %swap3A_507 {add = true, strides = array<i32>} : memref<40x1024xf32, #tpu.memory_space<vmem>>, vector<1x16xf32>,
      %swap3A_508 = arith.index_cast %scan3A_356 : i32 to index
      %swap3A_509 = arith.constant 464 : index
      %swap3A_510 = tpu.vector_load %arg10[%swap3A_508, %swap3A_509] {strides = array<i32>} : memref<40x1024xf32, #tpu.memory_space<vmem>>, vector<1x16xf32>,
      %swap3A_511 = vector.shape_cast %swap3A_510 : vector<1x16xf32> to vector<16xf32>
      %swap3A_512 = vector.shape_cast %convert_element_type3A : vector<16xf32> to vector<1x16xf32>
      tpu.vector_store %arg10[%swap3A_508, %swap3A_509], %swap3A_512 {add = true, strides = array<i32>} : memref<40x1024xf32, #tpu.memory_space<vmem>>, vector<1x16xf32>,
      %swap3A_513 = arith.index_cast %scan3A_356 : i32 to index
      %swap3A_514 = arith.constant 480 : index
      %swap3A_515 = tpu.vector_load %arg10[%swap3A_513, %swap3A_514] {strides = array<i32>} : memref<40x1024xf32, #tpu.memory_space<vmem>>, vector<1x16xf32>,
      %swap3A_516 = vector.shape_cast %swap3A_515 : vector<1x16xf32> to vector<16xf32>
      %swap3A_517 = vector.shape_cast %convert_element_type3A : vector<16xf32> to vector<1x16xf32>
      tpu.vector_store %arg10[%swap3A_513, %swap3A_514], %swap3A_517 {add = true, strides = array<i32>} : memref<40x1024xf32, #tpu.memory_space<vmem>>, vector<1x16xf32>,
      %swap3A_518 = arith.index_cast %scan3A_356 : i32 to index
      %swap3A_519 = arith.constant 496 : index
      %swap3A_520 = tpu.vector_load %arg10[%swap3A_518, %swap3A_519] {strides = array<i32>} : memref<40x1024xf32, #tpu.memory_space<vmem>>, vector<1x16xf32>,
      %swap3A_521 = vector.shape_cast %swap3A_520 : vector<1x16xf32> to vector<16xf32>
      %swap3A_522 = vector.shape_cast %convert_element_type3A : vector<16xf32> to vector<1x16xf32>
      tpu.vector_store %arg10[%swap3A_518, %swap3A_519], %swap3A_522 {add = true, strides = array<i32>} : memref<40x1024xf32, #tpu.memory_space<vmem>>, vector<1x16xf32>,
      %swap3A_523 = arith.index_cast %scan3A_356 : i32 to index
      %swap3A_524 = arith.constant 512 : index
      %swap3A_525 = tpu.vector_load %arg10[%swap3A_523, %swap3A_524] {strides = array<i32>} : memref<40x1024xf32, #tpu.memory_space<vmem>>, vector<1x16xf32>,
      %swap3A_526 = vector.shape_cast %swap3A_525 : vector<1x16xf32> to vector<16xf32>
      %swap3A_527 = vector.shape_cast %convert_element_type3A : vector<16xf32> to vector<1x16xf32>
      tpu.vector_store %arg10[%swap3A_523, %swap3A_524], %swap3A_527 {add = true, strides = array<i32>} : memref<40x1024xf32, #tpu.memory_space<vmem>>, vector<1x16xf32>,
      %swap3A_528 = arith.index_cast %scan3A_356 : i32 to index
      %swap3A_529 = arith.constant 528 : index
      %swap3A_530 = tpu.vector_load %arg10[%swap3A_528, %swap3A_529] {strides = array<i32>} : memref<40x1024xf32, #tpu.memory_space<vmem>>, vector<1x16xf32>,
      %swap3A_531 = vector.shape_cast %swap3A_530 : vector<1x16xf32> to vector<16xf32>
      %swap3A_532 = vector.shape_cast %convert_element_type3A : vector<16xf32> to vector<1x16xf32>
      tpu.vector_store %arg10[%swap3A_528, %swap3A_529], %swap3A_532 {add = true, strides = array<i32>} : memref<40x1024xf32, #tpu.memory_space<vmem>>, vector<1x16xf32>,
      %swap3A_533 = arith.index_cast %scan3A_356 : i32 to index
      %swap3A_534 = arith.constant 544 : index
      %swap3A_535 = tpu.vector_load %arg10[%swap3A_533, %swap3A_534] {strides = array<i32>} : memref<40x1024xf32, #tpu.memory_space<vmem>>, vector<1x16xf32>,
      %swap3A_536 = vector.shape_cast %swap3A_535 : vector<1x16xf32> to vector<16xf32>
      %swap3A_537 = vector.shape_cast %convert_element_type3A : vector<16xf32> to vector<1x16xf32>
      tpu.vector_store %arg10[%swap3A_533, %swap3A_534], %swap3A_537 {add = true, strides = array<i32>} : memref<40x1024xf32, #tpu.memory_space<vmem>>, vector<1x16xf32>,
      %swap3A_538 = arith.index_cast %scan3A_356 : i32 to index
      %swap3A_539 = arith.constant 560 : index
      %swap3A_540 = tpu.vector_load %arg10[%swap3A_538, %swap3A_539] {strides = array<i32>} : memref<40x1024xf32, #tpu.memory_space<vmem>>, vector<1x16xf32>,
      %swap3A_541 = vector.shape_cast %swap3A_540 : vector<1x16xf32> to vector<16xf32>
      %swap3A_542 = vector.shape_cast %convert_element_type3A : vector<16xf32> to vector<1x16xf32>
      tpu.vector_store %arg10[%swap3A_538, %swap3A_539], %swap3A_542 {add = true, strides = array<i32>} : memref<40x1024xf32, #tpu.memory_space<vmem>>, vector<1x16xf32>,
      %swap3A_543 = arith.index_cast %scan3A_356 : i32 to index
      %swap3A_544 = arith.constant 576 : index
      %swap3A_545 = tpu.vector_load %arg10[%swap3A_543, %swap3A_544] {strides = array<i32>} : memref<40x1024xf32, #tpu.memory_space<vmem>>, vector<1x16xf32>,
      %swap3A_546 = vector.shape_cast %swap3A_545 : vector<1x16xf32> to vector<16xf32>
      %swap3A_547 = vector.shape_cast %convert_element_type3A : vector<16xf32> to vector<1x16xf32>
      tpu.vector_store %arg10[%swap3A_543, %swap3A_544], %swap3A_547 {add = true, strides = array<i32>} : memref<40x1024xf32, #tpu.memory_space<vmem>>, vector<1x16xf32>,
      %swap3A_548 = arith.index_cast %scan3A_356 : i32 to index
      %swap3A_549 = arith.constant 592 : index
      %swap3A_550 = tpu.vector_load %arg10[%swap3A_548, %swap3A_549] {strides = array<i32>} : memref<40x1024xf32, #tpu.memory_space<vmem>>, vector<1x16xf32>,
      %swap3A_551 = vector.shape_cast %swap3A_550 : vector<1x16xf32> to vector<16xf32>
      %swap3A_552 = vector.shape_cast %convert_element_type3A : vector<16xf32> to vector<1x16xf32>
      tpu.vector_store %arg10[%swap3A_548, %swap3A_549], %swap3A_552 {add = true, strides = array<i32>} : memref<40x1024xf32, #tpu.memory_space<vmem>>, vector<1x16xf32>,
      %swap3A_553 = arith.index_cast %scan3A_356 : i32 to index
      %swap3A_554 = arith.constant 608 : index
      %swap3A_555 = tpu.vector_load %arg10[%swap3A_553, %swap3A_554] {strides = array<i32>} : memref<40x1024xf32, #tpu.memory_space<vmem>>, vector<1x16xf32>,
      %swap3A_556 = vector.shape_cast %swap3A_555 : vector<1x16xf32> to vector<16xf32>
      %swap3A_557 = vector.shape_cast %convert_element_type3A : vector<16xf32> to vector<1x16xf32>
      tpu.vector_store %arg10[%swap3A_553, %swap3A_554], %swap3A_557 {add = true, strides = array<i32>} : memref<40x1024xf32, #tpu.memory_space<vmem>>, vector<1x16xf32>,
      %swap3A_558 = arith.index_cast %scan3A_356 : i32 to index
      %swap3A_559 = arith.constant 624 : index
      %swap3A_560 = tpu.vector_load %arg10[%swap3A_558, %swap3A_559] {strides = array<i32>} : memref<40x1024xf32, #tpu.memory_space<vmem>>, vector<1x16xf32>,
      %swap3A_561 = vector.shape_cast %swap3A_560 : vector<1x16xf32> to vector<16xf32>
      %swap3A_562 = vector.shape_cast %convert_element_type3A : vector<16xf32> to vector<1x16xf32>
      tpu.vector_store %arg10[%swap3A_558, %swap3A_559], %swap3A_562 {add = true, strides = array<i32>} : memref<40x1024xf32, #tpu.memory_space<vmem>>, vector<1x16xf32>,
      %swap3A_563 = arith.index_cast %scan3A_356 : i32 to index
      %swap3A_564 = arith.constant 640 : index
      %swap3A_565 = tpu.vector_load %arg10[%swap3A_563, %swap3A_564] {strides = array<i32>} : memref<40x1024xf32, #tpu.memory_space<vmem>>, vector<1x16xf32>,
      %swap3A_566 = vector.shape_cast %swap3A_565 : vector<1x16xf32> to vector<16xf32>
      %swap3A_567 = vector.shape_cast %convert_element_type3A : vector<16xf32> to vector<1x16xf32>
      tpu.vector_store %arg10[%swap3A_563, %swap3A_564], %swap3A_567 {add = true, strides = array<i32>} : memref<40x1024xf32, #tpu.memory_space<vmem>>, vector<1x16xf32>,
      %swap3A_568 = arith.index_cast %scan3A_356 : i32 to index
      %swap3A_569 = arith.constant 656 : index
      %swap3A_570 = tpu.vector_load %arg10[%swap3A_568, %swap3A_569] {strides = array<i32>} : memref<40x1024xf32, #tpu.memory_space<vmem>>, vector<1x16xf32>,
      %swap3A_571 = vector.shape_cast %swap3A_570 : vector<1x16xf32> to vector<16xf32>
      %swap3A_572 = vector.shape_cast %convert_element_type3A : vector<16xf32> to vector<1x16xf32>
      tpu.vector_store %arg10[%swap3A_568, %swap3A_569], %swap3A_572 {add = true, strides = array<i32>} : memref<40x1024xf32, #tpu.memory_space<vmem>>, vector<1x16xf32>,
      %swap3A_573 = arith.index_cast %scan3A_356 : i32 to index
      %swap3A_574 = arith.constant 672 : index
      %swap3A_575 = tpu.vector_load %arg10[%swap3A_573, %swap3A_574] {strides = array<i32>} : memref<40x1024xf32, #tpu.memory_space<vmem>>, vector<1x16xf32>,
      %swap3A_576 = vector.shape_cast %swap3A_575 : vector<1x16xf32> to vector<16xf32>
      %swap3A_577 = vector.shape_cast %convert_element_type3A : vector<16xf32> to vector<1x16xf32>
      tpu.vector_store %arg10[%swap3A_573, %swap3A_574], %swap3A_577 {add = true, strides = array<i32>} : memref<40x1024xf32, #tpu.memory_space<vmem>>, vector<1x16xf32>,
      %swap3A_578 = arith.index_cast %scan3A_356 : i32 to index
      %swap3A_579 = arith.constant 688 : index
      %swap3A_580 = tpu.vector_load %arg10[%swap3A_578, %swap3A_579] {strides = array<i32>} : memref<40x1024xf32, #tpu.memory_space<vmem>>, vector<1x16xf32>,
      %swap3A_581 = vector.shape_cast %swap3A_580 : vector<1x16xf32> to vector<16xf32>
      %swap3A_582 = vector.shape_cast %convert_element_type3A : vector<16xf32> to vector<1x16xf32>
      tpu.vector_store %arg10[%swap3A_578, %swap3A_579], %swap3A_582 {add = true, strides = array<i32>} : memref<40x1024xf32, #tpu.memory_space<vmem>>, vector<1x16xf32>,
      %swap3A_583 = arith.index_cast %scan3A_356 : i32 to index
      %swap3A_584 = arith.constant 704 : index
      %swap3A_585 = tpu.vector_load %arg10[%swap3A_583, %swap3A_584] {strides = array<i32>} : memref<40x1024xf32, #tpu.memory_space<vmem>>, vector<1x16xf32>,
      %swap3A_586 = vector.shape_cast %swap3A_585 : vector<1x16xf32> to vector<16xf32>
      %swap3A_587 = vector.shape_cast %convert_element_type3A : vector<16xf32> to vector<1x16xf32>
      tpu.vector_store %arg10[%swap3A_583, %swap3A_584], %swap3A_587 {add = true, strides = array<i32>} : memref<40x1024xf32, #tpu.memory_space<vmem>>, vector<1x16xf32>,
      %swap3A_588 = arith.index_cast %scan3A_356 : i32 to index
      %swap3A_589 = arith.constant 720 : index
      %swap3A_590 = tpu.vector_load %arg10[%swap3A_588, %swap3A_589] {strides = array<i32>} : memref<40x1024xf32, #tpu.memory_space<vmem>>, vector<1x16xf32>,
      %swap3A_591 = vector.shape_cast %swap3A_590 : vector<1x16xf32> to vector<16xf32>
      %swap3A_592 = vector.shape_cast %convert_element_type3A : vector<16xf32> to vector<1x16xf32>
      tpu.vector_store %arg10[%swap3A_588, %swap3A_589], %swap3A_592 {add = true, strides = array<i32>} : memref<40x1024xf32, #tpu.memory_space<vmem>>, vector<1x16xf32>,
      %swap3A_593 = arith.index_cast %scan3A_356 : i32 to index
      %swap3A_594 = arith.constant 736 : index
      %swap3A_595 = tpu.vector_load %arg10[%swap3A_593, %swap3A_594] {strides = array<i32>} : memref<40x1024xf32, #tpu.memory_space<vmem>>, vector<1x16xf32>,
      %swap3A_596 = vector.shape_cast %swap3A_595 : vector<1x16xf32> to vector<16xf32>
      %swap3A_597 = vector.shape_cast %convert_element_type3A : vector<16xf32> to vector<1x16xf32>
      tpu.vector_store %arg10[%swap3A_593, %swap3A_594], %swap3A_597 {add = true, strides = array<i32>} : memref<40x1024xf32, #tpu.memory_space<vmem>>, vector<1x16xf32>,
      %swap3A_598 = arith.index_cast %scan3A_356 : i32 to index
      %swap3A_599 = arith.constant 752 : index
      %swap3A_600 = tpu.vector_load %arg10[%swap3A_598, %swap3A_599] {strides = array<i32>} : memref<40x1024xf32, #tpu.memory_space<vmem>>, vector<1x16xf32>,
      %swap3A_601 = vector.shape_cast %swap3A_600 : vector<1x16xf32> to vector<16xf32>
      %swap3A_602 = vector.shape_cast %convert_element_type3A : vector<16xf32> to vector<1x16xf32>
      tpu.vector_store %arg10[%swap3A_598, %swap3A_599], %swap3A_602 {add = true, strides = array<i32>} : memref<40x1024xf32, #tpu.memory_space<vmem>>, vector<1x16xf32>,
      %swap3A_603 = arith.index_cast %scan3A_356 : i32 to index
      %swap3A_604 = arith.constant 768 : index
      %swap3A_605 = tpu.vector_load %arg10[%swap3A_603, %swap3A_604] {strides = array<i32>} : memref<40x1024xf32, #tpu.memory_space<vmem>>, vector<1x16xf32>,
      %swap3A_606 = vector.shape_cast %swap3A_605 : vector<1x16xf32> to vector<16xf32>
      %swap3A_607 = vector.shape_cast %convert_element_type3A : vector<16xf32> to vector<1x16xf32>
      tpu.vector_store %arg10[%swap3A_603, %swap3A_604], %swap3A_607 {add = true, strides = array<i32>} : memref<40x1024xf32, #tpu.memory_space<vmem>>, vector<1x16xf32>,
      %swap3A_608 = arith.index_cast %scan3A_356 : i32 to index
      %swap3A_609 = arith.constant 784 : index
      %swap3A_610 = tpu.vector_load %arg10[%swap3A_608, %swap3A_609] {strides = array<i32>} : memref<40x1024xf32, #tpu.memory_space<vmem>>, vector<1x16xf32>,
      %swap3A_611 = vector.shape_cast %swap3A_610 : vector<1x16xf32> to vector<16xf32>
      %swap3A_612 = vector.shape_cast %convert_element_type3A : vector<16xf32> to vector<1x16xf32>
      tpu.vector_store %arg10[%swap3A_608, %swap3A_609], %swap3A_612 {add = true, strides = array<i32>} : memref<40x1024xf32, #tpu.memory_space<vmem>>, vector<1x16xf32>,
      %swap3A_613 = arith.index_cast %scan3A_356 : i32 to index
      %swap3A_614 = arith.constant 800 : index
      %swap3A_615 = tpu.vector_load %arg10[%swap3A_613, %swap3A_614] {strides = array<i32>} : memref<40x1024xf32, #tpu.memory_space<vmem>>, vector<1x16xf32>,
      %swap3A_616 = vector.shape_cast %swap3A_615 : vector<1x16xf32> to vector<16xf32>
      %swap3A_617 = vector.shape_cast %convert_element_type3A : vector<16xf32> to vector<1x16xf32>
      tpu.vector_store %arg10[%swap3A_613, %swap3A_614], %swap3A_617 {add = true, strides = array<i32>} : memref<40x1024xf32, #tpu.memory_space<vmem>>, vector<1x16xf32>,
      %swap3A_618 = arith.index_cast %scan3A_356 : i32 to index
      %swap3A_619 = arith.constant 816 : index
      %swap3A_620 = tpu.vector_load %arg10[%swap3A_618, %swap3A_619] {strides = array<i32>} : memref<40x1024xf32, #tpu.memory_space<vmem>>, vector<1x16xf32>,
      %swap3A_621 = vector.shape_cast %swap3A_620 : vector<1x16xf32> to vector<16xf32>
      %swap3A_622 = vector.shape_cast %convert_element_type3A : vector<16xf32> to vector<1x16xf32>
      tpu.vector_store %arg10[%swap3A_618, %swap3A_619], %swap3A_622 {add = true, strides = array<i32>} : memref<40x1024xf32, #tpu.memory_space<vmem>>, vector<1x16xf32>,
      %swap3A_623 = arith.index_cast %scan3A_356 : i32 to index
      %swap3A_624 = arith.constant 832 : index
      %swap3A_625 = tpu.vector_load %arg10[%swap3A_623, %swap3A_624] {strides = array<i32>} : memref<40x1024xf32, #tpu.memory_space<vmem>>, vector<1x16xf32>,
      %swap3A_626 = vector.shape_cast %swap3A_625 : vector<1x16xf32> to vector<16xf32>
      %swap3A_627 = vector.shape_cast %convert_element_type3A : vector<16xf32> to vector<1x16xf32>
      tpu.vector_store %arg10[%swap3A_623, %swap3A_624], %swap3A_627 {add = true, strides = array<i32>} : memref<40x1024xf32, #tpu.memory_space<vmem>>, vector<1x16xf32>,
      %swap3A_628 = arith.index_cast %scan3A_356 : i32 to index
      %swap3A_629 = arith.constant 848 : index
      %swap3A_630 = tpu.vector_load %arg10[%swap3A_628, %swap3A_629] {strides = array<i32>} : memref<40x1024xf32, #tpu.memory_space<vmem>>, vector<1x16xf32>,
      %swap3A_631 = vector.shape_cast %swap3A_630 : vector<1x16xf32> to vector<16xf32>
      %swap3A_632 = vector.shape_cast %convert_element_type3A : vector<16xf32> to vector<1x16xf32>
      tpu.vector_store %arg10[%swap3A_628, %swap3A_629], %swap3A_632 {add = true, strides = array<i32>} : memref<40x1024xf32, #tpu.memory_space<vmem>>, vector<1x16xf32>,
      %swap3A_633 = arith.index_cast %scan3A_356 : i32 to index
      %swap3A_634 = arith.constant 864 : index
      %swap3A_635 = tpu.vector_load %arg10[%swap3A_633, %swap3A_634] {strides = array<i32>} : memref<40x1024xf32, #tpu.memory_space<vmem>>, vector<1x16xf32>,
      %swap3A_636 = vector.shape_cast %swap3A_635 : vector<1x16xf32> to vector<16xf32>
      %swap3A_637 = vector.shape_cast %convert_element_type3A : vector<16xf32> to vector<1x16xf32>
      tpu.vector_store %arg10[%swap3A_633, %swap3A_634], %swap3A_637 {add = true, strides = array<i32>} : memref<40x1024xf32, #tpu.memory_space<vmem>>, vector<1x16xf32>,
      %swap3A_638 = arith.index_cast %scan3A_356 : i32 to index
      %swap3A_639 = arith.constant 880 : index
      %swap3A_640 = tpu.vector_load %arg10[%swap3A_638, %swap3A_639] {strides = array<i32>} : memref<40x1024xf32, #tpu.memory_space<vmem>>, vector<1x16xf32>,
      %swap3A_641 = vector.shape_cast %swap3A_640 : vector<1x16xf32> to vector<16xf32>
      %swap3A_642 = vector.shape_cast %convert_element_type3A : vector<16xf32> to vector<1x16xf32>
      tpu.vector_store %arg10[%swap3A_638, %swap3A_639], %swap3A_642 {add = true, strides = array<i32>} : memref<40x1024xf32, #tpu.memory_space<vmem>>, vector<1x16xf32>,
      %swap3A_643 = arith.index_cast %scan3A_356 : i32 to index
      %swap3A_644 = arith.constant 896 : index
      %swap3A_645 = tpu.vector_load %arg10[%swap3A_643, %swap3A_644] {strides = array<i32>} : memref<40x1024xf32, #tpu.memory_space<vmem>>, vector<1x16xf32>,
      %swap3A_646 = vector.shape_cast %swap3A_645 : vector<1x16xf32> to vector<16xf32>
      %swap3A_647 = vector.shape_cast %convert_element_type3A : vector<16xf32> to vector<1x16xf32>
      tpu.vector_store %arg10[%swap3A_643, %swap3A_644], %swap3A_647 {add = true, strides = array<i32>} : memref<40x1024xf32, #tpu.memory_space<vmem>>, vector<1x16xf32>,
      %swap3A_648 = arith.index_cast %scan3A_356 : i32 to index
      %swap3A_649 = arith.constant 912 : index
      %swap3A_650 = tpu.vector_load %arg10[%swap3A_648, %swap3A_649] {strides = array<i32>} : memref<40x1024xf32, #tpu.memory_space<vmem>>, vector<1x16xf32>,
      %swap3A_651 = vector.shape_cast %swap3A_650 : vector<1x16xf32> to vector<16xf32>
      %swap3A_652 = vector.shape_cast %convert_element_type3A : vector<16xf32> to vector<1x16xf32>
      tpu.vector_store %arg10[%swap3A_648, %swap3A_649], %swap3A_652 {add = true, strides = array<i32>} : memref<40x1024xf32, #tpu.memory_space<vmem>>, vector<1x16xf32>,
      %swap3A_653 = arith.index_cast %scan3A_356 : i32 to index
      %swap3A_654 = arith.constant 928 : index
      %swap3A_655 = tpu.vector_load %arg10[%swap3A_653, %swap3A_654] {strides = array<i32>} : memref<40x1024xf32, #tpu.memory_space<vmem>>, vector<1x16xf32>,
      %swap3A_656 = vector.shape_cast %swap3A_655 : vector<1x16xf32> to vector<16xf32>
      %swap3A_657 = vector.shape_cast %convert_element_type3A : vector<16xf32> to vector<1x16xf32>
      tpu.vector_store %arg10[%swap3A_653, %swap3A_654], %swap3A_657 {add = true, strides = array<i32>} : memref<40x1024xf32, #tpu.memory_space<vmem>>, vector<1x16xf32>,
      %swap3A_658 = arith.index_cast %scan3A_356 : i32 to index
      %swap3A_659 = arith.constant 944 : index
      %swap3A_660 = tpu.vector_load %arg10[%swap3A_658, %swap3A_659] {strides = array<i32>} : memref<40x1024xf32, #tpu.memory_space<vmem>>, vector<1x16xf32>,
      %swap3A_661 = vector.shape_cast %swap3A_660 : vector<1x16xf32> to vector<16xf32>
      %swap3A_662 = vector.shape_cast %convert_element_type3A : vector<16xf32> to vector<1x16xf32>
      tpu.vector_store %arg10[%swap3A_658, %swap3A_659], %swap3A_662 {add = true, strides = array<i32>} : memref<40x1024xf32, #tpu.memory_space<vmem>>, vector<1x16xf32>,
      %swap3A_663 = arith.index_cast %scan3A_356 : i32 to index
      %swap3A_664 = arith.constant 960 : index
      %swap3A_665 = tpu.vector_load %arg10[%swap3A_663, %swap3A_664] {strides = array<i32>} : memref<40x1024xf32, #tpu.memory_space<vmem>>, vector<1x16xf32>,
      %swap3A_666 = vector.shape_cast %swap3A_665 : vector<1x16xf32> to vector<16xf32>
      %swap3A_667 = vector.shape_cast %convert_element_type3A : vector<16xf32> to vector<1x16xf32>
      tpu.vector_store %arg10[%swap3A_663, %swap3A_664], %swap3A_667 {add = true, strides = array<i32>} : memref<40x1024xf32, #tpu.memory_space<vmem>>, vector<1x16xf32>,
      %swap3A_668 = arith.index_cast %scan3A_356 : i32 to index
      %swap3A_669 = arith.constant 976 : index
      %swap3A_670 = tpu.vector_load %arg10[%swap3A_668, %swap3A_669] {strides = array<i32>} : memref<40x1024xf32, #tpu.memory_space<vmem>>, vector<1x16xf32>,
      %swap3A_671 = vector.shape_cast %swap3A_670 : vector<1x16xf32> to vector<16xf32>
      %swap3A_672 = vector.shape_cast %convert_element_type3A : vector<16xf32> to vector<1x16xf32>
      tpu.vector_store %arg10[%swap3A_668, %swap3A_669], %swap3A_672 {add = true, strides = array<i32>} : memref<40x1024xf32, #tpu.memory_space<vmem>>, vector<1x16xf32>,
      %swap3A_673 = arith.index_cast %scan3A_356 : i32 to index
      %swap3A_674 = arith.constant 992 : index
      %swap3A_675 = tpu.vector_load %arg10[%swap3A_673, %swap3A_674] {strides = array<i32>} : memref<40x1024xf32, #tpu.memory_space<vmem>>, vector<1x16xf32>,
      %swap3A_676 = vector.shape_cast %swap3A_675 : vector<1x16xf32> to vector<16xf32>
      %swap3A_677 = vector.shape_cast %convert_element_type3A : vector<16xf32> to vector<1x16xf32>
      tpu.vector_store %arg10[%swap3A_673, %swap3A_674], %swap3A_677 {add = true, strides = array<i32>} : memref<40x1024xf32, #tpu.memory_space<vmem>>, vector<1x16xf32>,
      %swap3A_678 = arith.index_cast %scan3A_356 : i32 to index
      %swap3A_679 = arith.constant 1008 : index
      %swap3A_680 = tpu.vector_load %arg10[%swap3A_678, %swap3A_679] {strides = array<i32>} : memref<40x1024xf32, #tpu.memory_space<vmem>>, vector<1x16xf32>,
      %swap3A_681 = vector.shape_cast %swap3A_680 : vector<1x16xf32> to vector<16xf32>
      %swap3A_682 = vector.shape_cast %convert_element_type3A : vector<16xf32> to vector<1x16xf32>
      tpu.vector_store %arg10[%swap3A_678, %swap3A_679], %swap3A_682 {add = true, strides = array<i32>} : memref<40x1024xf32, #tpu.memory_space<vmem>>, vector<1x16xf32>,
    }
    %scan3A_278 = arith.constant 40 : i32
    %add3A_279 = arith.constant 176 : i32
    %add3A_280 = arith.addi %mul3A_20, %add3A_279 : i32
    %dma_start3A_281 = arith.constant 0 : i32
    %dma_start3A_282 = arith.constant 0 : i32
    %dma_start3A_283 = tpu.memref_slice %arg10[%dma_start3A_281, %dma_start3A_282] : memref<40x1024xf32, #tpu.memory_space<vmem>> -> memref<40x1024xf32, #tpu.memory_space<vmem>>
    %dma_start3A_284 = arith.constant 0 : i32
    %dma_start3A_285 = tpu.memref_slice %arg5[%select_n3A, %add3A_280, %dma_start3A_284] : memref<4x2048x1024xf32, #tpu.memory_space<hbm>> -> memref<1x40x1024xf32, #tpu.memory_space<hbm>>
    %dma_start3A_286 = tpu.memref_squeeze %dma_start3A_285 : memref<1x40x1024xf32, #tpu.memory_space<hbm>> -> memref<40x1024xf32, #tpu.memory_space<hbm>>
    %dma_start3A_287 = arith.constant 0 : i32
    %dma_start3A_288 = tpu.memref_slice %arg5[%select_n3A, %add3A_280, %dma_start3A_287] : memref<4x2048x1024xf32, #tpu.memory_space<hbm>> -> memref<1x40x1024xf32, #tpu.memory_space<hbm>>
    %dma_start3A_289 = tpu.memref_squeeze %dma_start3A_288 : memref<1x40x1024xf32, #tpu.memory_space<hbm>> -> memref<40x1024xf32, #tpu.memory_space<hbm>>
    %dma_start3A_290 = arith.constant 0 : i32
    %dma_start3A_291 = arith.constant 0 : i32
    %dma_start3A_292 = tpu.memref_slice %arg10[%dma_start3A_290, %dma_start3A_291] : memref<40x1024xf32, #tpu.memory_space<vmem>> -> memref<40x1024xf32, #tpu.memory_space<vmem>>
    tpu.enqueue_dma source(%dma_start3A_292 : memref<40x1024xf32, #tpu.memory_space<vmem>>) target(%dma_start3A_289 : memref<40x1024xf32, #tpu.memory_space<hbm>>) target_semaphore(%arg16 : memref<!tpu.dma_semaphore, #tpu.memory_space<semaphore_mem>>)
    %dma_wait3A_293 = arith.constant 0 : i32
    %dma_wait3A_294 = arith.constant 0 : i32
    %dma_wait3A_295 = tpu.memref_slice %arg8[%dma_wait3A_293, %dma_wait3A_294] : memref<40x1024xf32, #tpu.memory_space<vmem>> -> memref<40x1024xf32, #tpu.memory_space<vmem>>
    %dma_wait3A_296 = arith.constant 216 : i32
    %dma_wait3A_297 = tpu.memref_slice %arg6[%dma_wait3A_296] : memref<256xi32, #tpu.memory_space<vmem>> -> memref<40xi32, #tpu.memory_space<vmem>>
    %dma_wait3A_298 = arith.constant 0 : i32
    %dma_wait3A_299 = arith.constant 0 : i32
    %dma_wait3A_300 = tpu.memref_slice %arg4[%dma_wait3A_298, %dma_wait3A_299] : memref<100000x1024xf32, #tpu.memory_space<hbm>> -> memref<100000x1024xf32, #tpu.memory_space<hbm>>
    tpu.wait_indirect_dma semaphore(%arg11 : memref<!tpu.dma_semaphore, #tpu.memory_space<semaphore_mem>>) src(%dma_wait3A_300 : memref<100000x1024xf32, #tpu.memory_space<hbm>>) dst(%dma_wait3A_295 : memref<40x1024xf32, #tpu.memory_space<vmem>>)
    %scan3A_301 = arith.constant 0 : i32
    %scan3A_302 = arith.constant 40 : i32
    %scan3A_303 = arith.addi %scan3A_301, %scan3A_302 : i32
    %scan3A_304 = arith.constant 1 : i32
    scf.for %scan3A_356 = %scan3A_301 to %scan3A_303 step %scan3A_304  : i32 {
      %add3A_357 = arith.constant 216 : i32
      %add3A_358 = arith.addi %add3A_357, %scan3A_356 : i32
      %mul3A_359 = arith.constant 16 : i32
      %mul3A_360 = arith.muli %add3A_358, %mul3A_359 : i32
      %get3A = arith.index_cast %mul3A_360 : i32 to index
      %get3A_361 = tpu.vector_load %arg7[%get3A] {strides = array<i32>} : memref<4096xf32, #tpu.memory_space<vmem>>, vector<16xf32>,
      %get3A_362 = vector.shape_cast %get3A_361 : vector<16xf32> to vector<16xf32>
      %add3A_363 = arith.addf %get3A_362, %convert_element_type3A : vector<16xf32>
      %swap3A = arith.index_cast %scan3A_356 : i32 to index
      %swap3A_364 = arith.constant 0 : index
      %swap3A_365 = tpu.vector_load %arg8[%swap3A, %swap3A_364] {strides = array<i32>} : memref<40x1024xf32, #tpu.memory_space<vmem>>, vector<1x16xf32>,
      %swap3A_366 = vector.shape_cast %swap3A_365 : vector<1x16xf32> to vector<16xf32>
      %swap3A_367 = vector.shape_cast %add3A_363 : vector<16xf32> to vector<1x16xf32>
      tpu.vector_store %arg8[%swap3A, %swap3A_364], %swap3A_367 {add = true, strides = array<i32>} : memref<40x1024xf32, #tpu.memory_space<vmem>>, vector<1x16xf32>,
      %swap3A_368 = arith.index_cast %scan3A_356 : i32 to index
      %swap3A_369 = arith.constant 16 : index
      %swap3A_370 = tpu.vector_load %arg8[%swap3A_368, %swap3A_369] {strides = array<i32>} : memref<40x1024xf32, #tpu.memory_space<vmem>>, vector<1x16xf32>,
      %swap3A_371 = vector.shape_cast %swap3A_370 : vector<1x16xf32> to vector<16xf32>
      %swap3A_372 = vector.shape_cast %convert_element_type3A : vector<16xf32> to vector<1x16xf32>
      tpu.vector_store %arg8[%swap3A_368, %swap3A_369], %swap3A_372 {add = true, strides = array<i32>} : memref<40x1024xf32, #tpu.memory_space<vmem>>, vector<1x16xf32>,
      %swap3A_373 = arith.index_cast %scan3A_356 : i32 to index
      %swap3A_374 = arith.constant 32 : index
      %swap3A_375 = tpu.vector_load %arg8[%swap3A_373, %swap3A_374] {strides = array<i32>} : memref<40x1024xf32, #tpu.memory_space<vmem>>, vector<1x16xf32>,
      %swap3A_376 = vector.shape_cast %swap3A_375 : vector<1x16xf32> to vector<16xf32>
      %swap3A_377 = vector.shape_cast %convert_element_type3A : vector<16xf32> to vector<1x16xf32>
      tpu.vector_store %arg8[%swap3A_373, %swap3A_374], %swap3A_377 {add = true, strides = array<i32>} : memref<40x1024xf32, #tpu.memory_space<vmem>>, vector<1x16xf32>,
      %swap3A_378 = arith.index_cast %scan3A_356 : i32 to index
      %swap3A_379 = arith.constant 48 : index
      %swap3A_380 = tpu.vector_load %arg8[%swap3A_378, %swap3A_379] {strides = array<i32>} : memref<40x1024xf32, #tpu.memory_space<vmem>>, vector<1x16xf32>,
      %swap3A_381 = vector.shape_cast %swap3A_380 : vector<1x16xf32> to vector<16xf32>
      %swap3A_382 = vector.shape_cast %convert_element_type3A : vector<16xf32> to vector<1x16xf32>
      tpu.vector_store %arg8[%swap3A_378, %swap3A_379], %swap3A_382 {add = true, strides = array<i32>} : memref<40x1024xf32, #tpu.memory_space<vmem>>, vector<1x16xf32>,
      %swap3A_383 = arith.index_cast %scan3A_356 : i32 to index
      %swap3A_384 = arith.constant 64 : index
      %swap3A_385 = tpu.vector_load %arg8[%swap3A_383, %swap3A_384] {strides = array<i32>} : memref<40x1024xf32, #tpu.memory_space<vmem>>, vector<1x16xf32>,
      %swap3A_386 = vector.shape_cast %swap3A_385 : vector<1x16xf32> to vector<16xf32>
      %swap3A_387 = vector.shape_cast %convert_element_type3A : vector<16xf32> to vector<1x16xf32>
      tpu.vector_store %arg8[%swap3A_383, %swap3A_384], %swap3A_387 {add = true, strides = array<i32>} : memref<40x1024xf32, #tpu.memory_space<vmem>>, vector<1x16xf32>,
      %swap3A_388 = arith.index_cast %scan3A_356 : i32 to index
      %swap3A_389 = arith.constant 80 : index
      %swap3A_390 = tpu.vector_load %arg8[%swap3A_388, %swap3A_389] {strides = array<i32>} : memref<40x1024xf32, #tpu.memory_space<vmem>>, vector<1x16xf32>,
      %swap3A_391 = vector.shape_cast %swap3A_390 : vector<1x16xf32> to vector<16xf32>
      %swap3A_392 = vector.shape_cast %convert_element_type3A : vector<16xf32> to vector<1x16xf32>
      tpu.vector_store %arg8[%swap3A_388, %swap3A_389], %swap3A_392 {add = true, strides = array<i32>} : memref<40x1024xf32, #tpu.memory_space<vmem>>, vector<1x16xf32>,
      %swap3A_393 = arith.index_cast %scan3A_356 : i32 to index
      %swap3A_394 = arith.constant 96 : index
      %swap3A_395 = tpu.vector_load %arg8[%swap3A_393, %swap3A_394] {strides = array<i32>} : memref<40x1024xf32, #tpu.memory_space<vmem>>, vector<1x16xf32>,
      %swap3A_396 = vector.shape_cast %swap3A_395 : vector<1x16xf32> to vector<16xf32>
      %swap3A_397 = vector.shape_cast %convert_element_type3A : vector<16xf32> to vector<1x16xf32>
      tpu.vector_store %arg8[%swap3A_393, %swap3A_394], %swap3A_397 {add = true, strides = array<i32>} : memref<40x1024xf32, #tpu.memory_space<vmem>>, vector<1x16xf32>,
      %swap3A_398 = arith.index_cast %scan3A_356 : i32 to index
      %swap3A_399 = arith.constant 112 : index
      %swap3A_400 = tpu.vector_load %arg8[%swap3A_398, %swap3A_399] {strides = array<i32>} : memref<40x1024xf32, #tpu.memory_space<vmem>>, vector<1x16xf32>,
      %swap3A_401 = vector.shape_cast %swap3A_400 : vector<1x16xf32> to vector<16xf32>
      %swap3A_402 = vector.shape_cast %convert_element_type3A : vector<16xf32> to vector<1x16xf32>
      tpu.vector_store %arg8[%swap3A_398, %swap3A_399], %swap3A_402 {add = true, strides = array<i32>} : memref<40x1024xf32, #tpu.memory_space<vmem>>, vector<1x16xf32>,
      %swap3A_403 = arith.index_cast %scan3A_356 : i32 to index
      %swap3A_404 = arith.constant 128 : index
      %swap3A_405 = tpu.vector_load %arg8[%swap3A_403, %swap3A_404] {strides = array<i32>} : memref<40x1024xf32, #tpu.memory_space<vmem>>, vector<1x16xf32>,
      %swap3A_406 = vector.shape_cast %swap3A_405 : vector<1x16xf32> to vector<16xf32>
      %swap3A_407 = vector.shape_cast %convert_element_type3A : vector<16xf32> to vector<1x16xf32>
      tpu.vector_store %arg8[%swap3A_403, %swap3A_404], %swap3A_407 {add = true, strides = array<i32>} : memref<40x1024xf32, #tpu.memory_space<vmem>>, vector<1x16xf32>,
      %swap3A_408 = arith.index_cast %scan3A_356 : i32 to index
      %swap3A_409 = arith.constant 144 : index
      %swap3A_410 = tpu.vector_load %arg8[%swap3A_408, %swap3A_409] {strides = array<i32>} : memref<40x1024xf32, #tpu.memory_space<vmem>>, vector<1x16xf32>,
      %swap3A_411 = vector.shape_cast %swap3A_410 : vector<1x16xf32> to vector<16xf32>
      %swap3A_412 = vector.shape_cast %convert_element_type3A : vector<16xf32> to vector<1x16xf32>
      tpu.vector_store %arg8[%swap3A_408, %swap3A_409], %swap3A_412 {add = true, strides = array<i32>} : memref<40x1024xf32, #tpu.memory_space<vmem>>, vector<1x16xf32>,
      %swap3A_413 = arith.index_cast %scan3A_356 : i32 to index
      %swap3A_414 = arith.constant 160 : index
      %swap3A_415 = tpu.vector_load %arg8[%swap3A_413, %swap3A_414] {strides = array<i32>} : memref<40x1024xf32, #tpu.memory_space<vmem>>, vector<1x16xf32>,
      %swap3A_416 = vector.shape_cast %swap3A_415 : vector<1x16xf32> to vector<16xf32>
      %swap3A_417 = vector.shape_cast %convert_element_type3A : vector<16xf32> to vector<1x16xf32>
      tpu.vector_store %arg8[%swap3A_413, %swap3A_414], %swap3A_417 {add = true, strides = array<i32>} : memref<40x1024xf32, #tpu.memory_space<vmem>>, vector<1x16xf32>,
      %swap3A_418 = arith.index_cast %scan3A_356 : i32 to index
      %swap3A_419 = arith.constant 176 : index
      %swap3A_420 = tpu.vector_load %arg8[%swap3A_418, %swap3A_419] {strides = array<i32>} : memref<40x1024xf32, #tpu.memory_space<vmem>>, vector<1x16xf32>,
      %swap3A_421 = vector.shape_cast %swap3A_420 : vector<1x16xf32> to vector<16xf32>
      %swap3A_422 = vector.shape_cast %convert_element_type3A : vector<16xf32> to vector<1x16xf32>
      tpu.vector_store %arg8[%swap3A_418, %swap3A_419], %swap3A_422 {add = true, strides = array<i32>} : memref<40x1024xf32, #tpu.memory_space<vmem>>, vector<1x16xf32>,
      %swap3A_423 = arith.index_cast %scan3A_356 : i32 to index
      %swap3A_424 = arith.constant 192 : index
      %swap3A_425 = tpu.vector_load %arg8[%swap3A_423, %swap3A_424] {strides = array<i32>} : memref<40x1024xf32, #tpu.memory_space<vmem>>, vector<1x16xf32>,
      %swap3A_426 = vector.shape_cast %swap3A_425 : vector<1x16xf32> to vector<16xf32>
      %swap3A_427 = vector.shape_cast %convert_element_type3A : vector<16xf32> to vector<1x16xf32>
      tpu.vector_store %arg8[%swap3A_423, %swap3A_424], %swap3A_427 {add = true, strides = array<i32>} : memref<40x1024xf32, #tpu.memory_space<vmem>>, vector<1x16xf32>,
      %swap3A_428 = arith.index_cast %scan3A_356 : i32 to index
      %swap3A_429 = arith.constant 208 : index
      %swap3A_430 = tpu.vector_load %arg8[%swap3A_428, %swap3A_429] {strides = array<i32>} : memref<40x1024xf32, #tpu.memory_space<vmem>>, vector<1x16xf32>,
      %swap3A_431 = vector.shape_cast %swap3A_430 : vector<1x16xf32> to vector<16xf32>
      %swap3A_432 = vector.shape_cast %convert_element_type3A : vector<16xf32> to vector<1x16xf32>
      tpu.vector_store %arg8[%swap3A_428, %swap3A_429], %swap3A_432 {add = true, strides = array<i32>} : memref<40x1024xf32, #tpu.memory_space<vmem>>, vector<1x16xf32>,
      %swap3A_433 = arith.index_cast %scan3A_356 : i32 to index
      %swap3A_434 = arith.constant 224 : index
      %swap3A_435 = tpu.vector_load %arg8[%swap3A_433, %swap3A_434] {strides = array<i32>} : memref<40x1024xf32, #tpu.memory_space<vmem>>, vector<1x16xf32>,
      %swap3A_436 = vector.shape_cast %swap3A_435 : vector<1x16xf32> to vector<16xf32>
      %swap3A_437 = vector.shape_cast %convert_element_type3A : vector<16xf32> to vector<1x16xf32>
      tpu.vector_store %arg8[%swap3A_433, %swap3A_434], %swap3A_437 {add = true, strides = array<i32>} : memref<40x1024xf32, #tpu.memory_space<vmem>>, vector<1x16xf32>,
      %swap3A_438 = arith.index_cast %scan3A_356 : i32 to index
      %swap3A_439 = arith.constant 240 : index
      %swap3A_440 = tpu.vector_load %arg8[%swap3A_438, %swap3A_439] {strides = array<i32>} : memref<40x1024xf32, #tpu.memory_space<vmem>>, vector<1x16xf32>,
      %swap3A_441 = vector.shape_cast %swap3A_440 : vector<1x16xf32> to vector<16xf32>
      %swap3A_442 = vector.shape_cast %convert_element_type3A : vector<16xf32> to vector<1x16xf32>
      tpu.vector_store %arg8[%swap3A_438, %swap3A_439], %swap3A_442 {add = true, strides = array<i32>} : memref<40x1024xf32, #tpu.memory_space<vmem>>, vector<1x16xf32>,
      %swap3A_443 = arith.index_cast %scan3A_356 : i32 to index
      %swap3A_444 = arith.constant 256 : index
      %swap3A_445 = tpu.vector_load %arg8[%swap3A_443, %swap3A_444] {strides = array<i32>} : memref<40x1024xf32, #tpu.memory_space<vmem>>, vector<1x16xf32>,
      %swap3A_446 = vector.shape_cast %swap3A_445 : vector<1x16xf32> to vector<16xf32>
      %swap3A_447 = vector.shape_cast %convert_element_type3A : vector<16xf32> to vector<1x16xf32>
      tpu.vector_store %arg8[%swap3A_443, %swap3A_444], %swap3A_447 {add = true, strides = array<i32>} : memref<40x1024xf32, #tpu.memory_space<vmem>>, vector<1x16xf32>,
      %swap3A_448 = arith.index_cast %scan3A_356 : i32 to index
      %swap3A_449 = arith.constant 272 : index
      %swap3A_450 = tpu.vector_load %arg8[%swap3A_448, %swap3A_449] {strides = array<i32>} : memref<40x1024xf32, #tpu.memory_space<vmem>>, vector<1x16xf32>,
      %swap3A_451 = vector.shape_cast %swap3A_450 : vector<1x16xf32> to vector<16xf32>
      %swap3A_452 = vector.shape_cast %convert_element_type3A : vector<16xf32> to vector<1x16xf32>
      tpu.vector_store %arg8[%swap3A_448, %swap3A_449], %swap3A_452 {add = true, strides = array<i32>} : memref<40x1024xf32, #tpu.memory_space<vmem>>, vector<1x16xf32>,
      %swap3A_453 = arith.index_cast %scan3A_356 : i32 to index
      %swap3A_454 = arith.constant 288 : index
      %swap3A_455 = tpu.vector_load %arg8[%swap3A_453, %swap3A_454] {strides = array<i32>} : memref<40x1024xf32, #tpu.memory_space<vmem>>, vector<1x16xf32>,
      %swap3A_456 = vector.shape_cast %swap3A_455 : vector<1x16xf32> to vector<16xf32>
      %swap3A_457 = vector.shape_cast %convert_element_type3A : vector<16xf32> to vector<1x16xf32>
      tpu.vector_store %arg8[%swap3A_453, %swap3A_454], %swap3A_457 {add = true, strides = array<i32>} : memref<40x1024xf32, #tpu.memory_space<vmem>>, vector<1x16xf32>,
      %swap3A_458 = arith.index_cast %scan3A_356 : i32 to index
      %swap3A_459 = arith.constant 304 : index
      %swap3A_460 = tpu.vector_load %arg8[%swap3A_458, %swap3A_459] {strides = array<i32>} : memref<40x1024xf32, #tpu.memory_space<vmem>>, vector<1x16xf32>,
      %swap3A_461 = vector.shape_cast %swap3A_460 : vector<1x16xf32> to vector<16xf32>
      %swap3A_462 = vector.shape_cast %convert_element_type3A : vector<16xf32> to vector<1x16xf32>
      tpu.vector_store %arg8[%swap3A_458, %swap3A_459], %swap3A_462 {add = true, strides = array<i32>} : memref<40x1024xf32, #tpu.memory_space<vmem>>, vector<1x16xf32>,
      %swap3A_463 = arith.index_cast %scan3A_356 : i32 to index
      %swap3A_464 = arith.constant 320 : index
      %swap3A_465 = tpu.vector_load %arg8[%swap3A_463, %swap3A_464] {strides = array<i32>} : memref<40x1024xf32, #tpu.memory_space<vmem>>, vector<1x16xf32>,
      %swap3A_466 = vector.shape_cast %swap3A_465 : vector<1x16xf32> to vector<16xf32>
      %swap3A_467 = vector.shape_cast %convert_element_type3A : vector<16xf32> to vector<1x16xf32>
      tpu.vector_store %arg8[%swap3A_463, %swap3A_464], %swap3A_467 {add = true, strides = array<i32>} : memref<40x1024xf32, #tpu.memory_space<vmem>>, vector<1x16xf32>,
      %swap3A_468 = arith.index_cast %scan3A_356 : i32 to index
      %swap3A_469 = arith.constant 336 : index
      %swap3A_470 = tpu.vector_load %arg8[%swap3A_468, %swap3A_469] {strides = array<i32>} : memref<40x1024xf32, #tpu.memory_space<vmem>>, vector<1x16xf32>,
      %swap3A_471 = vector.shape_cast %swap3A_470 : vector<1x16xf32> to vector<16xf32>
      %swap3A_472 = vector.shape_cast %convert_element_type3A : vector<16xf32> to vector<1x16xf32>
      tpu.vector_store %arg8[%swap3A_468, %swap3A_469], %swap3A_472 {add = true, strides = array<i32>} : memref<40x1024xf32, #tpu.memory_space<vmem>>, vector<1x16xf32>,
      %swap3A_473 = arith.index_cast %scan3A_356 : i32 to index
      %swap3A_474 = arith.constant 352 : index
      %swap3A_475 = tpu.vector_load %arg8[%swap3A_473, %swap3A_474] {strides = array<i32>} : memref<40x1024xf32, #tpu.memory_space<vmem>>, vector<1x16xf32>,
      %swap3A_476 = vector.shape_cast %swap3A_475 : vector<1x16xf32> to vector<16xf32>
      %swap3A_477 = vector.shape_cast %convert_element_type3A : vector<16xf32> to vector<1x16xf32>
      tpu.vector_store %arg8[%swap3A_473, %swap3A_474], %swap3A_477 {add = true, strides = array<i32>} : memref<40x1024xf32, #tpu.memory_space<vmem>>, vector<1x16xf32>,
      %swap3A_478 = arith.index_cast %scan3A_356 : i32 to index
      %swap3A_479 = arith.constant 368 : index
      %swap3A_480 = tpu.vector_load %arg8[%swap3A_478, %swap3A_479] {strides = array<i32>} : memref<40x1024xf32, #tpu.memory_space<vmem>>, vector<1x16xf32>,
      %swap3A_481 = vector.shape_cast %swap3A_480 : vector<1x16xf32> to vector<16xf32>
      %swap3A_482 = vector.shape_cast %convert_element_type3A : vector<16xf32> to vector<1x16xf32>
      tpu.vector_store %arg8[%swap3A_478, %swap3A_479], %swap3A_482 {add = true, strides = array<i32>} : memref<40x1024xf32, #tpu.memory_space<vmem>>, vector<1x16xf32>,
      %swap3A_483 = arith.index_cast %scan3A_356 : i32 to index
      %swap3A_484 = arith.constant 384 : index
      %swap3A_485 = tpu.vector_load %arg8[%swap3A_483, %swap3A_484] {strides = array<i32>} : memref<40x1024xf32, #tpu.memory_space<vmem>>, vector<1x16xf32>,
      %swap3A_486 = vector.shape_cast %swap3A_485 : vector<1x16xf32> to vector<16xf32>
      %swap3A_487 = vector.shape_cast %convert_element_type3A : vector<16xf32> to vector<1x16xf32>
      tpu.vector_store %arg8[%swap3A_483, %swap3A_484], %swap3A_487 {add = true, strides = array<i32>} : memref<40x1024xf32, #tpu.memory_space<vmem>>, vector<1x16xf32>,
      %swap3A_488 = arith.index_cast %scan3A_356 : i32 to index
      %swap3A_489 = arith.constant 400 : index
      %swap3A_490 = tpu.vector_load %arg8[%swap3A_488, %swap3A_489] {strides = array<i32>} : memref<40x1024xf32, #tpu.memory_space<vmem>>, vector<1x16xf32>,
      %swap3A_491 = vector.shape_cast %swap3A_490 : vector<1x16xf32> to vector<16xf32>
      %swap3A_492 = vector.shape_cast %convert_element_type3A : vector<16xf32> to vector<1x16xf32>
      tpu.vector_store %arg8[%swap3A_488, %swap3A_489], %swap3A_492 {add = true, strides = array<i32>} : memref<40x1024xf32, #tpu.memory_space<vmem>>, vector<1x16xf32>,
      %swap3A_493 = arith.index_cast %scan3A_356 : i32 to index
      %swap3A_494 = arith.constant 416 : index
      %swap3A_495 = tpu.vector_load %arg8[%swap3A_493, %swap3A_494] {strides = array<i32>} : memref<40x1024xf32, #tpu.memory_space<vmem>>, vector<1x16xf32>,
      %swap3A_496 = vector.shape_cast %swap3A_495 : vector<1x16xf32> to vector<16xf32>
      %swap3A_497 = vector.shape_cast %convert_element_type3A : vector<16xf32> to vector<1x16xf32>
      tpu.vector_store %arg8[%swap3A_493, %swap3A_494], %swap3A_497 {add = true, strides = array<i32>} : memref<40x1024xf32, #tpu.memory_space<vmem>>, vector<1x16xf32>,
      %swap3A_498 = arith.index_cast %scan3A_356 : i32 to index
      %swap3A_499 = arith.constant 432 : index
      %swap3A_500 = tpu.vector_load %arg8[%swap3A_498, %swap3A_499] {strides = array<i32>} : memref<40x1024xf32, #tpu.memory_space<vmem>>, vector<1x16xf32>,
      %swap3A_501 = vector.shape_cast %swap3A_500 : vector<1x16xf32> to vector<16xf32>
      %swap3A_502 = vector.shape_cast %convert_element_type3A : vector<16xf32> to vector<1x16xf32>
      tpu.vector_store %arg8[%swap3A_498, %swap3A_499], %swap3A_502 {add = true, strides = array<i32>} : memref<40x1024xf32, #tpu.memory_space<vmem>>, vector<1x16xf32>,
      %swap3A_503 = arith.index_cast %scan3A_356 : i32 to index
      %swap3A_504 = arith.constant 448 : index
      %swap3A_505 = tpu.vector_load %arg8[%swap3A_503, %swap3A_504] {strides = array<i32>} : memref<40x1024xf32, #tpu.memory_space<vmem>>, vector<1x16xf32>,
      %swap3A_506 = vector.shape_cast %swap3A_505 : vector<1x16xf32> to vector<16xf32>
      %swap3A_507 = vector.shape_cast %convert_element_type3A : vector<16xf32> to vector<1x16xf32>
      tpu.vector_store %arg8[%swap3A_503, %swap3A_504], %swap3A_507 {add = true, strides = array<i32>} : memref<40x1024xf32, #tpu.memory_space<vmem>>, vector<1x16xf32>,
      %swap3A_508 = arith.index_cast %scan3A_356 : i32 to index
      %swap3A_509 = arith.constant 464 : index
      %swap3A_510 = tpu.vector_load %arg8[%swap3A_508, %swap3A_509] {strides = array<i32>} : memref<40x1024xf32, #tpu.memory_space<vmem>>, vector<1x16xf32>,
      %swap3A_511 = vector.shape_cast %swap3A_510 : vector<1x16xf32> to vector<16xf32>
      %swap3A_512 = vector.shape_cast %convert_element_type3A : vector<16xf32> to vector<1x16xf32>
      tpu.vector_store %arg8[%swap3A_508, %swap3A_509], %swap3A_512 {add = true, strides = array<i32>} : memref<40x1024xf32, #tpu.memory_space<vmem>>, vector<1x16xf32>,
      %swap3A_513 = arith.index_cast %scan3A_356 : i32 to index
      %swap3A_514 = arith.constant 480 : index
      %swap3A_515 = tpu.vector_load %arg8[%swap3A_513, %swap3A_514] {strides = array<i32>} : memref<40x1024xf32, #tpu.memory_space<vmem>>, vector<1x16xf32>,
      %swap3A_516 = vector.shape_cast %swap3A_515 : vector<1x16xf32> to vector<16xf32>
      %swap3A_517 = vector.shape_cast %convert_element_type3A : vector<16xf32> to vector<1x16xf32>
      tpu.vector_store %arg8[%swap3A_513, %swap3A_514], %swap3A_517 {add = true, strides = array<i32>} : memref<40x1024xf32, #tpu.memory_space<vmem>>, vector<1x16xf32>,
      %swap3A_518 = arith.index_cast %scan3A_356 : i32 to index
      %swap3A_519 = arith.constant 496 : index
      %swap3A_520 = tpu.vector_load %arg8[%swap3A_518, %swap3A_519] {strides = array<i32>} : memref<40x1024xf32, #tpu.memory_space<vmem>>, vector<1x16xf32>,
      %swap3A_521 = vector.shape_cast %swap3A_520 : vector<1x16xf32> to vector<16xf32>
      %swap3A_522 = vector.shape_cast %convert_element_type3A : vector<16xf32> to vector<1x16xf32>
      tpu.vector_store %arg8[%swap3A_518, %swap3A_519], %swap3A_522 {add = true, strides = array<i32>} : memref<40x1024xf32, #tpu.memory_space<vmem>>, vector<1x16xf32>,
      %swap3A_523 = arith.index_cast %scan3A_356 : i32 to index
      %swap3A_524 = arith.constant 512 : index
      %swap3A_525 = tpu.vector_load %arg8[%swap3A_523, %swap3A_524] {strides = array<i32>} : memref<40x1024xf32, #tpu.memory_space<vmem>>, vector<1x16xf32>,
      %swap3A_526 = vector.shape_cast %swap3A_525 : vector<1x16xf32> to vector<16xf32>
      %swap3A_527 = vector.shape_cast %convert_element_type3A : vector<16xf32> to vector<1x16xf32>
      tpu.vector_store %arg8[%swap3A_523, %swap3A_524], %swap3A_527 {add = true, strides = array<i32>} : memref<40x1024xf32, #tpu.memory_space<vmem>>, vector<1x16xf32>,
      %swap3A_528 = arith.index_cast %scan3A_356 : i32 to index
      %swap3A_529 = arith.constant 528 : index
      %swap3A_530 = tpu.vector_load %arg8[%swap3A_528, %swap3A_529] {strides = array<i32>} : memref<40x1024xf32, #tpu.memory_space<vmem>>, vector<1x16xf32>,
      %swap3A_531 = vector.shape_cast %swap3A_530 : vector<1x16xf32> to vector<16xf32>
      %swap3A_532 = vector.shape_cast %convert_element_type3A : vector<16xf32> to vector<1x16xf32>
      tpu.vector_store %arg8[%swap3A_528, %swap3A_529], %swap3A_532 {add = true, strides = array<i32>} : memref<40x1024xf32, #tpu.memory_space<vmem>>, vector<1x16xf32>,
      %swap3A_533 = arith.index_cast %scan3A_356 : i32 to index
      %swap3A_534 = arith.constant 544 : index
      %swap3A_535 = tpu.vector_load %arg8[%swap3A_533, %swap3A_534] {strides = array<i32>} : memref<40x1024xf32, #tpu.memory_space<vmem>>, vector<1x16xf32>,
      %swap3A_536 = vector.shape_cast %swap3A_535 : vector<1x16xf32> to vector<16xf32>
      %swap3A_537 = vector.shape_cast %convert_element_type3A : vector<16xf32> to vector<1x16xf32>
      tpu.vector_store %arg8[%swap3A_533, %swap3A_534], %swap3A_537 {add = true, strides = array<i32>} : memref<40x1024xf32, #tpu.memory_space<vmem>>, vector<1x16xf32>,
      %swap3A_538 = arith.index_cast %scan3A_356 : i32 to index
      %swap3A_539 = arith.constant 560 : index
      %swap3A_540 = tpu.vector_load %arg8[%swap3A_538, %swap3A_539] {strides = array<i32>} : memref<40x1024xf32, #tpu.memory_space<vmem>>, vector<1x16xf32>,
      %swap3A_541 = vector.shape_cast %swap3A_540 : vector<1x16xf32> to vector<16xf32>
      %swap3A_542 = vector.shape_cast %convert_element_type3A : vector<16xf32> to vector<1x16xf32>
      tpu.vector_store %arg8[%swap3A_538, %swap3A_539], %swap3A_542 {add = true, strides = array<i32>} : memref<40x1024xf32, #tpu.memory_space<vmem>>, vector<1x16xf32>,
      %swap3A_543 = arith.index_cast %scan3A_356 : i32 to index
      %swap3A_544 = arith.constant 576 : index
      %swap3A_545 = tpu.vector_load %arg8[%swap3A_543, %swap3A_544] {strides = array<i32>} : memref<40x1024xf32, #tpu.memory_space<vmem>>, vector<1x16xf32>,
      %swap3A_546 = vector.shape_cast %swap3A_545 : vector<1x16xf32> to vector<16xf32>
      %swap3A_547 = vector.shape_cast %convert_element_type3A : vector<16xf32> to vector<1x16xf32>
      tpu.vector_store %arg8[%swap3A_543, %swap3A_544], %swap3A_547 {add = true, strides = array<i32>} : memref<40x1024xf32, #tpu.memory_space<vmem>>, vector<1x16xf32>,
      %swap3A_548 = arith.index_cast %scan3A_356 : i32 to index
      %swap3A_549 = arith.constant 592 : index
      %swap3A_550 = tpu.vector_load %arg8[%swap3A_548, %swap3A_549] {strides = array<i32>} : memref<40x1024xf32, #tpu.memory_space<vmem>>, vector<1x16xf32>,
      %swap3A_551 = vector.shape_cast %swap3A_550 : vector<1x16xf32> to vector<16xf32>
      %swap3A_552 = vector.shape_cast %convert_element_type3A : vector<16xf32> to vector<1x16xf32>
      tpu.vector_store %arg8[%swap3A_548, %swap3A_549], %swap3A_552 {add = true, strides = array<i32>} : memref<40x1024xf32, #tpu.memory_space<vmem>>, vector<1x16xf32>,
      %swap3A_553 = arith.index_cast %scan3A_356 : i32 to index
      %swap3A_554 = arith.constant 608 : index
      %swap3A_555 = tpu.vector_load %arg8[%swap3A_553, %swap3A_554] {strides = array<i32>} : memref<40x1024xf32, #tpu.memory_space<vmem>>, vector<1x16xf32>,
      %swap3A_556 = vector.shape_cast %swap3A_555 : vector<1x16xf32> to vector<16xf32>
      %swap3A_557 = vector.shape_cast %convert_element_type3A : vector<16xf32> to vector<1x16xf32>
      tpu.vector_store %arg8[%swap3A_553, %swap3A_554], %swap3A_557 {add = true, strides = array<i32>} : memref<40x1024xf32, #tpu.memory_space<vmem>>, vector<1x16xf32>,
      %swap3A_558 = arith.index_cast %scan3A_356 : i32 to index
      %swap3A_559 = arith.constant 624 : index
      %swap3A_560 = tpu.vector_load %arg8[%swap3A_558, %swap3A_559] {strides = array<i32>} : memref<40x1024xf32, #tpu.memory_space<vmem>>, vector<1x16xf32>,
      %swap3A_561 = vector.shape_cast %swap3A_560 : vector<1x16xf32> to vector<16xf32>
      %swap3A_562 = vector.shape_cast %convert_element_type3A : vector<16xf32> to vector<1x16xf32>
      tpu.vector_store %arg8[%swap3A_558, %swap3A_559], %swap3A_562 {add = true, strides = array<i32>} : memref<40x1024xf32, #tpu.memory_space<vmem>>, vector<1x16xf32>,
      %swap3A_563 = arith.index_cast %scan3A_356 : i32 to index
      %swap3A_564 = arith.constant 640 : index
      %swap3A_565 = tpu.vector_load %arg8[%swap3A_563, %swap3A_564] {strides = array<i32>} : memref<40x1024xf32, #tpu.memory_space<vmem>>, vector<1x16xf32>,
      %swap3A_566 = vector.shape_cast %swap3A_565 : vector<1x16xf32> to vector<16xf32>
      %swap3A_567 = vector.shape_cast %convert_element_type3A : vector<16xf32> to vector<1x16xf32>
      tpu.vector_store %arg8[%swap3A_563, %swap3A_564], %swap3A_567 {add = true, strides = array<i32>} : memref<40x1024xf32, #tpu.memory_space<vmem>>, vector<1x16xf32>,
      %swap3A_568 = arith.index_cast %scan3A_356 : i32 to index
      %swap3A_569 = arith.constant 656 : index
      %swap3A_570 = tpu.vector_load %arg8[%swap3A_568, %swap3A_569] {strides = array<i32>} : memref<40x1024xf32, #tpu.memory_space<vmem>>, vector<1x16xf32>,
      %swap3A_571 = vector.shape_cast %swap3A_570 : vector<1x16xf32> to vector<16xf32>
      %swap3A_572 = vector.shape_cast %convert_element_type3A : vector<16xf32> to vector<1x16xf32>
      tpu.vector_store %arg8[%swap3A_568, %swap3A_569], %swap3A_572 {add = true, strides = array<i32>} : memref<40x1024xf32, #tpu.memory_space<vmem>>, vector<1x16xf32>,
      %swap3A_573 = arith.index_cast %scan3A_356 : i32 to index
      %swap3A_574 = arith.constant 672 : index
      %swap3A_575 = tpu.vector_load %arg8[%swap3A_573, %swap3A_574] {strides = array<i32>} : memref<40x1024xf32, #tpu.memory_space<vmem>>, vector<1x16xf32>,
      %swap3A_576 = vector.shape_cast %swap3A_575 : vector<1x16xf32> to vector<16xf32>
      %swap3A_577 = vector.shape_cast %convert_element_type3A : vector<16xf32> to vector<1x16xf32>
      tpu.vector_store %arg8[%swap3A_573, %swap3A_574], %swap3A_577 {add = true, strides = array<i32>} : memref<40x1024xf32, #tpu.memory_space<vmem>>, vector<1x16xf32>,
      %swap3A_578 = arith.index_cast %scan3A_356 : i32 to index
      %swap3A_579 = arith.constant 688 : index
      %swap3A_580 = tpu.vector_load %arg8[%swap3A_578, %swap3A_579] {strides = array<i32>} : memref<40x1024xf32, #tpu.memory_space<vmem>>, vector<1x16xf32>,
      %swap3A_581 = vector.shape_cast %swap3A_580 : vector<1x16xf32> to vector<16xf32>
      %swap3A_582 = vector.shape_cast %convert_element_type3A : vector<16xf32> to vector<1x16xf32>
      tpu.vector_store %arg8[%swap3A_578, %swap3A_579], %swap3A_582 {add = true, strides = array<i32>} : memref<40x1024xf32, #tpu.memory_space<vmem>>, vector<1x16xf32>,
      %swap3A_583 = arith.index_cast %scan3A_356 : i32 to index
      %swap3A_584 = arith.constant 704 : index
      %swap3A_585 = tpu.vector_load %arg8[%swap3A_583, %swap3A_584] {strides = array<i32>} : memref<40x1024xf32, #tpu.memory_space<vmem>>, vector<1x16xf32>,
      %swap3A_586 = vector.shape_cast %swap3A_585 : vector<1x16xf32> to vector<16xf32>
      %swap3A_587 = vector.shape_cast %convert_element_type3A : vector<16xf32> to vector<1x16xf32>
      tpu.vector_store %arg8[%swap3A_583, %swap3A_584], %swap3A_587 {add = true, strides = array<i32>} : memref<40x1024xf32, #tpu.memory_space<vmem>>, vector<1x16xf32>,
      %swap3A_588 = arith.index_cast %scan3A_356 : i32 to index
      %swap3A_589 = arith.constant 720 : index
      %swap3A_590 = tpu.vector_load %arg8[%swap3A_588, %swap3A_589] {strides = array<i32>} : memref<40x1024xf32, #tpu.memory_space<vmem>>, vector<1x16xf32>,
      %swap3A_591 = vector.shape_cast %swap3A_590 : vector<1x16xf32> to vector<16xf32>
      %swap3A_592 = vector.shape_cast %convert_element_type3A : vector<16xf32> to vector<1x16xf32>
      tpu.vector_store %arg8[%swap3A_588, %swap3A_589], %swap3A_592 {add = true, strides = array<i32>} : memref<40x1024xf32, #tpu.memory_space<vmem>>, vector<1x16xf32>,
      %swap3A_593 = arith.index_cast %scan3A_356 : i32 to index
      %swap3A_594 = arith.constant 736 : index
      %swap3A_595 = tpu.vector_load %arg8[%swap3A_593, %swap3A_594] {strides = array<i32>} : memref<40x1024xf32, #tpu.memory_space<vmem>>, vector<1x16xf32>,
      %swap3A_596 = vector.shape_cast %swap3A_595 : vector<1x16xf32> to vector<16xf32>
      %swap3A_597 = vector.shape_cast %convert_element_type3A : vector<16xf32> to vector<1x16xf32>
      tpu.vector_store %arg8[%swap3A_593, %swap3A_594], %swap3A_597 {add = true, strides = array<i32>} : memref<40x1024xf32, #tpu.memory_space<vmem>>, vector<1x16xf32>,
      %swap3A_598 = arith.index_cast %scan3A_356 : i32 to index
      %swap3A_599 = arith.constant 752 : index
      %swap3A_600 = tpu.vector_load %arg8[%swap3A_598, %swap3A_599] {strides = array<i32>} : memref<40x1024xf32, #tpu.memory_space<vmem>>, vector<1x16xf32>,
      %swap3A_601 = vector.shape_cast %swap3A_600 : vector<1x16xf32> to vector<16xf32>
      %swap3A_602 = vector.shape_cast %convert_element_type3A : vector<16xf32> to vector<1x16xf32>
      tpu.vector_store %arg8[%swap3A_598, %swap3A_599], %swap3A_602 {add = true, strides = array<i32>} : memref<40x1024xf32, #tpu.memory_space<vmem>>, vector<1x16xf32>,
      %swap3A_603 = arith.index_cast %scan3A_356 : i32 to index
      %swap3A_604 = arith.constant 768 : index
      %swap3A_605 = tpu.vector_load %arg8[%swap3A_603, %swap3A_604] {strides = array<i32>} : memref<40x1024xf32, #tpu.memory_space<vmem>>, vector<1x16xf32>,
      %swap3A_606 = vector.shape_cast %swap3A_605 : vector<1x16xf32> to vector<16xf32>
      %swap3A_607 = vector.shape_cast %convert_element_type3A : vector<16xf32> to vector<1x16xf32>
      tpu.vector_store %arg8[%swap3A_603, %swap3A_604], %swap3A_607 {add = true, strides = array<i32>} : memref<40x1024xf32, #tpu.memory_space<vmem>>, vector<1x16xf32>,
      %swap3A_608 = arith.index_cast %scan3A_356 : i32 to index
      %swap3A_609 = arith.constant 784 : index
      %swap3A_610 = tpu.vector_load %arg8[%swap3A_608, %swap3A_609] {strides = array<i32>} : memref<40x1024xf32, #tpu.memory_space<vmem>>, vector<1x16xf32>,
      %swap3A_611 = vector.shape_cast %swap3A_610 : vector<1x16xf32> to vector<16xf32>
      %swap3A_612 = vector.shape_cast %convert_element_type3A : vector<16xf32> to vector<1x16xf32>
      tpu.vector_store %arg8[%swap3A_608, %swap3A_609], %swap3A_612 {add = true, strides = array<i32>} : memref<40x1024xf32, #tpu.memory_space<vmem>>, vector<1x16xf32>,
      %swap3A_613 = arith.index_cast %scan3A_356 : i32 to index
      %swap3A_614 = arith.constant 800 : index
      %swap3A_615 = tpu.vector_load %arg8[%swap3A_613, %swap3A_614] {strides = array<i32>} : memref<40x1024xf32, #tpu.memory_space<vmem>>, vector<1x16xf32>,
      %swap3A_616 = vector.shape_cast %swap3A_615 : vector<1x16xf32> to vector<16xf32>
      %swap3A_617 = vector.shape_cast %convert_element_type3A : vector<16xf32> to vector<1x16xf32>
      tpu.vector_store %arg8[%swap3A_613, %swap3A_614], %swap3A_617 {add = true, strides = array<i32>} : memref<40x1024xf32, #tpu.memory_space<vmem>>, vector<1x16xf32>,
      %swap3A_618 = arith.index_cast %scan3A_356 : i32 to index
      %swap3A_619 = arith.constant 816 : index
      %swap3A_620 = tpu.vector_load %arg8[%swap3A_618, %swap3A_619] {strides = array<i32>} : memref<40x1024xf32, #tpu.memory_space<vmem>>, vector<1x16xf32>,
      %swap3A_621 = vector.shape_cast %swap3A_620 : vector<1x16xf32> to vector<16xf32>
      %swap3A_622 = vector.shape_cast %convert_element_type3A : vector<16xf32> to vector<1x16xf32>
      tpu.vector_store %arg8[%swap3A_618, %swap3A_619], %swap3A_622 {add = true, strides = array<i32>} : memref<40x1024xf32, #tpu.memory_space<vmem>>, vector<1x16xf32>,
      %swap3A_623 = arith.index_cast %scan3A_356 : i32 to index
      %swap3A_624 = arith.constant 832 : index
      %swap3A_625 = tpu.vector_load %arg8[%swap3A_623, %swap3A_624] {strides = array<i32>} : memref<40x1024xf32, #tpu.memory_space<vmem>>, vector<1x16xf32>,
      %swap3A_626 = vector.shape_cast %swap3A_625 : vector<1x16xf32> to vector<16xf32>
      %swap3A_627 = vector.shape_cast %convert_element_type3A : vector<16xf32> to vector<1x16xf32>
      tpu.vector_store %arg8[%swap3A_623, %swap3A_624], %swap3A_627 {add = true, strides = array<i32>} : memref<40x1024xf32, #tpu.memory_space<vmem>>, vector<1x16xf32>,
      %swap3A_628 = arith.index_cast %scan3A_356 : i32 to index
      %swap3A_629 = arith.constant 848 : index
      %swap3A_630 = tpu.vector_load %arg8[%swap3A_628, %swap3A_629] {strides = array<i32>} : memref<40x1024xf32, #tpu.memory_space<vmem>>, vector<1x16xf32>,
      %swap3A_631 = vector.shape_cast %swap3A_630 : vector<1x16xf32> to vector<16xf32>
      %swap3A_632 = vector.shape_cast %convert_element_type3A : vector<16xf32> to vector<1x16xf32>
      tpu.vector_store %arg8[%swap3A_628, %swap3A_629], %swap3A_632 {add = true, strides = array<i32>} : memref<40x1024xf32, #tpu.memory_space<vmem>>, vector<1x16xf32>,
      %swap3A_633 = arith.index_cast %scan3A_356 : i32 to index
      %swap3A_634 = arith.constant 864 : index
      %swap3A_635 = tpu.vector_load %arg8[%swap3A_633, %swap3A_634] {strides = array<i32>} : memref<40x1024xf32, #tpu.memory_space<vmem>>, vector<1x16xf32>,
      %swap3A_636 = vector.shape_cast %swap3A_635 : vector<1x16xf32> to vector<16xf32>
      %swap3A_637 = vector.shape_cast %convert_element_type3A : vector<16xf32> to vector<1x16xf32>
      tpu.vector_store %arg8[%swap3A_633, %swap3A_634], %swap3A_637 {add = true, strides = array<i32>} : memref<40x1024xf32, #tpu.memory_space<vmem>>, vector<1x16xf32>,
      %swap3A_638 = arith.index_cast %scan3A_356 : i32 to index
      %swap3A_639 = arith.constant 880 : index
      %swap3A_640 = tpu.vector_load %arg8[%swap3A_638, %swap3A_639] {strides = array<i32>} : memref<40x1024xf32, #tpu.memory_space<vmem>>, vector<1x16xf32>,
      %swap3A_641 = vector.shape_cast %swap3A_640 : vector<1x16xf32> to vector<16xf32>
      %swap3A_642 = vector.shape_cast %convert_element_type3A : vector<16xf32> to vector<1x16xf32>
      tpu.vector_store %arg8[%swap3A_638, %swap3A_639], %swap3A_642 {add = true, strides = array<i32>} : memref<40x1024xf32, #tpu.memory_space<vmem>>, vector<1x16xf32>,
      %swap3A_643 = arith.index_cast %scan3A_356 : i32 to index
      %swap3A_644 = arith.constant 896 : index
      %swap3A_645 = tpu.vector_load %arg8[%swap3A_643, %swap3A_644] {strides = array<i32>} : memref<40x1024xf32, #tpu.memory_space<vmem>>, vector<1x16xf32>,
      %swap3A_646 = vector.shape_cast %swap3A_645 : vector<1x16xf32> to vector<16xf32>
      %swap3A_647 = vector.shape_cast %convert_element_type3A : vector<16xf32> to vector<1x16xf32>
      tpu.vector_store %arg8[%swap3A_643, %swap3A_644], %swap3A_647 {add = true, strides = array<i32>} : memref<40x1024xf32, #tpu.memory_space<vmem>>, vector<1x16xf32>,
      %swap3A_648 = arith.index_cast %scan3A_356 : i32 to index
      %swap3A_649 = arith.constant 912 : index
      %swap3A_650 = tpu.vector_load %arg8[%swap3A_648, %swap3A_649] {strides = array<i32>} : memref<40x1024xf32, #tpu.memory_space<vmem>>, vector<1x16xf32>,
      %swap3A_651 = vector.shape_cast %swap3A_650 : vector<1x16xf32> to vector<16xf32>
      %swap3A_652 = vector.shape_cast %convert_element_type3A : vector<16xf32> to vector<1x16xf32>
      tpu.vector_store %arg8[%swap3A_648, %swap3A_649], %swap3A_652 {add = true, strides = array<i32>} : memref<40x1024xf32, #tpu.memory_space<vmem>>, vector<1x16xf32>,
      %swap3A_653 = arith.index_cast %scan3A_356 : i32 to index
      %swap3A_654 = arith.constant 928 : index
      %swap3A_655 = tpu.vector_load %arg8[%swap3A_653, %swap3A_654] {strides = array<i32>} : memref<40x1024xf32, #tpu.memory_space<vmem>>, vector<1x16xf32>,
      %swap3A_656 = vector.shape_cast %swap3A_655 : vector<1x16xf32> to vector<16xf32>
      %swap3A_657 = vector.shape_cast %convert_element_type3A : vector<16xf32> to vector<1x16xf32>
      tpu.vector_store %arg8[%swap3A_653, %swap3A_654], %swap3A_657 {add = true, strides = array<i32>} : memref<40x1024xf32, #tpu.memory_space<vmem>>, vector<1x16xf32>,
      %swap3A_658 = arith.index_cast %scan3A_356 : i32 to index
      %swap3A_659 = arith.constant 944 : index
      %swap3A_660 = tpu.vector_load %arg8[%swap3A_658, %swap3A_659] {strides = array<i32>} : memref<40x1024xf32, #tpu.memory_space<vmem>>, vector<1x16xf32>,
      %swap3A_661 = vector.shape_cast %swap3A_660 : vector<1x16xf32> to vector<16xf32>
      %swap3A_662 = vector.shape_cast %convert_element_type3A : vector<16xf32> to vector<1x16xf32>
      tpu.vector_store %arg8[%swap3A_658, %swap3A_659], %swap3A_662 {add = true, strides = array<i32>} : memref<40x1024xf32, #tpu.memory_space<vmem>>, vector<1x16xf32>,
      %swap3A_663 = arith.index_cast %scan3A_356 : i32 to index
      %swap3A_664 = arith.constant 960 : index
      %swap3A_665 = tpu.vector_load %arg8[%swap3A_663, %swap3A_664] {strides = array<i32>} : memref<40x1024xf32, #tpu.memory_space<vmem>>, vector<1x16xf32>,
      %swap3A_666 = vector.shape_cast %swap3A_665 : vector<1x16xf32> to vector<16xf32>
      %swap3A_667 = vector.shape_cast %convert_element_type3A : vector<16xf32> to vector<1x16xf32>
      tpu.vector_store %arg8[%swap3A_663, %swap3A_664], %swap3A_667 {add = true, strides = array<i32>} : memref<40x1024xf32, #tpu.memory_space<vmem>>, vector<1x16xf32>,
      %swap3A_668 = arith.index_cast %scan3A_356 : i32 to index
      %swap3A_669 = arith.constant 976 : index
      %swap3A_670 = tpu.vector_load %arg8[%swap3A_668, %swap3A_669] {strides = array<i32>} : memref<40x1024xf32, #tpu.memory_space<vmem>>, vector<1x16xf32>,
      %swap3A_671 = vector.shape_cast %swap3A_670 : vector<1x16xf32> to vector<16xf32>
      %swap3A_672 = vector.shape_cast %convert_element_type3A : vector<16xf32> to vector<1x16xf32>
      tpu.vector_store %arg8[%swap3A_668, %swap3A_669], %swap3A_672 {add = true, strides = array<i32>} : memref<40x1024xf32, #tpu.memory_space<vmem>>, vector<1x16xf32>,
      %swap3A_673 = arith.index_cast %scan3A_356 : i32 to index
      %swap3A_674 = arith.constant 992 : index
      %swap3A_675 = tpu.vector_load %arg8[%swap3A_673, %swap3A_674] {strides = array<i32>} : memref<40x1024xf32, #tpu.memory_space<vmem>>, vector<1x16xf32>,
      %swap3A_676 = vector.shape_cast %swap3A_675 : vector<1x16xf32> to vector<16xf32>
      %swap3A_677 = vector.shape_cast %convert_element_type3A : vector<16xf32> to vector<1x16xf32>
      tpu.vector_store %arg8[%swap3A_673, %swap3A_674], %swap3A_677 {add = true, strides = array<i32>} : memref<40x1024xf32, #tpu.memory_space<vmem>>, vector<1x16xf32>,
      %swap3A_678 = arith.index_cast %scan3A_356 : i32 to index
      %swap3A_679 = arith.constant 1008 : index
      %swap3A_680 = tpu.vector_load %arg8[%swap3A_678, %swap3A_679] {strides = array<i32>} : memref<40x1024xf32, #tpu.memory_space<vmem>>, vector<1x16xf32>,
      %swap3A_681 = vector.shape_cast %swap3A_680 : vector<1x16xf32> to vector<16xf32>
      %swap3A_682 = vector.shape_cast %convert_element_type3A : vector<16xf32> to vector<1x16xf32>
      tpu.vector_store %arg8[%swap3A_678, %swap3A_679], %swap3A_682 {add = true, strides = array<i32>} : memref<40x1024xf32, #tpu.memory_space<vmem>>, vector<1x16xf32>,
    }
    %scan3A_305 = arith.constant 40 : i32
    %add3A_306 = arith.constant 216 : i32
    %add3A_307 = arith.addi %mul3A_20, %add3A_306 : i32
    %dma_start3A_308 = arith.constant 0 : i32
    %dma_start3A_309 = arith.constant 0 : i32
    %dma_start3A_310 = tpu.memref_slice %arg8[%dma_start3A_308, %dma_start3A_309] : memref<40x1024xf32, #tpu.memory_space<vmem>> -> memref<40x1024xf32, #tpu.memory_space<vmem>>
    %dma_start3A_311 = arith.constant 0 : i32
    %dma_start3A_312 = tpu.memref_slice %arg5[%select_n3A, %add3A_307, %dma_start3A_311] : memref<4x2048x1024xf32, #tpu.memory_space<hbm>> -> memref<1x40x1024xf32, #tpu.memory_space<hbm>>
    %dma_start3A_313 = tpu.memref_squeeze %dma_start3A_312 : memref<1x40x1024xf32, #tpu.memory_space<hbm>> -> memref<40x1024xf32, #tpu.memory_space<hbm>>
    %dma_start3A_314 = arith.constant 0 : i32
    %dma_start3A_315 = tpu.memref_slice %arg5[%select_n3A, %add3A_307, %dma_start3A_314] : memref<4x2048x1024xf32, #tpu.memory_space<hbm>> -> memref<1x40x1024xf32, #tpu.memory_space<hbm>>
    %dma_start3A_316 = tpu.memref_squeeze %dma_start3A_315 : memref<1x40x1024xf32, #tpu.memory_space<hbm>> -> memref<40x1024xf32, #tpu.memory_space<hbm>>
    %dma_start3A_317 = arith.constant 0 : i32
    %dma_start3A_318 = arith.constant 0 : i32
    %dma_start3A_319 = tpu.memref_slice %arg8[%dma_start3A_317, %dma_start3A_318] : memref<40x1024xf32, #tpu.memory_space<vmem>> -> memref<40x1024xf32, #tpu.memory_space<vmem>>
    tpu.enqueue_dma source(%dma_start3A_319 : memref<40x1024xf32, #tpu.memory_space<vmem>>) target(%dma_start3A_316 : memref<40x1024xf32, #tpu.memory_space<hbm>>) target_semaphore(%arg14 : memref<!tpu.dma_semaphore, #tpu.memory_space<semaphore_mem>>)
    %dma_wait3A_320 = arith.constant 0 : i32
    %dma_wait3A_321 = arith.constant 0 : i32
    %dma_wait3A_322 = tpu.memref_slice %arg9[%dma_wait3A_320, %dma_wait3A_321] : memref<40x1024xf32, #tpu.memory_space<vmem>> -> memref<40x1024xf32, #tpu.memory_space<vmem>>
    %dma_wait3A_323 = arith.constant 0 : i32
    %dma_wait3A_324 = tpu.memref_slice %arg5[%select_n3A, %add3A_253, %dma_wait3A_323] : memref<4x2048x1024xf32, #tpu.memory_space<hbm>> -> memref<1x40x1024xf32, #tpu.memory_space<hbm>>
    %dma_wait3A_325 = tpu.memref_squeeze %dma_wait3A_324 : memref<1x40x1024xf32, #tpu.memory_space<hbm>> -> memref<40x1024xf32, #tpu.memory_space<hbm>>
    %dma_wait3A_326 = arith.constant 0 : i32
    %dma_wait3A_327 = tpu.memref_slice %arg5[%select_n3A, %add3A_253, %dma_wait3A_326] : memref<4x2048x1024xf32, #tpu.memory_space<hbm>> -> memref<1x40x1024xf32, #tpu.memory_space<hbm>>
    %dma_wait3A_328 = tpu.memref_squeeze %dma_wait3A_327 : memref<1x40x1024xf32, #tpu.memory_space<hbm>> -> memref<40x1024xf32, #tpu.memory_space<hbm>>
    %dma_wait3A_329 = arith.constant 0 : i32
    %dma_wait3A_330 = arith.constant 0 : i32
    %dma_wait3A_331 = tpu.memref_slice %arg9[%dma_wait3A_329, %dma_wait3A_330] : memref<40x1024xf32, #tpu.memory_space<vmem>> -> memref<40x1024xf32, #tpu.memory_space<vmem>>
    tpu.wait_dma2 semaphore(%arg15 : memref<!tpu.dma_semaphore, #tpu.memory_space<semaphore_mem>>) src(%dma_wait3A_331 : memref<40x1024xf32, #tpu.memory_space<vmem>>) dst(%dma_wait3A_328 : memref<40x1024xf32, #tpu.memory_space<hbm>>)
    %dma_wait3A_332 = arith.constant 0 : i32
    %dma_wait3A_333 = arith.constant 0 : i32
    %dma_wait3A_334 = tpu.memref_slice %arg10[%dma_wait3A_332, %dma_wait3A_333] : memref<40x1024xf32, #tpu.memory_space<vmem>> -> memref<40x1024xf32, #tpu.memory_space<vmem>>
    %dma_wait3A_335 = arith.constant 0 : i32
    %dma_wait3A_336 = tpu.memref_slice %arg5[%select_n3A, %add3A_280, %dma_wait3A_335] : memref<4x2048x1024xf32, #tpu.memory_space<hbm>> -> memref<1x40x1024xf32, #tpu.memory_space<hbm>>
    %dma_wait3A_337 = tpu.memref_squeeze %dma_wait3A_336 : memref<1x40x1024xf32, #tpu.memory_space<hbm>> -> memref<40x1024xf32, #tpu.memory_space<hbm>>
    %dma_wait3A_338 = arith.constant 0 : i32
    %dma_wait3A_339 = tpu.memref_slice %arg5[%select_n3A, %add3A_280, %dma_wait3A_338] : memref<4x2048x1024xf32, #tpu.memory_space<hbm>> -> memref<1x40x1024xf32, #tpu.memory_space<hbm>>
    %dma_wait3A_340 = tpu.memref_squeeze %dma_wait3A_339 : memref<1x40x1024xf32, #tpu.memory_space<hbm>> -> memref<40x1024xf32, #tpu.memory_space<hbm>>
    %dma_wait3A_341 = arith.constant 0 : i32
    %dma_wait3A_342 = arith.constant 0 : i32
    %dma_wait3A_343 = tpu.memref_slice %arg10[%dma_wait3A_341, %dma_wait3A_342] : memref<40x1024xf32, #tpu.memory_space<vmem>> -> memref<40x1024xf32, #tpu.memory_space<vmem>>
    tpu.wait_dma2 semaphore(%arg16 : memref<!tpu.dma_semaphore, #tpu.memory_space<semaphore_mem>>) src(%dma_wait3A_343 : memref<40x1024xf32, #tpu.memory_space<vmem>>) dst(%dma_wait3A_340 : memref<40x1024xf32, #tpu.memory_space<hbm>>)
    %dma_wait3A_344 = arith.constant 0 : i32
    %dma_wait3A_345 = arith.constant 0 : i32
    %dma_wait3A_346 = tpu.memref_slice %arg8[%dma_wait3A_344, %dma_wait3A_345] : memref<40x1024xf32, #tpu.memory_space<vmem>> -> memref<40x1024xf32, #tpu.memory_space<vmem>>
    %dma_wait3A_347 = arith.constant 0 : i32
    %dma_wait3A_348 = tpu.memref_slice %arg5[%select_n3A, %add3A_307, %dma_wait3A_347] : memref<4x2048x1024xf32, #tpu.memory_space<hbm>> -> memref<1x40x1024xf32, #tpu.memory_space<hbm>>
    %dma_wait3A_349 = tpu.memref_squeeze %dma_wait3A_348 : memref<1x40x1024xf32, #tpu.memory_space<hbm>> -> memref<40x1024xf32, #tpu.memory_space<hbm>>
    %dma_wait3A_350 = arith.constant 0 : i32
    %dma_wait3A_351 = tpu.memref_slice %arg5[%select_n3A, %add3A_307, %dma_wait3A_350] : memref<4x2048x1024xf32, #tpu.memory_space<hbm>> -> memref<1x40x1024xf32, #tpu.memory_space<hbm>>
    %dma_wait3A_352 = tpu.memref_squeeze %dma_wait3A_351 : memref<1x40x1024xf32, #tpu.memory_space<hbm>> -> memref<40x1024xf32, #tpu.memory_space<hbm>>
    %dma_wait3A_353 = arith.constant 0 : i32
    %dma_wait3A_354 = arith.constant 0 : i32
    %dma_wait3A_355 = tpu.memref_slice %arg8[%dma_wait3A_353, %dma_wait3A_354] : memref<40x1024xf32, #tpu.memory_space<vmem>> -> memref<40x1024xf32, #tpu.memory_space<vmem>>
    tpu.wait_dma2 semaphore(%arg14 : memref<!tpu.dma_semaphore, #tpu.memory_space<semaphore_mem>>) src(%dma_wait3A_355 : memref<40x1024xf32, #tpu.memory_space<vmem>>) dst(%dma_wait3A_352 : memref<40x1024xf32, #tpu.memory_space<hbm>>)
    return
  }
}

</mosaic_0001>

<sc_bundles>
// kernel: kernel.3.cloned.1.call-start
scs
__scs_entry_jumppad:
0x0: {  	(pc) =	sbr.rel $0x88, $3  }
0x1: {  	(tag) =	ssettag $0x0;
	lr =	simm.s32 $0x1  }
0x2: {  	[smem:$0x3F9F] =	sst lr;
	_ =	strace $0xD0000000  }
0x3: {  	_ = 	snop  }
0x4: {  	_ = 	snop  }
0x5: {  	_ = 	snop  }
0x6: {  	_ = 	snop  }
0x7: {  	_ = 	snop  }
__scs_overlays_trampoline_lowered:
0x8: {  	[smem:$0x3FAE] =	sst s0  }
0x9: {  	[smem:$0x3FAF] =	sst s1  }
0xa: {  	[smem:$0x3FB0] =	sst s2  }
0xb: {  	[smem:$0x3FB1] =	sst s3  }
0xc: {  	[smem:$0x3FB2] =	sst s4  }
0xd: {  	[smem:$0x3FB3] =	sst s5  }
0xe: {  	[smem:$0x3FB4] =	sst s6  }
0xf: {  	[smem:$0x3FB5] =	sst s7  }
0x10: {  	[smem:$0x3FB6] =	sst s8  }
0x11: {  	[smem:$0x3FB7] =	sst s9;
	s0 =	simm.s32 @!p0 $0x0  }
0x12: {  	s1 =	sld [smem:$0x3F9D];
	s0 =	simm.s32 @p0 $0x1  }
0x13: {  	[smem:$0x3FB8] =	sst s0;
	s0 =	simm.s32 @!p1 $0x0  }
0x14: {  	s2 =	sld [smem:$0x3F9C];
	s0 =	simm.s32 @p1 $0x1  }
0x15: {  	[smem:$0x3FB9] =	sst s0;
	s0 =	simm.s32 @!p2 $0x0  }
0x16: {  	s3 =	sld [smem:$0x3FDB];
	s0 =	simm.s32 @p2 $0x1  }
0x17: {  	s4 =	simm.s32 $0x1BF5;
	[smem:$0x3FBB] =	sst s0  }
0x18: {  	s0 =	sld [smem:$0x3F9E];
	_ =	swait.ge [sflag:s4], $0x0  }
0x19: {  	s7 =	sld [smem:$0x3F9F]  }
0x1a: {  	s8 =	sadd.s32 $0xFFFFE003, lr  }
0x1b: {  	s9 =	sadd.s32 $0xFFFFFEF7, lr;
	s5 =	simm.s32 $0xFFFFFFFF;
	p2 =	slt.u32 s8, $0xFFFFF086  }
0x1c: {  	p1 =	slt.u32 s9, $0xF7A;
	s5 =	simm.s32 @!p2 $0x0  }
0x1d: {  	s5 =	simm.s32 @p1 $0x1;
	p0 =	seq.s32 s7, s2  }
0x1e: {  	s7 =	smul.u32 @!p0 $0xF7A, s2;
	p2 =	seq.s32 @!p0 s5, $0x0  }
0x1f: {  	s9 =	smul.u32 $0xF7A, s1;
	s8 =	simm.s32 @!p0 $0x1BF5;
	p2 =	por !p2, p0  }
0x20: {  	[sflag:s8] =	ssyncset.s32 @!p0 $0xFFFFF086;
	s6 =	sadd.s32 @!p0 s3, s7;
	s7 =	simm.s32 @!p0 $0x108  }
0x21: {  	s3 =	sadd.s32 s3, s9;
	s6 =	sadd.s32 @!p0 $0x88, s6;
	s7 =	simm.s32 @p2 $0x1082  }
0x22: {  	[simem:s7], [sflag:s8] =	dma.local @!p0 [hbm:s6], $0xF7A  }
0x23: {  	s9 =	sor.u32 $0xD0000000, s2;
	s6 =	simm.s32 $0x108;
	_ =	swait.ge @!p0 [sflag:s8], $0x0  }
0x24: {  	s3 =	sadd.s32 $0x88, s3;
	s6 =	simm.s32 @!p1 $0x1082;
	[sflag:s4] =	ssyncset.s32 $0xFFFFF086  }
0x25: {  	[simem:s6], [sflag:s4] =	dma.local [hbm:s3], $0xF7A  }
0x26: {  	[smem:$0x3F9F] =	sst s1;
	(tag) =	ssettag s2;
	_ =	strace s9  }
0x27: {  	s1 =	sld [smem:$0x3FAF]  }
0x28: {  	s2 =	sld [smem:$0x3FB0]  }
0x29: {  	s4 =	sld [smem:$0x3FB2]  }
0x2a: {  	p0 =	seq.s32 s5, $0x0;
	s5 =	sld [smem:$0x3FB3]  }
0x2b: {  	s6 =	sld [smem:$0x3FB4]  }
0x2c: {  	s7 =	sld [smem:$0x3FB5]  }
0x2d: {  	s3 =	simm.s32 $0x108;
	s8 =	sld [smem:$0x3FB6]  }
0x2e: {  	s3 =	simm.s32 @!p0 $0x1082;
	s9 =	sld [smem:$0x3FB7]  }
0x2f: {  	lr =	sadd.s32 s0, s3;
	s0 =	sld [smem:$0x3FAE]  }
0x30: {  	s3 =	sld [smem:$0x3FB1]  }
0x31: {  	[smem:$0x3FBA] =	sst s10  }
0x32: {  	s10 =	sld [smem:$0x3FB8];
	_ =	sdelay $0x3  }
0x33: {  	p0 =	seq.s32 s10, $0x1;
	s10 =	sld [smem:$0x3FBA];
	_ =	sdelay $0x3  }
0x34: {  	[smem:$0x3FBA] =	sst s10  }
0x35: {  	s10 =	sld [smem:$0x3FB9];
	_ =	sdelay $0x3  }
0x36: {  	p1 =	seq.s32 s10, $0x1;
	s10 =	sld [smem:$0x3FBA];
	_ =	sdelay $0x3  }
0x37: {  	[smem:$0x3FBA] =	sst s10  }
0x38: {  	s10 =	sld [smem:$0x3FBB]  }
0x39: {  	_ = 	snop;
	(pc) =	sbr.ind lr, $3  }
0x3a: {  	_ = 	snop  }
0x3b: {  	_ = 	snop  }
0x3c: {  	p2 =	seq.s32 s10, $0x1;
	s10 =	sld [smem:$0x3FBA]  }
0x3d: {  	_ =	shalt  }
0x3e: {  	_ =	shalt  }
0x3f: {  	_ =	shalt  }
0x40: {  	_ =	shalt  }
0x41: {  	_ =	shalt  }
0x42: {  	_ =	shalt  }
0x43: {  	_ =	shalt  }
0x44: {  	_ =	shalt  }
0x45: {  	_ =	shalt  }
0x46: {  	_ =	shalt  }
0x47: {  	_ =	shalt  }
0x48: {  	_ =	shalt  }
0x49: {  	_ =	shalt  }
0x4a: {  	_ =	shalt  }
0x4b: {  	_ =	shalt  }
0x4c: {  	_ =	shalt  }
0x4d: {  	_ =	shalt  }
0x4e: {  	_ =	shalt  }
0x4f: {  	_ =	shalt  }
0x50: {  	_ =	shalt  }
0x51: {  	_ =	shalt  }
0x52: {  	_ =	shalt  }
0x53: {  	_ =	shalt  }
0x54: {  	_ =	shalt  }
0x55: {  	_ =	shalt  }
0x56: {  	_ =	shalt  }
0x57: {  	_ =	shalt  }
0x58: {  	_ =	shalt  }
0x59: {  	_ =	shalt  }
0x5a: {  	_ =	shalt  }
0x5b: {  	_ =	shalt  }
0x5c: {  	_ =	shalt  }
0x5d: {  	_ =	shalt  }
0x5e: {  	_ =	shalt  }
0x5f: {  	_ =	shalt  }
0x60: {  	_ =	shalt  }
0x61: {  	_ =	shalt  }
0x62: {  	_ =	shalt  }
0x63: {  	_ =	shalt  }
0x64: {  	_ =	shalt  }
0x65: {  	_ =	shalt  }
0x66: {  	_ =	shalt  }
0x67: {  	_ =	shalt  }
0x68: {  	_ =	shalt  }
0x69: {  	_ =	shalt  }
0x6a: {  	_ =	shalt  }
0x6b: {  	_ =	shalt  }
0x6c: {  	_ =	shalt  }
0x6d: {  	_ =	shalt  }
0x6e: {  	_ =	shalt  }
0x6f: {  	_ =	shalt  }
0x70: {  	_ =	shalt  }
0x71: {  	_ =	shalt  }
0x72: {  	_ =	shalt  }
0x73: {  	_ =	shalt  }
0x74: {  	_ =	shalt  }
0x75: {  	_ =	shalt  }
0x76: {  	_ =	shalt  }
0x77: {  	_ =	shalt  }
0x78: {  	_ =	shalt  }
0x79: {  	_ =	shalt  }
0x7a: {  	_ =	shalt  }
0x7b: {  	_ =	shalt  }
0x7c: {  	_ =	shalt  }
0x7d: {  	_ =	shalt  }
0x7e: {  	_ =	shalt  }
0x7f: {  	_ =	shalt  }
0x80: {  	_ =	shalt  }
0x81: {  	_ =	shalt  }
0x82: {  	_ =	shalt  }
0x83: {  	_ =	shalt  }
0x84: {  	_ =	shalt  }
0x85: {  	_ =	shalt  }
0x86: {  	_ =	shalt  }
0x87: {  	_ =	shalt  }
.Lfunc_end0:
.L_simem_size_0:
called_computation_lowered:
.L_overlay_start_0:
0x88: {  	s2 =	sld [smem:$0x3FD9]  }
0x89: {  	s3 =	sld [smem:$0x3FFE];
	_ =	sdelay $0x1  }
0x8a: {  	s1 =	srdreg.scid  }
0x8b: {  	s0 =	sand.u32 $0x1, s1  }
0x8c: {  	s17 =	sshll.u32 s0, $0xA;
	s2 =	sadd.s32 s3, s2  }
0x8d: {  	s2 =	sadd.s32 s2, s17  }
0x8e: {  	[smem:$0x3FC6] =	sst s2  }
0x8f: {  	_ = 	snop  }
0x90: {  	s2 =	sld [smem:$0x3FC9]  }
0x91: {  	s18 =	sld [smem:$0x3FC8]  }
0x92: {  	s4 =	sld [smem:$0x3FD0];
	(tm) =	ssettm $0x1  }
0x93: {  	s5 =	sld [smem:$0x3FFB];
	_ =	sdelay $0x3  }
0x94: {  	_ =	strace s5  }
0x95: {  	s5 =	sld [smem:$0x3FFC];
	_ =	sdelay $0x3  }
0x96: {  	_ =	strace s5  }
0x97: {  	s5 =	sld [smem:$0x3FFD];
	_ =	sdelay $0x3  }
0x98: {  	_ =	strace s5  }
0x99: {  	_ =	strace $0x8FFFFFFF  }
0x9a: {  	s19 =	sld [smem:$0x3FDB];
	_ =	sdelay $0x1  }
0x9b: {  	s6 =	simm.s32 $_scs_section_size  }
0x9c: {  	s7 =	simm.s32 $_size__tile_overlayer_lowered;
	s8 =	simm.s32 $_tile_overlayer_lowered  }
0x9d: {  	s22 =	simm.s32 $0x1BFF;
	s21 =	sshll.u32 s8, $0x1;
	s5 =	sadd.s32 s6, s19  }
0x9e: {  	s9 =	simm.s32 $0x0;
	s20 =	sshll.u32 s7, $0x1;
	s7 =	sadd.s32 s21, s5  }
0x9f: {  	[timem:s9], [sflag:s22] =	dma.local [hbm:s7], s20  }
0xa0: {  	_ =	swait.ge [sflag:s22], s20  }
0xa1: {  	s6 =	ssub.s32 $0x0, s20;
	[sflag:s22] =	ssyncset.done $0x0  }
0xa2: {  	[sflag:s22] =	ssyncadd.s32 s6;
	_ =	sdelay $0x1  }
0xa3: {  	s23 =	simm.s32 $0x1B8B  }
0xa4: {  	_ =	swait.ge [sflag:s23], $0x1  }
0xa5: {  	[sflag:s23] =	ssyncset.done $0x0  }
0xa6: {  	s25 =	simm.s32 $0x1B8E;
	s24 =	sld [smem:$0x3FFE];
	[sflag:s23] =	ssyncadd.s32 $0xFFFFFFFF  }
0xa7: {  	s26 =	simm.s32 $execute0_lowered;
	[smem:$0x3FD2] =	sst s25  }
0xa8: {  	s7 =	sshll.u32 s26, $0x1;
	_ =	strace $0x80000046;
	[dreg:$0x1] =	wrdreg $0xFFFFFFFF  }
0xa9: {  	s28 =	simm.s32 $_size_execute0_lowered;
	s5 =	sadd.s32 s5, s7;
	[dreg:$0x0] =	wrdreg $0x0  }
0xaa: {  	s7 =	sshll.u32 s28, $0x1;
	[dreg:$0x2] =	wrdreg s5  }
0xab: {  	[dreg:$0x3] =	wrdreg s7  }
0xac: {  	[dreg:$0x4] =	wrdreg $0xC0  }
0xad: {  	_ =	task [dreg:s9], $0x5FFFF  }
0xae: {  	[dreg:$0x1] =	wrdreg $0xFFFFFFFF  }
0xaf: {  	[dreg:$0x0] =	wrdreg $0x60  }
0xb0: {  	[dreg:$0x2] =	wrdreg s2  }
0xb1: {  	[dreg:$0x3] =	wrdreg s24  }
0xb2: {  	[dreg:$0x4] =	wrdreg s18  }
0xb3: {  	[dreg:$0x5] =	wrdreg s4  }
0xb4: {  	[dreg:$0x6] =	wrdreg $0x9  }
0xb5: {  	_ =	task.clear_ibuf [dreg:s9], $0x7FFFF;
	_ =	strace $0x90000046  }
0xb6: {  	s29 =	simm.s32 $0x9;
	_ =	strace $0x80000048  }
0xb7: {  	_ =	swait.ge [sflag:s29], $0x1  }
0xb8: {  	[sflag:s29] =	ssyncadd.s32 $0xFFFFFFFF  }
0xb9: {  	_ =	strace $0x90000048  }
0xba: {  	_ =	sfence  }
0xbb: {  	s30 =	sld [smem:$0x0];
	_ =	sdelay $0x2  }
0xbc: {  	s31 =	sshll.u32 s1, $0xD;
	s1 =	sshrl.u32 s1, $0x2  }
0xbd: {  	s3 =	sand.u32 $0x4000, s31;
	s1 =	sadd.s32 s1, s30  }
0xbe: {  	s0 =	sor.u32 s3, s0;
	s1 =	sshll.u32 s1, $0x11  }
0xbf: {  	s0 =	sor.u32 s1, s0  }
0xc0: {  	s0 =	sadd.s32 $0x8F2B, s0  }
0xc1: {  	[sflag:s0] =	ssyncadd.remote.s32 $0x1  }
0xc2: {  	_ =	sfence.sel $0xFFFF  }
0xc3: {  	[dreg:$0x0] =	wrdreg $0xFFFFFFFF;
	(pc) =	sbr.abs _section_cstart, $3  }
0xc4: {  	[dreg:$0x1] =	wrdreg $0xFFFFFFFF  }
0xc5: {  	_ =	task.clear_ibuf [dreg:s9], $0x2FFFF;
	_ =	strace $0x9FFFFFFF  }
0xc6: {  	(tm) =	ssettm $0x7FFFFFFF  }
0xc7: {  	_ =	shalt  }
tec
execute0_lowered:
.L_overlay_start_1:
0x0: {  	(tag) =	ssettag $0x1  }
0x1: {  	s0 =	rddreg [dreg:$0x0]  }
0x2: {  	s1 =	rddreg [dreg:$0x1]  }
0x3: {  	s2 =	rddreg [dreg:$0x2]  }
0x4: {  	s4 =	rddreg [dreg:$0x3]  }
0x5: {  	s8 =	stileid.u32;
	s3 =	simm.s32 $0x0;
	s5 =	srdreg.scid  }
0x6: {  	s28 =	simm.s32 $0x4900;
	s29 =	simm.s32 $0xB100;
	s10 =	simm.s32 $0x4  }
0x7: {  	s11 =	simm.s32 $0x2;
	s18 =	simm.s32 $0x5;
	s12 =	simm.s32 $0x3  }
0x8: {  	s13 =	simm.s32 $0x0;
	s6 =	sshll.u32 s8, $0x1;
	[smem:$0x7FF] =	sst s3  }
0x9: {  	s5 =	sand.u32 $0x1, s5;
	s8 =	sshrl.u32 s8, $0x2;
	s6 =	sand.u32 $0x6, s6  }
0xa: {  	_ =	strace $0x80000047;
	s9 =	sshll.u32 s8, $0x4;
	s21 =	sshll.u32 s8, $0x12  }
0xb: {  	s8 =	sadd.s32 $0x300, s2;
	s6 =	sor.u32 s5, s6;
	s5 =	ssub.s32 $0x2, s5  }
0xc: {  	s0 =	sadd.s32 s0, s9;
	s7 =	sshll.u32 s6, $0x9;
	s19 =	sshrl.u32 s5, $0x1  }
0xd: {  	s20 =	sshll.u32 s6, $0x7;
	s22 =	sshll.u32 s6, $0xF;
	s6 =	sadd.s32 $0x100, s2  }
0xe: {  	s1 =	sadd.s32 s7, s1;
	s5 =	ssub.s32 s5, s19;
	s0 =	sadd.s32 s20, s0  }
0xf: {  	s7 =	sadd.s32 $0x200, s2;
	[dreg:$0x5] =	wrdreg s0;
	s1 =	sadd.s32 $0x400, s1  }
0x10: {  	s0 =	sor.u32 s21, s22;
	s31 =	smax.u32 s5, $0x1;
	[dreg:$0x6] =	wrdreg s1  }
0x11: {  	v0 =	vimm.f32 $1.000000000e+00;
	vm0 =	vcmask $0x300;
	s20 =	simm.s32 $0x1100;
	s0 =	sadd.s32 s4, s0;
	[dreg:$0xe] =	wrdreg s31  }
0x12: {  	v0 =	vsel vm0, $0x0, v0;
	vm0 =	vcmask $0xB08;
	s19 =	simm.s32 $0xB900;
	s23 =	sadd.s32 $0x800, s0;
	[dreg:$0x7] =	wrdreg s0  }
0x13: {  	v0 =	vsel vm0, $0x0, v0;
	vm0 =	vcmask $0x1310;
	s21 =	simm.s32 $0x1900;
	s24 =	sadd.s32 $0x1C00, s0;
	[dreg:$0x8] =	wrdreg s23  }
0x14: {  	v0 =	vsel vm0, $0x0, v0;
	vm0 =	vcmask $0x1B18;
	s22 =	simm.s32 $0x2100;
	s25 =	sadd.s32 $0x3000, s0;
	[dreg:$0x9] =	wrdreg s24  }
0x15: {  	v2 =	vlaneseq.u32;
	v1 =	vsel vm0, $0x0, v0;
	vm0 =	vcmask $0x2320;
	s5 =	simm.s32 $0x15100;
	s26 =	sadd.s32 $0x4400, s0;
	[dreg:$0xa] =	wrdreg s25  }
0x16: {  	vm1 =	vcmask $0x3B38;
	v1 =	vsel vm0, $0x0, v1;
	vm0 =	vcmask $0x2B28;
	s1 =	simm.s32 $0x7;
	s30 =	sadd.s32 $0x5800, s0;
	[dreg:$0xb] =	wrdreg s26  }
0x17: {  	v3 =	vshrl.u32 v2, $0x3;
	v4 =	vsel vm0, $0x0, v1;
	vm0 =	vcmask $0x3330;
	s4 =	simm.s32 $0x6;
	s0 =	sadd.s32 $0x6C00, s0;
	[dreg:$0xc] =	wrdreg s30  }
0x18: {  	v0 =	vand.u32 $0x7, v2;
	v1 =	vmul.u32 $0x8, v3;
	v3 =	vsel vm0, $0x0, v4;
	[dreg:$0xd] =	wrdreg s0;
	s23 =	simm.s32 $0x2900;
	s24 =	simm.s32 $0x3100  }
0x19: {  	v2 =	vor.u32 $0x8, v2;
	vm0 =	vmmov $0xffff;
	v3 =	vsel vm1, $0x0, v3;
	s25 =	simm.s32 $0x3900;
	s26 =	simm.s32 $0x4100;
	s0 =	simm.s32 $0x1  }
.LBB2_1:
0x1a: {  	s9 =	rddreg [dreg:$0x5];
	s14 =	simm.s32 $0x80;
	s15 =	simm.s32 $0x200  }
0x1b: {  	[tilespmem:s3], [sflag:$0x8] =	stream.strided.gather [hbm4b:s9+s14], $0x100, s15, s14, $0x38;
	[tilespmem:$0x1F100] =	vst v63  }
0x1c: {  	s15 =	simm.s32 $0x8  }
0x1d: {  	_ =	swait.ge [sflag:s15], $0x100  }
0x1e: {  	[sflag:s15] =	ssyncset.done $0x0  }
0x1f: {  	s14 =	simm.s32 $0x100;
	s16 =	rddreg [dreg:$0x6];
	[sflag:s15] =	ssyncadd.s32 $0xFFFFFF00  }
0x20: {  	[tilespmem:s14], [sflag:$0x7] =	stream.linear.gather [hbm4b:s16+s3], $0x1000, $0x38;
	[tilespmem:$0x1F100] =	vst v63  }
0x21: {  	v4 =	vld [tilespmem:$0x0];
	_ =	sdelay $0x4  }
0x22: {  	v5 =	vshll.u32 v4, $0x3  }
0x23: {  	v4 =	vand.u32 $0x7, v4;
	v5 =	vand.u32 $0xFFFFFFC0, v5  }
0x24: {  	v4 =	vor.u32 v4, v5  }
0x25: {  	v5 =	vperm.xlane v4, v0;
	_ =	sdelay $0x1  }
0x26: {  	v5 =	vadd.s32 v1, v5;
	_ =	sdelay $0x4  }
0x27: {  	[tilespmem:s20], [sflag:$0x1] =	stream.indirect_vreg.gather [hbm4b:s2+s3], $0x80, v5, vm0, $0xb8;
	[tilespmem:$0x1F100] =	vst v63  }
0x28: {  	v4 =	vperm.xlane v4, v2  }
0x29: {  	[tilespmem:s21], [sflag:$0x1] =	stream.indirect_vreg.gather [hbm4b:s6+s3], $0x80, v5, vm0, $0xb8;
	[tilespmem:$0x1F100] =	vst v63  }
0x2a: {  	v4 =	vadd.s32 v1, v4  }
0x2b: {  	[tilespmem:s22], [sflag:$0x1] =	stream.indirect_vreg.gather [hbm4b:s7+s3], $0x80, v5, vm0, $0xb8;
	[tilespmem:$0x1F100] =	vst v63  }
0x2c: {  	_ = 	snop  }
0x2d: {  	[tilespmem:s23], [sflag:$0x1] =	stream.indirect_vreg.gather [hbm4b:s8+s3], $0x80, v5, vm0, $0xb8;
	[tilespmem:$0x1F100] =	vst v63  }
0x2e: {  	_ = 	snop  }
0x2f: {  	[tilespmem:s24], [sflag:$0x1] =	stream.indirect_vreg.gather [hbm4b:s2+s3], $0x80, v4, vm0, $0xb8;
	[tilespmem:$0x1F100] =	vst v63  }
0x30: {  	_ = 	snop  }
0x31: {  	[tilespmem:s25], [sflag:$0x1] =	stream.indirect_vreg.gather [hbm4b:s6+s3], $0x80, v4, vm0, $0xb8;
	[tilespmem:$0x1F100] =	vst v63  }
0x32: {  	_ = 	snop  }
0x33: {  	[tilespmem:s26], [sflag:$0x1] =	stream.indirect_vreg.gather [hbm4b:s7+s3], $0x80, v4, vm0, $0xb8;
	[tilespmem:$0x1F100] =	vst v63  }
0x34: {  	_ = 	snop  }
0x35: {  	[tilespmem:s28], [sflag:$0x1] =	stream.indirect_vreg.gather [hbm4b:s8+s3], $0x80, v4, vm0, $0xb8;
	[tilespmem:$0x1F100] =	vst v63  }
0x36: {  	v4 =	vld [tilespmem:$0x10];
	_ =	sdelay $0x4  }
0x37: {  	v5 =	vshll.u32 v4, $0x3  }
0x38: {  	v4 =	vand.u32 $0x7, v4;
	v5 =	vand.u32 $0xFFFFFFC0, v5  }
0x39: {  	v4 =	vor.u32 v4, v5  }
0x3a: {  	v5 =	vperm.xlane v4, v0;
	_ =	sdelay $0x1  }
0x3b: {  	v5 =	vadd.s32 v1, v5;
	_ =	sdelay $0x4  }
0x3c: {  	[tilespmem:s29], [sflag:$0x2] =	stream.indirect_vreg.gather [hbm4b:s2+s3], $0x80, v5, vm0, $0xb8;
	[tilespmem:$0x1F100] =	vst v63  }
0x3d: {  	v4 =	vperm.xlane v4, v2  }
0x3e: {  	[tilespmem:s19], [sflag:$0x2] =	stream.indirect_vreg.gather [hbm4b:s6+s3], $0x80, v5, vm0, $0xb8;
	[tilespmem:$0x1F100] =	vst v63  }
0x3f: {  	s17 =	simm.s32 $0xC100;
	v4 =	vadd.s32 v1, v4  }
0x40: {  	[tilespmem:s17], [sflag:$0x2] =	stream.indirect_vreg.gather [hbm4b:s7+s3], $0x80, v5, vm0, $0xb8;
	[tilespmem:$0x1F100] =	vst v63  }
0x41: {  	s15 =	simm.s32 $0xC900  }
0x42: {  	[tilespmem:s15], [sflag:$0x2] =	stream.indirect_vreg.gather [hbm4b:s8+s3], $0x80, v5, vm0, $0xb8;
	[tilespmem:$0x1F100] =	vst v63  }
0x43: {  	s16 =	simm.s32 $0xD100  }
0x44: {  	[tilespmem:s16], [sflag:$0x2] =	stream.indirect_vreg.gather [hbm4b:s2+s3], $0x80, v4, vm0, $0xb8;
	[tilespmem:$0x1F100] =	vst v63  }
0x45: {  	s17 =	simm.s32 $0xD900  }
0x46: {  	[tilespmem:s17], [sflag:$0x2] =	stream.indirect_vreg.gather [hbm4b:s6+s3], $0x80, v4, vm0, $0xb8;
	[tilespmem:$0x1F100] =	vst v63  }
0x47: {  	s15 =	simm.s32 $0xE100  }
0x48: {  	[tilespmem:s15], [sflag:$0x2] =	stream.indirect_vreg.gather [hbm4b:s7+s3], $0x80, v4, vm0, $0xb8;
	[tilespmem:$0x1F100] =	vst v63  }
0x49: {  	s16 =	simm.s32 $0xE900  }
0x4a: {  	[tilespmem:s16], [sflag:$0x2] =	stream.indirect_vreg.gather [hbm4b:s8+s3], $0x80, v4, vm0, $0xb8;
	[tilespmem:$0x1F100] =	vst v63  }
0x4b: {  	v4 =	vld [tilespmem:$0x20];
	_ =	sdelay $0x4  }
0x4c: {  	v5 =	vshll.u32 v4, $0x3  }
0x4d: {  	v4 =	vand.u32 $0x7, v4;
	v5 =	vand.u32 $0xFFFFFFC0, v5  }
0x4e: {  	v4 =	vor.u32 v4, v5  }
0x4f: {  	v5 =	vperm.xlane v4, v0;
	_ =	sdelay $0x1  }
0x50: {  	v5 =	vadd.s32 v1, v5;
	_ =	sdelay $0x3  }
0x51: {  	s17 =	simm.s32 $0xF100  }
0x52: {  	[tilespmem:s17], [sflag:$0x2] =	stream.indirect_vreg.gather [hbm4b:s2+s3], $0x80, v5, vm0, $0xb8;
	[tilespmem:$0x1F100] =	vst v63  }
0x53: {  	s15 =	simm.s32 $0xF900;
	v4 =	vperm.xlane v4, v2  }
0x54: {  	[tilespmem:s15], [sflag:$0x2] =	stream.indirect_vreg.gather [hbm4b:s6+s3], $0x80, v5, vm0, $0xb8;
	[tilespmem:$0x1F100] =	vst v63  }
0x55: {  	s16 =	simm.s32 $0x10100;
	v4 =	vadd.s32 v1, v4  }
0x56: {  	[tilespmem:s16], [sflag:$0x2] =	stream.indirect_vreg.gather [hbm4b:s7+s3], $0x80, v5, vm0, $0xb8;
	[tilespmem:$0x1F100] =	vst v63  }
0x57: {  	s17 =	simm.s32 $0x10900  }
0x58: {  	[tilespmem:s17], [sflag:$0x2] =	stream.indirect_vreg.gather [hbm4b:s8+s3], $0x80, v5, vm0, $0xb8;
	[tilespmem:$0x1F100] =	vst v63  }
0x59: {  	s15 =	simm.s32 $0x11100  }
0x5a: {  	[tilespmem:s15], [sflag:$0x2] =	stream.indirect_vreg.gather [hbm4b:s2+s3], $0x80, v4, vm0, $0xb8;
	[tilespmem:$0x1F100] =	vst v63  }
0x5b: {  	s16 =	simm.s32 $0x11900  }
0x5c: {  	[tilespmem:s16], [sflag:$0x2] =	stream.indirect_vreg.gather [hbm4b:s6+s3], $0x80, v4, vm0, $0xb8;
	[tilespmem:$0x1F100] =	vst v63  }
0x5d: {  	s17 =	simm.s32 $0x12100  }
0x5e: {  	[tilespmem:s17], [sflag:$0x2] =	stream.indirect_vreg.gather [hbm4b:s7+s3], $0x80, v4, vm0, $0xb8;
	[tilespmem:$0x1F100] =	vst v63  }
0x5f: {  	s15 =	simm.s32 $0x12900  }
0x60: {  	[tilespmem:s15], [sflag:$0x2] =	stream.indirect_vreg.gather [hbm4b:s8+s3], $0x80, v4, vm0, $0xb8;
	[tilespmem:$0x1F100] =	vst v63  }
0x61: {  	v4 =	vld.msk [tilespmem:$0x30], $0xff;
	_ =	sdelay $0x4  }
0x62: {  	v5 =	vshll.u32 v4, $0x3  }
0x63: {  	v4 =	vand.u32 $0x7, v4;
	v5 =	vand.u32 $0xFFFFFFC0, v5  }
0x64: {  	v4 =	vor.u32 v4, v5  }
0x65: {  	v4 =	vperm.xlane v4, v0;
	_ =	sdelay $0x1  }
0x66: {  	v4 =	vadd.s32 v1, v4;
	_ =	sdelay $0x3  }
0x67: {  	s16 =	simm.s32 $0x13100  }
0x68: {  	[tilespmem:s16], [sflag:$0x2] =	stream.indirect_vreg.gather [hbm4b:s2+s3], $0x80, v4, vm0, $0xb8;
	[tilespmem:$0x1F100] =	vst v63  }
0x69: {  	s17 =	simm.s32 $0x13900  }
0x6a: {  	[tilespmem:s17], [sflag:$0x2] =	stream.indirect_vreg.gather [hbm4b:s6+s3], $0x80, v4, vm0, $0xb8;
	[tilespmem:$0x1F100] =	vst v63  }
0x6b: {  	s15 =	simm.s32 $0x14100  }
0x6c: {  	[tilespmem:s15], [sflag:$0x2] =	stream.indirect_vreg.gather [hbm4b:s7+s3], $0x80, v4, vm0, $0xb8;
	[tilespmem:$0x1F100] =	vst v63  }
0x6d: {  	s16 =	simm.s32 $0x14900  }
0x6e: {  	[tilespmem:s16], [sflag:$0x2] =	stream.indirect_vreg.gather [hbm4b:s8+s3], $0x80, v4, vm0, $0xb8;
	[tilespmem:$0x1F100] =	vst v63  }
0x6f: {  	v4 =	vld [tilespmem:$0x38];
	_ =	sdelay $0x4  }
0x70: {  	v5 =	vshll.u32 v4, $0x3  }
0x71: {  	v4 =	vand.u32 $0x7, v4;
	v5 =	vand.u32 $0xFFFFFFC0, v5  }
0x72: {  	v4 =	vor.u32 v4, v5  }
0x73: {  	v5 =	vperm.xlane v4, v0;
	_ =	sdelay $0x1  }
0x74: {  	v5 =	vadd.s32 v1, v5;
	_ =	sdelay $0x4  }
0x75: {  	[tilespmem:s5], [sflag:$0x3] =	stream.indirect_vreg.gather [hbm4b:s2+s3], $0x80, v5, vm0, $0xb8;
	[tilespmem:$0x1F100] =	vst v63  }
0x76: {  	s17 =	simm.s32 $0x15900;
	v4 =	vperm.xlane v4, v2  }
0x77: {  	[tilespmem:s17], [sflag:$0x3] =	stream.indirect_vreg.gather [hbm4b:s6+s3], $0x80, v5, vm0, $0xb8;
	[tilespmem:$0x1F100] =	vst v63  }
0x78: {  	s15 =	simm.s32 $0x16100;
	v4 =	vadd.s32 v1, v4  }
0x79: {  	[tilespmem:s15], [sflag:$0x3] =	stream.indirect_vreg.gather [hbm4b:s7+s3], $0x80, v5, vm0, $0xb8;
	[tilespmem:$0x1F100] =	vst v63  }
0x7a: {  	s16 =	simm.s32 $0x16900  }
0x7b: {  	[tilespmem:s16], [sflag:$0x3] =	stream.indirect_vreg.gather [hbm4b:s8+s3], $0x80, v5, vm0, $0xb8;
	[tilespmem:$0x1F100] =	vst v63  }
0x7c: {  	s17 =	simm.s32 $0x17100  }
0x7d: {  	[tilespmem:s17], [sflag:$0x3] =	stream.indirect_vreg.gather [hbm4b:s2+s3], $0x80, v4, vm0, $0xb8;
	[tilespmem:$0x1F100] =	vst v63  }
0x7e: {  	s15 =	simm.s32 $0x17900  }
0x7f: {  	[tilespmem:s15], [sflag:$0x3] =	stream.indirect_vreg.gather [hbm4b:s6+s3], $0x80, v4, vm0, $0xb8;
	[tilespmem:$0x1F100] =	vst v63  }
0x80: {  	s16 =	simm.s32 $0x18100  }
0x81: {  	[tilespmem:s16], [sflag:$0x3] =	stream.indirect_vreg.gather [hbm4b:s7+s3], $0x80, v4, vm0, $0xb8;
	[tilespmem:$0x1F100] =	vst v63  }
0x82: {  	s17 =	simm.s32 $0x18900  }
0x83: {  	[tilespmem:s17], [sflag:$0x3] =	stream.indirect_vreg.gather [hbm4b:s8+s3], $0x80, v4, vm0, $0xb8;
	[tilespmem:$0x1F100] =	vst v63  }
0x84: {  	v4 =	vld [tilespmem:$0x48];
	_ =	sdelay $0x4  }
0x85: {  	v5 =	vshll.u32 v4, $0x3  }
0x86: {  	v4 =	vand.u32 $0x7, v4;
	v5 =	vand.u32 $0xFFFFFFC0, v5  }
0x87: {  	v4 =	vor.u32 v4, v5  }
0x88: {  	v5 =	vperm.xlane v4, v0;
	_ =	sdelay $0x1  }
0x89: {  	v5 =	vadd.s32 v1, v5;
	_ =	sdelay $0x3  }
0x8a: {  	s15 =	simm.s32 $0x19100  }
0x8b: {  	[tilespmem:s15], [sflag:$0x3] =	stream.indirect_vreg.gather [hbm4b:s2+s3], $0x80, v5, vm0, $0xb8;
	[tilespmem:$0x1F100] =	vst v63  }
0x8c: {  	s16 =	simm.s32 $0x19900;
	v4 =	vperm.xlane v4, v2  }
0x8d: {  	[tilespmem:s16], [sflag:$0x3] =	stream.indirect_vreg.gather [hbm4b:s6+s3], $0x80, v5, vm0, $0xb8;
	[tilespmem:$0x1F100] =	vst v63  }
0x8e: {  	s17 =	simm.s32 $0x1A100;
	v4 =	vadd.s32 v1, v4  }
0x8f: {  	[tilespmem:s17], [sflag:$0x3] =	stream.indirect_vreg.gather [hbm4b:s7+s3], $0x80, v5, vm0, $0xb8;
	[tilespmem:$0x1F100] =	vst v63  }
0x90: {  	s15 =	simm.s32 $0x1A900  }
0x91: {  	[tilespmem:s15], [sflag:$0x3] =	stream.indirect_vreg.gather [hbm4b:s8+s3], $0x80, v5, vm0, $0xb8;
	[tilespmem:$0x1F100] =	vst v63  }
0x92: {  	s16 =	simm.s32 $0x1B100  }
0x93: {  	[tilespmem:s16], [sflag:$0x3] =	stream.indirect_vreg.gather [hbm4b:s2+s3], $0x80, v4, vm0, $0xb8;
	[tilespmem:$0x1F100] =	vst v63  }
0x94: {  	s17 =	simm.s32 $0x1B900  }
0x95: {  	[tilespmem:s17], [sflag:$0x3] =	stream.indirect_vreg.gather [hbm4b:s6+s3], $0x80, v4, vm0, $0xb8;
	[tilespmem:$0x1F100] =	vst v63  }
0x96: {  	s15 =	simm.s32 $0x1C100  }
0x97: {  	[tilespmem:s15], [sflag:$0x3] =	stream.indirect_vreg.gather [hbm4b:s7+s3], $0x80, v4, vm0, $0xb8;
	[tilespmem:$0x1F100] =	vst v63  }
0x98: {  	s16 =	simm.s32 $0x1C900  }
0x99: {  	[tilespmem:s16], [sflag:$0x3] =	stream.indirect_vreg.gather [hbm4b:s8+s3], $0x80, v4, vm0, $0xb8;
	[tilespmem:$0x1F100] =	vst v63  }
0x9a: {  	v4 =	vld.msk [tilespmem:$0x58], $0xff;
	_ =	sdelay $0x4  }
0x9b: {  	v5 =	vshll.u32 v4, $0x3  }
0x9c: {  	v4 =	vand.u32 $0x7, v4;
	v5 =	vand.u32 $0xFFFFFFC0, v5  }
0x9d: {  	v4 =	vor.u32 v4, v5  }
0x9e: {  	v4 =	vperm.xlane v4, v0;
	_ =	sdelay $0x1  }
0x9f: {  	v4 =	vadd.s32 v1, v4;
	_ =	sdelay $0x3  }
0xa0: {  	s17 =	simm.s32 $0x1D100  }
0xa1: {  	[tilespmem:s17], [sflag:$0x3] =	stream.indirect_vreg.gather [hbm4b:s2+s3], $0x80, v4, vm0, $0xb8;
	[tilespmem:$0x1F100] =	vst v63  }
0xa2: {  	s15 =	simm.s32 $0x1D900  }
0xa3: {  	[tilespmem:s15], [sflag:$0x3] =	stream.indirect_vreg.gather [hbm4b:s6+s3], $0x80, v4, vm0, $0xb8;
	[tilespmem:$0x1F100] =	vst v63  }
0xa4: {  	s16 =	simm.s32 $0x1E100  }
0xa5: {  	[tilespmem:s16], [sflag:$0x3] =	stream.indirect_vreg.gather [hbm4b:s7+s3], $0x80, v4, vm0, $0xb8;
	[tilespmem:$0x1F100] =	vst v63  }
0xa6: {  	s17 =	simm.s32 $0x1E900  }
0xa7: {  	[tilespmem:s17], [sflag:$0x3] =	stream.indirect_vreg.gather [hbm4b:s8+s3], $0x80, v4, vm0, $0xb8;
	[tilespmem:$0x1F100] =	vst v63  }
0xa8: {  	_ =	swait.ge [sflag:s0], $0x4000  }
0xa9: {  	[sflag:s0] =	ssyncset.done $0x0  }
0xaa: {  	[sflag:s0] =	ssyncadd.s32 $0xFFFFC000  }
0xab: {  	_ =	swait.ge [sflag:s1], $0x1000  }
0xac: {  	s30 =	simm.s32 $0x0;
	s31 =	simm.s32 $0x0;
	[sflag:s1] =	ssyncset.done $0x0  }
0xad: {  	s15 =	simm.s32 $0xFFFFC000;
	s16 =	simm.s32 $0x0;
	[sflag:s1] =	ssyncadd.s32 $0xFFFFF000  }
.LBB2_2:
0xae: {  	s17 =	sadd.s32 $0x4000, s15  }
0xaf: {  	s9 =	sand.u32 $0x380, s31;
	s17 =	sand.u32 $0x2000, s17  }
0xb0: {  	v4 =	vld [tilespmem:s14+$0x0];
	s9 =	sor.u32 s9, s17  }
0xb1: {  	[tilespmem:s9+$0x1110] =	vst.add.f32.msk $0xffff, v3  }
0xb2: {  	[tilespmem:s9+$0x1120] =	vst.add.f32.msk $0xffff, v3  }
0xb3: {  	[tilespmem:s9+$0x1130] =	vst.add.f32.msk $0xffff, v3  }
0xb4: {  	[tilespmem:s9+$0x1140] =	vst.add.f32.msk $0xffff, v3  }
0xb5: {  	[tilespmem:s9+$0x1150] =	vst.add.f32.msk $0xffff, v3  }
0xb6: {  	[tilespmem:s9+$0x1160] =	vst.add.f32.msk $0xffff, v3  }
0xb7: {  	[tilespmem:s9+$0x1170] =	vst.add.f32.msk $0xffff, v3  }
0xb8: {  	[tilespmem:s9+$0x1500] =	vst.add.f32.msk $0xffff, v3  }
0xb9: {  	[tilespmem:s9+$0x1510] =	vst.add.f32.msk $0xffff, v3  }
0xba: {  	[tilespmem:s9+$0x1520] =	vst.add.f32.msk $0xffff, v3  }
0xbb: {  	[tilespmem:s9+$0x1530] =	vst.add.f32.msk $0xffff, v3  }
0xbc: {  	[tilespmem:s9+$0x1540] =	vst.add.f32.msk $0xffff, v3  }
0xbd: {  	[tilespmem:s9+$0x1550] =	vst.add.f32.msk $0xffff, v3  }
0xbe: {  	[tilespmem:s9+$0x1560] =	vst.add.f32.msk $0xffff, v3  }
0xbf: {  	[tilespmem:s9+$0x1570] =	vst.add.f32.msk $0xffff, v3  }
0xc0: {  	[tilespmem:s9+$0x1900] =	vst.add.f32.msk $0xffff, v3  }
0xc1: {  	[tilespmem:s9+$0x1910] =	vst.add.f32.msk $0xffff, v3  }
0xc2: {  	[tilespmem:s9+$0x1920] =	vst.add.f32.msk $0xffff, v3  }
0xc3: {  	[tilespmem:s9+$0x1930] =	vst.add.f32.msk $0xffff, v3  }
0xc4: {  	[tilespmem:s9+$0x1940] =	vst.add.f32.msk $0xffff, v3  }
0xc5: {  	[tilespmem:s9+$0x1950] =	vst.add.f32.msk $0xffff, v3  }
0xc6: {  	[tilespmem:s9+$0x1960] =	vst.add.f32.msk $0xffff, v3  }
0xc7: {  	[tilespmem:s9+$0x1970] =	vst.add.f32.msk $0xffff, v3  }
0xc8: {  	[tilespmem:s9+$0x1D00] =	vst.add.f32.msk $0xffff, v3  }
0xc9: {  	[tilespmem:s9+$0x1D10] =	vst.add.f32.msk $0xffff, v3  }
0xca: {  	[tilespmem:s9+$0x1D20] =	vst.add.f32.msk $0xffff, v3  }
0xcb: {  	[tilespmem:s9+$0x1D30] =	vst.add.f32.msk $0xffff, v3  }
0xcc: {  	[tilespmem:s9+$0x1D40] =	vst.add.f32.msk $0xffff, v3  }
0xcd: {  	[tilespmem:s9+$0x1D50] =	vst.add.f32.msk $0xffff, v3  }
0xce: {  	[tilespmem:s9+$0x1D60] =	vst.add.f32.msk $0xffff, v3  }
0xcf: {  	[tilespmem:s9+$0x1D70] =	vst.add.f32.msk $0xffff, v3  }
0xd0: {  	[tilespmem:s9+$0x2100] =	vst.add.f32.msk $0xffff, v3  }
0xd1: {  	[tilespmem:s9+$0x2110] =	vst.add.f32.msk $0xffff, v3  }
0xd2: {  	[tilespmem:s9+$0x2120] =	vst.add.f32.msk $0xffff, v3  }
0xd3: {  	[tilespmem:s9+$0x2130] =	vst.add.f32.msk $0xffff, v3  }
0xd4: {  	[tilespmem:s9+$0x2140] =	vst.add.f32.msk $0xffff, v3  }
0xd5: {  	[tilespmem:s9+$0x2150] =	vst.add.f32.msk $0xffff, v3  }
0xd6: {  	[tilespmem:s9+$0x2160] =	vst.add.f32.msk $0xffff, v3  }
0xd7: {  	[tilespmem:s9+$0x2170] =	vst.add.f32.msk $0xffff, v3  }
0xd8: {  	[tilespmem:s9+$0x2500] =	vst.add.f32.msk $0xffff, v3  }
0xd9: {  	[tilespmem:s9+$0x2510] =	vst.add.f32.msk $0xffff, v3  }
0xda: {  	[tilespmem:s9+$0x2520] =	vst.add.f32.msk $0xffff, v3  }
0xdb: {  	[tilespmem:s9+$0x2530] =	vst.add.f32.msk $0xffff, v3  }
0xdc: {  	[tilespmem:s9+$0x2540] =	vst.add.f32.msk $0xffff, v3  }
0xdd: {  	[tilespmem:s9+$0x2550] =	vst.add.f32.msk $0xffff, v3  }
0xde: {  	[tilespmem:s9+$0x2560] =	vst.add.f32.msk $0xffff, v3  }
0xdf: {  	[tilespmem:s9+$0x2570] =	vst.add.f32.msk $0xffff, v3  }
0xe0: {  	[tilespmem:s9+$0x2900] =	vst.add.f32.msk $0xffff, v3  }
0xe1: {  	[tilespmem:s9+$0x2910] =	vst.add.f32.msk $0xffff, v3  }
0xe2: {  	[tilespmem:s9+$0x2920] =	vst.add.f32.msk $0xffff, v3  }
0xe3: {  	[tilespmem:s9+$0x2930] =	vst.add.f32.msk $0xffff, v3  }
0xe4: {  	[tilespmem:s9+$0x2940] =	vst.add.f32.msk $0xffff, v3  }
0xe5: {  	s17 =	sand.u32 $0x7, s16;
	[tilespmem:s9+$0x2950] =	vst.add.f32.msk $0xffff, v3  }
0xe6: {  	s17 =	sshll.u32 s17, $0x7;
	[tilespmem:s9+$0x2960] =	vst.add.f32.msk $0xffff, v3;
	v4 =	vadd.f32 v3, v4  }
0xe7: {  	[tilespmem:s9+$0x2970] =	vst.add.f32.msk $0xffff, v3;
	s17 =	sadd.s32 s17, s30  }
0xe8: {  	[tilespmem:s9+$0x1100] =	vst.add.f32.msk $0xffff, v4;
	s9 =	sor.u32 $0x1C00, s17  }
0xe9: {  	[tilespmem:s9+$0x1100] =	vst.add.f32.msk $0xffff, v3;
	s9 =	sor.u32 $0x1C10, s17  }
0xea: {  	[tilespmem:s9+$0x1100] =	vst.add.f32.msk $0xffff, v3;
	s9 =	sor.u32 $0x1C20, s17  }
0xeb: {  	p0 =	sne.s32 s31, $0x780;
	[tilespmem:s9+$0x1100] =	vst.add.f32.msk $0xffff, v3;
	s9 =	sor.u32 $0x1C30, s17  }
.Ltmp0:
0xec: {  	[tilespmem:s9+$0x1100] =	vst.add.f32.msk $0xffff, v3;
	s9 =	sor.u32 $0x1C40, s17;
	(pc) =	sbr.rel @p0 .LBB2_2-.Ltmp0, $4  }
0xed: {  	[tilespmem:s9+$0x1100] =	vst.add.f32.msk $0xffff, v3;
	s9 =	sor.u32 $0x1C50, s17  }
0xee: {  	[tilespmem:s9+$0x1100] =	vst.add.f32.msk $0xffff, v3;
	s9 =	sor.u32 $0x1C60, s17  }
0xef: {  	s15 =	sadd.s32 $0x400, s15;
	s14 =	sadd.s32 $0x10, s14;
	s17 =	sor.u32 $0x1C70, s17;
	[tilespmem:s9+$0x1100] =	vst.add.f32.msk $0xffff, v3  }
0xf0: {  	s31 =	sadd.s32 $0x80, s31;
	s16 =	sadd.s32 $0x1, s16;
	s30 =	sadd.s32 $0x400, s30;
	[tilespmem:s17+$0x1100] =	vst.add.f32.msk $0xffff, v3  }
0xf1: {  	s14 =	simm.s32 $0x0;
	s9 =	rddreg [dreg:$0x7]  }
0xf2: {  	[hbm4b:s9+s14] =	stream.linear.scatter [tilespmem:s20], [sflag:$0x4], $0x4000, $0x38;
	[tilespmem:$0x1F100] =	vst v63  }
0xf3: {  	_ =	swait.ge [sflag:s10], $0x4000  }
0xf4: {  	[sflag:s10] =	ssyncset.done $0x0  }
0xf5: {  	[sflag:s10] =	ssyncadd.s32 $0xFFFFC000  }
0xf6: {  	v4 =	vld [tilespmem:$0x60];
	_ =	sdelay $0x4  }
0xf7: {  	v5 =	vshll.u32 v4, $0x3  }
0xf8: {  	v4 =	vand.u32 $0x7, v4;
	v5 =	vand.u32 $0xFFFFFFC0, v5  }
0xf9: {  	v4 =	vor.u32 v4, v5  }
0xfa: {  	v5 =	vperm.xlane v4, v0;
	_ =	sdelay $0x1  }
0xfb: {  	v5 =	vadd.s32 v1, v5;
	_ =	sdelay $0x4  }
0xfc: {  	[tilespmem:s20], [sflag:$0x1] =	stream.indirect_vreg.gather [hbm4b:s2+s14], $0x80, v5, vm0, $0xb8;
	[tilespmem:$0x1F100] =	vst v63  }
0xfd: {  	v4 =	vperm.xlane v4, v2  }
0xfe: {  	[tilespmem:s21], [sflag:$0x1] =	stream.indirect_vreg.gather [hbm4b:s6+s14], $0x80, v5, vm0, $0xb8;
	[tilespmem:$0x1F100] =	vst v63  }
0xff: {  	v4 =	vadd.s32 v1, v4  }
0x100: {  	[tilespmem:s22], [sflag:$0x1] =	stream.indirect_vreg.gather [hbm4b:s7+s14], $0x80, v5, vm0, $0xb8;
	[tilespmem:$0x1F100] =	vst v63  }
0x101: {  	_ = 	snop  }
0x102: {  	[tilespmem:s23], [sflag:$0x1] =	stream.indirect_vreg.gather [hbm4b:s8+s14], $0x80, v5, vm0, $0xb8;
	[tilespmem:$0x1F100] =	vst v63  }
0x103: {  	_ = 	snop  }
0x104: {  	[tilespmem:s24], [sflag:$0x1] =	stream.indirect_vreg.gather [hbm4b:s2+s14], $0x80, v4, vm0, $0xb8;
	[tilespmem:$0x1F100] =	vst v63  }
0x105: {  	_ = 	snop  }
0x106: {  	[tilespmem:s25], [sflag:$0x1] =	stream.indirect_vreg.gather [hbm4b:s6+s14], $0x80, v4, vm0, $0xb8;
	[tilespmem:$0x1F100] =	vst v63  }
0x107: {  	_ = 	snop  }
0x108: {  	[tilespmem:s26], [sflag:$0x1] =	stream.indirect_vreg.gather [hbm4b:s7+s14], $0x80, v4, vm0, $0xb8;
	[tilespmem:$0x1F100] =	vst v63  }
0x109: {  	_ = 	snop  }
0x10a: {  	[tilespmem:s28], [sflag:$0x1] =	stream.indirect_vreg.gather [hbm4b:s8+s14], $0x80, v4, vm0, $0xb8;
	[tilespmem:$0x1F100] =	vst v63  }
0x10b: {  	v4 =	vld [tilespmem:$0x70];
	_ =	sdelay $0x4  }
0x10c: {  	v5 =	vshll.u32 v4, $0x3  }
0x10d: {  	v4 =	vand.u32 $0x7, v4;
	v5 =	vand.u32 $0xFFFFFFC0, v5  }
0x10e: {  	v4 =	vor.u32 v4, v5  }
0x10f: {  	v5 =	vperm.xlane v4, v0;
	_ =	sdelay $0x1  }
0x110: {  	v5 =	vadd.s32 v1, v5;
	_ =	sdelay $0x3  }
0x111: {  	s15 =	simm.s32 $0x5100  }
0x112: {  	[tilespmem:s15], [sflag:$0x1] =	stream.indirect_vreg.gather [hbm4b:s2+s14], $0x80, v5, vm0, $0xb8;
	[tilespmem:$0x1F100] =	vst v63  }
0x113: {  	s16 =	simm.s32 $0x5900;
	v4 =	vperm.xlane v4, v2  }
0x114: {  	[tilespmem:s16], [sflag:$0x1] =	stream.indirect_vreg.gather [hbm4b:s6+s14], $0x80, v5, vm0, $0xb8;
	[tilespmem:$0x1F100] =	vst v63  }
0x115: {  	s17 =	simm.s32 $0x6100;
	v4 =	vadd.s32 v1, v4  }
0x116: {  	[tilespmem:s17], [sflag:$0x1] =	stream.indirect_vreg.gather [hbm4b:s7+s14], $0x80, v5, vm0, $0xb8;
	[tilespmem:$0x1F100] =	vst v63  }
0x117: {  	s31 =	simm.s32 $0x6900  }
0x118: {  	[tilespmem:s31], [sflag:$0x1] =	stream.indirect_vreg.gather [hbm4b:s8+s14], $0x80, v5, vm0, $0xb8;
	[tilespmem:$0x1F100] =	vst v63  }
0x119: {  	s15 =	simm.s32 $0x7100  }
0x11a: {  	[tilespmem:s15], [sflag:$0x1] =	stream.indirect_vreg.gather [hbm4b:s2+s14], $0x80, v4, vm0, $0xb8;
	[tilespmem:$0x1F100] =	vst v63  }
0x11b: {  	s16 =	simm.s32 $0x7900  }
0x11c: {  	[tilespmem:s16], [sflag:$0x1] =	stream.indirect_vreg.gather [hbm4b:s6+s14], $0x80, v4, vm0, $0xb8;
	[tilespmem:$0x1F100] =	vst v63  }
0x11d: {  	s17 =	simm.s32 $0x8100  }
0x11e: {  	[tilespmem:s17], [sflag:$0x1] =	stream.indirect_vreg.gather [hbm4b:s7+s14], $0x80, v4, vm0, $0xb8;
	[tilespmem:$0x1F100] =	vst v63  }
0x11f: {  	s31 =	simm.s32 $0x8900  }
0x120: {  	[tilespmem:s31], [sflag:$0x1] =	stream.indirect_vreg.gather [hbm4b:s8+s14], $0x80, v4, vm0, $0xb8;
	[tilespmem:$0x1F100] =	vst v63  }
0x121: {  	v4 =	vld.msk [tilespmem:$0x80], $0xff;
	_ =	sdelay $0x4  }
0x122: {  	v5 =	vshll.u32 v4, $0x3  }
0x123: {  	v4 =	vand.u32 $0x7, v4;
	v5 =	vand.u32 $0xFFFFFFC0, v5  }
0x124: {  	v4 =	vor.u32 v4, v5  }
0x125: {  	v4 =	vperm.xlane v4, v0;
	_ =	sdelay $0x1  }
0x126: {  	v4 =	vadd.s32 v1, v4;
	_ =	sdelay $0x3  }
0x127: {  	s15 =	simm.s32 $0x9100  }
0x128: {  	[tilespmem:s15], [sflag:$0x1] =	stream.indirect_vreg.gather [hbm4b:s2+s14], $0x80, v4, vm0, $0xb8;
	[tilespmem:$0x1F100] =	vst v63  }
0x129: {  	s16 =	simm.s32 $0x9900  }
0x12a: {  	[tilespmem:s16], [sflag:$0x1] =	stream.indirect_vreg.gather [hbm4b:s6+s14], $0x80, v4, vm0, $0xb8;
	[tilespmem:$0x1F100] =	vst v63  }
0x12b: {  	s17 =	simm.s32 $0xA100  }
0x12c: {  	[tilespmem:s17], [sflag:$0x1] =	stream.indirect_vreg.gather [hbm4b:s7+s14], $0x80, v4, vm0, $0xb8;
	[tilespmem:$0x1F100] =	vst v63  }
0x12d: {  	s31 =	simm.s32 $0xA900  }
0x12e: {  	[tilespmem:s31], [sflag:$0x1] =	stream.indirect_vreg.gather [hbm4b:s8+s14], $0x80, v4, vm0, $0xb8;
	[tilespmem:$0x1F100] =	vst v63  }
0x12f: {  	_ =	swait.ge [sflag:s11], $0xA000  }
0x130: {  	s30 =	simm.s32 $0x0;
	[sflag:s11] =	ssyncset.done $0x0  }
0x131: {  	s15 =	simm.s32 $0x0;
	s16 =	simm.s32 $0x0;
	[sflag:s11] =	ssyncadd.s32 $0xFFFF6000  }
.LBB2_4:
0x132: {  	s9 =	sand.u32 $0x3F0, s30;
	s31 =	sand.u32 $0xE000, s15;
	s17 =	sand.u32 $0x380, s16  }
0x133: {  	v4 =	vld [tilespmem:s9+$0x200];
	s9 =	sor.u32 s17, s31  }
0x134: {  	[tilespmem:s9+$0xB110] =	vst.add.f32.msk $0xffff, v3  }
0x135: {  	[tilespmem:s9+$0xB120] =	vst.add.f32.msk $0xffff, v3  }
0x136: {  	[tilespmem:s9+$0xB130] =	vst.add.f32.msk $0xffff, v3  }
0x137: {  	[tilespmem:s9+$0xB140] =	vst.add.f32.msk $0xffff, v3  }
0x138: {  	[tilespmem:s9+$0xB150] =	vst.add.f32.msk $0xffff, v3  }
0x139: {  	[tilespmem:s9+$0xB160] =	vst.add.f32.msk $0xffff, v3  }
0x13a: {  	[tilespmem:s9+$0xB170] =	vst.add.f32.msk $0xffff, v3  }
0x13b: {  	[tilespmem:s9+$0xB500] =	vst.add.f32.msk $0xffff, v3  }
0x13c: {  	[tilespmem:s9+$0xB510] =	vst.add.f32.msk $0xffff, v3  }
0x13d: {  	[tilespmem:s9+$0xB520] =	vst.add.f32.msk $0xffff, v3  }
0x13e: {  	[tilespmem:s9+$0xB530] =	vst.add.f32.msk $0xffff, v3  }
0x13f: {  	[tilespmem:s9+$0xB540] =	vst.add.f32.msk $0xffff, v3  }
0x140: {  	[tilespmem:s9+$0xB550] =	vst.add.f32.msk $0xffff, v3  }
0x141: {  	[tilespmem:s9+$0xB560] =	vst.add.f32.msk $0xffff, v3  }
0x142: {  	[tilespmem:s9+$0xB570] =	vst.add.f32.msk $0xffff, v3  }
0x143: {  	[tilespmem:s9+$0xB900] =	vst.add.f32.msk $0xffff, v3  }
0x144: {  	[tilespmem:s9+$0xB910] =	vst.add.f32.msk $0xffff, v3  }
0x145: {  	[tilespmem:s9+$0xB920] =	vst.add.f32.msk $0xffff, v3  }
0x146: {  	[tilespmem:s9+$0xB930] =	vst.add.f32.msk $0xffff, v3  }
0x147: {  	[tilespmem:s9+$0xB940] =	vst.add.f32.msk $0xffff, v3  }
0x148: {  	[tilespmem:s9+$0xB950] =	vst.add.f32.msk $0xffff, v3  }
0x149: {  	[tilespmem:s9+$0xB960] =	vst.add.f32.msk $0xffff, v3  }
0x14a: {  	[tilespmem:s9+$0xB970] =	vst.add.f32.msk $0xffff, v3  }
0x14b: {  	[tilespmem:s9+$0xBD00] =	vst.add.f32.msk $0xffff, v3  }
0x14c: {  	[tilespmem:s9+$0xBD10] =	vst.add.f32.msk $0xffff, v3  }
0x14d: {  	[tilespmem:s9+$0xBD20] =	vst.add.f32.msk $0xffff, v3  }
0x14e: {  	[tilespmem:s9+$0xBD30] =	vst.add.f32.msk $0xffff, v3  }
0x14f: {  	[tilespmem:s9+$0xBD40] =	vst.add.f32.msk $0xffff, v3  }
0x150: {  	[tilespmem:s9+$0xBD50] =	vst.add.f32.msk $0xffff, v3  }
0x151: {  	[tilespmem:s9+$0xBD60] =	vst.add.f32.msk $0xffff, v3  }
0x152: {  	[tilespmem:s9+$0xBD70] =	vst.add.f32.msk $0xffff, v3  }
0x153: {  	[tilespmem:s9+$0xC100] =	vst.add.f32.msk $0xffff, v3  }
0x154: {  	[tilespmem:s9+$0xC110] =	vst.add.f32.msk $0xffff, v3  }
0x155: {  	[tilespmem:s9+$0xC120] =	vst.add.f32.msk $0xffff, v3  }
0x156: {  	[tilespmem:s9+$0xC130] =	vst.add.f32.msk $0xffff, v3  }
0x157: {  	[tilespmem:s9+$0xC140] =	vst.add.f32.msk $0xffff, v3  }
0x158: {  	[tilespmem:s9+$0xC150] =	vst.add.f32.msk $0xffff, v3  }
0x159: {  	[tilespmem:s9+$0xC160] =	vst.add.f32.msk $0xffff, v3  }
0x15a: {  	[tilespmem:s9+$0xC170] =	vst.add.f32.msk $0xffff, v3  }
0x15b: {  	[tilespmem:s9+$0xC500] =	vst.add.f32.msk $0xffff, v3  }
0x15c: {  	[tilespmem:s9+$0xC510] =	vst.add.f32.msk $0xffff, v3  }
0x15d: {  	[tilespmem:s9+$0xC520] =	vst.add.f32.msk $0xffff, v3  }
0x15e: {  	[tilespmem:s9+$0xC530] =	vst.add.f32.msk $0xffff, v3  }
0x15f: {  	[tilespmem:s9+$0xC540] =	vst.add.f32.msk $0xffff, v3  }
0x160: {  	[tilespmem:s9+$0xC550] =	vst.add.f32.msk $0xffff, v3  }
0x161: {  	[tilespmem:s9+$0xC560] =	vst.add.f32.msk $0xffff, v3  }
0x162: {  	[tilespmem:s9+$0xC570] =	vst.add.f32.msk $0xffff, v3  }
0x163: {  	[tilespmem:s9+$0xC900] =	vst.add.f32.msk $0xffff, v3  }
0x164: {  	[tilespmem:s9+$0xC910] =	vst.add.f32.msk $0xffff, v3  }
0x165: {  	[tilespmem:s9+$0xC920] =	vst.add.f32.msk $0xffff, v3  }
0x166: {  	[tilespmem:s9+$0xC930] =	vst.add.f32.msk $0xffff, v3  }
0x167: {  	[tilespmem:s9+$0xC940] =	vst.add.f32.msk $0xffff, v3  }
0x168: {  	s31 =	sand.u32 $0x7, s14;
	[tilespmem:s9+$0xC950] =	vst.add.f32.msk $0xffff, v3  }
0x169: {  	s17 =	sshll.u32 s31, $0x7;
	[tilespmem:s9+$0xC960] =	vst.add.f32.msk $0xffff, v3;
	v4 =	vadd.f32 v3, v4  }
0x16a: {  	[tilespmem:s9+$0xC970] =	vst.add.f32.msk $0xffff, v3;
	s17 =	sadd.s32 s17, s15  }
0x16b: {  	s31 =	sor.u32 $0x1C00, s17;
	[tilespmem:s9+$0xB100] =	vst.add.f32.msk $0xffff, v4  }
0x16c: {  	[tilespmem:s31+$0xB100] =	vst.add.f32.msk $0xffff, v3;
	s31 =	sor.u32 $0x1C10, s17  }
0x16d: {  	[tilespmem:s31+$0xB100] =	vst.add.f32.msk $0xffff, v3;
	s31 =	sor.u32 $0x1C20, s17  }
0x16e: {  	p0 =	sne.s32 s30, $0x270;
	[tilespmem:s31+$0xB100] =	vst.add.f32.msk $0xffff, v3;
	s31 =	sor.u32 $0x1C30, s17  }
.Ltmp1:
0x16f: {  	[tilespmem:s31+$0xB100] =	vst.add.f32.msk $0xffff, v3;
	s31 =	sor.u32 $0x1C40, s17;
	(pc) =	sbr.rel @p0 .LBB2_4-.Ltmp1, $4  }
0x170: {  	[tilespmem:s31+$0xB100] =	vst.add.f32.msk $0xffff, v3;
	s31 =	sor.u32 $0x1C50, s17  }
0x171: {  	[tilespmem:s31+$0xB100] =	vst.add.f32.msk $0xffff, v3;
	s31 =	sor.u32 $0x1C60, s17  }
0x172: {  	s16 =	sadd.s32 $0x80, s16;
	[tilespmem:s31+$0xB100] =	vst.add.f32.msk $0xffff, v3;
	s31 =	sor.u32 $0x1C70, s17  }
0x173: {  	s30 =	sadd.s32 $0x10, s30;
	s14 =	sadd.s32 $0x1, s14;
	s15 =	sadd.s32 $0x400, s15;
	[tilespmem:s31+$0xB100] =	vst.add.f32.msk $0xffff, v3  }
0x174: {  	s14 =	simm.s32 $0x0;
	s9 =	rddreg [dreg:$0x8]  }
0x175: {  	[hbm4b:s9+s14] =	stream.linear.scatter [tilespmem:s29], [sflag:$0x5], $0xA000, $0x38;
	[tilespmem:$0x1F100] =	vst v63  }
0x176: {  	_ =	swait.ge [sflag:s18], $0xA000  }
0x177: {  	[sflag:s18] =	ssyncset.done $0x0  }
0x178: {  	[sflag:s18] =	ssyncadd.s32 $0xFFFF6000  }
0x179: {  	v4 =	vld [tilespmem:$0x88];
	_ =	sdelay $0x4  }
0x17a: {  	v5 =	vshll.u32 v4, $0x3  }
0x17b: {  	v4 =	vand.u32 $0x7, v4;
	v5 =	vand.u32 $0xFFFFFFC0, v5  }
0x17c: {  	v4 =	vor.u32 v4, v5  }
0x17d: {  	v5 =	vperm.xlane v4, v0;
	_ =	sdelay $0x1  }
0x17e: {  	v5 =	vadd.s32 v1, v5;
	_ =	sdelay $0x4  }
0x17f: {  	[tilespmem:s29], [sflag:$0x2] =	stream.indirect_vreg.gather [hbm4b:s2+s14], $0x80, v5, vm0, $0xb8;
	[tilespmem:$0x1F100] =	vst v63  }
0x180: {  	v4 =	vperm.xlane v4, v2  }
0x181: {  	[tilespmem:s19], [sflag:$0x2] =	stream.indirect_vreg.gather [hbm4b:s6+s14], $0x80, v5, vm0, $0xb8;
	[tilespmem:$0x1F100] =	vst v63  }
0x182: {  	s17 =	simm.s32 $0xC100;
	v4 =	vadd.s32 v1, v4  }
0x183: {  	[tilespmem:s17], [sflag:$0x2] =	stream.indirect_vreg.gather [hbm4b:s7+s14], $0x80, v5, vm0, $0xb8;
	[tilespmem:$0x1F100] =	vst v63  }
0x184: {  	s19 =	simm.s32 $0xC900  }
0x185: {  	[tilespmem:s19], [sflag:$0x2] =	stream.indirect_vreg.gather [hbm4b:s8+s14], $0x80, v5, vm0, $0xb8;
	[tilespmem:$0x1F100] =	vst v63  }
0x186: {  	s15 =	simm.s32 $0xD100  }
0x187: {  	[tilespmem:s15], [sflag:$0x2] =	stream.indirect_vreg.gather [hbm4b:s2+s14], $0x80, v4, vm0, $0xb8;
	[tilespmem:$0x1F100] =	vst v63  }
0x188: {  	s16 =	simm.s32 $0xD900  }
0x189: {  	[tilespmem:s16], [sflag:$0x2] =	stream.indirect_vreg.gather [hbm4b:s6+s14], $0x80, v4, vm0, $0xb8;
	[tilespmem:$0x1F100] =	vst v63  }
0x18a: {  	s17 =	simm.s32 $0xE100  }
0x18b: {  	[tilespmem:s17], [sflag:$0x2] =	stream.indirect_vreg.gather [hbm4b:s7+s14], $0x80, v4, vm0, $0xb8;
	[tilespmem:$0x1F100] =	vst v63  }
0x18c: {  	s19 =	simm.s32 $0xE900  }
0x18d: {  	[tilespmem:s19], [sflag:$0x2] =	stream.indirect_vreg.gather [hbm4b:s8+s14], $0x80, v4, vm0, $0xb8;
	[tilespmem:$0x1F100] =	vst v63  }
0x18e: {  	v4 =	vld [tilespmem:$0x98];
	_ =	sdelay $0x4  }
0x18f: {  	v5 =	vshll.u32 v4, $0x3  }
0x190: {  	v4 =	vand.u32 $0x7, v4;
	v5 =	vand.u32 $0xFFFFFFC0, v5  }
0x191: {  	v4 =	vor.u32 v4, v5  }
0x192: {  	v5 =	vperm.xlane v4, v0;
	_ =	sdelay $0x1  }
0x193: {  	v5 =	vadd.s32 v1, v5;
	_ =	sdelay $0x3  }
0x194: {  	s15 =	simm.s32 $0xF100  }
0x195: {  	[tilespmem:s15], [sflag:$0x2] =	stream.indirect_vreg.gather [hbm4b:s2+s14], $0x80, v5, vm0, $0xb8;
	[tilespmem:$0x1F100] =	vst v63  }
0x196: {  	s16 =	simm.s32 $0xF900;
	v4 =	vperm.xlane v4, v2  }
0x197: {  	[tilespmem:s16], [sflag:$0x2] =	stream.indirect_vreg.gather [hbm4b:s6+s14], $0x80, v5, vm0, $0xb8;
	[tilespmem:$0x1F100] =	vst v63  }
0x198: {  	s17 =	simm.s32 $0x10100;
	v4 =	vadd.s32 v1, v4  }
0x199: {  	[tilespmem:s17], [sflag:$0x2] =	stream.indirect_vreg.gather [hbm4b:s7+s14], $0x80, v5, vm0, $0xb8;
	[tilespmem:$0x1F100] =	vst v63  }
0x19a: {  	s19 =	simm.s32 $0x10900  }
0x19b: {  	[tilespmem:s19], [sflag:$0x2] =	stream.indirect_vreg.gather [hbm4b:s8+s14], $0x80, v5, vm0, $0xb8;
	[tilespmem:$0x1F100] =	vst v63  }
0x19c: {  	s15 =	simm.s32 $0x11100  }
0x19d: {  	[tilespmem:s15], [sflag:$0x2] =	stream.indirect_vreg.gather [hbm4b:s2+s14], $0x80, v4, vm0, $0xb8;
	[tilespmem:$0x1F100] =	vst v63  }
0x19e: {  	s16 =	simm.s32 $0x11900  }
0x19f: {  	[tilespmem:s16], [sflag:$0x2] =	stream.indirect_vreg.gather [hbm4b:s6+s14], $0x80, v4, vm0, $0xb8;
	[tilespmem:$0x1F100] =	vst v63  }
0x1a0: {  	s17 =	simm.s32 $0x12100  }
0x1a1: {  	[tilespmem:s17], [sflag:$0x2] =	stream.indirect_vreg.gather [hbm4b:s7+s14], $0x80, v4, vm0, $0xb8;
	[tilespmem:$0x1F100] =	vst v63  }
0x1a2: {  	s19 =	simm.s32 $0x12900  }
0x1a3: {  	[tilespmem:s19], [sflag:$0x2] =	stream.indirect_vreg.gather [hbm4b:s8+s14], $0x80, v4, vm0, $0xb8;
	[tilespmem:$0x1F100] =	vst v63  }
0x1a4: {  	v4 =	vld.msk [tilespmem:$0xA8], $0xff;
	_ =	sdelay $0x4  }
0x1a5: {  	v5 =	vshll.u32 v4, $0x3  }
0x1a6: {  	v4 =	vand.u32 $0x7, v4;
	v5 =	vand.u32 $0xFFFFFFC0, v5  }
0x1a7: {  	v4 =	vor.u32 v4, v5  }
0x1a8: {  	v4 =	vperm.xlane v4, v0;
	_ =	sdelay $0x1  }
0x1a9: {  	v4 =	vadd.s32 v1, v4;
	_ =	sdelay $0x3  }
0x1aa: {  	s15 =	simm.s32 $0x13100  }
0x1ab: {  	[tilespmem:s15], [sflag:$0x2] =	stream.indirect_vreg.gather [hbm4b:s2+s14], $0x80, v4, vm0, $0xb8;
	[tilespmem:$0x1F100] =	vst v63  }
0x1ac: {  	s16 =	simm.s32 $0x13900  }
0x1ad: {  	[tilespmem:s16], [sflag:$0x2] =	stream.indirect_vreg.gather [hbm4b:s6+s14], $0x80, v4, vm0, $0xb8;
	[tilespmem:$0x1F100] =	vst v63  }
0x1ae: {  	s17 =	simm.s32 $0x14100  }
0x1af: {  	[tilespmem:s17], [sflag:$0x2] =	stream.indirect_vreg.gather [hbm4b:s7+s14], $0x80, v4, vm0, $0xb8;
	[tilespmem:$0x1F100] =	vst v63  }
0x1b0: {  	s19 =	simm.s32 $0x14900  }
0x1b1: {  	[tilespmem:s19], [sflag:$0x2] =	stream.indirect_vreg.gather [hbm4b:s8+s14], $0x80, v4, vm0, $0xb8;
	[tilespmem:$0x1F100] =	vst v63  }
0x1b2: {  	_ =	swait.ge [sflag:s12], $0xA000  }
0x1b3: {  	[sflag:s12] =	ssyncset.done $0x0  }
0x1b4: {  	s15 =	sand.u32 $0x3F0, s14;
	[sflag:s12] =	ssyncadd.s32 $0xFFFF6000  }
0x1b5: {  	v4 =	vld [tilespmem:s15+$0x480];
	_ =	sdelay $0x3  }
0x1b6: {  	s16 =	sand.u32 $0xE000, s14;
	s15 =	sand.u32 $0x380, s14  }
0x1b7: {  	s9 =	sor.u32 s15, s16;
	v4 =	vadd.f32 v3, v4  }
0x1b8: {  	s15 =	sadd.s32 $0x15100, s9  }
0x1b9: {  	s17 =	sor.u32 $0x10, s15;
	[tilespmem:s9+$0x15100] =	vst.add.f32.msk $0xffff, v4  }
0x1ba: {  	s19 =	sor.u32 $0x20, s15;
	[tilespmem:s17+$0x0] =	vst.add.f32.msk $0xffff, v3  }
0x1bb: {  	s16 =	sor.u32 $0x30, s15;
	[tilespmem:s19+$0x0] =	vst.add.f32.msk $0xffff, v3  }
0x1bc: {  	s17 =	sor.u32 $0x40, s15;
	[tilespmem:s16+$0x0] =	vst.add.f32.msk $0xffff, v3  }
0x1bd: {  	s19 =	sor.u32 $0x50, s15;
	[tilespmem:s17+$0x0] =	vst.add.f32.msk $0xffff, v3  }
0x1be: {  	s16 =	sor.u32 $0x60, s15;
	[tilespmem:s19+$0x0] =	vst.add.f32.msk $0xffff, v3  }
0x1bf: {  	s17 =	sor.u32 $0x70, s15;
	[tilespmem:s16+$0x0] =	vst.add.f32.msk $0xffff, v3  }
0x1c0: {  	[tilespmem:s17+$0x0] =	vst.add.f32.msk $0xffff, v3  }
0x1c1: {  	[tilespmem:s15+$0x470] =	vst.add.f32.msk $0xffff, v3  }
0x1c2: {  	[tilespmem:s15+$0x460] =	vst.add.f32.msk $0xffff, v3  }
0x1c3: {  	[tilespmem:s15+$0x450] =	vst.add.f32.msk $0xffff, v3  }
0x1c4: {  	[tilespmem:s15+$0x440] =	vst.add.f32.msk $0xffff, v3  }
0x1c5: {  	[tilespmem:s15+$0x420] =	vst.add.f32.msk $0xffff, v3  }
0x1c6: {  	[tilespmem:s15+$0x410] =	vst.add.f32.msk $0xffff, v3  }
0x1c7: {  	[tilespmem:s15+$0x430] =	vst.add.f32.msk $0xffff, v3  }
0x1c8: {  	s19 =	sor.u32 $0x800, s15;
	[tilespmem:s15+$0x400] =	vst.add.f32.msk $0xffff, v3  }
0x1c9: {  	s16 =	sor.u32 $0x810, s15;
	[tilespmem:s19+$0x0] =	vst.add.f32.msk $0xffff, v3  }
0x1ca: {  	[tilespmem:s16+$0x0] =	vst.add.f32.msk $0xffff, v3;
	s16 =	sor.u32 $0x820, s15  }
0x1cb: {  	s17 =	sor.u32 $0x830, s15;
	[tilespmem:s16+$0x0] =	vst.add.f32.msk $0xffff, v3  }
0x1cc: {  	s19 =	sor.u32 $0x840, s15;
	[tilespmem:s17+$0x0] =	vst.add.f32.msk $0xffff, v3  }
0x1cd: {  	s16 =	sor.u32 $0x850, s15;
	[tilespmem:s19+$0x0] =	vst.add.f32.msk $0xffff, v3  }
0x1ce: {  	s17 =	sor.u32 $0x860, s15;
	[tilespmem:s16+$0x0] =	vst.add.f32.msk $0xffff, v3  }
0x1cf: {  	s19 =	sor.u32 $0x870, s15;
	[tilespmem:s17+$0x0] =	vst.add.f32.msk $0xffff, v3  }
0x1d0: {  	[tilespmem:s19+$0x0] =	vst.add.f32.msk $0xffff, v3  }
0x1d1: {  	[tilespmem:s15+$0x1870] =	vst.add.f32.msk $0xffff, v3  }
0x1d2: {  	[tilespmem:s15+$0x1860] =	vst.add.f32.msk $0xffff, v3  }
0x1d3: {  	[tilespmem:s15+$0x1850] =	vst.add.f32.msk $0xffff, v3  }
0x1d4: {  	[tilespmem:s15+$0x1840] =	vst.add.f32.msk $0xffff, v3  }
0x1d5: {  	[tilespmem:s15+$0x1830] =	vst.add.f32.msk $0xffff, v3  }
0x1d6: {  	[tilespmem:s15+$0x1820] =	vst.add.f32.msk $0xffff, v3  }
0x1d7: {  	[tilespmem:s15+$0x1810] =	vst.add.f32.msk $0xffff, v3  }
0x1d8: {  	[tilespmem:s15+$0x1800] =	vst.add.f32.msk $0xffff, v3  }
0x1d9: {  	[tilespmem:s15+$0x1470] =	vst.add.f32.msk $0xffff, v3  }
0x1da: {  	[tilespmem:s15+$0x1460] =	vst.add.f32.msk $0xffff, v3  }
0x1db: {  	[tilespmem:s15+$0x1450] =	vst.add.f32.msk $0xffff, v3  }
0x1dc: {  	[tilespmem:s15+$0x1440] =	vst.add.f32.msk $0xffff, v3  }
0x1dd: {  	[tilespmem:s15+$0x1430] =	vst.add.f32.msk $0xffff, v3  }
0x1de: {  	[tilespmem:s15+$0x1420] =	vst.add.f32.msk $0xffff, v3  }
0x1df: {  	[tilespmem:s15+$0x1410] =	vst.add.f32.msk $0xffff, v3  }
0x1e0: {  	[tilespmem:s15+$0x1400] =	vst.add.f32.msk $0xffff, v3  }
0x1e1: {  	[tilespmem:s15+$0x1070] =	vst.add.f32.msk $0xffff, v3  }
0x1e2: {  	[tilespmem:s15+$0x1060] =	vst.add.f32.msk $0xffff, v3  }
0x1e3: {  	[tilespmem:s15+$0x1030] =	vst.add.f32.msk $0xffff, v3  }
0x1e4: {  	[tilespmem:s15+$0x1050] =	vst.add.f32.msk $0xffff, v3  }
0x1e5: {  	[tilespmem:s15+$0x1040] =	vst.add.f32.msk $0xffff, v3  }
0x1e6: {  	[tilespmem:s15+$0x1020] =	vst.add.f32.msk $0xffff, v3  }
0x1e7: {  	[tilespmem:s15+$0x1010] =	vst.add.f32.msk $0xffff, v3  }
0x1e8: {  	[tilespmem:s15+$0xC70] =	vst.add.f32.msk $0xffff, v3  }
0x1e9: {  	[tilespmem:s15+$0xC60] =	vst.add.f32.msk $0xffff, v3  }
0x1ea: {  	[tilespmem:s15+$0xC50] =	vst.add.f32.msk $0xffff, v3  }
0x1eb: {  	[tilespmem:s15+$0xC40] =	vst.add.f32.msk $0xffff, v3  }
0x1ec: {  	[tilespmem:s15+$0xC30] =	vst.add.f32.msk $0xffff, v3  }
0x1ed: {  	s14 =	sand.u32 $0x7, s14;
	[tilespmem:s15+$0xC10] =	vst.add.f32.msk $0xffff, v3  }
0x1ee: {  	s9 =	sshll.u32 s14, $0x7;
	[tilespmem:s15+$0x1000] =	vst.add.f32.msk $0xffff, v3  }
0x1ef: {  	s9 =	sadd.s32 $0x0, s9;
	[tilespmem:s15+$0xC20] =	vst.add.f32.msk $0xffff, v3  }
0x1f0: {  	s16 =	sor.u32 $0x1C00, s9;
	[tilespmem:s15+$0xC00] =	vst.add.f32.msk $0xffff, v3  }
0x1f1: {  	s17 =	sor.u32 $0x1C10, s9;
	[tilespmem:s16+$0x15100] =	vst.add.f32.msk $0xffff, v3  }
0x1f2: {  	s19 =	sor.u32 $0x1C20, s9;
	[tilespmem:s17+$0x15100] =	vst.add.f32.msk $0xffff, v3  }
0x1f3: {  	s15 =	sor.u32 $0x1C30, s9;
	[tilespmem:s19+$0x15100] =	vst.add.f32.msk $0xffff, v3  }
0x1f4: {  	s16 =	sor.u32 $0x1C40, s9;
	[tilespmem:s15+$0x15100] =	vst.add.f32.msk $0xffff, v3  }
0x1f5: {  	s17 =	sor.u32 $0x1C50, s9;
	[tilespmem:s16+$0x15100] =	vst.add.f32.msk $0xffff, v3  }
0x1f6: {  	s30 =	simm.s32 $0x1;
	s31 =	simm.s32 $0x400;
	s19 =	sor.u32 $0x1C60, s9;
	[tilespmem:s17+$0x15100] =	vst.add.f32.msk $0xffff, v3  }
0x1f7: {  	s14 =	simm.s32 $0x10;
	s15 =	simm.s32 $0x80;
	s16 =	sor.u32 $0x1C70, s9;
	[tilespmem:s19+$0x15100] =	vst.add.f32.msk $0xffff, v3  }
.LBB2_6:
0x1f8: {  	s9 =	sand.u32 $0x3F0, s14;
	s17 =	sand.u32 $0xE000, s31;
	s19 =	sand.u32 $0x380, s15;
	[tilespmem:s16+$0x15100] =	vst.add.f32.msk $0xffff, v3  }
0x1f9: {  	p0 =	sne.s32 s14, $0x270;
	s14 =	sadd.s32 $0x10, s14;
	v4 =	vld [tilespmem:s9+$0x480];
	s9 =	sor.u32 s19, s17  }
0x1fa: {  	s16 =	sadd.s32 $0x15100, s9;
	_ =	sdelay $0x3  }
0x1fb: {  	v4 =	vadd.f32 v3, v4;
	_ =	sdelay $0x1  }
0x1fc: {  	[tilespmem:s9+$0x15100] =	vst.add.f32.msk $0xffff, v4;
	s9 =	sor.u32 $0x10, s16  }
0x1fd: {  	[tilespmem:s9+$0x0] =	vst.add.f32.msk $0xffff, v3;
	s9 =	sor.u32 $0x20, s16  }
0x1fe: {  	[tilespmem:s9+$0x0] =	vst.add.f32.msk $0xffff, v3;
	s9 =	sor.u32 $0x30, s16  }
0x1ff: {  	[tilespmem:s9+$0x0] =	vst.add.f32.msk $0xffff, v3;
	s9 =	sor.u32 $0x40, s16  }
0x200: {  	[tilespmem:s9+$0x0] =	vst.add.f32.msk $0xffff, v3;
	s9 =	sor.u32 $0x50, s16  }
0x201: {  	[tilespmem:s9+$0x0] =	vst.add.f32.msk $0xffff, v3;
	s9 =	sor.u32 $0x60, s16  }
0x202: {  	[tilespmem:s9+$0x0] =	vst.add.f32.msk $0xffff, v3;
	s9 =	sor.u32 $0x70, s16  }
0x203: {  	[tilespmem:s9+$0x0] =	vst.add.f32.msk $0xffff, v3  }
0x204: {  	[tilespmem:s16+$0x470] =	vst.add.f32.msk $0xffff, v3  }
0x205: {  	[tilespmem:s16+$0x460] =	vst.add.f32.msk $0xffff, v3  }
0x206: {  	[tilespmem:s16+$0x450] =	vst.add.f32.msk $0xffff, v3  }
0x207: {  	[tilespmem:s16+$0x440] =	vst.add.f32.msk $0xffff, v3  }
0x208: {  	s9 =	sor.u32 $0x810, s16;
	[tilespmem:s16+$0x420] =	vst.add.f32.msk $0xffff, v3  }
0x209: {  	[tilespmem:s16+$0x410] =	vst.add.f32.msk $0xffff, v3  }
0x20a: {  	[tilespmem:s16+$0x430] =	vst.add.f32.msk $0xffff, v3  }
0x20b: {  	s17 =	sor.u32 $0x800, s16;
	[tilespmem:s16+$0x400] =	vst.add.f32.msk $0xffff, v3  }
0x20c: {  	[tilespmem:s17+$0x0] =	vst.add.f32.msk $0xffff, v3  }
0x20d: {  	[tilespmem:s9+$0x0] =	vst.add.f32.msk $0xffff, v3;
	s9 =	sor.u32 $0x820, s16  }
0x20e: {  	[tilespmem:s9+$0x0] =	vst.add.f32.msk $0xffff, v3;
	s9 =	sor.u32 $0x830, s16  }
0x20f: {  	[tilespmem:s9+$0x0] =	vst.add.f32.msk $0xffff, v3;
	s9 =	sor.u32 $0x840, s16  }
0x210: {  	[tilespmem:s9+$0x0] =	vst.add.f32.msk $0xffff, v3;
	s9 =	sor.u32 $0x850, s16  }
0x211: {  	[tilespmem:s9+$0x0] =	vst.add.f32.msk $0xffff, v3;
	s9 =	sor.u32 $0x860, s16  }
0x212: {  	[tilespmem:s9+$0x0] =	vst.add.f32.msk $0xffff, v3;
	s9 =	sor.u32 $0x870, s16  }
0x213: {  	[tilespmem:s9+$0x0] =	vst.add.f32.msk $0xffff, v3  }
0x214: {  	[tilespmem:s16+$0x1870] =	vst.add.f32.msk $0xffff, v3  }
0x215: {  	[tilespmem:s16+$0x1860] =	vst.add.f32.msk $0xffff, v3  }
0x216: {  	[tilespmem:s16+$0x1850] =	vst.add.f32.msk $0xffff, v3  }
0x217: {  	[tilespmem:s16+$0x1840] =	vst.add.f32.msk $0xffff, v3  }
0x218: {  	[tilespmem:s16+$0x1830] =	vst.add.f32.msk $0xffff, v3  }
0x219: {  	[tilespmem:s16+$0x1820] =	vst.add.f32.msk $0xffff, v3  }
0x21a: {  	[tilespmem:s16+$0x1810] =	vst.add.f32.msk $0xffff, v3  }
0x21b: {  	[tilespmem:s16+$0x1800] =	vst.add.f32.msk $0xffff, v3  }
0x21c: {  	[tilespmem:s16+$0x1470] =	vst.add.f32.msk $0xffff, v3  }
0x21d: {  	[tilespmem:s16+$0x1460] =	vst.add.f32.msk $0xffff, v3  }
0x21e: {  	[tilespmem:s16+$0x1450] =	vst.add.f32.msk $0xffff, v3  }
0x21f: {  	[tilespmem:s16+$0x1440] =	vst.add.f32.msk $0xffff, v3  }
0x220: {  	[tilespmem:s16+$0x1430] =	vst.add.f32.msk $0xffff, v3  }
0x221: {  	[tilespmem:s16+$0x1420] =	vst.add.f32.msk $0xffff, v3  }
0x222: {  	[tilespmem:s16+$0x1410] =	vst.add.f32.msk $0xffff, v3  }
0x223: {  	[tilespmem:s16+$0x1400] =	vst.add.f32.msk $0xffff, v3  }
0x224: {  	[tilespmem:s16+$0x1070] =	vst.add.f32.msk $0xffff, v3  }
0x225: {  	[tilespmem:s16+$0x1060] =	vst.add.f32.msk $0xffff, v3  }
0x226: {  	[tilespmem:s16+$0x1030] =	vst.add.f32.msk $0xffff, v3  }
0x227: {  	[tilespmem:s16+$0x1050] =	vst.add.f32.msk $0xffff, v3  }
0x228: {  	[tilespmem:s16+$0x1040] =	vst.add.f32.msk $0xffff, v3  }
0x229: {  	[tilespmem:s16+$0x1020] =	vst.add.f32.msk $0xffff, v3  }
0x22a: {  	[tilespmem:s16+$0x1010] =	vst.add.f32.msk $0xffff, v3  }
0x22b: {  	[tilespmem:s16+$0xC70] =	vst.add.f32.msk $0xffff, v3  }
0x22c: {  	[tilespmem:s16+$0xC60] =	vst.add.f32.msk $0xffff, v3  }
0x22d: {  	[tilespmem:s16+$0xC50] =	vst.add.f32.msk $0xffff, v3  }
0x22e: {  	[tilespmem:s16+$0xC40] =	vst.add.f32.msk $0xffff, v3  }
0x22f: {  	[tilespmem:s16+$0xC30] =	vst.add.f32.msk $0xffff, v3  }
0x230: {  	s9 =	sand.u32 $0x7, s30;
	[tilespmem:s16+$0xC10] =	vst.add.f32.msk $0xffff, v3  }
0x231: {  	s9 =	sshll.u32 s9, $0x7;
	[tilespmem:s16+$0x1000] =	vst.add.f32.msk $0xffff, v3  }
0x232: {  	s9 =	sadd.s32 s9, s31;
	[tilespmem:s16+$0xC20] =	vst.add.f32.msk $0xffff, v3  }
0x233: {  	[tilespmem:s16+$0xC00] =	vst.add.f32.msk $0xffff, v3;
	s16 =	sor.u32 $0x1C00, s9  }
0x234: {  	[tilespmem:s16+$0x15100] =	vst.add.f32.msk $0xffff, v3;
	s16 =	sor.u32 $0x1C10, s9  }
0x235: {  	[tilespmem:s16+$0x15100] =	vst.add.f32.msk $0xffff, v3;
	s16 =	sor.u32 $0x1C20, s9  }
.Ltmp2:
0x236: {  	[tilespmem:s16+$0x15100] =	vst.add.f32.msk $0xffff, v3;
	s16 =	sor.u32 $0x1C30, s9;
	(pc) =	sbr.rel @p0 .LBB2_6-.Ltmp2, $4  }
0x237: {  	[tilespmem:s16+$0x15100] =	vst.add.f32.msk $0xffff, v3;
	s16 =	sor.u32 $0x1C40, s9  }
0x238: {  	[tilespmem:s16+$0x15100] =	vst.add.f32.msk $0xffff, v3;
	s16 =	sor.u32 $0x1C50, s9  }
0x239: {  	s30 =	sadd.s32 $0x1, s30;
	[tilespmem:s16+$0x15100] =	vst.add.f32.msk $0xffff, v3;
	s16 =	sor.u32 $0x1C60, s9  }
0x23a: {  	s15 =	sadd.s32 $0x80, s15;
	s31 =	sadd.s32 $0x400, s31;
	[tilespmem:s16+$0x15100] =	vst.add.f32.msk $0xffff, v3;
	s16 =	sor.u32 $0x1C70, s9  }
0x23b: {  	[tilespmem:s16+$0x15100] =	vst.add.f32.msk $0xffff, v3;
	s14 =	simm.s32 $0x0;
	s9 =	rddreg [dreg:$0x9]  }
0x23c: {  	[hbm4b:s9+s14] =	stream.linear.scatter [tilespmem:s5], [sflag:$0x6], $0xA000, $0x38;
	[tilespmem:$0x1F100] =	vst v63  }
0x23d: {  	_ =	swait.ge [sflag:s4], $0xA000  }
0x23e: {  	[sflag:s4] =	ssyncset.done $0x0  }
0x23f: {  	[sflag:s4] =	ssyncadd.s32 $0xFFFF6000  }
0x240: {  	v4 =	vld [tilespmem:$0xB0];
	_ =	sdelay $0x4  }
0x241: {  	v5 =	vshll.u32 v4, $0x3  }
0x242: {  	v4 =	vand.u32 $0x7, v4;
	v5 =	vand.u32 $0xFFFFFFC0, v5  }
0x243: {  	v4 =	vor.u32 v4, v5  }
0x244: {  	v5 =	vperm.xlane v4, v0;
	_ =	sdelay $0x1  }
0x245: {  	v5 =	vadd.s32 v1, v5;
	_ =	sdelay $0x4  }
0x246: {  	[tilespmem:s5], [sflag:$0x3] =	stream.indirect_vreg.gather [hbm4b:s2+s14], $0x80, v5, vm0, $0xb8;
	[tilespmem:$0x1F100] =	vst v63  }
0x247: {  	s16 =	simm.s32 $0x15900;
	v4 =	vperm.xlane v4, v2  }
0x248: {  	[tilespmem:s16], [sflag:$0x3] =	stream.indirect_vreg.gather [hbm4b:s6+s14], $0x80, v5, vm0, $0xb8;
	[tilespmem:$0x1F100] =	vst v63  }
0x249: {  	s17 =	simm.s32 $0x16100;
	v4 =	vadd.s32 v1, v4  }
0x24a: {  	[tilespmem:s17], [sflag:$0x3] =	stream.indirect_vreg.gather [hbm4b:s7+s14], $0x80, v5, vm0, $0xb8;
	[tilespmem:$0x1F100] =	vst v63  }
0x24b: {  	s19 =	simm.s32 $0x16900  }
0x24c: {  	[tilespmem:s19], [sflag:$0x3] =	stream.indirect_vreg.gather [hbm4b:s8+s14], $0x80, v5, vm0, $0xb8;
	[tilespmem:$0x1F100] =	vst v63  }
0x24d: {  	s31 =	simm.s32 $0x17100  }
0x24e: {  	[tilespmem:s31], [sflag:$0x3] =	stream.indirect_vreg.gather [hbm4b:s2+s14], $0x80, v4, vm0, $0xb8;
	[tilespmem:$0x1F100] =	vst v63  }
0x24f: {  	s15 =	simm.s32 $0x17900  }
0x250: {  	[tilespmem:s15], [sflag:$0x3] =	stream.indirect_vreg.gather [hbm4b:s6+s14], $0x80, v4, vm0, $0xb8;
	[tilespmem:$0x1F100] =	vst v63  }
0x251: {  	s16 =	simm.s32 $0x18100  }
0x252: {  	[tilespmem:s16], [sflag:$0x3] =	stream.indirect_vreg.gather [hbm4b:s7+s14], $0x80, v4, vm0, $0xb8;
	[tilespmem:$0x1F100] =	vst v63  }
0x253: {  	s17 =	simm.s32 $0x18900  }
0x254: {  	[tilespmem:s17], [sflag:$0x3] =	stream.indirect_vreg.gather [hbm4b:s8+s14], $0x80, v4, vm0, $0xb8;
	[tilespmem:$0x1F100] =	vst v63  }
0x255: {  	v4 =	vld [tilespmem:$0xC0];
	_ =	sdelay $0x4  }
0x256: {  	v5 =	vshll.u32 v4, $0x3  }
0x257: {  	v4 =	vand.u32 $0x7, v4;
	v5 =	vand.u32 $0xFFFFFFC0, v5  }
0x258: {  	v4 =	vor.u32 v4, v5  }
0x259: {  	v5 =	vperm.xlane v4, v0;
	_ =	sdelay $0x1  }
0x25a: {  	v5 =	vadd.s32 v1, v5;
	_ =	sdelay $0x3  }
0x25b: {  	s19 =	simm.s32 $0x19100  }
0x25c: {  	[tilespmem:s19], [sflag:$0x3] =	stream.indirect_vreg.gather [hbm4b:s2+s14], $0x80, v5, vm0, $0xb8;
	[tilespmem:$0x1F100] =	vst v63  }
0x25d: {  	s31 =	simm.s32 $0x19900;
	v4 =	vperm.xlane v4, v2  }
0x25e: {  	[tilespmem:s31], [sflag:$0x3] =	stream.indirect_vreg.gather [hbm4b:s6+s14], $0x80, v5, vm0, $0xb8;
	[tilespmem:$0x1F100] =	vst v63  }
0x25f: {  	s15 =	simm.s32 $0x1A100;
	v4 =	vadd.s32 v1, v4  }
0x260: {  	[tilespmem:s15], [sflag:$0x3] =	stream.indirect_vreg.gather [hbm4b:s7+s14], $0x80, v5, vm0, $0xb8;
	[tilespmem:$0x1F100] =	vst v63  }
0x261: {  	s16 =	simm.s32 $0x1A900  }
0x262: {  	[tilespmem:s16], [sflag:$0x3] =	stream.indirect_vreg.gather [hbm4b:s8+s14], $0x80, v5, vm0, $0xb8;
	[tilespmem:$0x1F100] =	vst v63  }
0x263: {  	s17 =	simm.s32 $0x1B100  }
0x264: {  	[tilespmem:s17], [sflag:$0x3] =	stream.indirect_vreg.gather [hbm4b:s2+s14], $0x80, v4, vm0, $0xb8;
	[tilespmem:$0x1F100] =	vst v63  }
0x265: {  	s19 =	simm.s32 $0x1B900  }
0x266: {  	[tilespmem:s19], [sflag:$0x3] =	stream.indirect_vreg.gather [hbm4b:s6+s14], $0x80, v4, vm0, $0xb8;
	[tilespmem:$0x1F100] =	vst v63  }
0x267: {  	s31 =	simm.s32 $0x1C100  }
0x268: {  	[tilespmem:s31], [sflag:$0x3] =	stream.indirect_vreg.gather [hbm4b:s7+s14], $0x80, v4, vm0, $0xb8;
	[tilespmem:$0x1F100] =	vst v63  }
0x269: {  	s15 =	simm.s32 $0x1C900  }
0x26a: {  	[tilespmem:s15], [sflag:$0x3] =	stream.indirect_vreg.gather [hbm4b:s8+s14], $0x80, v4, vm0, $0xb8;
	[tilespmem:$0x1F100] =	vst v63  }
0x26b: {  	v4 =	vld.msk [tilespmem:$0xD0], $0xff;
	_ =	sdelay $0x4  }
0x26c: {  	v5 =	vshll.u32 v4, $0x3  }
0x26d: {  	v4 =	vand.u32 $0x7, v4;
	v5 =	vand.u32 $0xFFFFFFC0, v5  }
0x26e: {  	v4 =	vor.u32 v4, v5  }
0x26f: {  	v4 =	vperm.xlane v4, v0;
	_ =	sdelay $0x1  }
0x270: {  	v4 =	vadd.s32 v1, v4;
	_ =	sdelay $0x3  }
0x271: {  	s16 =	simm.s32 $0x1D100  }
0x272: {  	[tilespmem:s16], [sflag:$0x3] =	stream.indirect_vreg.gather [hbm4b:s2+s14], $0x80, v4, vm0, $0xb8;
	[tilespmem:$0x1F100] =	vst v63  }
0x273: {  	s17 =	simm.s32 $0x1D900  }
0x274: {  	[tilespmem:s17], [sflag:$0x3] =	stream.indirect_vreg.gather [hbm4b:s6+s14], $0x80, v4, vm0, $0xb8;
	[tilespmem:$0x1F100] =	vst v63  }
0x275: {  	s19 =	simm.s32 $0x1E100  }
0x276: {  	[tilespmem:s19], [sflag:$0x3] =	stream.indirect_vreg.gather [hbm4b:s7+s14], $0x80, v4, vm0, $0xb8;
	[tilespmem:$0x1F100] =	vst v63  }
0x277: {  	s31 =	simm.s32 $0x1E900  }
0x278: {  	[tilespmem:s31], [sflag:$0x3] =	stream.indirect_vreg.gather [hbm4b:s8+s14], $0x80, v4, vm0, $0xb8;
	[tilespmem:$0x1F100] =	vst v63  }
0x279: {  	_ =	swait.ge [sflag:s0], $0xA000  }
0x27a: {  	s30 =	simm.s32 $0x0;
	[sflag:s0] =	ssyncset.done $0x0  }
0x27b: {  	s15 =	simm.s32 $0x0;
	s16 =	simm.s32 $0x0;
	[sflag:s0] =	ssyncadd.s32 $0xFFFF6000  }
.LBB2_8:
0x27c: {  	s9 =	sand.u32 $0x3F0, s30;
	s19 =	sand.u32 $0xE000, s15;
	s17 =	sand.u32 $0x380, s16  }
0x27d: {  	v4 =	vld [tilespmem:s9+$0x700];
	s9 =	sor.u32 s17, s19  }
0x27e: {  	[tilespmem:s9+$0x1110] =	vst.add.f32.msk $0xffff, v3  }
0x27f: {  	[tilespmem:s9+$0x1120] =	vst.add.f32.msk $0xffff, v3  }
0x280: {  	[tilespmem:s9+$0x1130] =	vst.add.f32.msk $0xffff, v3  }
0x281: {  	[tilespmem:s9+$0x1140] =	vst.add.f32.msk $0xffff, v3  }
0x282: {  	[tilespmem:s9+$0x1150] =	vst.add.f32.msk $0xffff, v3  }
0x283: {  	[tilespmem:s9+$0x1160] =	vst.add.f32.msk $0xffff, v3  }
0x284: {  	[tilespmem:s9+$0x1170] =	vst.add.f32.msk $0xffff, v3  }
0x285: {  	[tilespmem:s9+$0x1500] =	vst.add.f32.msk $0xffff, v3  }
0x286: {  	[tilespmem:s9+$0x1510] =	vst.add.f32.msk $0xffff, v3  }
0x287: {  	[tilespmem:s9+$0x1520] =	vst.add.f32.msk $0xffff, v3  }
0x288: {  	[tilespmem:s9+$0x1530] =	vst.add.f32.msk $0xffff, v3  }
0x289: {  	[tilespmem:s9+$0x1540] =	vst.add.f32.msk $0xffff, v3  }
0x28a: {  	[tilespmem:s9+$0x1550] =	vst.add.f32.msk $0xffff, v3  }
0x28b: {  	[tilespmem:s9+$0x1560] =	vst.add.f32.msk $0xffff, v3  }
0x28c: {  	[tilespmem:s9+$0x1570] =	vst.add.f32.msk $0xffff, v3  }
0x28d: {  	[tilespmem:s9+$0x1900] =	vst.add.f32.msk $0xffff, v3  }
0x28e: {  	[tilespmem:s9+$0x1910] =	vst.add.f32.msk $0xffff, v3  }
0x28f: {  	[tilespmem:s9+$0x1920] =	vst.add.f32.msk $0xffff, v3  }
0x290: {  	[tilespmem:s9+$0x1930] =	vst.add.f32.msk $0xffff, v3  }
0x291: {  	[tilespmem:s9+$0x1940] =	vst.add.f32.msk $0xffff, v3  }
0x292: {  	[tilespmem:s9+$0x1950] =	vst.add.f32.msk $0xffff, v3  }
0x293: {  	[tilespmem:s9+$0x1960] =	vst.add.f32.msk $0xffff, v3  }
0x294: {  	[tilespmem:s9+$0x1970] =	vst.add.f32.msk $0xffff, v3  }
0x295: {  	[tilespmem:s9+$0x1D00] =	vst.add.f32.msk $0xffff, v3  }
0x296: {  	[tilespmem:s9+$0x1D10] =	vst.add.f32.msk $0xffff, v3  }
0x297: {  	[tilespmem:s9+$0x1D20] =	vst.add.f32.msk $0xffff, v3  }
0x298: {  	[tilespmem:s9+$0x1D30] =	vst.add.f32.msk $0xffff, v3  }
0x299: {  	[tilespmem:s9+$0x1D40] =	vst.add.f32.msk $0xffff, v3  }
0x29a: {  	[tilespmem:s9+$0x1D50] =	vst.add.f32.msk $0xffff, v3  }
0x29b: {  	[tilespmem:s9+$0x1D60] =	vst.add.f32.msk $0xffff, v3  }
0x29c: {  	[tilespmem:s9+$0x1D70] =	vst.add.f32.msk $0xffff, v3  }
0x29d: {  	[tilespmem:s9+$0x2100] =	vst.add.f32.msk $0xffff, v3  }
0x29e: {  	[tilespmem:s9+$0x2110] =	vst.add.f32.msk $0xffff, v3  }
0x29f: {  	[tilespmem:s9+$0x2120] =	vst.add.f32.msk $0xffff, v3  }
0x2a0: {  	[tilespmem:s9+$0x2130] =	vst.add.f32.msk $0xffff, v3  }
0x2a1: {  	[tilespmem:s9+$0x2140] =	vst.add.f32.msk $0xffff, v3  }
0x2a2: {  	[tilespmem:s9+$0x2150] =	vst.add.f32.msk $0xffff, v3  }
0x2a3: {  	[tilespmem:s9+$0x2160] =	vst.add.f32.msk $0xffff, v3  }
0x2a4: {  	[tilespmem:s9+$0x2170] =	vst.add.f32.msk $0xffff, v3  }
0x2a5: {  	[tilespmem:s9+$0x2500] =	vst.add.f32.msk $0xffff, v3  }
0x2a6: {  	[tilespmem:s9+$0x2510] =	vst.add.f32.msk $0xffff, v3  }
0x2a7: {  	[tilespmem:s9+$0x2520] =	vst.add.f32.msk $0xffff, v3  }
0x2a8: {  	[tilespmem:s9+$0x2530] =	vst.add.f32.msk $0xffff, v3  }
0x2a9: {  	[tilespmem:s9+$0x2540] =	vst.add.f32.msk $0xffff, v3  }
0x2aa: {  	[tilespmem:s9+$0x2550] =	vst.add.f32.msk $0xffff, v3  }
0x2ab: {  	[tilespmem:s9+$0x2560] =	vst.add.f32.msk $0xffff, v3  }
0x2ac: {  	[tilespmem:s9+$0x2570] =	vst.add.f32.msk $0xffff, v3  }
0x2ad: {  	[tilespmem:s9+$0x2900] =	vst.add.f32.msk $0xffff, v3  }
0x2ae: {  	[tilespmem:s9+$0x2910] =	vst.add.f32.msk $0xffff, v3  }
0x2af: {  	[tilespmem:s9+$0x2920] =	vst.add.f32.msk $0xffff, v3  }
0x2b0: {  	[tilespmem:s9+$0x2930] =	vst.add.f32.msk $0xffff, v3  }
0x2b1: {  	[tilespmem:s9+$0x2940] =	vst.add.f32.msk $0xffff, v3  }
0x2b2: {  	s31 =	sand.u32 $0x7, s14;
	[tilespmem:s9+$0x2950] =	vst.add.f32.msk $0xffff, v3  }
0x2b3: {  	s17 =	sshll.u32 s31, $0x7;
	[tilespmem:s9+$0x2960] =	vst.add.f32.msk $0xffff, v3;
	v4 =	vadd.f32 v3, v4  }
0x2b4: {  	s17 =	sadd.s32 s17, s15;
	[tilespmem:s9+$0x2970] =	vst.add.f32.msk $0xffff, v3  }
0x2b5: {  	s19 =	sor.u32 $0x1C00, s17;
	[tilespmem:s9+$0x1100] =	vst.add.f32.msk $0xffff, v4  }
0x2b6: {  	s31 =	sor.u32 $0x1C10, s17;
	[tilespmem:s19+$0x1100] =	vst.add.f32.msk $0xffff, v3  }
0x2b7: {  	s19 =	sor.u32 $0x1C20, s17;
	[tilespmem:s31+$0x1100] =	vst.add.f32.msk $0xffff, v3  }
0x2b8: {  	p0 =	sne.s32 s30, $0x270;
	s31 =	sor.u32 $0x1C30, s17;
	[tilespmem:s19+$0x1100] =	vst.add.f32.msk $0xffff, v3  }
.Ltmp3:
0x2b9: {  	s19 =	sor.u32 $0x1C40, s17;
	[tilespmem:s31+$0x1100] =	vst.add.f32.msk $0xffff, v3;
	(pc) =	sbr.rel @p0 .LBB2_8-.Ltmp3, $4  }
0x2ba: {  	s31 =	sor.u32 $0x1C50, s17;
	[tilespmem:s19+$0x1100] =	vst.add.f32.msk $0xffff, v3  }
0x2bb: {  	s19 =	sor.u32 $0x1C60, s17;
	[tilespmem:s31+$0x1100] =	vst.add.f32.msk $0xffff, v3  }
0x2bc: {  	s16 =	sadd.s32 $0x80, s16;
	s31 =	sor.u32 $0x1C70, s17;
	[tilespmem:s19+$0x1100] =	vst.add.f32.msk $0xffff, v3  }
0x2bd: {  	s14 =	sadd.s32 $0x1, s14;
	s30 =	sadd.s32 $0x10, s30;
	s15 =	sadd.s32 $0x400, s15;
	[tilespmem:s31+$0x1100] =	vst.add.f32.msk $0xffff, v3  }
0x2be: {  	s14 =	simm.s32 $0x0;
	s9 =	rddreg [dreg:$0xa]  }
0x2bf: {  	[hbm4b:s9+s14] =	stream.linear.scatter [tilespmem:s20], [sflag:$0x4], $0xA000, $0x38;
	[tilespmem:$0x1F100] =	vst v63  }
0x2c0: {  	_ =	swait.ge [sflag:s10], $0xA000  }
0x2c1: {  	[sflag:s10] =	ssyncset.done $0x0  }
0x2c2: {  	[sflag:s10] =	ssyncadd.s32 $0xFFFF6000  }
0x2c3: {  	v4 =	vld [tilespmem:$0xD8];
	_ =	sdelay $0x4  }
0x2c4: {  	v5 =	vshll.u32 v4, $0x3  }
0x2c5: {  	v4 =	vand.u32 $0x7, v4;
	v5 =	vand.u32 $0xFFFFFFC0, v5  }
0x2c6: {  	v4 =	vor.u32 v4, v5  }
0x2c7: {  	v5 =	vperm.xlane v4, v0;
	_ =	sdelay $0x1  }
0x2c8: {  	v5 =	vadd.s32 v1, v5;
	_ =	sdelay $0x4  }
0x2c9: {  	[tilespmem:s20], [sflag:$0x1] =	stream.indirect_vreg.gather [hbm4b:s2+s14], $0x80, v5, vm0, $0xb8;
	[tilespmem:$0x1F100] =	vst v63  }
0x2ca: {  	v4 =	vperm.xlane v4, v2  }
0x2cb: {  	[tilespmem:s21], [sflag:$0x1] =	stream.indirect_vreg.gather [hbm4b:s6+s14], $0x80, v5, vm0, $0xb8;
	[tilespmem:$0x1F100] =	vst v63  }
0x2cc: {  	v4 =	vadd.s32 v1, v4  }
0x2cd: {  	[tilespmem:s22], [sflag:$0x1] =	stream.indirect_vreg.gather [hbm4b:s7+s14], $0x80, v5, vm0, $0xb8;
	[tilespmem:$0x1F100] =	vst v63  }
0x2ce: {  	_ = 	snop  }
0x2cf: {  	[tilespmem:s23], [sflag:$0x1] =	stream.indirect_vreg.gather [hbm4b:s8+s14], $0x80, v5, vm0, $0xb8;
	[tilespmem:$0x1F100] =	vst v63  }
0x2d0: {  	_ = 	snop  }
0x2d1: {  	[tilespmem:s24], [sflag:$0x1] =	stream.indirect_vreg.gather [hbm4b:s2+s14], $0x80, v4, vm0, $0xb8;
	[tilespmem:$0x1F100] =	vst v63  }
0x2d2: {  	_ = 	snop  }
0x2d3: {  	[tilespmem:s25], [sflag:$0x1] =	stream.indirect_vreg.gather [hbm4b:s6+s14], $0x80, v4, vm0, $0xb8;
	[tilespmem:$0x1F100] =	vst v63  }
0x2d4: {  	_ = 	snop  }
0x2d5: {  	[tilespmem:s26], [sflag:$0x1] =	stream.indirect_vreg.gather [hbm4b:s7+s14], $0x80, v4, vm0, $0xb8;
	[tilespmem:$0x1F100] =	vst v63  }
0x2d6: {  	_ = 	snop  }
0x2d7: {  	[tilespmem:s28], [sflag:$0x1] =	stream.indirect_vreg.gather [hbm4b:s8+s14], $0x80, v4, vm0, $0xb8;
	[tilespmem:$0x1F100] =	vst v63  }
0x2d8: {  	v4 =	vld [tilespmem:$0xE8];
	_ =	sdelay $0x4  }
0x2d9: {  	v5 =	vshll.u32 v4, $0x3  }
0x2da: {  	v4 =	vand.u32 $0x7, v4;
	v5 =	vand.u32 $0xFFFFFFC0, v5  }
0x2db: {  	v4 =	vor.u32 v4, v5  }
0x2dc: {  	v5 =	vperm.xlane v4, v0;
	_ =	sdelay $0x1  }
0x2dd: {  	v5 =	vadd.s32 v1, v5;
	_ =	sdelay $0x3  }
0x2de: {  	s19 =	simm.s32 $0x5100  }
0x2df: {  	[tilespmem:s19], [sflag:$0x1] =	stream.indirect_vreg.gather [hbm4b:s2+s14], $0x80, v5, vm0, $0xb8;
	[tilespmem:$0x1F100] =	vst v63  }
0x2e0: {  	s31 =	simm.s32 $0x5900;
	v4 =	vperm.xlane v4, v2  }
0x2e1: {  	[tilespmem:s31], [sflag:$0x1] =	stream.indirect_vreg.gather [hbm4b:s6+s14], $0x80, v5, vm0, $0xb8;
	[tilespmem:$0x1F100] =	vst v63  }
0x2e2: {  	s15 =	simm.s32 $0x6100;
	v4 =	vadd.s32 v1, v4  }
0x2e3: {  	[tilespmem:s15], [sflag:$0x1] =	stream.indirect_vreg.gather [hbm4b:s7+s14], $0x80, v5, vm0, $0xb8;
	[tilespmem:$0x1F100] =	vst v63  }
0x2e4: {  	s16 =	simm.s32 $0x6900  }
0x2e5: {  	[tilespmem:s16], [sflag:$0x1] =	stream.indirect_vreg.gather [hbm4b:s8+s14], $0x80, v5, vm0, $0xb8;
	[tilespmem:$0x1F100] =	vst v63  }
0x2e6: {  	s17 =	simm.s32 $0x7100  }
0x2e7: {  	[tilespmem:s17], [sflag:$0x1] =	stream.indirect_vreg.gather [hbm4b:s2+s14], $0x80, v4, vm0, $0xb8;
	[tilespmem:$0x1F100] =	vst v63  }
0x2e8: {  	s19 =	simm.s32 $0x7900  }
0x2e9: {  	[tilespmem:s19], [sflag:$0x1] =	stream.indirect_vreg.gather [hbm4b:s6+s14], $0x80, v4, vm0, $0xb8;
	[tilespmem:$0x1F100] =	vst v63  }
0x2ea: {  	s31 =	simm.s32 $0x8100  }
0x2eb: {  	[tilespmem:s31], [sflag:$0x1] =	stream.indirect_vreg.gather [hbm4b:s7+s14], $0x80, v4, vm0, $0xb8;
	[tilespmem:$0x1F100] =	vst v63  }
0x2ec: {  	s15 =	simm.s32 $0x8900  }
0x2ed: {  	[tilespmem:s15], [sflag:$0x1] =	stream.indirect_vreg.gather [hbm4b:s8+s14], $0x80, v4, vm0, $0xb8;
	[tilespmem:$0x1F100] =	vst v63  }
0x2ee: {  	v4 =	vld.msk [tilespmem:$0xF8], $0xff;
	_ =	sdelay $0x4  }
0x2ef: {  	v5 =	vshll.u32 v4, $0x3  }
0x2f0: {  	v4 =	vand.u32 $0x7, v4;
	v5 =	vand.u32 $0xFFFFFFC0, v5  }
0x2f1: {  	v4 =	vor.u32 v4, v5  }
0x2f2: {  	v4 =	vperm.xlane v4, v0;
	_ =	sdelay $0x1  }
0x2f3: {  	v4 =	vadd.s32 v1, v4;
	_ =	sdelay $0x3  }
0x2f4: {  	s16 =	simm.s32 $0x9100  }
0x2f5: {  	[tilespmem:s16], [sflag:$0x1] =	stream.indirect_vreg.gather [hbm4b:s2+s14], $0x80, v4, vm0, $0xb8;
	[tilespmem:$0x1F100] =	vst v63  }
0x2f6: {  	s17 =	simm.s32 $0x9900  }
0x2f7: {  	[tilespmem:s17], [sflag:$0x1] =	stream.indirect_vreg.gather [hbm4b:s6+s14], $0x80, v4, vm0, $0xb8;
	[tilespmem:$0x1F100] =	vst v63  }
0x2f8: {  	s19 =	simm.s32 $0xA100  }
0x2f9: {  	[tilespmem:s19], [sflag:$0x1] =	stream.indirect_vreg.gather [hbm4b:s7+s14], $0x80, v4, vm0, $0xb8;
	[tilespmem:$0x1F100] =	vst v63  }
0x2fa: {  	s31 =	simm.s32 $0xA900  }
0x2fb: {  	[tilespmem:s31], [sflag:$0x1] =	stream.indirect_vreg.gather [hbm4b:s8+s14], $0x80, v4, vm0, $0xb8;
	[tilespmem:$0x1F100] =	vst v63  }
0x2fc: {  	_ =	swait.ge [sflag:s11], $0xA000  }
0x2fd: {  	s30 =	simm.s32 $0x0;
	[sflag:s11] =	ssyncset.done $0x0  }
0x2fe: {  	s15 =	simm.s32 $0x0;
	s16 =	simm.s32 $0x0;
	[sflag:s11] =	ssyncadd.s32 $0xFFFF6000  }
.LBB2_10:
0x2ff: {  	s9 =	sand.u32 $0x3F0, s30;
	s19 =	sand.u32 $0xE000, s15;
	s17 =	sand.u32 $0x380, s16  }
0x300: {  	v4 =	vld [tilespmem:s9+$0x980];
	s9 =	sor.u32 s17, s19  }
0x301: {  	[tilespmem:s9+$0xB110] =	vst.add.f32.msk $0xffff, v3  }
0x302: {  	[tilespmem:s9+$0xB120] =	vst.add.f32.msk $0xffff, v3  }
0x303: {  	[tilespmem:s9+$0xB130] =	vst.add.f32.msk $0xffff, v3  }
0x304: {  	[tilespmem:s9+$0xB140] =	vst.add.f32.msk $0xffff, v3  }
0x305: {  	[tilespmem:s9+$0xB150] =	vst.add.f32.msk $0xffff, v3  }
0x306: {  	[tilespmem:s9+$0xB160] =	vst.add.f32.msk $0xffff, v3  }
0x307: {  	[tilespmem:s9+$0xB170] =	vst.add.f32.msk $0xffff, v3  }
0x308: {  	[tilespmem:s9+$0xB500] =	vst.add.f32.msk $0xffff, v3  }
0x309: {  	[tilespmem:s9+$0xB510] =	vst.add.f32.msk $0xffff, v3  }
0x30a: {  	[tilespmem:s9+$0xB520] =	vst.add.f32.msk $0xffff, v3  }
0x30b: {  	[tilespmem:s9+$0xB530] =	vst.add.f32.msk $0xffff, v3  }
0x30c: {  	[tilespmem:s9+$0xB540] =	vst.add.f32.msk $0xffff, v3  }
0x30d: {  	[tilespmem:s9+$0xB550] =	vst.add.f32.msk $0xffff, v3  }
0x30e: {  	[tilespmem:s9+$0xB560] =	vst.add.f32.msk $0xffff, v3  }
0x30f: {  	[tilespmem:s9+$0xB570] =	vst.add.f32.msk $0xffff, v3  }
0x310: {  	[tilespmem:s9+$0xB900] =	vst.add.f32.msk $0xffff, v3  }
0x311: {  	[tilespmem:s9+$0xB910] =	vst.add.f32.msk $0xffff, v3  }
0x312: {  	[tilespmem:s9+$0xB920] =	vst.add.f32.msk $0xffff, v3  }
0x313: {  	[tilespmem:s9+$0xB930] =	vst.add.f32.msk $0xffff, v3  }
0x314: {  	[tilespmem:s9+$0xB940] =	vst.add.f32.msk $0xffff, v3  }
0x315: {  	[tilespmem:s9+$0xB950] =	vst.add.f32.msk $0xffff, v3  }
0x316: {  	[tilespmem:s9+$0xB960] =	vst.add.f32.msk $0xffff, v3  }
0x317: {  	[tilespmem:s9+$0xB970] =	vst.add.f32.msk $0xffff, v3  }
0x318: {  	[tilespmem:s9+$0xBD00] =	vst.add.f32.msk $0xffff, v3  }
0x319: {  	[tilespmem:s9+$0xBD10] =	vst.add.f32.msk $0xffff, v3  }
0x31a: {  	[tilespmem:s9+$0xBD20] =	vst.add.f32.msk $0xffff, v3  }
0x31b: {  	[tilespmem:s9+$0xBD30] =	vst.add.f32.msk $0xffff, v3  }
0x31c: {  	[tilespmem:s9+$0xBD40] =	vst.add.f32.msk $0xffff, v3  }
0x31d: {  	[tilespmem:s9+$0xBD50] =	vst.add.f32.msk $0xffff, v3  }
0x31e: {  	[tilespmem:s9+$0xBD60] =	vst.add.f32.msk $0xffff, v3  }
0x31f: {  	[tilespmem:s9+$0xBD70] =	vst.add.f32.msk $0xffff, v3  }
0x320: {  	[tilespmem:s9+$0xC100] =	vst.add.f32.msk $0xffff, v3  }
0x321: {  	[tilespmem:s9+$0xC110] =	vst.add.f32.msk $0xffff, v3  }
0x322: {  	[tilespmem:s9+$0xC120] =	vst.add.f32.msk $0xffff, v3  }
0x323: {  	[tilespmem:s9+$0xC130] =	vst.add.f32.msk $0xffff, v3  }
0x324: {  	[tilespmem:s9+$0xC140] =	vst.add.f32.msk $0xffff, v3  }
0x325: {  	[tilespmem:s9+$0xC150] =	vst.add.f32.msk $0xffff, v3  }
0x326: {  	[tilespmem:s9+$0xC160] =	vst.add.f32.msk $0xffff, v3  }
0x327: {  	[tilespmem:s9+$0xC170] =	vst.add.f32.msk $0xffff, v3  }
0x328: {  	[tilespmem:s9+$0xC500] =	vst.add.f32.msk $0xffff, v3  }
0x329: {  	[tilespmem:s9+$0xC510] =	vst.add.f32.msk $0xffff, v3  }
0x32a: {  	[tilespmem:s9+$0xC520] =	vst.add.f32.msk $0xffff, v3  }
0x32b: {  	[tilespmem:s9+$0xC530] =	vst.add.f32.msk $0xffff, v3  }
0x32c: {  	[tilespmem:s9+$0xC540] =	vst.add.f32.msk $0xffff, v3  }
0x32d: {  	[tilespmem:s9+$0xC550] =	vst.add.f32.msk $0xffff, v3  }
0x32e: {  	[tilespmem:s9+$0xC560] =	vst.add.f32.msk $0xffff, v3  }
0x32f: {  	[tilespmem:s9+$0xC570] =	vst.add.f32.msk $0xffff, v3  }
0x330: {  	[tilespmem:s9+$0xC900] =	vst.add.f32.msk $0xffff, v3  }
0x331: {  	[tilespmem:s9+$0xC910] =	vst.add.f32.msk $0xffff, v3  }
0x332: {  	[tilespmem:s9+$0xC920] =	vst.add.f32.msk $0xffff, v3  }
0x333: {  	[tilespmem:s9+$0xC930] =	vst.add.f32.msk $0xffff, v3  }
0x334: {  	[tilespmem:s9+$0xC940] =	vst.add.f32.msk $0xffff, v3  }
0x335: {  	s31 =	sand.u32 $0x7, s14;
	[tilespmem:s9+$0xC950] =	vst.add.f32.msk $0xffff, v3  }
0x336: {  	s17 =	sshll.u32 s31, $0x7;
	[tilespmem:s9+$0xC960] =	vst.add.f32.msk $0xffff, v3;
	v4 =	vadd.f32 v3, v4  }
0x337: {  	s17 =	sadd.s32 s17, s15;
	[tilespmem:s9+$0xC970] =	vst.add.f32.msk $0xffff, v3  }
0x338: {  	s19 =	sor.u32 $0x1C00, s17;
	[tilespmem:s9+$0xB100] =	vst.add.f32.msk $0xffff, v4  }
0x339: {  	s31 =	sor.u32 $0x1C10, s17;
	[tilespmem:s19+$0xB100] =	vst.add.f32.msk $0xffff, v3  }
0x33a: {  	s19 =	sor.u32 $0x1C20, s17;
	[tilespmem:s31+$0xB100] =	vst.add.f32.msk $0xffff, v3  }
0x33b: {  	p0 =	sne.s32 s30, $0x270;
	s31 =	sor.u32 $0x1C30, s17;
	[tilespmem:s19+$0xB100] =	vst.add.f32.msk $0xffff, v3  }
.Ltmp4:
0x33c: {  	s19 =	sor.u32 $0x1C40, s17;
	[tilespmem:s31+$0xB100] =	vst.add.f32.msk $0xffff, v3;
	(pc) =	sbr.rel @p0 .LBB2_10-.Ltmp4, $4  }
0x33d: {  	s31 =	sor.u32 $0x1C50, s17;
	[tilespmem:s19+$0xB100] =	vst.add.f32.msk $0xffff, v3  }
0x33e: {  	s19 =	sor.u32 $0x1C60, s17;
	[tilespmem:s31+$0xB100] =	vst.add.f32.msk $0xffff, v3  }
0x33f: {  	s16 =	sadd.s32 $0x80, s16;
	s31 =	sor.u32 $0x1C70, s17;
	[tilespmem:s19+$0xB100] =	vst.add.f32.msk $0xffff, v3  }
0x340: {  	s14 =	sadd.s32 $0x1, s14;
	s30 =	sadd.s32 $0x10, s30;
	s15 =	sadd.s32 $0x400, s15;
	[tilespmem:s31+$0xB100] =	vst.add.f32.msk $0xffff, v3  }
0x341: {  	s14 =	simm.s32 $0x0;
	s9 =	rddreg [dreg:$0xb]  }
0x342: {  	[hbm4b:s9+s14] =	stream.linear.scatter [tilespmem:s29], [sflag:$0x5], $0xA000, $0x38;
	[tilespmem:$0x1F100] =	vst v63  }
0x343: {  	_ =	swait.ge [sflag:s12], $0xA000  }
0x344: {  	[sflag:s12] =	ssyncset.done $0x0  }
0x345: {  	s15 =	sand.u32 $0x3F0, s14;
	[sflag:s12] =	ssyncadd.s32 $0xFFFF6000  }
0x346: {  	v4 =	vld [tilespmem:s15+$0xC00];
	_ =	sdelay $0x3  }
0x347: {  	s16 =	sand.u32 $0xE000, s14;
	s15 =	sand.u32 $0x380, s14  }
0x348: {  	s9 =	sor.u32 s15, s16;
	v4 =	vadd.f32 v3, v4  }
0x349: {  	s15 =	sadd.s32 $0x15100, s9  }
0x34a: {  	s17 =	sor.u32 $0x10, s15;
	[tilespmem:s9+$0x15100] =	vst.add.f32.msk $0xffff, v4  }
0x34b: {  	s19 =	sor.u32 $0x20, s15;
	[tilespmem:s17+$0x0] =	vst.add.f32.msk $0xffff, v3  }
0x34c: {  	s16 =	sor.u32 $0x30, s15;
	[tilespmem:s19+$0x0] =	vst.add.f32.msk $0xffff, v3  }
0x34d: {  	s17 =	sor.u32 $0x40, s15;
	[tilespmem:s16+$0x0] =	vst.add.f32.msk $0xffff, v3  }
0x34e: {  	s19 =	sor.u32 $0x50, s15;
	[tilespmem:s17+$0x0] =	vst.add.f32.msk $0xffff, v3  }
0x34f: {  	s16 =	sor.u32 $0x60, s15;
	[tilespmem:s19+$0x0] =	vst.add.f32.msk $0xffff, v3  }
0x350: {  	s17 =	sor.u32 $0x70, s15;
	[tilespmem:s16+$0x0] =	vst.add.f32.msk $0xffff, v3  }
0x351: {  	[tilespmem:s17+$0x0] =	vst.add.f32.msk $0xffff, v3  }
0x352: {  	[tilespmem:s15+$0x470] =	vst.add.f32.msk $0xffff, v3  }
0x353: {  	[tilespmem:s15+$0x460] =	vst.add.f32.msk $0xffff, v3  }
0x354: {  	[tilespmem:s15+$0x450] =	vst.add.f32.msk $0xffff, v3  }
0x355: {  	[tilespmem:s15+$0x440] =	vst.add.f32.msk $0xffff, v3  }
0x356: {  	[tilespmem:s15+$0x420] =	vst.add.f32.msk $0xffff, v3  }
0x357: {  	[tilespmem:s15+$0x410] =	vst.add.f32.msk $0xffff, v3  }
0x358: {  	[tilespmem:s15+$0x430] =	vst.add.f32.msk $0xffff, v3  }
0x359: {  	s19 =	sor.u32 $0x800, s15;
	[tilespmem:s15+$0x400] =	vst.add.f32.msk $0xffff, v3  }
0x35a: {  	s16 =	sor.u32 $0x810, s15;
	[tilespmem:s19+$0x0] =	vst.add.f32.msk $0xffff, v3  }
0x35b: {  	[tilespmem:s16+$0x0] =	vst.add.f32.msk $0xffff, v3;
	s16 =	sor.u32 $0x820, s15  }
0x35c: {  	s17 =	sor.u32 $0x830, s15;
	[tilespmem:s16+$0x0] =	vst.add.f32.msk $0xffff, v3  }
0x35d: {  	s19 =	sor.u32 $0x840, s15;
	[tilespmem:s17+$0x0] =	vst.add.f32.msk $0xffff, v3  }
0x35e: {  	s16 =	sor.u32 $0x850, s15;
	[tilespmem:s19+$0x0] =	vst.add.f32.msk $0xffff, v3  }
0x35f: {  	s17 =	sor.u32 $0x860, s15;
	[tilespmem:s16+$0x0] =	vst.add.f32.msk $0xffff, v3  }
0x360: {  	s19 =	sor.u32 $0x870, s15;
	[tilespmem:s17+$0x0] =	vst.add.f32.msk $0xffff, v3  }
0x361: {  	[tilespmem:s19+$0x0] =	vst.add.f32.msk $0xffff, v3  }
0x362: {  	[tilespmem:s15+$0x1870] =	vst.add.f32.msk $0xffff, v3  }
0x363: {  	[tilespmem:s15+$0x1860] =	vst.add.f32.msk $0xffff, v3  }
0x364: {  	[tilespmem:s15+$0x1850] =	vst.add.f32.msk $0xffff, v3  }
0x365: {  	[tilespmem:s15+$0x1840] =	vst.add.f32.msk $0xffff, v3  }
0x366: {  	[tilespmem:s15+$0x1830] =	vst.add.f32.msk $0xffff, v3  }
0x367: {  	[tilespmem:s15+$0x1820] =	vst.add.f32.msk $0xffff, v3  }
0x368: {  	[tilespmem:s15+$0x1810] =	vst.add.f32.msk $0xffff, v3  }
0x369: {  	[tilespmem:s15+$0x1800] =	vst.add.f32.msk $0xffff, v3  }
0x36a: {  	[tilespmem:s15+$0x1470] =	vst.add.f32.msk $0xffff, v3  }
0x36b: {  	[tilespmem:s15+$0x1460] =	vst.add.f32.msk $0xffff, v3  }
0x36c: {  	[tilespmem:s15+$0x1450] =	vst.add.f32.msk $0xffff, v3  }
0x36d: {  	[tilespmem:s15+$0x1440] =	vst.add.f32.msk $0xffff, v3  }
0x36e: {  	[tilespmem:s15+$0x1430] =	vst.add.f32.msk $0xffff, v3  }
0x36f: {  	[tilespmem:s15+$0x1420] =	vst.add.f32.msk $0xffff, v3  }
0x370: {  	[tilespmem:s15+$0x1410] =	vst.add.f32.msk $0xffff, v3  }
0x371: {  	[tilespmem:s15+$0x1400] =	vst.add.f32.msk $0xffff, v3  }
0x372: {  	[tilespmem:s15+$0x1070] =	vst.add.f32.msk $0xffff, v3  }
0x373: {  	[tilespmem:s15+$0x1060] =	vst.add.f32.msk $0xffff, v3  }
0x374: {  	[tilespmem:s15+$0x1030] =	vst.add.f32.msk $0xffff, v3  }
0x375: {  	[tilespmem:s15+$0x1050] =	vst.add.f32.msk $0xffff, v3  }
0x376: {  	[tilespmem:s15+$0x1040] =	vst.add.f32.msk $0xffff, v3  }
0x377: {  	[tilespmem:s15+$0x1020] =	vst.add.f32.msk $0xffff, v3  }
0x378: {  	[tilespmem:s15+$0x1010] =	vst.add.f32.msk $0xffff, v3  }
0x379: {  	[tilespmem:s15+$0xC70] =	vst.add.f32.msk $0xffff, v3  }
0x37a: {  	[tilespmem:s15+$0xC60] =	vst.add.f32.msk $0xffff, v3  }
0x37b: {  	[tilespmem:s15+$0xC50] =	vst.add.f32.msk $0xffff, v3  }
0x37c: {  	[tilespmem:s15+$0xC40] =	vst.add.f32.msk $0xffff, v3  }
0x37d: {  	[tilespmem:s15+$0xC30] =	vst.add.f32.msk $0xffff, v3  }
0x37e: {  	s14 =	sand.u32 $0x7, s14;
	[tilespmem:s15+$0xC10] =	vst.add.f32.msk $0xffff, v3  }
0x37f: {  	s9 =	sshll.u32 s14, $0x7;
	[tilespmem:s15+$0x1000] =	vst.add.f32.msk $0xffff, v3  }
0x380: {  	s9 =	sadd.s32 $0x0, s9;
	[tilespmem:s15+$0xC20] =	vst.add.f32.msk $0xffff, v3  }
0x381: {  	s16 =	sor.u32 $0x1C00, s9;
	[tilespmem:s15+$0xC00] =	vst.add.f32.msk $0xffff, v3  }
0x382: {  	s17 =	sor.u32 $0x1C10, s9;
	[tilespmem:s16+$0x15100] =	vst.add.f32.msk $0xffff, v3  }
0x383: {  	s19 =	sor.u32 $0x1C20, s9;
	[tilespmem:s17+$0x15100] =	vst.add.f32.msk $0xffff, v3  }
0x384: {  	s15 =	sor.u32 $0x1C30, s9;
	[tilespmem:s19+$0x15100] =	vst.add.f32.msk $0xffff, v3  }
0x385: {  	s16 =	sor.u32 $0x1C40, s9;
	[tilespmem:s15+$0x15100] =	vst.add.f32.msk $0xffff, v3  }
0x386: {  	s17 =	sor.u32 $0x1C50, s9;
	[tilespmem:s16+$0x15100] =	vst.add.f32.msk $0xffff, v3  }
0x387: {  	s30 =	simm.s32 $0x1;
	s31 =	simm.s32 $0x400;
	s19 =	sor.u32 $0x1C60, s9;
	[tilespmem:s17+$0x15100] =	vst.add.f32.msk $0xffff, v3  }
0x388: {  	s14 =	simm.s32 $0x10;
	s15 =	simm.s32 $0x80;
	s16 =	sor.u32 $0x1C70, s9;
	[tilespmem:s19+$0x15100] =	vst.add.f32.msk $0xffff, v3  }
.LBB2_12:
0x389: {  	s9 =	sand.u32 $0x3F0, s14;
	s17 =	sand.u32 $0xE000, s31;
	s19 =	sand.u32 $0x380, s15;
	[tilespmem:s16+$0x15100] =	vst.add.f32.msk $0xffff, v3  }
0x38a: {  	p0 =	sne.s32 s14, $0x270;
	s14 =	sadd.s32 $0x10, s14;
	v4 =	vld [tilespmem:s9+$0xC00];
	s9 =	sor.u32 s19, s17  }
0x38b: {  	s16 =	sadd.s32 $0x15100, s9;
	_ =	sdelay $0x3  }
0x38c: {  	v4 =	vadd.f32 v3, v4;
	_ =	sdelay $0x1  }
0x38d: {  	[tilespmem:s9+$0x15100] =	vst.add.f32.msk $0xffff, v4;
	s9 =	sor.u32 $0x10, s16  }
0x38e: {  	[tilespmem:s9+$0x0] =	vst.add.f32.msk $0xffff, v3;
	s9 =	sor.u32 $0x20, s16  }
0x38f: {  	[tilespmem:s9+$0x0] =	vst.add.f32.msk $0xffff, v3;
	s9 =	sor.u32 $0x30, s16  }
0x390: {  	[tilespmem:s9+$0x0] =	vst.add.f32.msk $0xffff, v3;
	s9 =	sor.u32 $0x40, s16  }
0x391: {  	[tilespmem:s9+$0x0] =	vst.add.f32.msk $0xffff, v3;
	s9 =	sor.u32 $0x50, s16  }
0x392: {  	[tilespmem:s9+$0x0] =	vst.add.f32.msk $0xffff, v3;
	s9 =	sor.u32 $0x60, s16  }
0x393: {  	[tilespmem:s9+$0x0] =	vst.add.f32.msk $0xffff, v3;
	s9 =	sor.u32 $0x70, s16  }
0x394: {  	[tilespmem:s9+$0x0] =	vst.add.f32.msk $0xffff, v3  }
0x395: {  	[tilespmem:s16+$0x470] =	vst.add.f32.msk $0xffff, v3  }
0x396: {  	[tilespmem:s16+$0x460] =	vst.add.f32.msk $0xffff, v3  }
0x397: {  	[tilespmem:s16+$0x450] =	vst.add.f32.msk $0xffff, v3  }
0x398: {  	[tilespmem:s16+$0x440] =	vst.add.f32.msk $0xffff, v3  }
0x399: {  	s9 =	sor.u32 $0x810, s16;
	[tilespmem:s16+$0x420] =	vst.add.f32.msk $0xffff, v3  }
0x39a: {  	[tilespmem:s16+$0x410] =	vst.add.f32.msk $0xffff, v3  }
0x39b: {  	[tilespmem:s16+$0x430] =	vst.add.f32.msk $0xffff, v3  }
0x39c: {  	s17 =	sor.u32 $0x800, s16;
	[tilespmem:s16+$0x400] =	vst.add.f32.msk $0xffff, v3  }
0x39d: {  	[tilespmem:s17+$0x0] =	vst.add.f32.msk $0xffff, v3  }
0x39e: {  	[tilespmem:s9+$0x0] =	vst.add.f32.msk $0xffff, v3;
	s9 =	sor.u32 $0x820, s16  }
0x39f: {  	[tilespmem:s9+$0x0] =	vst.add.f32.msk $0xffff, v3;
	s9 =	sor.u32 $0x830, s16  }
0x3a0: {  	[tilespmem:s9+$0x0] =	vst.add.f32.msk $0xffff, v3;
	s9 =	sor.u32 $0x840, s16  }
0x3a1: {  	[tilespmem:s9+$0x0] =	vst.add.f32.msk $0xffff, v3;
	s9 =	sor.u32 $0x850, s16  }
0x3a2: {  	[tilespmem:s9+$0x0] =	vst.add.f32.msk $0xffff, v3;
	s9 =	sor.u32 $0x860, s16  }
0x3a3: {  	[tilespmem:s9+$0x0] =	vst.add.f32.msk $0xffff, v3;
	s9 =	sor.u32 $0x870, s16  }
0x3a4: {  	[tilespmem:s9+$0x0] =	vst.add.f32.msk $0xffff, v3  }
0x3a5: {  	[tilespmem:s16+$0x1870] =	vst.add.f32.msk $0xffff, v3  }
0x3a6: {  	[tilespmem:s16+$0x1860] =	vst.add.f32.msk $0xffff, v3  }
0x3a7: {  	[tilespmem:s16+$0x1850] =	vst.add.f32.msk $0xffff, v3  }
0x3a8: {  	[tilespmem:s16+$0x1840] =	vst.add.f32.msk $0xffff, v3  }
0x3a9: {  	[tilespmem:s16+$0x1830] =	vst.add.f32.msk $0xffff, v3  }
0x3aa: {  	[tilespmem:s16+$0x1820] =	vst.add.f32.msk $0xffff, v3  }
0x3ab: {  	[tilespmem:s16+$0x1810] =	vst.add.f32.msk $0xffff, v3  }
0x3ac: {  	[tilespmem:s16+$0x1800] =	vst.add.f32.msk $0xffff, v3  }
0x3ad: {  	[tilespmem:s16+$0x1470] =	vst.add.f32.msk $0xffff, v3  }
0x3ae: {  	[tilespmem:s16+$0x1460] =	vst.add.f32.msk $0xffff, v3  }
0x3af: {  	[tilespmem:s16+$0x1450] =	vst.add.f32.msk $0xffff, v3  }
0x3b0: {  	[tilespmem:s16+$0x1440] =	vst.add.f32.msk $0xffff, v3  }
0x3b1: {  	[tilespmem:s16+$0x1430] =	vst.add.f32.msk $0xffff, v3  }
0x3b2: {  	[tilespmem:s16+$0x1420] =	vst.add.f32.msk $0xffff, v3  }
0x3b3: {  	[tilespmem:s16+$0x1410] =	vst.add.f32.msk $0xffff, v3  }
0x3b4: {  	[tilespmem:s16+$0x1400] =	vst.add.f32.msk $0xffff, v3  }
0x3b5: {  	[tilespmem:s16+$0x1070] =	vst.add.f32.msk $0xffff, v3  }
0x3b6: {  	[tilespmem:s16+$0x1060] =	vst.add.f32.msk $0xffff, v3  }
0x3b7: {  	[tilespmem:s16+$0x1030] =	vst.add.f32.msk $0xffff, v3  }
0x3b8: {  	[tilespmem:s16+$0x1050] =	vst.add.f32.msk $0xffff, v3  }
0x3b9: {  	[tilespmem:s16+$0x1040] =	vst.add.f32.msk $0xffff, v3  }
0x3ba: {  	[tilespmem:s16+$0x1020] =	vst.add.f32.msk $0xffff, v3  }
0x3bb: {  	[tilespmem:s16+$0x1010] =	vst.add.f32.msk $0xffff, v3  }
0x3bc: {  	[tilespmem:s16+$0xC70] =	vst.add.f32.msk $0xffff, v3  }
0x3bd: {  	[tilespmem:s16+$0xC60] =	vst.add.f32.msk $0xffff, v3  }
0x3be: {  	[tilespmem:s16+$0xC50] =	vst.add.f32.msk $0xffff, v3  }
0x3bf: {  	[tilespmem:s16+$0xC40] =	vst.add.f32.msk $0xffff, v3  }
0x3c0: {  	[tilespmem:s16+$0xC30] =	vst.add.f32.msk $0xffff, v3  }
0x3c1: {  	s9 =	sand.u32 $0x7, s30;
	[tilespmem:s16+$0xC10] =	vst.add.f32.msk $0xffff, v3  }
0x3c2: {  	s9 =	sshll.u32 s9, $0x7;
	[tilespmem:s16+$0x1000] =	vst.add.f32.msk $0xffff, v3  }
0x3c3: {  	s9 =	sadd.s32 s9, s31;
	[tilespmem:s16+$0xC20] =	vst.add.f32.msk $0xffff, v3  }
0x3c4: {  	[tilespmem:s16+$0xC00] =	vst.add.f32.msk $0xffff, v3;
	s16 =	sor.u32 $0x1C00, s9  }
0x3c5: {  	[tilespmem:s16+$0x15100] =	vst.add.f32.msk $0xffff, v3;
	s16 =	sor.u32 $0x1C10, s9  }
0x3c6: {  	[tilespmem:s16+$0x15100] =	vst.add.f32.msk $0xffff, v3;
	s16 =	sor.u32 $0x1C20, s9  }
.Ltmp5:
0x3c7: {  	[tilespmem:s16+$0x15100] =	vst.add.f32.msk $0xffff, v3;
	s16 =	sor.u32 $0x1C30, s9;
	(pc) =	sbr.rel @p0 .LBB2_12-.Ltmp5, $4  }
0x3c8: {  	[tilespmem:s16+$0x15100] =	vst.add.f32.msk $0xffff, v3;
	s16 =	sor.u32 $0x1C40, s9  }
0x3c9: {  	[tilespmem:s16+$0x15100] =	vst.add.f32.msk $0xffff, v3;
	s16 =	sor.u32 $0x1C50, s9  }
0x3ca: {  	s30 =	sadd.s32 $0x1, s30;
	[tilespmem:s16+$0x15100] =	vst.add.f32.msk $0xffff, v3;
	s16 =	sor.u32 $0x1C60, s9  }
0x3cb: {  	s15 =	sadd.s32 $0x80, s15;
	s31 =	sadd.s32 $0x400, s31;
	[tilespmem:s16+$0x15100] =	vst.add.f32.msk $0xffff, v3;
	s16 =	sor.u32 $0x1C70, s9  }
0x3cc: {  	[tilespmem:s16+$0x15100] =	vst.add.f32.msk $0xffff, v3;
	s14 =	simm.s32 $0x0;
	s9 =	rddreg [dreg:$0xc]  }
0x3cd: {  	[hbm4b:s9+s14] =	stream.linear.scatter [tilespmem:s5], [sflag:$0x6], $0xA000, $0x38;
	[tilespmem:$0x1F100] =	vst v63  }
0x3ce: {  	_ =	swait.ge [sflag:s0], $0xA000  }
0x3cf: {  	s15 =	simm.s32 $0x0;
	[sflag:s0] =	ssyncset.done $0x0  }
0x3d0: {  	s16 =	simm.s32 $0x0;
	s30 =	simm.s32 $0x0;
	[sflag:s0] =	ssyncadd.s32 $0xFFFF6000  }
.LBB2_14:
0x3d1: {  	s9 =	sand.u32 $0x3F0, s30;
	s19 =	sand.u32 $0xE000, s15;
	s17 =	sand.u32 $0x380, s16  }
0x3d2: {  	v4 =	vld [tilespmem:s9+$0xE80];
	s9 =	sor.u32 s17, s19  }
0x3d3: {  	[tilespmem:s9+$0x1110] =	vst.add.f32.msk $0xffff, v3  }
0x3d4: {  	[tilespmem:s9+$0x1120] =	vst.add.f32.msk $0xffff, v3  }
0x3d5: {  	[tilespmem:s9+$0x1130] =	vst.add.f32.msk $0xffff, v3  }
0x3d6: {  	[tilespmem:s9+$0x1140] =	vst.add.f32.msk $0xffff, v3  }
0x3d7: {  	[tilespmem:s9+$0x1150] =	vst.add.f32.msk $0xffff, v3  }
0x3d8: {  	[tilespmem:s9+$0x1160] =	vst.add.f32.msk $0xffff, v3  }
0x3d9: {  	[tilespmem:s9+$0x1170] =	vst.add.f32.msk $0xffff, v3  }
0x3da: {  	[tilespmem:s9+$0x1500] =	vst.add.f32.msk $0xffff, v3  }
0x3db: {  	[tilespmem:s9+$0x1510] =	vst.add.f32.msk $0xffff, v3  }
0x3dc: {  	[tilespmem:s9+$0x1520] =	vst.add.f32.msk $0xffff, v3  }
0x3dd: {  	[tilespmem:s9+$0x1530] =	vst.add.f32.msk $0xffff, v3  }
0x3de: {  	[tilespmem:s9+$0x1540] =	vst.add.f32.msk $0xffff, v3  }
0x3df: {  	[tilespmem:s9+$0x1550] =	vst.add.f32.msk $0xffff, v3  }
0x3e0: {  	[tilespmem:s9+$0x1560] =	vst.add.f32.msk $0xffff, v3  }
0x3e1: {  	[tilespmem:s9+$0x1570] =	vst.add.f32.msk $0xffff, v3  }
0x3e2: {  	[tilespmem:s9+$0x1900] =	vst.add.f32.msk $0xffff, v3  }
0x3e3: {  	[tilespmem:s9+$0x1910] =	vst.add.f32.msk $0xffff, v3  }
0x3e4: {  	[tilespmem:s9+$0x1920] =	vst.add.f32.msk $0xffff, v3  }
0x3e5: {  	[tilespmem:s9+$0x1930] =	vst.add.f32.msk $0xffff, v3  }
0x3e6: {  	[tilespmem:s9+$0x1940] =	vst.add.f32.msk $0xffff, v3  }
0x3e7: {  	[tilespmem:s9+$0x1950] =	vst.add.f32.msk $0xffff, v3  }
0x3e8: {  	[tilespmem:s9+$0x1960] =	vst.add.f32.msk $0xffff, v3  }
0x3e9: {  	[tilespmem:s9+$0x1970] =	vst.add.f32.msk $0xffff, v3  }
0x3ea: {  	[tilespmem:s9+$0x1D00] =	vst.add.f32.msk $0xffff, v3  }
0x3eb: {  	[tilespmem:s9+$0x1D10] =	vst.add.f32.msk $0xffff, v3  }
0x3ec: {  	[tilespmem:s9+$0x1D20] =	vst.add.f32.msk $0xffff, v3  }
0x3ed: {  	[tilespmem:s9+$0x1D30] =	vst.add.f32.msk $0xffff, v3  }
0x3ee: {  	[tilespmem:s9+$0x1D40] =	vst.add.f32.msk $0xffff, v3  }
0x3ef: {  	[tilespmem:s9+$0x1D50] =	vst.add.f32.msk $0xffff, v3  }
0x3f0: {  	[tilespmem:s9+$0x1D60] =	vst.add.f32.msk $0xffff, v3  }
0x3f1: {  	[tilespmem:s9+$0x1D70] =	vst.add.f32.msk $0xffff, v3  }
0x3f2: {  	[tilespmem:s9+$0x2100] =	vst.add.f32.msk $0xffff, v3  }
0x3f3: {  	[tilespmem:s9+$0x2110] =	vst.add.f32.msk $0xffff, v3  }
0x3f4: {  	[tilespmem:s9+$0x2120] =	vst.add.f32.msk $0xffff, v3  }
0x3f5: {  	[tilespmem:s9+$0x2130] =	vst.add.f32.msk $0xffff, v3  }
0x3f6: {  	[tilespmem:s9+$0x2140] =	vst.add.f32.msk $0xffff, v3  }
0x3f7: {  	[tilespmem:s9+$0x2150] =	vst.add.f32.msk $0xffff, v3  }
0x3f8: {  	[tilespmem:s9+$0x2160] =	vst.add.f32.msk $0xffff, v3  }
0x3f9: {  	[tilespmem:s9+$0x2170] =	vst.add.f32.msk $0xffff, v3  }
0x3fa: {  	[tilespmem:s9+$0x2500] =	vst.add.f32.msk $0xffff, v3  }
0x3fb: {  	[tilespmem:s9+$0x2510] =	vst.add.f32.msk $0xffff, v3  }
0x3fc: {  	[tilespmem:s9+$0x2520] =	vst.add.f32.msk $0xffff, v3  }
0x3fd: {  	[tilespmem:s9+$0x2530] =	vst.add.f32.msk $0xffff, v3  }
0x3fe: {  	[tilespmem:s9+$0x2540] =	vst.add.f32.msk $0xffff, v3  }
0x3ff: {  	[tilespmem:s9+$0x2550] =	vst.add.f32.msk $0xffff, v3  }
0x400: {  	[tilespmem:s9+$0x2560] =	vst.add.f32.msk $0xffff, v3  }
0x401: {  	[tilespmem:s9+$0x2570] =	vst.add.f32.msk $0xffff, v3  }
0x402: {  	[tilespmem:s9+$0x2900] =	vst.add.f32.msk $0xffff, v3  }
0x403: {  	[tilespmem:s9+$0x2910] =	vst.add.f32.msk $0xffff, v3  }
0x404: {  	[tilespmem:s9+$0x2920] =	vst.add.f32.msk $0xffff, v3  }
0x405: {  	[tilespmem:s9+$0x2930] =	vst.add.f32.msk $0xffff, v3  }
0x406: {  	[tilespmem:s9+$0x2940] =	vst.add.f32.msk $0xffff, v3  }
0x407: {  	s31 =	sand.u32 $0x7, s14;
	[tilespmem:s9+$0x2950] =	vst.add.f32.msk $0xffff, v3  }
0x408: {  	s17 =	sshll.u32 s31, $0x7;
	[tilespmem:s9+$0x2960] =	vst.add.f32.msk $0xffff, v3;
	v4 =	vadd.f32 v3, v4  }
0x409: {  	s17 =	sadd.s32 s17, s15;
	[tilespmem:s9+$0x2970] =	vst.add.f32.msk $0xffff, v3  }
0x40a: {  	s19 =	sor.u32 $0x1C00, s17;
	[tilespmem:s9+$0x1100] =	vst.add.f32.msk $0xffff, v4  }
0x40b: {  	s31 =	sor.u32 $0x1C10, s17;
	[tilespmem:s19+$0x1100] =	vst.add.f32.msk $0xffff, v3  }
0x40c: {  	s19 =	sor.u32 $0x1C20, s17;
	[tilespmem:s31+$0x1100] =	vst.add.f32.msk $0xffff, v3  }
0x40d: {  	p0 =	sne.s32 s30, $0x270;
	s31 =	sor.u32 $0x1C30, s17;
	[tilespmem:s19+$0x1100] =	vst.add.f32.msk $0xffff, v3  }
.Ltmp6:
0x40e: {  	s19 =	sor.u32 $0x1C40, s17;
	[tilespmem:s31+$0x1100] =	vst.add.f32.msk $0xffff, v3;
	(pc) =	sbr.rel @p0 .LBB2_14-.Ltmp6, $4  }
0x40f: {  	s31 =	sor.u32 $0x1C50, s17;
	[tilespmem:s19+$0x1100] =	vst.add.f32.msk $0xffff, v3  }
0x410: {  	s19 =	sor.u32 $0x1C60, s17;
	[tilespmem:s31+$0x1100] =	vst.add.f32.msk $0xffff, v3  }
0x411: {  	s16 =	sadd.s32 $0x80, s16;
	s31 =	sor.u32 $0x1C70, s17;
	[tilespmem:s19+$0x1100] =	vst.add.f32.msk $0xffff, v3  }
0x412: {  	s14 =	sadd.s32 $0x1, s14;
	s30 =	sadd.s32 $0x10, s30;
	s15 =	sadd.s32 $0x400, s15;
	[tilespmem:s31+$0x1100] =	vst.add.f32.msk $0xffff, v3  }
0x413: {  	s9 =	rddreg [dreg:$0xd]  }
0x414: {  	[hbm4b:s9+s3] =	stream.linear.scatter [tilespmem:s20], [sflag:$0x4], $0xA000, $0x38;
	[tilespmem:$0x1F100] =	vst v63  }
0x415: {  	_ =	swait.ge [sflag:s18], $0xA000  }
0x416: {  	[sflag:s18] =	ssyncset.done $0x0  }
0x417: {  	[sflag:s18] =	ssyncadd.s32 $0xFFFF6000  }
0x418: {  	_ =	swait.ge [sflag:s4], $0xA000  }
0x419: {  	[sflag:s4] =	ssyncset.done $0x0  }
0x41a: {  	[sflag:s4] =	ssyncadd.s32 $0xFFFF6000  }
0x41b: {  	_ =	swait.ge [sflag:s10], $0xA000  }
0x41c: {  	s13 =	sadd.s32 $0x1, s13;
	s31 =	rddreg [dreg:$0xe]  }
0x41d: {  	p0 =	sne.s32 s13, s31  }
.Ltmp7:
0x41e: {  	_ = 	snop;
	(pc) =	sbr.rel @p0 .LBB2_1-.Ltmp7, $3  }
0x41f: {  	_ =	sdelay $0x1  }
0x420: {  	[sflag:s10] =	ssyncset.done $0x0  }
0x421: {  	s19 =	simm.s32 $0xB900;
	[sflag:s10] =	ssyncadd.s32 $0xFFFF6000  }
0x422: {  	_ =	sfence.sel $0x180000  }
0x423: {  	[bflag:$0x0] =	sbarrier.arrive $0xFFFF  }
0x424: {  	_ =	strace $0x90000047  }
0x425: {  	s0 =	stileid.u32;
	[bflag:$0x2] =	sbarrier.arrive $0xFFFF  }
0x426: {  	p0 =	sne.s32 s0, $0x0;
	s0 =	rddreg [dreg:$0x4]  }
0x427: {  	s0 =	sadd.s32 @!p0 $0x100000, s0  }
0x428: {  	[sflag:s0] =	ssyncadd.tile.s32 @!p0 $0x1;
	_ =	shalt  }
.Lfunc_end2:
_tile_overlayer_lowered:
.L_overlay_start_2:
0x429: {  	(tag) =	ssettag $0x2  }
0x42a: {  	s0 =	rddreg [dreg:$0x0];
	s2 =	stileid.u32  }
0x42b: {  	s1 =	rddreg [dreg:$0x1];
	p0 =	sne.s32 s2, $0x0  }
0x42c: {  	s3 =	rddreg [dreg:$0x2];
	[bflag:$0x3] =	sbarrier.arrive $0xFFFF;
	s2 =	simm.s32 @!p0 $0x1C08  }
0x42d: {  	[timem:s3], [sflag:s2] =	dma.local @!p0 [hbm:s0], s1  }
0x42e: {  	s0 =	simm.s32 @!p0 $0x8  }
0x42f: {  	_ =	swait.ge @!p0 [sflag:s0], s1  }
0x430: {  	s1 =	ssub.s32 @!p0 $0x0, s1;
	[sflag:s0] =	ssyncset.done @!p0 $0x0  }
0x431: {  	[sflag:s0] =	ssyncadd.s32 @!p0 s1  }
0x432: {  	[bflag:$0x3] =	sbarrier.arrive $0xFFFF  }
0x433: {  	_ =	shalt  }

</sc_bundles>
